<compile_context>
chip_gen: v7x
topology: tpu7x:2x2x1
jax: 0.10.2.dev20260603
libtpu: 0.0.44.dev20260713+nightly
codegen_flags: <defaults>
</compile_context>

<pallas_src>
import jax
import jax.numpy as jnp
from jax import lax
from jax.experimental import pallas as pl
from jax.experimental.pallas import tpu as pltpu
from jax.experimental.pallas import tpu_sc as plsc

_N_ROWS = 128
_N_COLS = 128
_N_ACT = 1024
_BATCH = 16384

_NC = 2
_NS = 16
_L = 16
_NW = _NC * _NS
_BPW = _BATCH // _NW
_K = 16
_NG = _BPW // _K
_NROWCHAIN = 8
_STEPS = _N_ACT // _L
_UNROLL = 2
_NBUF = 4


def _sc_body(obs_hbm, tab_hbm, out_hbm, obs_v, idx_v, buf0, buf1, buf2, buf3,
             cval_v, cidx_v, res_v, sem0, sem1, sem2, sem3):
    wid = lax.axis_index("s") * _NC + lax.axis_index("c")
    base = wid * _BPW

    pltpu.sync_copy(obs_hbm.at[pl.ds(base * 2, _BPW * 2)], obs_v)

    iota = lax.iota(jnp.int32, _L)

    bufs = (buf0, buf1, buf2, buf3)
    sems = (sem0, sem1, sem2, sem3)

    def dma(g, p):
        return pltpu.make_async_copy(tab_hbm.at[idx_v.at[g]], bufs[p],
                                     sems[p])

    def flat_ids(g):
        rsel = (g * _L + iota) * 2
        r = plsc.load_gather(obs_v, [rsel])
        c = plsc.load_gather(obs_v, [rsel + 1])
        idx_v[g, :] = r * _N_COLS + c

    for g in range(_NBUF):
        flat_ids(g)
    for p in range(_NBUF):
        dma(p, p).start()
    for g in range(_NBUF, _NG):
        flat_ids(g)

    neg_inf = jnp.full((_L,), -jnp.inf, jnp.float32)
    zeros = jnp.zeros((_L,), jnp.int32)

    def compute_group(g, p):
        buf = bufs[p]
        dma(g, p).wait()

        for rb in range(_K // _NROWCHAIN):
            rows = [rb * _NROWCHAIN + k for k in range(_NROWCHAIN)]

            init = (tuple((neg_inf, zeros) for _ in range(_NROWCHAIN)),
                    iota)

            @plsc.parallel_loop(0, _STEPS, unroll=_UNROLL, carry=init)
            def step_iter(i, carry, rows=rows, buf=buf):
                accs, cv = carry
                accs = list(accs)
                st = i * _L
                for k in range(_NROWCHAIN):
                    bv, bi = accs[k]
                    v = buf[rows[k], pl.ds(st, _L)]
                    m = v > bv
                    accs[k] = (jnp.where(m, v, bv),
                               jnp.where(m, cv, bi))
                return tuple(accs), cv + _L

            fin, _ = step_iter
            for k in range(_NROWCHAIN):
                bv, bi = fin[k]
                cval_v[rows[k], 0:_L] = bv
                cidx_v[rows[k], 0:_L] = bi

        cands = []
        for c in range(_L):
            cc = jnp.full((_L,), c, jnp.int32)
            cands.append((plsc.load_gather(cval_v, [iota, cc]),
                          plsc.load_gather(cidx_v, [iota, cc])))
        while len(cands) > 1:
            nxt = []
            for a in range(0, len(cands), 2):
                (va, ia), (vb, ib) = cands[a], cands[a + 1]
                m = (vb > va) | ((vb == va) & (ib < ia))
                nxt.append((jnp.where(m, vb, va), jnp.where(m, ib, ia)))
            cands = nxt
        plsc.store_scatter(res_v, [g * _L + iota], cands[0][1])

    def outer(t, carry):
        gb = t * _NBUF
        for p in range(_NBUF):
            compute_group(gb + p, p)

            @pl.when(gb + p + _NBUF < _NG)
            def _(p=p):
                dma(gb + p + _NBUF, p).start()

        return carry

    lax.fori_loop(0, _NG // _NBUF, outer, 0)

    pltpu.sync_copy(res_v, out_hbm.at[pl.ds(wid * _BPW, _BPW)])


def _run(obs, tab):
    fn = pl.kernel(
        _sc_body,
        out_type=jax.ShapeDtypeStruct((_BATCH,), jnp.int32),
        mesh=plsc.VectorSubcoreMesh(core_axis_name="c", subcore_axis_name="s"),
        compiler_params=pltpu.CompilerParams(needs_layout_passes=False),
        scratch_types=[
            pltpu.VMEM((_BPW * 2,), jnp.int32),
            pltpu.VMEM((_NG, _L), jnp.int32),
            pltpu.VMEM((_K, _N_ACT), jnp.float32),
            pltpu.VMEM((_K, _N_ACT), jnp.float32),
            pltpu.VMEM((_K, _N_ACT), jnp.float32),
            pltpu.VMEM((_K, _N_ACT), jnp.float32),
            pltpu.VMEM((_K, 17), jnp.float32),
            pltpu.VMEM((_K, 17), jnp.int32),
            pltpu.VMEM((_BPW,), jnp.int32),
            pltpu.SemaphoreType.DMA,
            pltpu.SemaphoreType.DMA,
            pltpu.SemaphoreType.DMA,
            pltpu.SemaphoreType.DMA,
        ],
    )
    return fn(obs, tab)


def kernel(observation, q_table):
    obs = observation.astype(jnp.int32).reshape(_BATCH * 2)
    tab = q_table.reshape(_N_ROWS * _N_COLS, _N_ACT)
    return _run(obs, tab)

# --- scband reference (transcript-rebuilt; emitter-appended) ---
"""Pipeline reference for scband-qtable-policy-4303557231306 (READ-ONLY COPY).

The authoritative reference and input builder live on the scoring server;
editing this copy changes nothing except your own understanding.
"""

import jax, jax.numpy as jnp
import numpy as np

N_ROWS = 128
N_COLS = 128
N_ACTIONS = 1024
BATCH = 16384


def setup_inputs(seed: int = 0) -> dict:
    key = jax.random.key(seed)
    k1, k2 = jax.random.split(key, 2)
    observation = jax.random.randint(k1, (BATCH, 2), 0, N_ROWS)
    q_table = jax.random.normal(k2, (N_ROWS, N_COLS, N_ACTIONS), dtype=jnp.float32)
    return {"observation": observation, "q_table": q_table}


def reference(observation, q_table):
    # Faithful translation of QTablePolicy.forward (batched path).
    row_indices = observation[:, 0].astype(jnp.int32)
    col_indices = observation[:, 1].astype(jnp.int32)
    # Advanced-index gather: q_table[row, col, :] -> [batch, n_actions]
    q_values = q_table[row_indices, col_indices, :]
    actions = jnp.argmax(q_values, axis=-1)
    return actions

if __name__ == "__main__":
    import jax
    _d = setup_inputs()
    print(jax.jit(kernel)(*tuple(_d.values())))

</pallas_src>

<mosaic_0001>
#map = affine_map<(d0, d1) -> (0)>
#map1 = affine_map<(d0, d1) -> (0, 0)>
module attributes {stable_mosaic.version = 14 : i64} {
  func.func @_sc_body(%arg0: i32, %arg1: i32, %arg2: memref<32768xi32, #tpu.memory_space<hbm>>, %arg3: memref<16384x1024xf32, #tpu.memory_space<hbm>>, %arg4: memref<16384xi32, #tpu.memory_space<hbm>>, %arg5: memref<1024xi32, #tpu.memory_space<vmem>>, %arg6: memref<32x16xi32, #tpu.memory_space<vmem>>, %arg7: memref<16x1024xf32, #tpu.memory_space<vmem>>, %arg8: memref<16x1024xf32, #tpu.memory_space<vmem>>, %arg9: memref<16x1024xf32, #tpu.memory_space<vmem>>, %arg10: memref<16x1024xf32, #tpu.memory_space<vmem>>, %arg11: memref<16x17xf32, #tpu.memory_space<vmem>>, %arg12: memref<16x17xi32, #tpu.memory_space<vmem>>, %arg13: memref<512xi32, #tpu.memory_space<vmem>>, %arg14: memref<!tpu.dma_semaphore, #tpu.memory_space<semaphore_mem>>, %arg15: memref<!tpu.dma_semaphore, #tpu.memory_space<semaphore_mem>>, %arg16: memref<!tpu.dma_semaphore, #tpu.memory_space<semaphore_mem>>, %arg17: memref<!tpu.dma_semaphore, #tpu.memory_space<semaphore_mem>>) attributes {dimension_semantics = [#tpu.dimension_semantics<core_parallel>, #tpu.dimension_semantics<subcore_parallel>], iteration_bounds = array<i64: 2, 16>, scalar_prefetch = 0 : i64, scratch_operands = 13 : i64, tpu.core_type = #tpu.core_type<sc_vector_subcore>, window_params = [{transform_indices = #map}, {transform_indices = #map1}, {transform_indices = #map}]} {
    %mul3A = arith.constant 2 : i32
    %mul3A_0 = arith.muli %arg1, %mul3A : i32
    %add3A = arith.addi %mul3A_0, %arg0 : i32
    %mul3A_1 = arith.constant 512 : i32
    %mul3A_2 = arith.muli %add3A, %mul3A_1 : i32
    %mul3A_3 = arith.constant 2 : i32
    %mul3A_4 = arith.muli %mul3A_2, %mul3A_3 : i32
    "tpu.region"() ({
      %run_scoped3A = tpu.sem_alloc : memref<!tpu.dma_semaphore, #tpu.memory_space<semaphore_mem>>
      %dma_start3A_648 = tpu.memref_slice %arg2[%mul3A_4] : memref<32768xi32, #tpu.memory_space<hbm>> -> memref<1024xi32, #tpu.memory_space<hbm>>
      %dma_start3A_649 = tpu.memref_slice %arg2[%mul3A_4] : memref<32768xi32, #tpu.memory_space<hbm>> -> memref<1024xi32, #tpu.memory_space<hbm>>
      tpu.enqueue_dma source(%dma_start3A_649 : memref<1024xi32, #tpu.memory_space<hbm>>) target(%arg5 : memref<1024xi32, #tpu.memory_space<vmem>>) target_semaphore(%run_scoped3A : memref<!tpu.dma_semaphore, #tpu.memory_space<semaphore_mem>>)
      %dma_wait3A = tpu.memref_slice %arg2[%mul3A_4] : memref<32768xi32, #tpu.memory_space<hbm>> -> memref<1024xi32, #tpu.memory_space<hbm>>
      %dma_wait3A_650 = tpu.memref_slice %arg2[%mul3A_4] : memref<32768xi32, #tpu.memory_space<hbm>> -> memref<1024xi32, #tpu.memory_space<hbm>>
      tpu.wait_dma2 semaphore(%run_scoped3A : memref<!tpu.dma_semaphore, #tpu.memory_space<semaphore_mem>>) src(%dma_wait3A_650 : memref<1024xi32, #tpu.memory_space<hbm>>) dst(%arg5 : memref<1024xi32, #tpu.memory_space<vmem>>)
      tpu.yield
    }) : () -> ()
    %iota3A = tpu.iota {dimensions = array<i32: 0>} : vector<16xi32>
    %add3A_5 = arith.constant 0 : i32
    %add3A_6 = vector.broadcast %add3A_5 : i32 to vector<16xi32>
    %add3A_7 = arith.addi %add3A_6, %iota3A : vector<16xi32>
    %mul3A_8 = arith.constant 2 : i32
    %mul3A_9 = vector.broadcast %mul3A_8 : i32 to vector<16xi32>
    %mul3A_10 = arith.muli %add3A_7, %mul3A_9 : vector<16xi32>
    %gather3A = tpu.vector_load_idx %arg5[%mul3A_10] : memref<1024xi32, #tpu.memory_space<vmem>>[vector<16xi32>], vector<16xi32>,
    %add3A_11 = arith.constant 1 : i32
    %add3A_12 = vector.broadcast %add3A_11 : i32 to vector<16xi32>
    %add3A_13 = arith.addi %mul3A_10, %add3A_12 : vector<16xi32>
    %gather3A_14 = tpu.vector_load_idx %arg5[%add3A_13] : memref<1024xi32, #tpu.memory_space<vmem>>[vector<16xi32>], vector<16xi32>,
    %mul3A_15 = arith.constant 128 : i32
    %mul3A_16 = vector.broadcast %mul3A_15 : i32 to vector<16xi32>
    %mul3A_17 = arith.muli %gather3A, %mul3A_16 : vector<16xi32>
    %add3A_18 = arith.addi %mul3A_17, %gather3A_14 : vector<16xi32>
    %swap3A = arith.constant 0 : i32
    %swap3A_19 = arith.index_cast %swap3A : i32 to index
    %swap3A_20 = arith.constant 0 : index
    %swap3A_21 = tpu.vector_load %arg6[%swap3A_19, %swap3A_20] {strides = array<i32>} : memref<32x16xi32, #tpu.memory_space<vmem>>, vector<16xi32>,
    tpu.vector_store %arg6[%swap3A_19, %swap3A_20], %add3A_18 {strides = array<i32>} : memref<32x16xi32, #tpu.memory_space<vmem>>, vector<16xi32>,
    %add3A_22 = arith.constant 16 : i32
    %add3A_23 = vector.broadcast %add3A_22 : i32 to vector<16xi32>
    %add3A_24 = arith.addi %add3A_23, %iota3A : vector<16xi32>
    %mul3A_25 = arith.constant 2 : i32
    %mul3A_26 = vector.broadcast %mul3A_25 : i32 to vector<16xi32>
    %mul3A_27 = arith.muli %add3A_24, %mul3A_26 : vector<16xi32>
    %gather3A_28 = tpu.vector_load_idx %arg5[%mul3A_27] : memref<1024xi32, #tpu.memory_space<vmem>>[vector<16xi32>], vector<16xi32>,
    %add3A_29 = arith.constant 1 : i32
    %add3A_30 = vector.broadcast %add3A_29 : i32 to vector<16xi32>
    %add3A_31 = arith.addi %mul3A_27, %add3A_30 : vector<16xi32>
    %gather3A_32 = tpu.vector_load_idx %arg5[%add3A_31] : memref<1024xi32, #tpu.memory_space<vmem>>[vector<16xi32>], vector<16xi32>,
    %mul3A_33 = arith.constant 128 : i32
    %mul3A_34 = vector.broadcast %mul3A_33 : i32 to vector<16xi32>
    %mul3A_35 = arith.muli %gather3A_28, %mul3A_34 : vector<16xi32>
    %add3A_36 = arith.addi %mul3A_35, %gather3A_32 : vector<16xi32>
    %swap3A_37 = arith.constant 1 : i32
    %swap3A_38 = arith.index_cast %swap3A_37 : i32 to index
    %swap3A_39 = arith.constant 0 : index
    %swap3A_40 = tpu.vector_load %arg6[%swap3A_38, %swap3A_39] {strides = array<i32>} : memref<32x16xi32, #tpu.memory_space<vmem>>, vector<16xi32>,
    tpu.vector_store %arg6[%swap3A_38, %swap3A_39], %add3A_36 {strides = array<i32>} : memref<32x16xi32, #tpu.memory_space<vmem>>, vector<16xi32>,
    %add3A_41 = arith.constant 32 : i32
    %add3A_42 = vector.broadcast %add3A_41 : i32 to vector<16xi32>
    %add3A_43 = arith.addi %add3A_42, %iota3A : vector<16xi32>
    %mul3A_44 = arith.constant 2 : i32
    %mul3A_45 = vector.broadcast %mul3A_44 : i32 to vector<16xi32>
    %mul3A_46 = arith.muli %add3A_43, %mul3A_45 : vector<16xi32>
    %gather3A_47 = tpu.vector_load_idx %arg5[%mul3A_46] : memref<1024xi32, #tpu.memory_space<vmem>>[vector<16xi32>], vector<16xi32>,
    %add3A_48 = arith.constant 1 : i32
    %add3A_49 = vector.broadcast %add3A_48 : i32 to vector<16xi32>
    %add3A_50 = arith.addi %mul3A_46, %add3A_49 : vector<16xi32>
    %gather3A_51 = tpu.vector_load_idx %arg5[%add3A_50] : memref<1024xi32, #tpu.memory_space<vmem>>[vector<16xi32>], vector<16xi32>,
    %mul3A_52 = arith.constant 128 : i32
    %mul3A_53 = vector.broadcast %mul3A_52 : i32 to vector<16xi32>
    %mul3A_54 = arith.muli %gather3A_47, %mul3A_53 : vector<16xi32>
    %add3A_55 = arith.addi %mul3A_54, %gather3A_51 : vector<16xi32>
    %swap3A_56 = arith.constant 2 : i32
    %swap3A_57 = arith.index_cast %swap3A_56 : i32 to index
    %swap3A_58 = arith.constant 0 : index
    %swap3A_59 = tpu.vector_load %arg6[%swap3A_57, %swap3A_58] {strides = array<i32>} : memref<32x16xi32, #tpu.memory_space<vmem>>, vector<16xi32>,
    tpu.vector_store %arg6[%swap3A_57, %swap3A_58], %add3A_55 {strides = array<i32>} : memref<32x16xi32, #tpu.memory_space<vmem>>, vector<16xi32>,
    %add3A_60 = arith.constant 48 : i32
    %add3A_61 = vector.broadcast %add3A_60 : i32 to vector<16xi32>
    %add3A_62 = arith.addi %add3A_61, %iota3A : vector<16xi32>
    %mul3A_63 = arith.constant 2 : i32
    %mul3A_64 = vector.broadcast %mul3A_63 : i32 to vector<16xi32>
    %mul3A_65 = arith.muli %add3A_62, %mul3A_64 : vector<16xi32>
    %gather3A_66 = tpu.vector_load_idx %arg5[%mul3A_65] : memref<1024xi32, #tpu.memory_space<vmem>>[vector<16xi32>], vector<16xi32>,
    %add3A_67 = arith.constant 1 : i32
    %add3A_68 = vector.broadcast %add3A_67 : i32 to vector<16xi32>
    %add3A_69 = arith.addi %mul3A_65, %add3A_68 : vector<16xi32>
    %gather3A_70 = tpu.vector_load_idx %arg5[%add3A_69] : memref<1024xi32, #tpu.memory_space<vmem>>[vector<16xi32>], vector<16xi32>,
    %mul3A_71 = arith.constant 128 : i32
    %mul3A_72 = vector.broadcast %mul3A_71 : i32 to vector<16xi32>
    %mul3A_73 = arith.muli %gather3A_66, %mul3A_72 : vector<16xi32>
    %add3A_74 = arith.addi %mul3A_73, %gather3A_70 : vector<16xi32>
    %swap3A_75 = arith.constant 3 : i32
    %swap3A_76 = arith.index_cast %swap3A_75 : i32 to index
    %swap3A_77 = arith.constant 0 : index
    %swap3A_78 = tpu.vector_load %arg6[%swap3A_76, %swap3A_77] {strides = array<i32>} : memref<32x16xi32, #tpu.memory_space<vmem>>, vector<16xi32>,
    tpu.vector_store %arg6[%swap3A_76, %swap3A_77], %add3A_74 {strides = array<i32>} : memref<32x16xi32, #tpu.memory_space<vmem>>, vector<16xi32>,
    %dma_start3A = arith.constant 0 : i32
    %dma_start3A_79 = arith.constant 0 : i32
    %dma_start3A_80 = tpu.memref_slice %arg6[%dma_start3A, %dma_start3A_79] : memref<32x16xi32, #tpu.memory_space<vmem>> -> memref<1x16xi32, #tpu.memory_space<vmem>>
    %dma_start3A_81 = tpu.memref_squeeze %dma_start3A_80 : memref<1x16xi32, #tpu.memory_space<vmem>> -> memref<16xi32, #tpu.memory_space<vmem>>
    %dma_start3A_82 = arith.constant 0 : i32
    %dma_start3A_83 = arith.constant 0 : i32
    %dma_start3A_84 = tpu.memref_slice %arg3[%dma_start3A_82, %dma_start3A_83] : memref<16384x1024xf32, #tpu.memory_space<hbm>> -> memref<16384x1024xf32, #tpu.memory_space<hbm>>
    tpu.enqueue_indirect_dma source(%dma_start3A_84 : memref<16384x1024xf32, #tpu.memory_space<hbm>>) target(%arg7 : memref<16x1024xf32, #tpu.memory_space<vmem>>) offsets(%dma_start3A_81 : memref<16xi32, #tpu.memory_space<vmem>>) semaphore(%arg14 : memref<!tpu.dma_semaphore, #tpu.memory_space<semaphore_mem>>)
    %dma_start3A_85 = arith.constant 1 : i32
    %dma_start3A_86 = arith.constant 0 : i32
    %dma_start3A_87 = tpu.memref_slice %arg6[%dma_start3A_85, %dma_start3A_86] : memref<32x16xi32, #tpu.memory_space<vmem>> -> memref<1x16xi32, #tpu.memory_space<vmem>>
    %dma_start3A_88 = tpu.memref_squeeze %dma_start3A_87 : memref<1x16xi32, #tpu.memory_space<vmem>> -> memref<16xi32, #tpu.memory_space<vmem>>
    %dma_start3A_89 = arith.constant 0 : i32
    %dma_start3A_90 = arith.constant 0 : i32
    %dma_start3A_91 = tpu.memref_slice %arg3[%dma_start3A_89, %dma_start3A_90] : memref<16384x1024xf32, #tpu.memory_space<hbm>> -> memref<16384x1024xf32, #tpu.memory_space<hbm>>
    tpu.enqueue_indirect_dma source(%dma_start3A_91 : memref<16384x1024xf32, #tpu.memory_space<hbm>>) target(%arg8 : memref<16x1024xf32, #tpu.memory_space<vmem>>) offsets(%dma_start3A_88 : memref<16xi32, #tpu.memory_space<vmem>>) semaphore(%arg15 : memref<!tpu.dma_semaphore, #tpu.memory_space<semaphore_mem>>)
    %dma_start3A_92 = arith.constant 2 : i32
    %dma_start3A_93 = arith.constant 0 : i32
    %dma_start3A_94 = tpu.memref_slice %arg6[%dma_start3A_92, %dma_start3A_93] : memref<32x16xi32, #tpu.memory_space<vmem>> -> memref<1x16xi32, #tpu.memory_space<vmem>>
    %dma_start3A_95 = tpu.memref_squeeze %dma_start3A_94 : memref<1x16xi32, #tpu.memory_space<vmem>> -> memref<16xi32, #tpu.memory_space<vmem>>
    %dma_start3A_96 = arith.constant 0 : i32
    %dma_start3A_97 = arith.constant 0 : i32
    %dma_start3A_98 = tpu.memref_slice %arg3[%dma_start3A_96, %dma_start3A_97] : memref<16384x1024xf32, #tpu.memory_space<hbm>> -> memref<16384x1024xf32, #tpu.memory_space<hbm>>
    tpu.enqueue_indirect_dma source(%dma_start3A_98 : memref<16384x1024xf32, #tpu.memory_space<hbm>>) target(%arg9 : memref<16x1024xf32, #tpu.memory_space<vmem>>) offsets(%dma_start3A_95 : memref<16xi32, #tpu.memory_space<vmem>>) semaphore(%arg16 : memref<!tpu.dma_semaphore, #tpu.memory_space<semaphore_mem>>)
    %dma_start3A_99 = arith.constant 3 : i32
    %dma_start3A_100 = arith.constant 0 : i32
    %dma_start3A_101 = tpu.memref_slice %arg6[%dma_start3A_99, %dma_start3A_100] : memref<32x16xi32, #tpu.memory_space<vmem>> -> memref<1x16xi32, #tpu.memory_space<vmem>>
    %dma_start3A_102 = tpu.memref_squeeze %dma_start3A_101 : memref<1x16xi32, #tpu.memory_space<vmem>> -> memref<16xi32, #tpu.memory_space<vmem>>
    %dma_start3A_103 = arith.constant 0 : i32
    %dma_start3A_104 = arith.constant 0 : i32
    %dma_start3A_105 = tpu.memref_slice %arg3[%dma_start3A_103, %dma_start3A_104] : memref<16384x1024xf32, #tpu.memory_space<hbm>> -> memref<16384x1024xf32, #tpu.memory_space<hbm>>
    tpu.enqueue_indirect_dma source(%dma_start3A_105 : memref<16384x1024xf32, #tpu.memory_space<hbm>>) target(%arg10 : memref<16x1024xf32, #tpu.memory_space<vmem>>) offsets(%dma_start3A_102 : memref<16xi32, #tpu.memory_space<vmem>>) semaphore(%arg17 : memref<!tpu.dma_semaphore, #tpu.memory_space<semaphore_mem>>)
    %add3A_106 = arith.constant 64 : i32
    %add3A_107 = vector.broadcast %add3A_106 : i32 to vector<16xi32>
    %add3A_108 = arith.addi %add3A_107, %iota3A : vector<16xi32>
    %mul3A_109 = arith.constant 2 : i32
    %mul3A_110 = vector.broadcast %mul3A_109 : i32 to vector<16xi32>
    %mul3A_111 = arith.muli %add3A_108, %mul3A_110 : vector<16xi32>
    %gather3A_112 = tpu.vector_load_idx %arg5[%mul3A_111] : memref<1024xi32, #tpu.memory_space<vmem>>[vector<16xi32>], vector<16xi32>,
    %add3A_113 = arith.constant 1 : i32
    %add3A_114 = vector.broadcast %add3A_113 : i32 to vector<16xi32>
    %add3A_115 = arith.addi %mul3A_111, %add3A_114 : vector<16xi32>
    %gather3A_116 = tpu.vector_load_idx %arg5[%add3A_115] : memref<1024xi32, #tpu.memory_space<vmem>>[vector<16xi32>], vector<16xi32>,
    %mul3A_117 = arith.constant 128 : i32
    %mul3A_118 = vector.broadcast %mul3A_117 : i32 to vector<16xi32>
    %mul3A_119 = arith.muli %gather3A_112, %mul3A_118 : vector<16xi32>
    %add3A_120 = arith.addi %mul3A_119, %gather3A_116 : vector<16xi32>
    %swap3A_121 = arith.constant 4 : i32
    %swap3A_122 = arith.index_cast %swap3A_121 : i32 to index
    %swap3A_123 = arith.constant 0 : index
    %swap3A_124 = tpu.vector_load %arg6[%swap3A_122, %swap3A_123] {strides = array<i32>} : memref<32x16xi32, #tpu.memory_space<vmem>>, vector<16xi32>,
    tpu.vector_store %arg6[%swap3A_122, %swap3A_123], %add3A_120 {strides = array<i32>} : memref<32x16xi32, #tpu.memory_space<vmem>>, vector<16xi32>,
    %add3A_125 = arith.constant 80 : i32
    %add3A_126 = vector.broadcast %add3A_125 : i32 to vector<16xi32>
    %add3A_127 = arith.addi %add3A_126, %iota3A : vector<16xi32>
    %mul3A_128 = arith.constant 2 : i32
    %mul3A_129 = vector.broadcast %mul3A_128 : i32 to vector<16xi32>
    %mul3A_130 = arith.muli %add3A_127, %mul3A_129 : vector<16xi32>
    %gather3A_131 = tpu.vector_load_idx %arg5[%mul3A_130] : memref<1024xi32, #tpu.memory_space<vmem>>[vector<16xi32>], vector<16xi32>,
    %add3A_132 = arith.constant 1 : i32
    %add3A_133 = vector.broadcast %add3A_132 : i32 to vector<16xi32>
    %add3A_134 = arith.addi %mul3A_130, %add3A_133 : vector<16xi32>
    %gather3A_135 = tpu.vector_load_idx %arg5[%add3A_134] : memref<1024xi32, #tpu.memory_space<vmem>>[vector<16xi32>], vector<16xi32>,
    %mul3A_136 = arith.constant 128 : i32
    %mul3A_137 = vector.broadcast %mul3A_136 : i32 to vector<16xi32>
    %mul3A_138 = arith.muli %gather3A_131, %mul3A_137 : vector<16xi32>
    %add3A_139 = arith.addi %mul3A_138, %gather3A_135 : vector<16xi32>
    %swap3A_140 = arith.constant 5 : i32
    %swap3A_141 = arith.index_cast %swap3A_140 : i32 to index
    %swap3A_142 = arith.constant 0 : index
    %swap3A_143 = tpu.vector_load %arg6[%swap3A_141, %swap3A_142] {strides = array<i32>} : memref<32x16xi32, #tpu.memory_space<vmem>>, vector<16xi32>,
    tpu.vector_store %arg6[%swap3A_141, %swap3A_142], %add3A_139 {strides = array<i32>} : memref<32x16xi32, #tpu.memory_space<vmem>>, vector<16xi32>,
    %add3A_144 = arith.constant 96 : i32
    %add3A_145 = vector.broadcast %add3A_144 : i32 to vector<16xi32>
    %add3A_146 = arith.addi %add3A_145, %iota3A : vector<16xi32>
    %mul3A_147 = arith.constant 2 : i32
    %mul3A_148 = vector.broadcast %mul3A_147 : i32 to vector<16xi32>
    %mul3A_149 = arith.muli %add3A_146, %mul3A_148 : vector<16xi32>
    %gather3A_150 = tpu.vector_load_idx %arg5[%mul3A_149] : memref<1024xi32, #tpu.memory_space<vmem>>[vector<16xi32>], vector<16xi32>,
    %add3A_151 = arith.constant 1 : i32
    %add3A_152 = vector.broadcast %add3A_151 : i32 to vector<16xi32>
    %add3A_153 = arith.addi %mul3A_149, %add3A_152 : vector<16xi32>
    %gather3A_154 = tpu.vector_load_idx %arg5[%add3A_153] : memref<1024xi32, #tpu.memory_space<vmem>>[vector<16xi32>], vector<16xi32>,
    %mul3A_155 = arith.constant 128 : i32
    %mul3A_156 = vector.broadcast %mul3A_155 : i32 to vector<16xi32>
    %mul3A_157 = arith.muli %gather3A_150, %mul3A_156 : vector<16xi32>
    %add3A_158 = arith.addi %mul3A_157, %gather3A_154 : vector<16xi32>
    %swap3A_159 = arith.constant 6 : i32
    %swap3A_160 = arith.index_cast %swap3A_159 : i32 to index
    %swap3A_161 = arith.constant 0 : index
    %swap3A_162 = tpu.vector_load %arg6[%swap3A_160, %swap3A_161] {strides = array<i32>} : memref<32x16xi32, #tpu.memory_space<vmem>>, vector<16xi32>,
    tpu.vector_store %arg6[%swap3A_160, %swap3A_161], %add3A_158 {strides = array<i32>} : memref<32x16xi32, #tpu.memory_space<vmem>>, vector<16xi32>,
    %add3A_163 = arith.constant 112 : i32
    %add3A_164 = vector.broadcast %add3A_163 : i32 to vector<16xi32>
    %add3A_165 = arith.addi %add3A_164, %iota3A : vector<16xi32>
    %mul3A_166 = arith.constant 2 : i32
    %mul3A_167 = vector.broadcast %mul3A_166 : i32 to vector<16xi32>
    %mul3A_168 = arith.muli %add3A_165, %mul3A_167 : vector<16xi32>
    %gather3A_169 = tpu.vector_load_idx %arg5[%mul3A_168] : memref<1024xi32, #tpu.memory_space<vmem>>[vector<16xi32>], vector<16xi32>,
    %add3A_170 = arith.constant 1 : i32
    %add3A_171 = vector.broadcast %add3A_170 : i32 to vector<16xi32>
    %add3A_172 = arith.addi %mul3A_168, %add3A_171 : vector<16xi32>
    %gather3A_173 = tpu.vector_load_idx %arg5[%add3A_172] : memref<1024xi32, #tpu.memory_space<vmem>>[vector<16xi32>], vector<16xi32>,
    %mul3A_174 = arith.constant 128 : i32
    %mul3A_175 = vector.broadcast %mul3A_174 : i32 to vector<16xi32>
    %mul3A_176 = arith.muli %gather3A_169, %mul3A_175 : vector<16xi32>
    %add3A_177 = arith.addi %mul3A_176, %gather3A_173 : vector<16xi32>
    %swap3A_178 = arith.constant 7 : i32
    %swap3A_179 = arith.index_cast %swap3A_178 : i32 to index
    %swap3A_180 = arith.constant 0 : index
    %swap3A_181 = tpu.vector_load %arg6[%swap3A_179, %swap3A_180] {strides = array<i32>} : memref<32x16xi32, #tpu.memory_space<vmem>>, vector<16xi32>,
    tpu.vector_store %arg6[%swap3A_179, %swap3A_180], %add3A_177 {strides = array<i32>} : memref<32x16xi32, #tpu.memory_space<vmem>>, vector<16xi32>,
    %add3A_182 = arith.constant 128 : i32
    %add3A_183 = vector.broadcast %add3A_182 : i32 to vector<16xi32>
    %add3A_184 = arith.addi %add3A_183, %iota3A : vector<16xi32>
    %mul3A_185 = arith.constant 2 : i32
    %mul3A_186 = vector.broadcast %mul3A_185 : i32 to vector<16xi32>
    %mul3A_187 = arith.muli %add3A_184, %mul3A_186 : vector<16xi32>
    %gather3A_188 = tpu.vector_load_idx %arg5[%mul3A_187] : memref<1024xi32, #tpu.memory_space<vmem>>[vector<16xi32>], vector<16xi32>,
    %add3A_189 = arith.constant 1 : i32
    %add3A_190 = vector.broadcast %add3A_189 : i32 to vector<16xi32>
    %add3A_191 = arith.addi %mul3A_187, %add3A_190 : vector<16xi32>
    %gather3A_192 = tpu.vector_load_idx %arg5[%add3A_191] : memref<1024xi32, #tpu.memory_space<vmem>>[vector<16xi32>], vector<16xi32>,
    %mul3A_193 = arith.constant 128 : i32
    %mul3A_194 = vector.broadcast %mul3A_193 : i32 to vector<16xi32>
    %mul3A_195 = arith.muli %gather3A_188, %mul3A_194 : vector<16xi32>
    %add3A_196 = arith.addi %mul3A_195, %gather3A_192 : vector<16xi32>
    %swap3A_197 = arith.constant 8 : i32
    %swap3A_198 = arith.index_cast %swap3A_197 : i32 to index
    %swap3A_199 = arith.constant 0 : index
    %swap3A_200 = tpu.vector_load %arg6[%swap3A_198, %swap3A_199] {strides = array<i32>} : memref<32x16xi32, #tpu.memory_space<vmem>>, vector<16xi32>,
    tpu.vector_store %arg6[%swap3A_198, %swap3A_199], %add3A_196 {strides = array<i32>} : memref<32x16xi32, #tpu.memory_space<vmem>>, vector<16xi32>,
    %add3A_201 = arith.constant 144 : i32
    %add3A_202 = vector.broadcast %add3A_201 : i32 to vector<16xi32>
    %add3A_203 = arith.addi %add3A_202, %iota3A : vector<16xi32>
    %mul3A_204 = arith.constant 2 : i32
    %mul3A_205 = vector.broadcast %mul3A_204 : i32 to vector<16xi32>
    %mul3A_206 = arith.muli %add3A_203, %mul3A_205 : vector<16xi32>
    %gather3A_207 = tpu.vector_load_idx %arg5[%mul3A_206] : memref<1024xi32, #tpu.memory_space<vmem>>[vector<16xi32>], vector<16xi32>,
    %add3A_208 = arith.constant 1 : i32
    %add3A_209 = vector.broadcast %add3A_208 : i32 to vector<16xi32>
    %add3A_210 = arith.addi %mul3A_206, %add3A_209 : vector<16xi32>
    %gather3A_211 = tpu.vector_load_idx %arg5[%add3A_210] : memref<1024xi32, #tpu.memory_space<vmem>>[vector<16xi32>], vector<16xi32>,
    %mul3A_212 = arith.constant 128 : i32
    %mul3A_213 = vector.broadcast %mul3A_212 : i32 to vector<16xi32>
    %mul3A_214 = arith.muli %gather3A_207, %mul3A_213 : vector<16xi32>
    %add3A_215 = arith.addi %mul3A_214, %gather3A_211 : vector<16xi32>
    %swap3A_216 = arith.constant 9 : i32
    %swap3A_217 = arith.index_cast %swap3A_216 : i32 to index
    %swap3A_218 = arith.constant 0 : index
    %swap3A_219 = tpu.vector_load %arg6[%swap3A_217, %swap3A_218] {strides = array<i32>} : memref<32x16xi32, #tpu.memory_space<vmem>>, vector<16xi32>,
    tpu.vector_store %arg6[%swap3A_217, %swap3A_218], %add3A_215 {strides = array<i32>} : memref<32x16xi32, #tpu.memory_space<vmem>>, vector<16xi32>,
    %add3A_220 = arith.constant 160 : i32
    %add3A_221 = vector.broadcast %add3A_220 : i32 to vector<16xi32>
    %add3A_222 = arith.addi %add3A_221, %iota3A : vector<16xi32>
    %mul3A_223 = arith.constant 2 : i32
    %mul3A_224 = vector.broadcast %mul3A_223 : i32 to vector<16xi32>
    %mul3A_225 = arith.muli %add3A_222, %mul3A_224 : vector<16xi32>
    %gather3A_226 = tpu.vector_load_idx %arg5[%mul3A_225] : memref<1024xi32, #tpu.memory_space<vmem>>[vector<16xi32>], vector<16xi32>,
    %add3A_227 = arith.constant 1 : i32
    %add3A_228 = vector.broadcast %add3A_227 : i32 to vector<16xi32>
    %add3A_229 = arith.addi %mul3A_225, %add3A_228 : vector<16xi32>
    %gather3A_230 = tpu.vector_load_idx %arg5[%add3A_229] : memref<1024xi32, #tpu.memory_space<vmem>>[vector<16xi32>], vector<16xi32>,
    %mul3A_231 = arith.constant 128 : i32
    %mul3A_232 = vector.broadcast %mul3A_231 : i32 to vector<16xi32>
    %mul3A_233 = arith.muli %gather3A_226, %mul3A_232 : vector<16xi32>
    %add3A_234 = arith.addi %mul3A_233, %gather3A_230 : vector<16xi32>
    %swap3A_235 = arith.constant 10 : i32
    %swap3A_236 = arith.index_cast %swap3A_235 : i32 to index
    %swap3A_237 = arith.constant 0 : index
    %swap3A_238 = tpu.vector_load %arg6[%swap3A_236, %swap3A_237] {strides = array<i32>} : memref<32x16xi32, #tpu.memory_space<vmem>>, vector<16xi32>,
    tpu.vector_store %arg6[%swap3A_236, %swap3A_237], %add3A_234 {strides = array<i32>} : memref<32x16xi32, #tpu.memory_space<vmem>>, vector<16xi32>,
    %add3A_239 = arith.constant 176 : i32
    %add3A_240 = vector.broadcast %add3A_239 : i32 to vector<16xi32>
    %add3A_241 = arith.addi %add3A_240, %iota3A : vector<16xi32>
    %mul3A_242 = arith.constant 2 : i32
    %mul3A_243 = vector.broadcast %mul3A_242 : i32 to vector<16xi32>
    %mul3A_244 = arith.muli %add3A_241, %mul3A_243 : vector<16xi32>
    %gather3A_245 = tpu.vector_load_idx %arg5[%mul3A_244] : memref<1024xi32, #tpu.memory_space<vmem>>[vector<16xi32>], vector<16xi32>,
    %add3A_246 = arith.constant 1 : i32
    %add3A_247 = vector.broadcast %add3A_246 : i32 to vector<16xi32>
    %add3A_248 = arith.addi %mul3A_244, %add3A_247 : vector<16xi32>
    %gather3A_249 = tpu.vector_load_idx %arg5[%add3A_248] : memref<1024xi32, #tpu.memory_space<vmem>>[vector<16xi32>], vector<16xi32>,
    %mul3A_250 = arith.constant 128 : i32
    %mul3A_251 = vector.broadcast %mul3A_250 : i32 to vector<16xi32>
    %mul3A_252 = arith.muli %gather3A_245, %mul3A_251 : vector<16xi32>
    %add3A_253 = arith.addi %mul3A_252, %gather3A_249 : vector<16xi32>
    %swap3A_254 = arith.constant 11 : i32
    %swap3A_255 = arith.index_cast %swap3A_254 : i32 to index
    %swap3A_256 = arith.constant 0 : index
    %swap3A_257 = tpu.vector_load %arg6[%swap3A_255, %swap3A_256] {strides = array<i32>} : memref<32x16xi32, #tpu.memory_space<vmem>>, vector<16xi32>,
    tpu.vector_store %arg6[%swap3A_255, %swap3A_256], %add3A_253 {strides = array<i32>} : memref<32x16xi32, #tpu.memory_space<vmem>>, vector<16xi32>,
    %add3A_258 = arith.constant 192 : i32
    %add3A_259 = vector.broadcast %add3A_258 : i32 to vector<16xi32>
    %add3A_260 = arith.addi %add3A_259, %iota3A : vector<16xi32>
    %mul3A_261 = arith.constant 2 : i32
    %mul3A_262 = vector.broadcast %mul3A_261 : i32 to vector<16xi32>
    %mul3A_263 = arith.muli %add3A_260, %mul3A_262 : vector<16xi32>
    %gather3A_264 = tpu.vector_load_idx %arg5[%mul3A_263] : memref<1024xi32, #tpu.memory_space<vmem>>[vector<16xi32>], vector<16xi32>,
    %add3A_265 = arith.constant 1 : i32
    %add3A_266 = vector.broadcast %add3A_265 : i32 to vector<16xi32>
    %add3A_267 = arith.addi %mul3A_263, %add3A_266 : vector<16xi32>
    %gather3A_268 = tpu.vector_load_idx %arg5[%add3A_267] : memref<1024xi32, #tpu.memory_space<vmem>>[vector<16xi32>], vector<16xi32>,
    %mul3A_269 = arith.constant 128 : i32
    %mul3A_270 = vector.broadcast %mul3A_269 : i32 to vector<16xi32>
    %mul3A_271 = arith.muli %gather3A_264, %mul3A_270 : vector<16xi32>
    %add3A_272 = arith.addi %mul3A_271, %gather3A_268 : vector<16xi32>
    %swap3A_273 = arith.constant 12 : i32
    %swap3A_274 = arith.index_cast %swap3A_273 : i32 to index
    %swap3A_275 = arith.constant 0 : index
    %swap3A_276 = tpu.vector_load %arg6[%swap3A_274, %swap3A_275] {strides = array<i32>} : memref<32x16xi32, #tpu.memory_space<vmem>>, vector<16xi32>,
    tpu.vector_store %arg6[%swap3A_274, %swap3A_275], %add3A_272 {strides = array<i32>} : memref<32x16xi32, #tpu.memory_space<vmem>>, vector<16xi32>,
    %add3A_277 = arith.constant 208 : i32
    %add3A_278 = vector.broadcast %add3A_277 : i32 to vector<16xi32>
    %add3A_279 = arith.addi %add3A_278, %iota3A : vector<16xi32>
    %mul3A_280 = arith.constant 2 : i32
    %mul3A_281 = vector.broadcast %mul3A_280 : i32 to vector<16xi32>
    %mul3A_282 = arith.muli %add3A_279, %mul3A_281 : vector<16xi32>
    %gather3A_283 = tpu.vector_load_idx %arg5[%mul3A_282] : memref<1024xi32, #tpu.memory_space<vmem>>[vector<16xi32>], vector<16xi32>,
    %add3A_284 = arith.constant 1 : i32
    %add3A_285 = vector.broadcast %add3A_284 : i32 to vector<16xi32>
    %add3A_286 = arith.addi %mul3A_282, %add3A_285 : vector<16xi32>
    %gather3A_287 = tpu.vector_load_idx %arg5[%add3A_286] : memref<1024xi32, #tpu.memory_space<vmem>>[vector<16xi32>], vector<16xi32>,
    %mul3A_288 = arith.constant 128 : i32
    %mul3A_289 = vector.broadcast %mul3A_288 : i32 to vector<16xi32>
    %mul3A_290 = arith.muli %gather3A_283, %mul3A_289 : vector<16xi32>
    %add3A_291 = arith.addi %mul3A_290, %gather3A_287 : vector<16xi32>
    %swap3A_292 = arith.constant 13 : i32
    %swap3A_293 = arith.index_cast %swap3A_292 : i32 to index
    %swap3A_294 = arith.constant 0 : index
    %swap3A_295 = tpu.vector_load %arg6[%swap3A_293, %swap3A_294] {strides = array<i32>} : memref<32x16xi32, #tpu.memory_space<vmem>>, vector<16xi32>,
    tpu.vector_store %arg6[%swap3A_293, %swap3A_294], %add3A_291 {strides = array<i32>} : memref<32x16xi32, #tpu.memory_space<vmem>>, vector<16xi32>,
    %add3A_296 = arith.constant 224 : i32
    %add3A_297 = vector.broadcast %add3A_296 : i32 to vector<16xi32>
    %add3A_298 = arith.addi %add3A_297, %iota3A : vector<16xi32>
    %mul3A_299 = arith.constant 2 : i32
    %mul3A_300 = vector.broadcast %mul3A_299 : i32 to vector<16xi32>
    %mul3A_301 = arith.muli %add3A_298, %mul3A_300 : vector<16xi32>
    %gather3A_302 = tpu.vector_load_idx %arg5[%mul3A_301] : memref<1024xi32, #tpu.memory_space<vmem>>[vector<16xi32>], vector<16xi32>,
    %add3A_303 = arith.constant 1 : i32
    %add3A_304 = vector.broadcast %add3A_303 : i32 to vector<16xi32>
    %add3A_305 = arith.addi %mul3A_301, %add3A_304 : vector<16xi32>
    %gather3A_306 = tpu.vector_load_idx %arg5[%add3A_305] : memref<1024xi32, #tpu.memory_space<vmem>>[vector<16xi32>], vector<16xi32>,
    %mul3A_307 = arith.constant 128 : i32
    %mul3A_308 = vector.broadcast %mul3A_307 : i32 to vector<16xi32>
    %mul3A_309 = arith.muli %gather3A_302, %mul3A_308 : vector<16xi32>
    %add3A_310 = arith.addi %mul3A_309, %gather3A_306 : vector<16xi32>
    %swap3A_311 = arith.constant 14 : i32
    %swap3A_312 = arith.index_cast %swap3A_311 : i32 to index
    %swap3A_313 = arith.constant 0 : index
    %swap3A_314 = tpu.vector_load %arg6[%swap3A_312, %swap3A_313] {strides = array<i32>} : memref<32x16xi32, #tpu.memory_space<vmem>>, vector<16xi32>,
    tpu.vector_store %arg6[%swap3A_312, %swap3A_313], %add3A_310 {strides = array<i32>} : memref<32x16xi32, #tpu.memory_space<vmem>>, vector<16xi32>,
    %add3A_315 = arith.constant 240 : i32
    %add3A_316 = vector.broadcast %add3A_315 : i32 to vector<16xi32>
    %add3A_317 = arith.addi %add3A_316, %iota3A : vector<16xi32>
    %mul3A_318 = arith.constant 2 : i32
    %mul3A_319 = vector.broadcast %mul3A_318 : i32 to vector<16xi32>
    %mul3A_320 = arith.muli %add3A_317, %mul3A_319 : vector<16xi32>
    %gather3A_321 = tpu.vector_load_idx %arg5[%mul3A_320] : memref<1024xi32, #tpu.memory_space<vmem>>[vector<16xi32>], vector<16xi32>,
    %add3A_322 = arith.constant 1 : i32
    %add3A_323 = vector.broadcast %add3A_322 : i32 to vector<16xi32>
    %add3A_324 = arith.addi %mul3A_320, %add3A_323 : vector<16xi32>
    %gather3A_325 = tpu.vector_load_idx %arg5[%add3A_324] : memref<1024xi32, #tpu.memory_space<vmem>>[vector<16xi32>], vector<16xi32>,
    %mul3A_326 = arith.constant 128 : i32
    %mul3A_327 = vector.broadcast %mul3A_326 : i32 to vector<16xi32>
    %mul3A_328 = arith.muli %gather3A_321, %mul3A_327 : vector<16xi32>
    %add3A_329 = arith.addi %mul3A_328, %gather3A_325 : vector<16xi32>
    %swap3A_330 = arith.constant 15 : i32
    %swap3A_331 = arith.index_cast %swap3A_330 : i32 to index
    %swap3A_332 = arith.constant 0 : index
    %swap3A_333 = tpu.vector_load %arg6[%swap3A_331, %swap3A_332] {strides = array<i32>} : memref<32x16xi32, #tpu.memory_space<vmem>>, vector<16xi32>,
    tpu.vector_store %arg6[%swap3A_331, %swap3A_332], %add3A_329 {strides = array<i32>} : memref<32x16xi32, #tpu.memory_space<vmem>>, vector<16xi32>,
    %add3A_334 = arith.constant 256 : i32
    %add3A_335 = vector.broadcast %add3A_334 : i32 to vector<16xi32>
    %add3A_336 = arith.addi %add3A_335, %iota3A : vector<16xi32>
    %mul3A_337 = arith.constant 2 : i32
    %mul3A_338 = vector.broadcast %mul3A_337 : i32 to vector<16xi32>
    %mul3A_339 = arith.muli %add3A_336, %mul3A_338 : vector<16xi32>
    %gather3A_340 = tpu.vector_load_idx %arg5[%mul3A_339] : memref<1024xi32, #tpu.memory_space<vmem>>[vector<16xi32>], vector<16xi32>,
    %add3A_341 = arith.constant 1 : i32
    %add3A_342 = vector.broadcast %add3A_341 : i32 to vector<16xi32>
    %add3A_343 = arith.addi %mul3A_339, %add3A_342 : vector<16xi32>
    %gather3A_344 = tpu.vector_load_idx %arg5[%add3A_343] : memref<1024xi32, #tpu.memory_space<vmem>>[vector<16xi32>], vector<16xi32>,
    %mul3A_345 = arith.constant 128 : i32
    %mul3A_346 = vector.broadcast %mul3A_345 : i32 to vector<16xi32>
    %mul3A_347 = arith.muli %gather3A_340, %mul3A_346 : vector<16xi32>
    %add3A_348 = arith.addi %mul3A_347, %gather3A_344 : vector<16xi32>
    %swap3A_349 = arith.constant 16 : i32
    %swap3A_350 = arith.index_cast %swap3A_349 : i32 to index
    %swap3A_351 = arith.constant 0 : index
    %swap3A_352 = tpu.vector_load %arg6[%swap3A_350, %swap3A_351] {strides = array<i32>} : memref<32x16xi32, #tpu.memory_space<vmem>>, vector<16xi32>,
    tpu.vector_store %arg6[%swap3A_350, %swap3A_351], %add3A_348 {strides = array<i32>} : memref<32x16xi32, #tpu.memory_space<vmem>>, vector<16xi32>,
    %add3A_353 = arith.constant 272 : i32
    %add3A_354 = vector.broadcast %add3A_353 : i32 to vector<16xi32>
    %add3A_355 = arith.addi %add3A_354, %iota3A : vector<16xi32>
    %mul3A_356 = arith.constant 2 : i32
    %mul3A_357 = vector.broadcast %mul3A_356 : i32 to vector<16xi32>
    %mul3A_358 = arith.muli %add3A_355, %mul3A_357 : vector<16xi32>
    %gather3A_359 = tpu.vector_load_idx %arg5[%mul3A_358] : memref<1024xi32, #tpu.memory_space<vmem>>[vector<16xi32>], vector<16xi32>,
    %add3A_360 = arith.constant 1 : i32
    %add3A_361 = vector.broadcast %add3A_360 : i32 to vector<16xi32>
    %add3A_362 = arith.addi %mul3A_358, %add3A_361 : vector<16xi32>
    %gather3A_363 = tpu.vector_load_idx %arg5[%add3A_362] : memref<1024xi32, #tpu.memory_space<vmem>>[vector<16xi32>], vector<16xi32>,
    %mul3A_364 = arith.constant 128 : i32
    %mul3A_365 = vector.broadcast %mul3A_364 : i32 to vector<16xi32>
    %mul3A_366 = arith.muli %gather3A_359, %mul3A_365 : vector<16xi32>
    %add3A_367 = arith.addi %mul3A_366, %gather3A_363 : vector<16xi32>
    %swap3A_368 = arith.constant 17 : i32
    %swap3A_369 = arith.index_cast %swap3A_368 : i32 to index
    %swap3A_370 = arith.constant 0 : index
    %swap3A_371 = tpu.vector_load %arg6[%swap3A_369, %swap3A_370] {strides = array<i32>} : memref<32x16xi32, #tpu.memory_space<vmem>>, vector<16xi32>,
    tpu.vector_store %arg6[%swap3A_369, %swap3A_370], %add3A_367 {strides = array<i32>} : memref<32x16xi32, #tpu.memory_space<vmem>>, vector<16xi32>,
    %add3A_372 = arith.constant 288 : i32
    %add3A_373 = vector.broadcast %add3A_372 : i32 to vector<16xi32>
    %add3A_374 = arith.addi %add3A_373, %iota3A : vector<16xi32>
    %mul3A_375 = arith.constant 2 : i32
    %mul3A_376 = vector.broadcast %mul3A_375 : i32 to vector<16xi32>
    %mul3A_377 = arith.muli %add3A_374, %mul3A_376 : vector<16xi32>
    %gather3A_378 = tpu.vector_load_idx %arg5[%mul3A_377] : memref<1024xi32, #tpu.memory_space<vmem>>[vector<16xi32>], vector<16xi32>,
    %add3A_379 = arith.constant 1 : i32
    %add3A_380 = vector.broadcast %add3A_379 : i32 to vector<16xi32>
    %add3A_381 = arith.addi %mul3A_377, %add3A_380 : vector<16xi32>
    %gather3A_382 = tpu.vector_load_idx %arg5[%add3A_381] : memref<1024xi32, #tpu.memory_space<vmem>>[vector<16xi32>], vector<16xi32>,
    %mul3A_383 = arith.constant 128 : i32
    %mul3A_384 = vector.broadcast %mul3A_383 : i32 to vector<16xi32>
    %mul3A_385 = arith.muli %gather3A_378, %mul3A_384 : vector<16xi32>
    %add3A_386 = arith.addi %mul3A_385, %gather3A_382 : vector<16xi32>
    %swap3A_387 = arith.constant 18 : i32
    %swap3A_388 = arith.index_cast %swap3A_387 : i32 to index
    %swap3A_389 = arith.constant 0 : index
    %swap3A_390 = tpu.vector_load %arg6[%swap3A_388, %swap3A_389] {strides = array<i32>} : memref<32x16xi32, #tpu.memory_space<vmem>>, vector<16xi32>,
    tpu.vector_store %arg6[%swap3A_388, %swap3A_389], %add3A_386 {strides = array<i32>} : memref<32x16xi32, #tpu.memory_space<vmem>>, vector<16xi32>,
    %add3A_391 = arith.constant 304 : i32
    %add3A_392 = vector.broadcast %add3A_391 : i32 to vector<16xi32>
    %add3A_393 = arith.addi %add3A_392, %iota3A : vector<16xi32>
    %mul3A_394 = arith.constant 2 : i32
    %mul3A_395 = vector.broadcast %mul3A_394 : i32 to vector<16xi32>
    %mul3A_396 = arith.muli %add3A_393, %mul3A_395 : vector<16xi32>
    %gather3A_397 = tpu.vector_load_idx %arg5[%mul3A_396] : memref<1024xi32, #tpu.memory_space<vmem>>[vector<16xi32>], vector<16xi32>,
    %add3A_398 = arith.constant 1 : i32
    %add3A_399 = vector.broadcast %add3A_398 : i32 to vector<16xi32>
    %add3A_400 = arith.addi %mul3A_396, %add3A_399 : vector<16xi32>
    %gather3A_401 = tpu.vector_load_idx %arg5[%add3A_400] : memref<1024xi32, #tpu.memory_space<vmem>>[vector<16xi32>], vector<16xi32>,
    %mul3A_402 = arith.constant 128 : i32
    %mul3A_403 = vector.broadcast %mul3A_402 : i32 to vector<16xi32>
    %mul3A_404 = arith.muli %gather3A_397, %mul3A_403 : vector<16xi32>
    %add3A_405 = arith.addi %mul3A_404, %gather3A_401 : vector<16xi32>
    %swap3A_406 = arith.constant 19 : i32
    %swap3A_407 = arith.index_cast %swap3A_406 : i32 to index
    %swap3A_408 = arith.constant 0 : index
    %swap3A_409 = tpu.vector_load %arg6[%swap3A_407, %swap3A_408] {strides = array<i32>} : memref<32x16xi32, #tpu.memory_space<vmem>>, vector<16xi32>,
    tpu.vector_store %arg6[%swap3A_407, %swap3A_408], %add3A_405 {strides = array<i32>} : memref<32x16xi32, #tpu.memory_space<vmem>>, vector<16xi32>,
    %add3A_410 = arith.constant 320 : i32
    %add3A_411 = vector.broadcast %add3A_410 : i32 to vector<16xi32>
    %add3A_412 = arith.addi %add3A_411, %iota3A : vector<16xi32>
    %mul3A_413 = arith.constant 2 : i32
    %mul3A_414 = vector.broadcast %mul3A_413 : i32 to vector<16xi32>
    %mul3A_415 = arith.muli %add3A_412, %mul3A_414 : vector<16xi32>
    %gather3A_416 = tpu.vector_load_idx %arg5[%mul3A_415] : memref<1024xi32, #tpu.memory_space<vmem>>[vector<16xi32>], vector<16xi32>,
    %add3A_417 = arith.constant 1 : i32
    %add3A_418 = vector.broadcast %add3A_417 : i32 to vector<16xi32>
    %add3A_419 = arith.addi %mul3A_415, %add3A_418 : vector<16xi32>
    %gather3A_420 = tpu.vector_load_idx %arg5[%add3A_419] : memref<1024xi32, #tpu.memory_space<vmem>>[vector<16xi32>], vector<16xi32>,
    %mul3A_421 = arith.constant 128 : i32
    %mul3A_422 = vector.broadcast %mul3A_421 : i32 to vector<16xi32>
    %mul3A_423 = arith.muli %gather3A_416, %mul3A_422 : vector<16xi32>
    %add3A_424 = arith.addi %mul3A_423, %gather3A_420 : vector<16xi32>
    %swap3A_425 = arith.constant 20 : i32
    %swap3A_426 = arith.index_cast %swap3A_425 : i32 to index
    %swap3A_427 = arith.constant 0 : index
    %swap3A_428 = tpu.vector_load %arg6[%swap3A_426, %swap3A_427] {strides = array<i32>} : memref<32x16xi32, #tpu.memory_space<vmem>>, vector<16xi32>,
    tpu.vector_store %arg6[%swap3A_426, %swap3A_427], %add3A_424 {strides = array<i32>} : memref<32x16xi32, #tpu.memory_space<vmem>>, vector<16xi32>,
    %add3A_429 = arith.constant 336 : i32
    %add3A_430 = vector.broadcast %add3A_429 : i32 to vector<16xi32>
    %add3A_431 = arith.addi %add3A_430, %iota3A : vector<16xi32>
    %mul3A_432 = arith.constant 2 : i32
    %mul3A_433 = vector.broadcast %mul3A_432 : i32 to vector<16xi32>
    %mul3A_434 = arith.muli %add3A_431, %mul3A_433 : vector<16xi32>
    %gather3A_435 = tpu.vector_load_idx %arg5[%mul3A_434] : memref<1024xi32, #tpu.memory_space<vmem>>[vector<16xi32>], vector<16xi32>,
    %add3A_436 = arith.constant 1 : i32
    %add3A_437 = vector.broadcast %add3A_436 : i32 to vector<16xi32>
    %add3A_438 = arith.addi %mul3A_434, %add3A_437 : vector<16xi32>
    %gather3A_439 = tpu.vector_load_idx %arg5[%add3A_438] : memref<1024xi32, #tpu.memory_space<vmem>>[vector<16xi32>], vector<16xi32>,
    %mul3A_440 = arith.constant 128 : i32
    %mul3A_441 = vector.broadcast %mul3A_440 : i32 to vector<16xi32>
    %mul3A_442 = arith.muli %gather3A_435, %mul3A_441 : vector<16xi32>
    %add3A_443 = arith.addi %mul3A_442, %gather3A_439 : vector<16xi32>
    %swap3A_444 = arith.constant 21 : i32
    %swap3A_445 = arith.index_cast %swap3A_444 : i32 to index
    %swap3A_446 = arith.constant 0 : index
    %swap3A_447 = tpu.vector_load %arg6[%swap3A_445, %swap3A_446] {strides = array<i32>} : memref<32x16xi32, #tpu.memory_space<vmem>>, vector<16xi32>,
    tpu.vector_store %arg6[%swap3A_445, %swap3A_446], %add3A_443 {strides = array<i32>} : memref<32x16xi32, #tpu.memory_space<vmem>>, vector<16xi32>,
    %add3A_448 = arith.constant 352 : i32
    %add3A_449 = vector.broadcast %add3A_448 : i32 to vector<16xi32>
    %add3A_450 = arith.addi %add3A_449, %iota3A : vector<16xi32>
    %mul3A_451 = arith.constant 2 : i32
    %mul3A_452 = vector.broadcast %mul3A_451 : i32 to vector<16xi32>
    %mul3A_453 = arith.muli %add3A_450, %mul3A_452 : vector<16xi32>
    %gather3A_454 = tpu.vector_load_idx %arg5[%mul3A_453] : memref<1024xi32, #tpu.memory_space<vmem>>[vector<16xi32>], vector<16xi32>,
    %add3A_455 = arith.constant 1 : i32
    %add3A_456 = vector.broadcast %add3A_455 : i32 to vector<16xi32>
    %add3A_457 = arith.addi %mul3A_453, %add3A_456 : vector<16xi32>
    %gather3A_458 = tpu.vector_load_idx %arg5[%add3A_457] : memref<1024xi32, #tpu.memory_space<vmem>>[vector<16xi32>], vector<16xi32>,
    %mul3A_459 = arith.constant 128 : i32
    %mul3A_460 = vector.broadcast %mul3A_459 : i32 to vector<16xi32>
    %mul3A_461 = arith.muli %gather3A_454, %mul3A_460 : vector<16xi32>
    %add3A_462 = arith.addi %mul3A_461, %gather3A_458 : vector<16xi32>
    %swap3A_463 = arith.constant 22 : i32
    %swap3A_464 = arith.index_cast %swap3A_463 : i32 to index
    %swap3A_465 = arith.constant 0 : index
    %swap3A_466 = tpu.vector_load %arg6[%swap3A_464, %swap3A_465] {strides = array<i32>} : memref<32x16xi32, #tpu.memory_space<vmem>>, vector<16xi32>,
    tpu.vector_store %arg6[%swap3A_464, %swap3A_465], %add3A_462 {strides = array<i32>} : memref<32x16xi32, #tpu.memory_space<vmem>>, vector<16xi32>,
    %add3A_467 = arith.constant 368 : i32
    %add3A_468 = vector.broadcast %add3A_467 : i32 to vector<16xi32>
    %add3A_469 = arith.addi %add3A_468, %iota3A : vector<16xi32>
    %mul3A_470 = arith.constant 2 : i32
    %mul3A_471 = vector.broadcast %mul3A_470 : i32 to vector<16xi32>
    %mul3A_472 = arith.muli %add3A_469, %mul3A_471 : vector<16xi32>
    %gather3A_473 = tpu.vector_load_idx %arg5[%mul3A_472] : memref<1024xi32, #tpu.memory_space<vmem>>[vector<16xi32>], vector<16xi32>,
    %add3A_474 = arith.constant 1 : i32
    %add3A_475 = vector.broadcast %add3A_474 : i32 to vector<16xi32>
    %add3A_476 = arith.addi %mul3A_472, %add3A_475 : vector<16xi32>
    %gather3A_477 = tpu.vector_load_idx %arg5[%add3A_476] : memref<1024xi32, #tpu.memory_space<vmem>>[vector<16xi32>], vector<16xi32>,
    %mul3A_478 = arith.constant 128 : i32
    %mul3A_479 = vector.broadcast %mul3A_478 : i32 to vector<16xi32>
    %mul3A_480 = arith.muli %gather3A_473, %mul3A_479 : vector<16xi32>
    %add3A_481 = arith.addi %mul3A_480, %gather3A_477 : vector<16xi32>
    %swap3A_482 = arith.constant 23 : i32
    %swap3A_483 = arith.index_cast %swap3A_482 : i32 to index
    %swap3A_484 = arith.constant 0 : index
    %swap3A_485 = tpu.vector_load %arg6[%swap3A_483, %swap3A_484] {strides = array<i32>} : memref<32x16xi32, #tpu.memory_space<vmem>>, vector<16xi32>,
    tpu.vector_store %arg6[%swap3A_483, %swap3A_484], %add3A_481 {strides = array<i32>} : memref<32x16xi32, #tpu.memory_space<vmem>>, vector<16xi32>,
    %add3A_486 = arith.constant 384 : i32
    %add3A_487 = vector.broadcast %add3A_486 : i32 to vector<16xi32>
    %add3A_488 = arith.addi %add3A_487, %iota3A : vector<16xi32>
    %mul3A_489 = arith.constant 2 : i32
    %mul3A_490 = vector.broadcast %mul3A_489 : i32 to vector<16xi32>
    %mul3A_491 = arith.muli %add3A_488, %mul3A_490 : vector<16xi32>
    %gather3A_492 = tpu.vector_load_idx %arg5[%mul3A_491] : memref<1024xi32, #tpu.memory_space<vmem>>[vector<16xi32>], vector<16xi32>,
    %add3A_493 = arith.constant 1 : i32
    %add3A_494 = vector.broadcast %add3A_493 : i32 to vector<16xi32>
    %add3A_495 = arith.addi %mul3A_491, %add3A_494 : vector<16xi32>
    %gather3A_496 = tpu.vector_load_idx %arg5[%add3A_495] : memref<1024xi32, #tpu.memory_space<vmem>>[vector<16xi32>], vector<16xi32>,
    %mul3A_497 = arith.constant 128 : i32
    %mul3A_498 = vector.broadcast %mul3A_497 : i32 to vector<16xi32>
    %mul3A_499 = arith.muli %gather3A_492, %mul3A_498 : vector<16xi32>
    %add3A_500 = arith.addi %mul3A_499, %gather3A_496 : vector<16xi32>
    %swap3A_501 = arith.constant 24 : i32
    %swap3A_502 = arith.index_cast %swap3A_501 : i32 to index
    %swap3A_503 = arith.constant 0 : index
    %swap3A_504 = tpu.vector_load %arg6[%swap3A_502, %swap3A_503] {strides = array<i32>} : memref<32x16xi32, #tpu.memory_space<vmem>>, vector<16xi32>,
    tpu.vector_store %arg6[%swap3A_502, %swap3A_503], %add3A_500 {strides = array<i32>} : memref<32x16xi32, #tpu.memory_space<vmem>>, vector<16xi32>,
    %add3A_505 = arith.constant 400 : i32
    %add3A_506 = vector.broadcast %add3A_505 : i32 to vector<16xi32>
    %add3A_507 = arith.addi %add3A_506, %iota3A : vector<16xi32>
    %mul3A_508 = arith.constant 2 : i32
    %mul3A_509 = vector.broadcast %mul3A_508 : i32 to vector<16xi32>
    %mul3A_510 = arith.muli %add3A_507, %mul3A_509 : vector<16xi32>
    %gather3A_511 = tpu.vector_load_idx %arg5[%mul3A_510] : memref<1024xi32, #tpu.memory_space<vmem>>[vector<16xi32>], vector<16xi32>,
    %add3A_512 = arith.constant 1 : i32
    %add3A_513 = vector.broadcast %add3A_512 : i32 to vector<16xi32>
    %add3A_514 = arith.addi %mul3A_510, %add3A_513 : vector<16xi32>
    %gather3A_515 = tpu.vector_load_idx %arg5[%add3A_514] : memref<1024xi32, #tpu.memory_space<vmem>>[vector<16xi32>], vector<16xi32>,
    %mul3A_516 = arith.constant 128 : i32
    %mul3A_517 = vector.broadcast %mul3A_516 : i32 to vector<16xi32>
    %mul3A_518 = arith.muli %gather3A_511, %mul3A_517 : vector<16xi32>
    %add3A_519 = arith.addi %mul3A_518, %gather3A_515 : vector<16xi32>
    %swap3A_520 = arith.constant 25 : i32
    %swap3A_521 = arith.index_cast %swap3A_520 : i32 to index
    %swap3A_522 = arith.constant 0 : index
    %swap3A_523 = tpu.vector_load %arg6[%swap3A_521, %swap3A_522] {strides = array<i32>} : memref<32x16xi32, #tpu.memory_space<vmem>>, vector<16xi32>,
    tpu.vector_store %arg6[%swap3A_521, %swap3A_522], %add3A_519 {strides = array<i32>} : memref<32x16xi32, #tpu.memory_space<vmem>>, vector<16xi32>,
    %add3A_524 = arith.constant 416 : i32
    %add3A_525 = vector.broadcast %add3A_524 : i32 to vector<16xi32>
    %add3A_526 = arith.addi %add3A_525, %iota3A : vector<16xi32>
    %mul3A_527 = arith.constant 2 : i32
    %mul3A_528 = vector.broadcast %mul3A_527 : i32 to vector<16xi32>
    %mul3A_529 = arith.muli %add3A_526, %mul3A_528 : vector<16xi32>
    %gather3A_530 = tpu.vector_load_idx %arg5[%mul3A_529] : memref<1024xi32, #tpu.memory_space<vmem>>[vector<16xi32>], vector<16xi32>,
    %add3A_531 = arith.constant 1 : i32
    %add3A_532 = vector.broadcast %add3A_531 : i32 to vector<16xi32>
    %add3A_533 = arith.addi %mul3A_529, %add3A_532 : vector<16xi32>
    %gather3A_534 = tpu.vector_load_idx %arg5[%add3A_533] : memref<1024xi32, #tpu.memory_space<vmem>>[vector<16xi32>], vector<16xi32>,
    %mul3A_535 = arith.constant 128 : i32
    %mul3A_536 = vector.broadcast %mul3A_535 : i32 to vector<16xi32>
    %mul3A_537 = arith.muli %gather3A_530, %mul3A_536 : vector<16xi32>
    %add3A_538 = arith.addi %mul3A_537, %gather3A_534 : vector<16xi32>
    %swap3A_539 = arith.constant 26 : i32
    %swap3A_540 = arith.index_cast %swap3A_539 : i32 to index
    %swap3A_541 = arith.constant 0 : index
    %swap3A_542 = tpu.vector_load %arg6[%swap3A_540, %swap3A_541] {strides = array<i32>} : memref<32x16xi32, #tpu.memory_space<vmem>>, vector<16xi32>,
    tpu.vector_store %arg6[%swap3A_540, %swap3A_541], %add3A_538 {strides = array<i32>} : memref<32x16xi32, #tpu.memory_space<vmem>>, vector<16xi32>,
    %add3A_543 = arith.constant 432 : i32
    %add3A_544 = vector.broadcast %add3A_543 : i32 to vector<16xi32>
    %add3A_545 = arith.addi %add3A_544, %iota3A : vector<16xi32>
    %mul3A_546 = arith.constant 2 : i32
    %mul3A_547 = vector.broadcast %mul3A_546 : i32 to vector<16xi32>
    %mul3A_548 = arith.muli %add3A_545, %mul3A_547 : vector<16xi32>
    %gather3A_549 = tpu.vector_load_idx %arg5[%mul3A_548] : memref<1024xi32, #tpu.memory_space<vmem>>[vector<16xi32>], vector<16xi32>,
    %add3A_550 = arith.constant 1 : i32
    %add3A_551 = vector.broadcast %add3A_550 : i32 to vector<16xi32>
    %add3A_552 = arith.addi %mul3A_548, %add3A_551 : vector<16xi32>
    %gather3A_553 = tpu.vector_load_idx %arg5[%add3A_552] : memref<1024xi32, #tpu.memory_space<vmem>>[vector<16xi32>], vector<16xi32>,
    %mul3A_554 = arith.constant 128 : i32
    %mul3A_555 = vector.broadcast %mul3A_554 : i32 to vector<16xi32>
    %mul3A_556 = arith.muli %gather3A_549, %mul3A_555 : vector<16xi32>
    %add3A_557 = arith.addi %mul3A_556, %gather3A_553 : vector<16xi32>
    %swap3A_558 = arith.constant 27 : i32
    %swap3A_559 = arith.index_cast %swap3A_558 : i32 to index
    %swap3A_560 = arith.constant 0 : index
    %swap3A_561 = tpu.vector_load %arg6[%swap3A_559, %swap3A_560] {strides = array<i32>} : memref<32x16xi32, #tpu.memory_space<vmem>>, vector<16xi32>,
    tpu.vector_store %arg6[%swap3A_559, %swap3A_560], %add3A_557 {strides = array<i32>} : memref<32x16xi32, #tpu.memory_space<vmem>>, vector<16xi32>,
    %add3A_562 = arith.constant 448 : i32
    %add3A_563 = vector.broadcast %add3A_562 : i32 to vector<16xi32>
    %add3A_564 = arith.addi %add3A_563, %iota3A : vector<16xi32>
    %mul3A_565 = arith.constant 2 : i32
    %mul3A_566 = vector.broadcast %mul3A_565 : i32 to vector<16xi32>
    %mul3A_567 = arith.muli %add3A_564, %mul3A_566 : vector<16xi32>
    %gather3A_568 = tpu.vector_load_idx %arg5[%mul3A_567] : memref<1024xi32, #tpu.memory_space<vmem>>[vector<16xi32>], vector<16xi32>,
    %add3A_569 = arith.constant 1 : i32
    %add3A_570 = vector.broadcast %add3A_569 : i32 to vector<16xi32>
    %add3A_571 = arith.addi %mul3A_567, %add3A_570 : vector<16xi32>
    %gather3A_572 = tpu.vector_load_idx %arg5[%add3A_571] : memref<1024xi32, #tpu.memory_space<vmem>>[vector<16xi32>], vector<16xi32>,
    %mul3A_573 = arith.constant 128 : i32
    %mul3A_574 = vector.broadcast %mul3A_573 : i32 to vector<16xi32>
    %mul3A_575 = arith.muli %gather3A_568, %mul3A_574 : vector<16xi32>
    %add3A_576 = arith.addi %mul3A_575, %gather3A_572 : vector<16xi32>
    %swap3A_577 = arith.constant 28 : i32
    %swap3A_578 = arith.index_cast %swap3A_577 : i32 to index
    %swap3A_579 = arith.constant 0 : index
    %swap3A_580 = tpu.vector_load %arg6[%swap3A_578, %swap3A_579] {strides = array<i32>} : memref<32x16xi32, #tpu.memory_space<vmem>>, vector<16xi32>,
    tpu.vector_store %arg6[%swap3A_578, %swap3A_579], %add3A_576 {strides = array<i32>} : memref<32x16xi32, #tpu.memory_space<vmem>>, vector<16xi32>,
    %add3A_581 = arith.constant 464 : i32
    %add3A_582 = vector.broadcast %add3A_581 : i32 to vector<16xi32>
    %add3A_583 = arith.addi %add3A_582, %iota3A : vector<16xi32>
    %mul3A_584 = arith.constant 2 : i32
    %mul3A_585 = vector.broadcast %mul3A_584 : i32 to vector<16xi32>
    %mul3A_586 = arith.muli %add3A_583, %mul3A_585 : vector<16xi32>
    %gather3A_587 = tpu.vector_load_idx %arg5[%mul3A_586] : memref<1024xi32, #tpu.memory_space<vmem>>[vector<16xi32>], vector<16xi32>,
    %add3A_588 = arith.constant 1 : i32
    %add3A_589 = vector.broadcast %add3A_588 : i32 to vector<16xi32>
    %add3A_590 = arith.addi %mul3A_586, %add3A_589 : vector<16xi32>
    %gather3A_591 = tpu.vector_load_idx %arg5[%add3A_590] : memref<1024xi32, #tpu.memory_space<vmem>>[vector<16xi32>], vector<16xi32>,
    %mul3A_592 = arith.constant 128 : i32
    %mul3A_593 = vector.broadcast %mul3A_592 : i32 to vector<16xi32>
    %mul3A_594 = arith.muli %gather3A_587, %mul3A_593 : vector<16xi32>
    %add3A_595 = arith.addi %mul3A_594, %gather3A_591 : vector<16xi32>
    %swap3A_596 = arith.constant 29 : i32
    %swap3A_597 = arith.index_cast %swap3A_596 : i32 to index
    %swap3A_598 = arith.constant 0 : index
    %swap3A_599 = tpu.vector_load %arg6[%swap3A_597, %swap3A_598] {strides = array<i32>} : memref<32x16xi32, #tpu.memory_space<vmem>>, vector<16xi32>,
    tpu.vector_store %arg6[%swap3A_597, %swap3A_598], %add3A_595 {strides = array<i32>} : memref<32x16xi32, #tpu.memory_space<vmem>>, vector<16xi32>,
    %add3A_600 = arith.constant 480 : i32
    %add3A_601 = vector.broadcast %add3A_600 : i32 to vector<16xi32>
    %add3A_602 = arith.addi %add3A_601, %iota3A : vector<16xi32>
    %mul3A_603 = arith.constant 2 : i32
    %mul3A_604 = vector.broadcast %mul3A_603 : i32 to vector<16xi32>
    %mul3A_605 = arith.muli %add3A_602, %mul3A_604 : vector<16xi32>
    %gather3A_606 = tpu.vector_load_idx %arg5[%mul3A_605] : memref<1024xi32, #tpu.memory_space<vmem>>[vector<16xi32>], vector<16xi32>,
    %add3A_607 = arith.constant 1 : i32
    %add3A_608 = vector.broadcast %add3A_607 : i32 to vector<16xi32>
    %add3A_609 = arith.addi %mul3A_605, %add3A_608 : vector<16xi32>
    %gather3A_610 = tpu.vector_load_idx %arg5[%add3A_609] : memref<1024xi32, #tpu.memory_space<vmem>>[vector<16xi32>], vector<16xi32>,
    %mul3A_611 = arith.constant 128 : i32
    %mul3A_612 = vector.broadcast %mul3A_611 : i32 to vector<16xi32>
    %mul3A_613 = arith.muli %gather3A_606, %mul3A_612 : vector<16xi32>
    %add3A_614 = arith.addi %mul3A_613, %gather3A_610 : vector<16xi32>
    %swap3A_615 = arith.constant 30 : i32
    %swap3A_616 = arith.index_cast %swap3A_615 : i32 to index
    %swap3A_617 = arith.constant 0 : index
    %swap3A_618 = tpu.vector_load %arg6[%swap3A_616, %swap3A_617] {strides = array<i32>} : memref<32x16xi32, #tpu.memory_space<vmem>>, vector<16xi32>,
    tpu.vector_store %arg6[%swap3A_616, %swap3A_617], %add3A_614 {strides = array<i32>} : memref<32x16xi32, #tpu.memory_space<vmem>>, vector<16xi32>,
    %add3A_619 = arith.constant 496 : i32
    %add3A_620 = vector.broadcast %add3A_619 : i32 to vector<16xi32>
    %add3A_621 = arith.addi %add3A_620, %iota3A : vector<16xi32>
    %mul3A_622 = arith.constant 2 : i32
    %mul3A_623 = vector.broadcast %mul3A_622 : i32 to vector<16xi32>
    %mul3A_624 = arith.muli %add3A_621, %mul3A_623 : vector<16xi32>
    %gather3A_625 = tpu.vector_load_idx %arg5[%mul3A_624] : memref<1024xi32, #tpu.memory_space<vmem>>[vector<16xi32>], vector<16xi32>,
    %add3A_626 = arith.constant 1 : i32
    %add3A_627 = vector.broadcast %add3A_626 : i32 to vector<16xi32>
    %add3A_628 = arith.addi %mul3A_624, %add3A_627 : vector<16xi32>
    %gather3A_629 = tpu.vector_load_idx %arg5[%add3A_628] : memref<1024xi32, #tpu.memory_space<vmem>>[vector<16xi32>], vector<16xi32>,
    %mul3A_630 = arith.constant 128 : i32
    %mul3A_631 = vector.broadcast %mul3A_630 : i32 to vector<16xi32>
    %mul3A_632 = arith.muli %gather3A_625, %mul3A_631 : vector<16xi32>
    %add3A_633 = arith.addi %mul3A_632, %gather3A_629 : vector<16xi32>
    %swap3A_634 = arith.constant 31 : i32
    %swap3A_635 = arith.index_cast %swap3A_634 : i32 to index
    %swap3A_636 = arith.constant 0 : index
    %swap3A_637 = tpu.vector_load %arg6[%swap3A_635, %swap3A_636] {strides = array<i32>} : memref<32x16xi32, #tpu.memory_space<vmem>>, vector<16xi32>,
    tpu.vector_store %arg6[%swap3A_635, %swap3A_636], %add3A_633 {strides = array<i32>} : memref<32x16xi32, #tpu.memory_space<vmem>>, vector<16xi32>,
    %broadcast_in_dim3A = arith.constant 0xFF800000 : f32
    %broadcast_in_dim3A_638 = vector.broadcast %broadcast_in_dim3A : f32 to vector<16xf32>
    %broadcast_in_dim3A_639 = arith.constant 0 : i32
    %broadcast_in_dim3A_640 = vector.broadcast %broadcast_in_dim3A_639 : i32 to vector<16xi32>
    %scan3A = arith.constant 0 : i32
    %scan3A_641 = arith.constant 0 : i32
    %scan3A_642 = arith.constant 8 : i32
    %scan3A_643 = arith.addi %scan3A_641, %scan3A_642 : i32
    %scan3A_644 = arith.constant 1 : i32
    scf.for %scan3A_648 = %scan3A_641 to %scan3A_643 step %scan3A_644  : i32 {
      %mul3A_649 = arith.constant 4 : i32
      %mul3A_650 = arith.muli %scan3A_648, %mul3A_649 : i32
      %add3A_651 = arith.constant 0 : i32
      %add3A_652 = arith.addi %mul3A_650, %add3A_651 : i32
      %dma_wait3A = arith.constant 0 : i32
      %dma_wait3A_653 = tpu.memref_slice %arg6[%add3A_652, %dma_wait3A] : memref<32x16xi32, #tpu.memory_space<vmem>> -> memref<1x16xi32, #tpu.memory_space<vmem>>
      %dma_wait3A_654 = tpu.memref_squeeze %dma_wait3A_653 : memref<1x16xi32, #tpu.memory_space<vmem>> -> memref<16xi32, #tpu.memory_space<vmem>>
      %dma_wait3A_655 = arith.constant 0 : i32
      %dma_wait3A_656 = arith.constant 0 : i32
      %dma_wait3A_657 = tpu.memref_slice %arg3[%dma_wait3A_655, %dma_wait3A_656] : memref<16384x1024xf32, #tpu.memory_space<hbm>> -> memref<16384x1024xf32, #tpu.memory_space<hbm>>
      tpu.wait_indirect_dma semaphore(%arg14 : memref<!tpu.dma_semaphore, #tpu.memory_space<semaphore_mem>>) src(%dma_wait3A_657 : memref<16384x1024xf32, #tpu.memory_space<hbm>>) dst(%arg7 : memref<16x1024xf32, #tpu.memory_space<vmem>>)
      %parallel_loop3A = arith.constant 0 : i32
      %parallel_loop3A_658 = arith.constant 64 : i32
      %parallel_loop3A_659 = arith.constant 1 : i32
      %parallel_loop3A_660:17 = scf.for %parallel_loop3A_1945 = %parallel_loop3A to %parallel_loop3A_658 step %parallel_loop3A_659 iter_args(%parallel_loop3A_1946 = %broadcast_in_dim3A_638, %parallel_loop3A_1947 = %broadcast_in_dim3A_640, %parallel_loop3A_1948 = %broadcast_in_dim3A_638, %parallel_loop3A_1949 = %broadcast_in_dim3A_640, %parallel_loop3A_1950 = %broadcast_in_dim3A_638, %parallel_loop3A_1951 = %broadcast_in_dim3A_640, %parallel_loop3A_1952 = %broadcast_in_dim3A_638, %parallel_loop3A_1953 = %broadcast_in_dim3A_640, %parallel_loop3A_1954 = %broadcast_in_dim3A_638, %parallel_loop3A_1955 = %broadcast_in_dim3A_640, %parallel_loop3A_1956 = %broadcast_in_dim3A_638, %parallel_loop3A_1957 = %broadcast_in_dim3A_640, %parallel_loop3A_1958 = %broadcast_in_dim3A_638, %parallel_loop3A_1959 = %broadcast_in_dim3A_640, %parallel_loop3A_1960 = %broadcast_in_dim3A_638, %parallel_loop3A_1961 = %broadcast_in_dim3A_640, %parallel_loop3A_1962 = %iota3A) -> (vector<16xf32>, vector<16xi32>, vector<16xf32>, vector<16xi32>, vector<16xf32>, vector<16xi32>, vector<16xf32>, vector<16xi32>, vector<16xf32>, vector<16xi32>, vector<16xf32>, vector<16xi32>, vector<16xf32>, vector<16xi32>, vector<16xf32>, vector<16xi32>, vector<16xi32>)  : i32 {
        %parallel_loop3A_1963 = arith.constant 16 : i32
        %parallel_loop3A_1964 = arith.muli %parallel_loop3A_1945, %parallel_loop3A_1963 : i32
        %parallel_loop3A_1965 = arith.constant 0 : i32
        %parallel_loop3A_1966 = arith.index_cast %parallel_loop3A_1965 : i32 to index
        %parallel_loop3A_1967 = arith.index_cast %parallel_loop3A_1964 : i32 to index
        %parallel_loop3A_1968 = tpu.vector_load %arg7[%parallel_loop3A_1966, %parallel_loop3A_1967] {strides = array<i32>} : memref<16x1024xf32, #tpu.memory_space<vmem>>, vector<16xf32>,
        %parallel_loop3A_1969 = arith.cmpf ogt, %parallel_loop3A_1968, %parallel_loop3A_1946 : vector<16xf32>
        %parallel_loop3A_1970 = arith.select %parallel_loop3A_1969, %parallel_loop3A_1968, %parallel_loop3A_1946 : vector<16xi1>, vector<16xf32>
        %parallel_loop3A_1971 = arith.select %parallel_loop3A_1969, %parallel_loop3A_1962, %parallel_loop3A_1947 : vector<16xi1>, vector<16xi32>
        %parallel_loop3A_1972 = arith.constant 1 : i32
        %parallel_loop3A_1973 = arith.index_cast %parallel_loop3A_1972 : i32 to index
        %parallel_loop3A_1974 = arith.index_cast %parallel_loop3A_1964 : i32 to index
        %parallel_loop3A_1975 = tpu.vector_load %arg7[%parallel_loop3A_1973, %parallel_loop3A_1974] {strides = array<i32>} : memref<16x1024xf32, #tpu.memory_space<vmem>>, vector<16xf32>,
        %parallel_loop3A_1976 = arith.cmpf ogt, %parallel_loop3A_1975, %parallel_loop3A_1948 : vector<16xf32>
        %parallel_loop3A_1977 = arith.select %parallel_loop3A_1976, %parallel_loop3A_1975, %parallel_loop3A_1948 : vector<16xi1>, vector<16xf32>
        %parallel_loop3A_1978 = arith.select %parallel_loop3A_1976, %parallel_loop3A_1962, %parallel_loop3A_1949 : vector<16xi1>, vector<16xi32>
        %parallel_loop3A_1979 = arith.constant 2 : i32
        %parallel_loop3A_1980 = arith.index_cast %parallel_loop3A_1979 : i32 to index
        %parallel_loop3A_1981 = arith.index_cast %parallel_loop3A_1964 : i32 to index
        %parallel_loop3A_1982 = tpu.vector_load %arg7[%parallel_loop3A_1980, %parallel_loop3A_1981] {strides = array<i32>} : memref<16x1024xf32, #tpu.memory_space<vmem>>, vector<16xf32>,
        %parallel_loop3A_1983 = arith.cmpf ogt, %parallel_loop3A_1982, %parallel_loop3A_1950 : vector<16xf32>
        %parallel_loop3A_1984 = arith.select %parallel_loop3A_1983, %parallel_loop3A_1982, %parallel_loop3A_1950 : vector<16xi1>, vector<16xf32>
        %parallel_loop3A_1985 = arith.select %parallel_loop3A_1983, %parallel_loop3A_1962, %parallel_loop3A_1951 : vector<16xi1>, vector<16xi32>
        %parallel_loop3A_1986 = arith.constant 3 : i32
        %parallel_loop3A_1987 = arith.index_cast %parallel_loop3A_1986 : i32 to index
        %parallel_loop3A_1988 = arith.index_cast %parallel_loop3A_1964 : i32 to index
        %parallel_loop3A_1989 = tpu.vector_load %arg7[%parallel_loop3A_1987, %parallel_loop3A_1988] {strides = array<i32>} : memref<16x1024xf32, #tpu.memory_space<vmem>>, vector<16xf32>,
        %parallel_loop3A_1990 = arith.cmpf ogt, %parallel_loop3A_1989, %parallel_loop3A_1952 : vector<16xf32>
        %parallel_loop3A_1991 = arith.select %parallel_loop3A_1990, %parallel_loop3A_1989, %parallel_loop3A_1952 : vector<16xi1>, vector<16xf32>
        %parallel_loop3A_1992 = arith.select %parallel_loop3A_1990, %parallel_loop3A_1962, %parallel_loop3A_1953 : vector<16xi1>, vector<16xi32>
        %parallel_loop3A_1993 = arith.constant 4 : i32
        %parallel_loop3A_1994 = arith.index_cast %parallel_loop3A_1993 : i32 to index
        %parallel_loop3A_1995 = arith.index_cast %parallel_loop3A_1964 : i32 to index
        %parallel_loop3A_1996 = tpu.vector_load %arg7[%parallel_loop3A_1994, %parallel_loop3A_1995] {strides = array<i32>} : memref<16x1024xf32, #tpu.memory_space<vmem>>, vector<16xf32>,
        %parallel_loop3A_1997 = arith.cmpf ogt, %parallel_loop3A_1996, %parallel_loop3A_1954 : vector<16xf32>
        %parallel_loop3A_1998 = arith.select %parallel_loop3A_1997, %parallel_loop3A_1996, %parallel_loop3A_1954 : vector<16xi1>, vector<16xf32>
        %parallel_loop3A_1999 = arith.select %parallel_loop3A_1997, %parallel_loop3A_1962, %parallel_loop3A_1955 : vector<16xi1>, vector<16xi32>
        %parallel_loop3A_2000 = arith.constant 5 : i32
        %parallel_loop3A_2001 = arith.index_cast %parallel_loop3A_2000 : i32 to index
        %parallel_loop3A_2002 = arith.index_cast %parallel_loop3A_1964 : i32 to index
        %parallel_loop3A_2003 = tpu.vector_load %arg7[%parallel_loop3A_2001, %parallel_loop3A_2002] {strides = array<i32>} : memref<16x1024xf32, #tpu.memory_space<vmem>>, vector<16xf32>,
        %parallel_loop3A_2004 = arith.cmpf ogt, %parallel_loop3A_2003, %parallel_loop3A_1956 : vector<16xf32>
        %parallel_loop3A_2005 = arith.select %parallel_loop3A_2004, %parallel_loop3A_2003, %parallel_loop3A_1956 : vector<16xi1>, vector<16xf32>
        %parallel_loop3A_2006 = arith.select %parallel_loop3A_2004, %parallel_loop3A_1962, %parallel_loop3A_1957 : vector<16xi1>, vector<16xi32>
        %parallel_loop3A_2007 = arith.constant 6 : i32
        %parallel_loop3A_2008 = arith.index_cast %parallel_loop3A_2007 : i32 to index
        %parallel_loop3A_2009 = arith.index_cast %parallel_loop3A_1964 : i32 to index
        %parallel_loop3A_2010 = tpu.vector_load %arg7[%parallel_loop3A_2008, %parallel_loop3A_2009] {strides = array<i32>} : memref<16x1024xf32, #tpu.memory_space<vmem>>, vector<16xf32>,
        %parallel_loop3A_2011 = arith.cmpf ogt, %parallel_loop3A_2010, %parallel_loop3A_1958 : vector<16xf32>
        %parallel_loop3A_2012 = arith.select %parallel_loop3A_2011, %parallel_loop3A_2010, %parallel_loop3A_1958 : vector<16xi1>, vector<16xf32>
        %parallel_loop3A_2013 = arith.select %parallel_loop3A_2011, %parallel_loop3A_1962, %parallel_loop3A_1959 : vector<16xi1>, vector<16xi32>
        %parallel_loop3A_2014 = arith.constant 7 : i32
        %parallel_loop3A_2015 = arith.index_cast %parallel_loop3A_2014 : i32 to index
        %parallel_loop3A_2016 = arith.index_cast %parallel_loop3A_1964 : i32 to index
        %parallel_loop3A_2017 = tpu.vector_load %arg7[%parallel_loop3A_2015, %parallel_loop3A_2016] {strides = array<i32>} : memref<16x1024xf32, #tpu.memory_space<vmem>>, vector<16xf32>,
        %parallel_loop3A_2018 = arith.cmpf ogt, %parallel_loop3A_2017, %parallel_loop3A_1960 : vector<16xf32>
        %parallel_loop3A_2019 = arith.select %parallel_loop3A_2018, %parallel_loop3A_2017, %parallel_loop3A_1960 : vector<16xi1>, vector<16xf32>
        %parallel_loop3A_2020 = arith.select %parallel_loop3A_2018, %parallel_loop3A_1962, %parallel_loop3A_1961 : vector<16xi1>, vector<16xi32>
        %parallel_loop3A_2021 = arith.constant 16 : i32
        %parallel_loop3A_2022 = vector.broadcast %parallel_loop3A_2021 : i32 to vector<16xi32>
        %parallel_loop3A_2023 = arith.addi %parallel_loop3A_1962, %parallel_loop3A_2022 : vector<16xi32>
        scf.yield %parallel_loop3A_1970, %parallel_loop3A_1971, %parallel_loop3A_1977, %parallel_loop3A_1978, %parallel_loop3A_1984, %parallel_loop3A_1985, %parallel_loop3A_1991, %parallel_loop3A_1992, %parallel_loop3A_1998, %parallel_loop3A_1999, %parallel_loop3A_2005, %parallel_loop3A_2006, %parallel_loop3A_2012, %parallel_loop3A_2013, %parallel_loop3A_2019, %parallel_loop3A_2020, %parallel_loop3A_2023 : vector<16xf32>, vector<16xi32>, vector<16xf32>, vector<16xi32>, vector<16xf32>, vector<16xi32>, vector<16xf32>, vector<16xi32>, vector<16xf32>, vector<16xi32>, vector<16xf32>, vector<16xi32>, vector<16xf32>, vector<16xi32>, vector<16xf32>, vector<16xi32>, vector<16xi32>
      } {sc.loop_unroll_factor = 2 : i64, sc.parallel_access}
      %swap3A_661 = arith.constant 0 : i32
      %swap3A_662 = arith.index_cast %swap3A_661 : i32 to index
      %swap3A_663 = arith.constant 0 : index
      %swap3A_664 = tpu.vector_load %arg11[%swap3A_662, %swap3A_663] {strides = array<i32>} : memref<16x17xf32, #tpu.memory_space<vmem>>, vector<16xf32>,
      tpu.vector_store %arg11[%swap3A_662, %swap3A_663], %parallel_loop3A_660#0 {strides = array<i32>} : memref<16x17xf32, #tpu.memory_space<vmem>>, vector<16xf32>,
      %swap3A_665 = arith.constant 0 : i32
      %swap3A_666 = arith.index_cast %swap3A_665 : i32 to index
      %swap3A_667 = arith.constant 0 : index
      %swap3A_668 = tpu.vector_load %arg12[%swap3A_666, %swap3A_667] {strides = array<i32>} : memref<16x17xi32, #tpu.memory_space<vmem>>, vector<16xi32>,
      tpu.vector_store %arg12[%swap3A_666, %swap3A_667], %parallel_loop3A_660#1 {strides = array<i32>} : memref<16x17xi32, #tpu.memory_space<vmem>>, vector<16xi32>,
      %swap3A_669 = arith.constant 1 : i32
      %swap3A_670 = arith.index_cast %swap3A_669 : i32 to index
      %swap3A_671 = arith.constant 0 : index
      %swap3A_672 = tpu.vector_load %arg11[%swap3A_670, %swap3A_671] {strides = array<i32>} : memref<16x17xf32, #tpu.memory_space<vmem>>, vector<16xf32>,
      tpu.vector_store %arg11[%swap3A_670, %swap3A_671], %parallel_loop3A_660#2 {strides = array<i32>} : memref<16x17xf32, #tpu.memory_space<vmem>>, vector<16xf32>,
      %swap3A_673 = arith.constant 1 : i32
      %swap3A_674 = arith.index_cast %swap3A_673 : i32 to index
      %swap3A_675 = arith.constant 0 : index
      %swap3A_676 = tpu.vector_load %arg12[%swap3A_674, %swap3A_675] {strides = array<i32>} : memref<16x17xi32, #tpu.memory_space<vmem>>, vector<16xi32>,
      tpu.vector_store %arg12[%swap3A_674, %swap3A_675], %parallel_loop3A_660#3 {strides = array<i32>} : memref<16x17xi32, #tpu.memory_space<vmem>>, vector<16xi32>,
      %swap3A_677 = arith.constant 2 : i32
      %swap3A_678 = arith.index_cast %swap3A_677 : i32 to index
      %swap3A_679 = arith.constant 0 : index
      %swap3A_680 = tpu.vector_load %arg11[%swap3A_678, %swap3A_679] {strides = array<i32>} : memref<16x17xf32, #tpu.memory_space<vmem>>, vector<16xf32>,
      tpu.vector_store %arg11[%swap3A_678, %swap3A_679], %parallel_loop3A_660#4 {strides = array<i32>} : memref<16x17xf32, #tpu.memory_space<vmem>>, vector<16xf32>,
      %swap3A_681 = arith.constant 2 : i32
      %swap3A_682 = arith.index_cast %swap3A_681 : i32 to index
      %swap3A_683 = arith.constant 0 : index
      %swap3A_684 = tpu.vector_load %arg12[%swap3A_682, %swap3A_683] {strides = array<i32>} : memref<16x17xi32, #tpu.memory_space<vmem>>, vector<16xi32>,
      tpu.vector_store %arg12[%swap3A_682, %swap3A_683], %parallel_loop3A_660#5 {strides = array<i32>} : memref<16x17xi32, #tpu.memory_space<vmem>>, vector<16xi32>,
      %swap3A_685 = arith.constant 3 : i32
      %swap3A_686 = arith.index_cast %swap3A_685 : i32 to index
      %swap3A_687 = arith.constant 0 : index
      %swap3A_688 = tpu.vector_load %arg11[%swap3A_686, %swap3A_687] {strides = array<i32>} : memref<16x17xf32, #tpu.memory_space<vmem>>, vector<16xf32>,
      tpu.vector_store %arg11[%swap3A_686, %swap3A_687], %parallel_loop3A_660#6 {strides = array<i32>} : memref<16x17xf32, #tpu.memory_space<vmem>>, vector<16xf32>,
      %swap3A_689 = arith.constant 3 : i32
      %swap3A_690 = arith.index_cast %swap3A_689 : i32 to index
      %swap3A_691 = arith.constant 0 : index
      %swap3A_692 = tpu.vector_load %arg12[%swap3A_690, %swap3A_691] {strides = array<i32>} : memref<16x17xi32, #tpu.memory_space<vmem>>, vector<16xi32>,
      tpu.vector_store %arg12[%swap3A_690, %swap3A_691], %parallel_loop3A_660#7 {strides = array<i32>} : memref<16x17xi32, #tpu.memory_space<vmem>>, vector<16xi32>,
      %swap3A_693 = arith.constant 4 : i32
      %swap3A_694 = arith.index_cast %swap3A_693 : i32 to index
      %swap3A_695 = arith.constant 0 : index
      %swap3A_696 = tpu.vector_load %arg11[%swap3A_694, %swap3A_695] {strides = array<i32>} : memref<16x17xf32, #tpu.memory_space<vmem>>, vector<16xf32>,
      tpu.vector_store %arg11[%swap3A_694, %swap3A_695], %parallel_loop3A_660#8 {strides = array<i32>} : memref<16x17xf32, #tpu.memory_space<vmem>>, vector<16xf32>,
      %swap3A_697 = arith.constant 4 : i32
      %swap3A_698 = arith.index_cast %swap3A_697 : i32 to index
      %swap3A_699 = arith.constant 0 : index
      %swap3A_700 = tpu.vector_load %arg12[%swap3A_698, %swap3A_699] {strides = array<i32>} : memref<16x17xi32, #tpu.memory_space<vmem>>, vector<16xi32>,
      tpu.vector_store %arg12[%swap3A_698, %swap3A_699], %parallel_loop3A_660#9 {strides = array<i32>} : memref<16x17xi32, #tpu.memory_space<vmem>>, vector<16xi32>,
      %swap3A_701 = arith.constant 5 : i32
      %swap3A_702 = arith.index_cast %swap3A_701 : i32 to index
      %swap3A_703 = arith.constant 0 : index
      %swap3A_704 = tpu.vector_load %arg11[%swap3A_702, %swap3A_703] {strides = array<i32>} : memref<16x17xf32, #tpu.memory_space<vmem>>, vector<16xf32>,
      tpu.vector_store %arg11[%swap3A_702, %swap3A_703], %parallel_loop3A_660#10 {strides = array<i32>} : memref<16x17xf32, #tpu.memory_space<vmem>>, vector<16xf32>,
      %swap3A_705 = arith.constant 5 : i32
      %swap3A_706 = arith.index_cast %swap3A_705 : i32 to index
      %swap3A_707 = arith.constant 0 : index
      %swap3A_708 = tpu.vector_load %arg12[%swap3A_706, %swap3A_707] {strides = array<i32>} : memref<16x17xi32, #tpu.memory_space<vmem>>, vector<16xi32>,
      tpu.vector_store %arg12[%swap3A_706, %swap3A_707], %parallel_loop3A_660#11 {strides = array<i32>} : memref<16x17xi32, #tpu.memory_space<vmem>>, vector<16xi32>,
      %swap3A_709 = arith.constant 6 : i32
      %swap3A_710 = arith.index_cast %swap3A_709 : i32 to index
      %swap3A_711 = arith.constant 0 : index
      %swap3A_712 = tpu.vector_load %arg11[%swap3A_710, %swap3A_711] {strides = array<i32>} : memref<16x17xf32, #tpu.memory_space<vmem>>, vector<16xf32>,
      tpu.vector_store %arg11[%swap3A_710, %swap3A_711], %parallel_loop3A_660#12 {strides = array<i32>} : memref<16x17xf32, #tpu.memory_space<vmem>>, vector<16xf32>,
      %swap3A_713 = arith.constant 6 : i32
      %swap3A_714 = arith.index_cast %swap3A_713 : i32 to index
      %swap3A_715 = arith.constant 0 : index
      %swap3A_716 = tpu.vector_load %arg12[%swap3A_714, %swap3A_715] {strides = array<i32>} : memref<16x17xi32, #tpu.memory_space<vmem>>, vector<16xi32>,
      tpu.vector_store %arg12[%swap3A_714, %swap3A_715], %parallel_loop3A_660#13 {strides = array<i32>} : memref<16x17xi32, #tpu.memory_space<vmem>>, vector<16xi32>,
      %swap3A_717 = arith.constant 7 : i32
      %swap3A_718 = arith.index_cast %swap3A_717 : i32 to index
      %swap3A_719 = arith.constant 0 : index
      %swap3A_720 = tpu.vector_load %arg11[%swap3A_718, %swap3A_719] {strides = array<i32>} : memref<16x17xf32, #tpu.memory_space<vmem>>, vector<16xf32>,
      tpu.vector_store %arg11[%swap3A_718, %swap3A_719], %parallel_loop3A_660#14 {strides = array<i32>} : memref<16x17xf32, #tpu.memory_space<vmem>>, vector<16xf32>,
      %swap3A_721 = arith.constant 7 : i32
      %swap3A_722 = arith.index_cast %swap3A_721 : i32 to index
      %swap3A_723 = arith.constant 0 : index
      %swap3A_724 = tpu.vector_load %arg12[%swap3A_722, %swap3A_723] {strides = array<i32>} : memref<16x17xi32, #tpu.memory_space<vmem>>, vector<16xi32>,
      tpu.vector_store %arg12[%swap3A_722, %swap3A_723], %parallel_loop3A_660#15 {strides = array<i32>} : memref<16x17xi32, #tpu.memory_space<vmem>>, vector<16xi32>,
      %parallel_loop3A_725 = arith.constant 0 : i32
      %parallel_loop3A_726 = arith.constant 64 : i32
      %parallel_loop3A_727 = arith.constant 1 : i32
      %parallel_loop3A_728:17 = scf.for %parallel_loop3A_1945 = %parallel_loop3A_725 to %parallel_loop3A_726 step %parallel_loop3A_727 iter_args(%parallel_loop3A_1946 = %broadcast_in_dim3A_638, %parallel_loop3A_1947 = %broadcast_in_dim3A_640, %parallel_loop3A_1948 = %broadcast_in_dim3A_638, %parallel_loop3A_1949 = %broadcast_in_dim3A_640, %parallel_loop3A_1950 = %broadcast_in_dim3A_638, %parallel_loop3A_1951 = %broadcast_in_dim3A_640, %parallel_loop3A_1952 = %broadcast_in_dim3A_638, %parallel_loop3A_1953 = %broadcast_in_dim3A_640, %parallel_loop3A_1954 = %broadcast_in_dim3A_638, %parallel_loop3A_1955 = %broadcast_in_dim3A_640, %parallel_loop3A_1956 = %broadcast_in_dim3A_638, %parallel_loop3A_1957 = %broadcast_in_dim3A_640, %parallel_loop3A_1958 = %broadcast_in_dim3A_638, %parallel_loop3A_1959 = %broadcast_in_dim3A_640, %parallel_loop3A_1960 = %broadcast_in_dim3A_638, %parallel_loop3A_1961 = %broadcast_in_dim3A_640, %parallel_loop3A_1962 = %iota3A) -> (vector<16xf32>, vector<16xi32>, vector<16xf32>, vector<16xi32>, vector<16xf32>, vector<16xi32>, vector<16xf32>, vector<16xi32>, vector<16xf32>, vector<16xi32>, vector<16xf32>, vector<16xi32>, vector<16xf32>, vector<16xi32>, vector<16xf32>, vector<16xi32>, vector<16xi32>)  : i32 {
        %parallel_loop3A_1963 = arith.constant 16 : i32
        %parallel_loop3A_1964 = arith.muli %parallel_loop3A_1945, %parallel_loop3A_1963 : i32
        %parallel_loop3A_1965 = arith.constant 8 : i32
        %parallel_loop3A_1966 = arith.index_cast %parallel_loop3A_1965 : i32 to index
        %parallel_loop3A_1967 = arith.index_cast %parallel_loop3A_1964 : i32 to index
        %parallel_loop3A_1968 = tpu.vector_load %arg7[%parallel_loop3A_1966, %parallel_loop3A_1967] {strides = array<i32>} : memref<16x1024xf32, #tpu.memory_space<vmem>>, vector<16xf32>,
        %parallel_loop3A_1969 = arith.cmpf ogt, %parallel_loop3A_1968, %parallel_loop3A_1946 : vector<16xf32>
        %parallel_loop3A_1970 = arith.select %parallel_loop3A_1969, %parallel_loop3A_1968, %parallel_loop3A_1946 : vector<16xi1>, vector<16xf32>
        %parallel_loop3A_1971 = arith.select %parallel_loop3A_1969, %parallel_loop3A_1962, %parallel_loop3A_1947 : vector<16xi1>, vector<16xi32>
        %parallel_loop3A_1972 = arith.constant 9 : i32
        %parallel_loop3A_1973 = arith.index_cast %parallel_loop3A_1972 : i32 to index
        %parallel_loop3A_1974 = arith.index_cast %parallel_loop3A_1964 : i32 to index
        %parallel_loop3A_1975 = tpu.vector_load %arg7[%parallel_loop3A_1973, %parallel_loop3A_1974] {strides = array<i32>} : memref<16x1024xf32, #tpu.memory_space<vmem>>, vector<16xf32>,
        %parallel_loop3A_1976 = arith.cmpf ogt, %parallel_loop3A_1975, %parallel_loop3A_1948 : vector<16xf32>
        %parallel_loop3A_1977 = arith.select %parallel_loop3A_1976, %parallel_loop3A_1975, %parallel_loop3A_1948 : vector<16xi1>, vector<16xf32>
        %parallel_loop3A_1978 = arith.select %parallel_loop3A_1976, %parallel_loop3A_1962, %parallel_loop3A_1949 : vector<16xi1>, vector<16xi32>
        %parallel_loop3A_1979 = arith.constant 10 : i32
        %parallel_loop3A_1980 = arith.index_cast %parallel_loop3A_1979 : i32 to index
        %parallel_loop3A_1981 = arith.index_cast %parallel_loop3A_1964 : i32 to index
        %parallel_loop3A_1982 = tpu.vector_load %arg7[%parallel_loop3A_1980, %parallel_loop3A_1981] {strides = array<i32>} : memref<16x1024xf32, #tpu.memory_space<vmem>>, vector<16xf32>,
        %parallel_loop3A_1983 = arith.cmpf ogt, %parallel_loop3A_1982, %parallel_loop3A_1950 : vector<16xf32>
        %parallel_loop3A_1984 = arith.select %parallel_loop3A_1983, %parallel_loop3A_1982, %parallel_loop3A_1950 : vector<16xi1>, vector<16xf32>
        %parallel_loop3A_1985 = arith.select %parallel_loop3A_1983, %parallel_loop3A_1962, %parallel_loop3A_1951 : vector<16xi1>, vector<16xi32>
        %parallel_loop3A_1986 = arith.constant 11 : i32
        %parallel_loop3A_1987 = arith.index_cast %parallel_loop3A_1986 : i32 to index
        %parallel_loop3A_1988 = arith.index_cast %parallel_loop3A_1964 : i32 to index
        %parallel_loop3A_1989 = tpu.vector_load %arg7[%parallel_loop3A_1987, %parallel_loop3A_1988] {strides = array<i32>} : memref<16x1024xf32, #tpu.memory_space<vmem>>, vector<16xf32>,
        %parallel_loop3A_1990 = arith.cmpf ogt, %parallel_loop3A_1989, %parallel_loop3A_1952 : vector<16xf32>
        %parallel_loop3A_1991 = arith.select %parallel_loop3A_1990, %parallel_loop3A_1989, %parallel_loop3A_1952 : vector<16xi1>, vector<16xf32>
        %parallel_loop3A_1992 = arith.select %parallel_loop3A_1990, %parallel_loop3A_1962, %parallel_loop3A_1953 : vector<16xi1>, vector<16xi32>
        %parallel_loop3A_1993 = arith.constant 12 : i32
        %parallel_loop3A_1994 = arith.index_cast %parallel_loop3A_1993 : i32 to index
        %parallel_loop3A_1995 = arith.index_cast %parallel_loop3A_1964 : i32 to index
        %parallel_loop3A_1996 = tpu.vector_load %arg7[%parallel_loop3A_1994, %parallel_loop3A_1995] {strides = array<i32>} : memref<16x1024xf32, #tpu.memory_space<vmem>>, vector<16xf32>,
        %parallel_loop3A_1997 = arith.cmpf ogt, %parallel_loop3A_1996, %parallel_loop3A_1954 : vector<16xf32>
        %parallel_loop3A_1998 = arith.select %parallel_loop3A_1997, %parallel_loop3A_1996, %parallel_loop3A_1954 : vector<16xi1>, vector<16xf32>
        %parallel_loop3A_1999 = arith.select %parallel_loop3A_1997, %parallel_loop3A_1962, %parallel_loop3A_1955 : vector<16xi1>, vector<16xi32>
        %parallel_loop3A_2000 = arith.constant 13 : i32
        %parallel_loop3A_2001 = arith.index_cast %parallel_loop3A_2000 : i32 to index
        %parallel_loop3A_2002 = arith.index_cast %parallel_loop3A_1964 : i32 to index
        %parallel_loop3A_2003 = tpu.vector_load %arg7[%parallel_loop3A_2001, %parallel_loop3A_2002] {strides = array<i32>} : memref<16x1024xf32, #tpu.memory_space<vmem>>, vector<16xf32>,
        %parallel_loop3A_2004 = arith.cmpf ogt, %parallel_loop3A_2003, %parallel_loop3A_1956 : vector<16xf32>
        %parallel_loop3A_2005 = arith.select %parallel_loop3A_2004, %parallel_loop3A_2003, %parallel_loop3A_1956 : vector<16xi1>, vector<16xf32>
        %parallel_loop3A_2006 = arith.select %parallel_loop3A_2004, %parallel_loop3A_1962, %parallel_loop3A_1957 : vector<16xi1>, vector<16xi32>
        %parallel_loop3A_2007 = arith.constant 14 : i32
        %parallel_loop3A_2008 = arith.index_cast %parallel_loop3A_2007 : i32 to index
        %parallel_loop3A_2009 = arith.index_cast %parallel_loop3A_1964 : i32 to index
        %parallel_loop3A_2010 = tpu.vector_load %arg7[%parallel_loop3A_2008, %parallel_loop3A_2009] {strides = array<i32>} : memref<16x1024xf32, #tpu.memory_space<vmem>>, vector<16xf32>,
        %parallel_loop3A_2011 = arith.cmpf ogt, %parallel_loop3A_2010, %parallel_loop3A_1958 : vector<16xf32>
        %parallel_loop3A_2012 = arith.select %parallel_loop3A_2011, %parallel_loop3A_2010, %parallel_loop3A_1958 : vector<16xi1>, vector<16xf32>
        %parallel_loop3A_2013 = arith.select %parallel_loop3A_2011, %parallel_loop3A_1962, %parallel_loop3A_1959 : vector<16xi1>, vector<16xi32>
        %parallel_loop3A_2014 = arith.constant 15 : i32
        %parallel_loop3A_2015 = arith.index_cast %parallel_loop3A_2014 : i32 to index
        %parallel_loop3A_2016 = arith.index_cast %parallel_loop3A_1964 : i32 to index
        %parallel_loop3A_2017 = tpu.vector_load %arg7[%parallel_loop3A_2015, %parallel_loop3A_2016] {strides = array<i32>} : memref<16x1024xf32, #tpu.memory_space<vmem>>, vector<16xf32>,
        %parallel_loop3A_2018 = arith.cmpf ogt, %parallel_loop3A_2017, %parallel_loop3A_1960 : vector<16xf32>
        %parallel_loop3A_2019 = arith.select %parallel_loop3A_2018, %parallel_loop3A_2017, %parallel_loop3A_1960 : vector<16xi1>, vector<16xf32>
        %parallel_loop3A_2020 = arith.select %parallel_loop3A_2018, %parallel_loop3A_1962, %parallel_loop3A_1961 : vector<16xi1>, vector<16xi32>
        %parallel_loop3A_2021 = arith.constant 16 : i32
        %parallel_loop3A_2022 = vector.broadcast %parallel_loop3A_2021 : i32 to vector<16xi32>
        %parallel_loop3A_2023 = arith.addi %parallel_loop3A_1962, %parallel_loop3A_2022 : vector<16xi32>
        scf.yield %parallel_loop3A_1970, %parallel_loop3A_1971, %parallel_loop3A_1977, %parallel_loop3A_1978, %parallel_loop3A_1984, %parallel_loop3A_1985, %parallel_loop3A_1991, %parallel_loop3A_1992, %parallel_loop3A_1998, %parallel_loop3A_1999, %parallel_loop3A_2005, %parallel_loop3A_2006, %parallel_loop3A_2012, %parallel_loop3A_2013, %parallel_loop3A_2019, %parallel_loop3A_2020, %parallel_loop3A_2023 : vector<16xf32>, vector<16xi32>, vector<16xf32>, vector<16xi32>, vector<16xf32>, vector<16xi32>, vector<16xf32>, vector<16xi32>, vector<16xf32>, vector<16xi32>, vector<16xf32>, vector<16xi32>, vector<16xf32>, vector<16xi32>, vector<16xf32>, vector<16xi32>, vector<16xi32>
      } {sc.loop_unroll_factor = 2 : i64, sc.parallel_access}
      %swap3A_729 = arith.constant 8 : i32
      %swap3A_730 = arith.index_cast %swap3A_729 : i32 to index
      %swap3A_731 = arith.constant 0 : index
      %swap3A_732 = tpu.vector_load %arg11[%swap3A_730, %swap3A_731] {strides = array<i32>} : memref<16x17xf32, #tpu.memory_space<vmem>>, vector<16xf32>,
      tpu.vector_store %arg11[%swap3A_730, %swap3A_731], %parallel_loop3A_728#0 {strides = array<i32>} : memref<16x17xf32, #tpu.memory_space<vmem>>, vector<16xf32>,
      %swap3A_733 = arith.constant 8 : i32
      %swap3A_734 = arith.index_cast %swap3A_733 : i32 to index
      %swap3A_735 = arith.constant 0 : index
      %swap3A_736 = tpu.vector_load %arg12[%swap3A_734, %swap3A_735] {strides = array<i32>} : memref<16x17xi32, #tpu.memory_space<vmem>>, vector<16xi32>,
      tpu.vector_store %arg12[%swap3A_734, %swap3A_735], %parallel_loop3A_728#1 {strides = array<i32>} : memref<16x17xi32, #tpu.memory_space<vmem>>, vector<16xi32>,
      %swap3A_737 = arith.constant 9 : i32
      %swap3A_738 = arith.index_cast %swap3A_737 : i32 to index
      %swap3A_739 = arith.constant 0 : index
      %swap3A_740 = tpu.vector_load %arg11[%swap3A_738, %swap3A_739] {strides = array<i32>} : memref<16x17xf32, #tpu.memory_space<vmem>>, vector<16xf32>,
      tpu.vector_store %arg11[%swap3A_738, %swap3A_739], %parallel_loop3A_728#2 {strides = array<i32>} : memref<16x17xf32, #tpu.memory_space<vmem>>, vector<16xf32>,
      %swap3A_741 = arith.constant 9 : i32
      %swap3A_742 = arith.index_cast %swap3A_741 : i32 to index
      %swap3A_743 = arith.constant 0 : index
      %swap3A_744 = tpu.vector_load %arg12[%swap3A_742, %swap3A_743] {strides = array<i32>} : memref<16x17xi32, #tpu.memory_space<vmem>>, vector<16xi32>,
      tpu.vector_store %arg12[%swap3A_742, %swap3A_743], %parallel_loop3A_728#3 {strides = array<i32>} : memref<16x17xi32, #tpu.memory_space<vmem>>, vector<16xi32>,
      %swap3A_745 = arith.constant 10 : i32
      %swap3A_746 = arith.index_cast %swap3A_745 : i32 to index
      %swap3A_747 = arith.constant 0 : index
      %swap3A_748 = tpu.vector_load %arg11[%swap3A_746, %swap3A_747] {strides = array<i32>} : memref<16x17xf32, #tpu.memory_space<vmem>>, vector<16xf32>,
      tpu.vector_store %arg11[%swap3A_746, %swap3A_747], %parallel_loop3A_728#4 {strides = array<i32>} : memref<16x17xf32, #tpu.memory_space<vmem>>, vector<16xf32>,
      %swap3A_749 = arith.constant 10 : i32
      %swap3A_750 = arith.index_cast %swap3A_749 : i32 to index
      %swap3A_751 = arith.constant 0 : index
      %swap3A_752 = tpu.vector_load %arg12[%swap3A_750, %swap3A_751] {strides = array<i32>} : memref<16x17xi32, #tpu.memory_space<vmem>>, vector<16xi32>,
      tpu.vector_store %arg12[%swap3A_750, %swap3A_751], %parallel_loop3A_728#5 {strides = array<i32>} : memref<16x17xi32, #tpu.memory_space<vmem>>, vector<16xi32>,
      %swap3A_753 = arith.constant 11 : i32
      %swap3A_754 = arith.index_cast %swap3A_753 : i32 to index
      %swap3A_755 = arith.constant 0 : index
      %swap3A_756 = tpu.vector_load %arg11[%swap3A_754, %swap3A_755] {strides = array<i32>} : memref<16x17xf32, #tpu.memory_space<vmem>>, vector<16xf32>,
      tpu.vector_store %arg11[%swap3A_754, %swap3A_755], %parallel_loop3A_728#6 {strides = array<i32>} : memref<16x17xf32, #tpu.memory_space<vmem>>, vector<16xf32>,
      %swap3A_757 = arith.constant 11 : i32
      %swap3A_758 = arith.index_cast %swap3A_757 : i32 to index
      %swap3A_759 = arith.constant 0 : index
      %swap3A_760 = tpu.vector_load %arg12[%swap3A_758, %swap3A_759] {strides = array<i32>} : memref<16x17xi32, #tpu.memory_space<vmem>>, vector<16xi32>,
      tpu.vector_store %arg12[%swap3A_758, %swap3A_759], %parallel_loop3A_728#7 {strides = array<i32>} : memref<16x17xi32, #tpu.memory_space<vmem>>, vector<16xi32>,
      %swap3A_761 = arith.constant 12 : i32
      %swap3A_762 = arith.index_cast %swap3A_761 : i32 to index
      %swap3A_763 = arith.constant 0 : index
      %swap3A_764 = tpu.vector_load %arg11[%swap3A_762, %swap3A_763] {strides = array<i32>} : memref<16x17xf32, #tpu.memory_space<vmem>>, vector<16xf32>,
      tpu.vector_store %arg11[%swap3A_762, %swap3A_763], %parallel_loop3A_728#8 {strides = array<i32>} : memref<16x17xf32, #tpu.memory_space<vmem>>, vector<16xf32>,
      %swap3A_765 = arith.constant 12 : i32
      %swap3A_766 = arith.index_cast %swap3A_765 : i32 to index
      %swap3A_767 = arith.constant 0 : index
      %swap3A_768 = tpu.vector_load %arg12[%swap3A_766, %swap3A_767] {strides = array<i32>} : memref<16x17xi32, #tpu.memory_space<vmem>>, vector<16xi32>,
      tpu.vector_store %arg12[%swap3A_766, %swap3A_767], %parallel_loop3A_728#9 {strides = array<i32>} : memref<16x17xi32, #tpu.memory_space<vmem>>, vector<16xi32>,
      %swap3A_769 = arith.constant 13 : i32
      %swap3A_770 = arith.index_cast %swap3A_769 : i32 to index
      %swap3A_771 = arith.constant 0 : index
      %swap3A_772 = tpu.vector_load %arg11[%swap3A_770, %swap3A_771] {strides = array<i32>} : memref<16x17xf32, #tpu.memory_space<vmem>>, vector<16xf32>,
      tpu.vector_store %arg11[%swap3A_770, %swap3A_771], %parallel_loop3A_728#10 {strides = array<i32>} : memref<16x17xf32, #tpu.memory_space<vmem>>, vector<16xf32>,
      %swap3A_773 = arith.constant 13 : i32
      %swap3A_774 = arith.index_cast %swap3A_773 : i32 to index
      %swap3A_775 = arith.constant 0 : index
      %swap3A_776 = tpu.vector_load %arg12[%swap3A_774, %swap3A_775] {strides = array<i32>} : memref<16x17xi32, #tpu.memory_space<vmem>>, vector<16xi32>,
      tpu.vector_store %arg12[%swap3A_774, %swap3A_775], %parallel_loop3A_728#11 {strides = array<i32>} : memref<16x17xi32, #tpu.memory_space<vmem>>, vector<16xi32>,
      %swap3A_777 = arith.constant 14 : i32
      %swap3A_778 = arith.index_cast %swap3A_777 : i32 to index
      %swap3A_779 = arith.constant 0 : index
      %swap3A_780 = tpu.vector_load %arg11[%swap3A_778, %swap3A_779] {strides = array<i32>} : memref<16x17xf32, #tpu.memory_space<vmem>>, vector<16xf32>,
      tpu.vector_store %arg11[%swap3A_778, %swap3A_779], %parallel_loop3A_728#12 {strides = array<i32>} : memref<16x17xf32, #tpu.memory_space<vmem>>, vector<16xf32>,
      %swap3A_781 = arith.constant 14 : i32
      %swap3A_782 = arith.index_cast %swap3A_781 : i32 to index
      %swap3A_783 = arith.constant 0 : index
      %swap3A_784 = tpu.vector_load %arg12[%swap3A_782, %swap3A_783] {strides = array<i32>} : memref<16x17xi32, #tpu.memory_space<vmem>>, vector<16xi32>,
      tpu.vector_store %arg12[%swap3A_782, %swap3A_783], %parallel_loop3A_728#13 {strides = array<i32>} : memref<16x17xi32, #tpu.memory_space<vmem>>, vector<16xi32>,
      %swap3A_785 = arith.constant 15 : i32
      %swap3A_786 = arith.index_cast %swap3A_785 : i32 to index
      %swap3A_787 = arith.constant 0 : index
      %swap3A_788 = tpu.vector_load %arg11[%swap3A_786, %swap3A_787] {strides = array<i32>} : memref<16x17xf32, #tpu.memory_space<vmem>>, vector<16xf32>,
      tpu.vector_store %arg11[%swap3A_786, %swap3A_787], %parallel_loop3A_728#14 {strides = array<i32>} : memref<16x17xf32, #tpu.memory_space<vmem>>, vector<16xf32>,
      %swap3A_789 = arith.constant 15 : i32
      %swap3A_790 = arith.index_cast %swap3A_789 : i32 to index
      %swap3A_791 = arith.constant 0 : index
      %swap3A_792 = tpu.vector_load %arg12[%swap3A_790, %swap3A_791] {strides = array<i32>} : memref<16x17xi32, #tpu.memory_space<vmem>>, vector<16xi32>,
      tpu.vector_store %arg12[%swap3A_790, %swap3A_791], %parallel_loop3A_728#15 {strides = array<i32>} : memref<16x17xi32, #tpu.memory_space<vmem>>, vector<16xi32>,
      %broadcast_in_dim3A_793 = arith.constant 0 : i32
      %broadcast_in_dim3A_794 = vector.broadcast %broadcast_in_dim3A_793 : i32 to vector<16xi32>
      %gather3A_795 = tpu.vector_load_idx %arg11[%iota3A, %broadcast_in_dim3A_794] : memref<16x17xf32, #tpu.memory_space<vmem>>[vector<16xi32>, vector<16xi32>], vector<16xf32>,
      %gather3A_796 = tpu.vector_load_idx %arg12[%iota3A, %broadcast_in_dim3A_794] : memref<16x17xi32, #tpu.memory_space<vmem>>[vector<16xi32>, vector<16xi32>], vector<16xi32>,
      %broadcast_in_dim3A_797 = arith.constant 1 : i32
      %broadcast_in_dim3A_798 = vector.broadcast %broadcast_in_dim3A_797 : i32 to vector<16xi32>
      %gather3A_799 = tpu.vector_load_idx %arg11[%iota3A, %broadcast_in_dim3A_798] : memref<16x17xf32, #tpu.memory_space<vmem>>[vector<16xi32>, vector<16xi32>], vector<16xf32>,
      %gather3A_800 = tpu.vector_load_idx %arg12[%iota3A, %broadcast_in_dim3A_798] : memref<16x17xi32, #tpu.memory_space<vmem>>[vector<16xi32>, vector<16xi32>], vector<16xi32>,
      %broadcast_in_dim3A_801 = arith.constant 2 : i32
      %broadcast_in_dim3A_802 = vector.broadcast %broadcast_in_dim3A_801 : i32 to vector<16xi32>
      %gather3A_803 = tpu.vector_load_idx %arg11[%iota3A, %broadcast_in_dim3A_802] : memref<16x17xf32, #tpu.memory_space<vmem>>[vector<16xi32>, vector<16xi32>], vector<16xf32>,
      %gather3A_804 = tpu.vector_load_idx %arg12[%iota3A, %broadcast_in_dim3A_802] : memref<16x17xi32, #tpu.memory_space<vmem>>[vector<16xi32>, vector<16xi32>], vector<16xi32>,
      %broadcast_in_dim3A_805 = arith.constant 3 : i32
      %broadcast_in_dim3A_806 = vector.broadcast %broadcast_in_dim3A_805 : i32 to vector<16xi32>
      %gather3A_807 = tpu.vector_load_idx %arg11[%iota3A, %broadcast_in_dim3A_806] : memref<16x17xf32, #tpu.memory_space<vmem>>[vector<16xi32>, vector<16xi32>], vector<16xf32>,
      %gather3A_808 = tpu.vector_load_idx %arg12[%iota3A, %broadcast_in_dim3A_806] : memref<16x17xi32, #tpu.memory_space<vmem>>[vector<16xi32>, vector<16xi32>], vector<16xi32>,
      %broadcast_in_dim3A_809 = arith.constant 4 : i32
      %broadcast_in_dim3A_810 = vector.broadcast %broadcast_in_dim3A_809 : i32 to vector<16xi32>
      %gather3A_811 = tpu.vector_load_idx %arg11[%iota3A, %broadcast_in_dim3A_810] : memref<16x17xf32, #tpu.memory_space<vmem>>[vector<16xi32>, vector<16xi32>], vector<16xf32>,
      %gather3A_812 = tpu.vector_load_idx %arg12[%iota3A, %broadcast_in_dim3A_810] : memref<16x17xi32, #tpu.memory_space<vmem>>[vector<16xi32>, vector<16xi32>], vector<16xi32>,
      %broadcast_in_dim3A_813 = arith.constant 5 : i32
      %broadcast_in_dim3A_814 = vector.broadcast %broadcast_in_dim3A_813 : i32 to vector<16xi32>
      %gather3A_815 = tpu.vector_load_idx %arg11[%iota3A, %broadcast_in_dim3A_814] : memref<16x17xf32, #tpu.memory_space<vmem>>[vector<16xi32>, vector<16xi32>], vector<16xf32>,
      %gather3A_816 = tpu.vector_load_idx %arg12[%iota3A, %broadcast_in_dim3A_814] : memref<16x17xi32, #tpu.memory_space<vmem>>[vector<16xi32>, vector<16xi32>], vector<16xi32>,
      %broadcast_in_dim3A_817 = arith.constant 6 : i32
      %broadcast_in_dim3A_818 = vector.broadcast %broadcast_in_dim3A_817 : i32 to vector<16xi32>
      %gather3A_819 = tpu.vector_load_idx %arg11[%iota3A, %broadcast_in_dim3A_818] : memref<16x17xf32, #tpu.memory_space<vmem>>[vector<16xi32>, vector<16xi32>], vector<16xf32>,
      %gather3A_820 = tpu.vector_load_idx %arg12[%iota3A, %broadcast_in_dim3A_818] : memref<16x17xi32, #tpu.memory_space<vmem>>[vector<16xi32>, vector<16xi32>], vector<16xi32>,
      %broadcast_in_dim3A_821 = arith.constant 7 : i32
      %broadcast_in_dim3A_822 = vector.broadcast %broadcast_in_dim3A_821 : i32 to vector<16xi32>
      %gather3A_823 = tpu.vector_load_idx %arg11[%iota3A, %broadcast_in_dim3A_822] : memref<16x17xf32, #tpu.memory_space<vmem>>[vector<16xi32>, vector<16xi32>], vector<16xf32>,
      %gather3A_824 = tpu.vector_load_idx %arg12[%iota3A, %broadcast_in_dim3A_822] : memref<16x17xi32, #tpu.memory_space<vmem>>[vector<16xi32>, vector<16xi32>], vector<16xi32>,
      %broadcast_in_dim3A_825 = arith.constant 8 : i32
      %broadcast_in_dim3A_826 = vector.broadcast %broadcast_in_dim3A_825 : i32 to vector<16xi32>
      %gather3A_827 = tpu.vector_load_idx %arg11[%iota3A, %broadcast_in_dim3A_826] : memref<16x17xf32, #tpu.memory_space<vmem>>[vector<16xi32>, vector<16xi32>], vector<16xf32>,
      %gather3A_828 = tpu.vector_load_idx %arg12[%iota3A, %broadcast_in_dim3A_826] : memref<16x17xi32, #tpu.memory_space<vmem>>[vector<16xi32>, vector<16xi32>], vector<16xi32>,
      %broadcast_in_dim3A_829 = arith.constant 9 : i32
      %broadcast_in_dim3A_830 = vector.broadcast %broadcast_in_dim3A_829 : i32 to vector<16xi32>
      %gather3A_831 = tpu.vector_load_idx %arg11[%iota3A, %broadcast_in_dim3A_830] : memref<16x17xf32, #tpu.memory_space<vmem>>[vector<16xi32>, vector<16xi32>], vector<16xf32>,
      %gather3A_832 = tpu.vector_load_idx %arg12[%iota3A, %broadcast_in_dim3A_830] : memref<16x17xi32, #tpu.memory_space<vmem>>[vector<16xi32>, vector<16xi32>], vector<16xi32>,
      %broadcast_in_dim3A_833 = arith.constant 10 : i32
      %broadcast_in_dim3A_834 = vector.broadcast %broadcast_in_dim3A_833 : i32 to vector<16xi32>
      %gather3A_835 = tpu.vector_load_idx %arg11[%iota3A, %broadcast_in_dim3A_834] : memref<16x17xf32, #tpu.memory_space<vmem>>[vector<16xi32>, vector<16xi32>], vector<16xf32>,
      %gather3A_836 = tpu.vector_load_idx %arg12[%iota3A, %broadcast_in_dim3A_834] : memref<16x17xi32, #tpu.memory_space<vmem>>[vector<16xi32>, vector<16xi32>], vector<16xi32>,
      %broadcast_in_dim3A_837 = arith.constant 11 : i32
      %broadcast_in_dim3A_838 = vector.broadcast %broadcast_in_dim3A_837 : i32 to vector<16xi32>
      %gather3A_839 = tpu.vector_load_idx %arg11[%iota3A, %broadcast_in_dim3A_838] : memref<16x17xf32, #tpu.memory_space<vmem>>[vector<16xi32>, vector<16xi32>], vector<16xf32>,
      %gather3A_840 = tpu.vector_load_idx %arg12[%iota3A, %broadcast_in_dim3A_838] : memref<16x17xi32, #tpu.memory_space<vmem>>[vector<16xi32>, vector<16xi32>], vector<16xi32>,
      %broadcast_in_dim3A_841 = arith.constant 12 : i32
      %broadcast_in_dim3A_842 = vector.broadcast %broadcast_in_dim3A_841 : i32 to vector<16xi32>
      %gather3A_843 = tpu.vector_load_idx %arg11[%iota3A, %broadcast_in_dim3A_842] : memref<16x17xf32, #tpu.memory_space<vmem>>[vector<16xi32>, vector<16xi32>], vector<16xf32>,
      %gather3A_844 = tpu.vector_load_idx %arg12[%iota3A, %broadcast_in_dim3A_842] : memref<16x17xi32, #tpu.memory_space<vmem>>[vector<16xi32>, vector<16xi32>], vector<16xi32>,
      %broadcast_in_dim3A_845 = arith.constant 13 : i32
      %broadcast_in_dim3A_846 = vector.broadcast %broadcast_in_dim3A_845 : i32 to vector<16xi32>
      %gather3A_847 = tpu.vector_load_idx %arg11[%iota3A, %broadcast_in_dim3A_846] : memref<16x17xf32, #tpu.memory_space<vmem>>[vector<16xi32>, vector<16xi32>], vector<16xf32>,
      %gather3A_848 = tpu.vector_load_idx %arg12[%iota3A, %broadcast_in_dim3A_846] : memref<16x17xi32, #tpu.memory_space<vmem>>[vector<16xi32>, vector<16xi32>], vector<16xi32>,
      %broadcast_in_dim3A_849 = arith.constant 14 : i32
      %broadcast_in_dim3A_850 = vector.broadcast %broadcast_in_dim3A_849 : i32 to vector<16xi32>
      %gather3A_851 = tpu.vector_load_idx %arg11[%iota3A, %broadcast_in_dim3A_850] : memref<16x17xf32, #tpu.memory_space<vmem>>[vector<16xi32>, vector<16xi32>], vector<16xf32>,
      %gather3A_852 = tpu.vector_load_idx %arg12[%iota3A, %broadcast_in_dim3A_850] : memref<16x17xi32, #tpu.memory_space<vmem>>[vector<16xi32>, vector<16xi32>], vector<16xi32>,
      %broadcast_in_dim3A_853 = arith.constant 15 : i32
      %broadcast_in_dim3A_854 = vector.broadcast %broadcast_in_dim3A_853 : i32 to vector<16xi32>
      %gather3A_855 = tpu.vector_load_idx %arg11[%iota3A, %broadcast_in_dim3A_854] : memref<16x17xf32, #tpu.memory_space<vmem>>[vector<16xi32>, vector<16xi32>], vector<16xf32>,
      %gather3A_856 = tpu.vector_load_idx %arg12[%iota3A, %broadcast_in_dim3A_854] : memref<16x17xi32, #tpu.memory_space<vmem>>[vector<16xi32>, vector<16xi32>], vector<16xi32>,
      %gt3A = arith.cmpf ogt, %gather3A_799, %gather3A_795 : vector<16xf32>
      %eq3A = arith.cmpf oeq, %gather3A_799, %gather3A_795 : vector<16xf32>
      %lt3A = arith.cmpi slt, %gather3A_800, %gather3A_796 : vector<16xi32>
      %and3A = arith.andi %eq3A, %lt3A : vector<16xi1>
      %or3A = arith.ori %gt3A, %and3A : vector<16xi1>
      %select_n3A = arith.select %or3A, %gather3A_799, %gather3A_795 : vector<16xi1>, vector<16xf32>
      %select_n3A_857 = arith.select %or3A, %gather3A_800, %gather3A_796 : vector<16xi1>, vector<16xi32>
      %gt3A_858 = arith.cmpf ogt, %gather3A_807, %gather3A_803 : vector<16xf32>
      %eq3A_859 = arith.cmpf oeq, %gather3A_807, %gather3A_803 : vector<16xf32>
      %lt3A_860 = arith.cmpi slt, %gather3A_808, %gather3A_804 : vector<16xi32>
      %and3A_861 = arith.andi %eq3A_859, %lt3A_860 : vector<16xi1>
      %or3A_862 = arith.ori %gt3A_858, %and3A_861 : vector<16xi1>
      %select_n3A_863 = arith.select %or3A_862, %gather3A_807, %gather3A_803 : vector<16xi1>, vector<16xf32>
      %select_n3A_864 = arith.select %or3A_862, %gather3A_808, %gather3A_804 : vector<16xi1>, vector<16xi32>
      %gt3A_865 = arith.cmpf ogt, %gather3A_815, %gather3A_811 : vector<16xf32>
      %eq3A_866 = arith.cmpf oeq, %gather3A_815, %gather3A_811 : vector<16xf32>
      %lt3A_867 = arith.cmpi slt, %gather3A_816, %gather3A_812 : vector<16xi32>
      %and3A_868 = arith.andi %eq3A_866, %lt3A_867 : vector<16xi1>
      %or3A_869 = arith.ori %gt3A_865, %and3A_868 : vector<16xi1>
      %select_n3A_870 = arith.select %or3A_869, %gather3A_815, %gather3A_811 : vector<16xi1>, vector<16xf32>
      %select_n3A_871 = arith.select %or3A_869, %gather3A_816, %gather3A_812 : vector<16xi1>, vector<16xi32>
      %gt3A_872 = arith.cmpf ogt, %gather3A_823, %gather3A_819 : vector<16xf32>
      %eq3A_873 = arith.cmpf oeq, %gather3A_823, %gather3A_819 : vector<16xf32>
      %lt3A_874 = arith.cmpi slt, %gather3A_824, %gather3A_820 : vector<16xi32>
      %and3A_875 = arith.andi %eq3A_873, %lt3A_874 : vector<16xi1>
      %or3A_876 = arith.ori %gt3A_872, %and3A_875 : vector<16xi1>
      %select_n3A_877 = arith.select %or3A_876, %gather3A_823, %gather3A_819 : vector<16xi1>, vector<16xf32>
      %select_n3A_878 = arith.select %or3A_876, %gather3A_824, %gather3A_820 : vector<16xi1>, vector<16xi32>
      %gt3A_879 = arith.cmpf ogt, %gather3A_831, %gather3A_827 : vector<16xf32>
      %eq3A_880 = arith.cmpf oeq, %gather3A_831, %gather3A_827 : vector<16xf32>
      %lt3A_881 = arith.cmpi slt, %gather3A_832, %gather3A_828 : vector<16xi32>
      %and3A_882 = arith.andi %eq3A_880, %lt3A_881 : vector<16xi1>
      %or3A_883 = arith.ori %gt3A_879, %and3A_882 : vector<16xi1>
      %select_n3A_884 = arith.select %or3A_883, %gather3A_831, %gather3A_827 : vector<16xi1>, vector<16xf32>
      %select_n3A_885 = arith.select %or3A_883, %gather3A_832, %gather3A_828 : vector<16xi1>, vector<16xi32>
      %gt3A_886 = arith.cmpf ogt, %gather3A_839, %gather3A_835 : vector<16xf32>
      %eq3A_887 = arith.cmpf oeq, %gather3A_839, %gather3A_835 : vector<16xf32>
      %lt3A_888 = arith.cmpi slt, %gather3A_840, %gather3A_836 : vector<16xi32>
      %and3A_889 = arith.andi %eq3A_887, %lt3A_888 : vector<16xi1>
      %or3A_890 = arith.ori %gt3A_886, %and3A_889 : vector<16xi1>
      %select_n3A_891 = arith.select %or3A_890, %gather3A_839, %gather3A_835 : vector<16xi1>, vector<16xf32>
      %select_n3A_892 = arith.select %or3A_890, %gather3A_840, %gather3A_836 : vector<16xi1>, vector<16xi32>
      %gt3A_893 = arith.cmpf ogt, %gather3A_847, %gather3A_843 : vector<16xf32>
      %eq3A_894 = arith.cmpf oeq, %gather3A_847, %gather3A_843 : vector<16xf32>
      %lt3A_895 = arith.cmpi slt, %gather3A_848, %gather3A_844 : vector<16xi32>
      %and3A_896 = arith.andi %eq3A_894, %lt3A_895 : vector<16xi1>
      %or3A_897 = arith.ori %gt3A_893, %and3A_896 : vector<16xi1>
      %select_n3A_898 = arith.select %or3A_897, %gather3A_847, %gather3A_843 : vector<16xi1>, vector<16xf32>
      %select_n3A_899 = arith.select %or3A_897, %gather3A_848, %gather3A_844 : vector<16xi1>, vector<16xi32>
      %gt3A_900 = arith.cmpf ogt, %gather3A_855, %gather3A_851 : vector<16xf32>
      %eq3A_901 = arith.cmpf oeq, %gather3A_855, %gather3A_851 : vector<16xf32>
      %lt3A_902 = arith.cmpi slt, %gather3A_856, %gather3A_852 : vector<16xi32>
      %and3A_903 = arith.andi %eq3A_901, %lt3A_902 : vector<16xi1>
      %or3A_904 = arith.ori %gt3A_900, %and3A_903 : vector<16xi1>
      %select_n3A_905 = arith.select %or3A_904, %gather3A_855, %gather3A_851 : vector<16xi1>, vector<16xf32>
      %select_n3A_906 = arith.select %or3A_904, %gather3A_856, %gather3A_852 : vector<16xi1>, vector<16xi32>
      %gt3A_907 = arith.cmpf ogt, %select_n3A_863, %select_n3A : vector<16xf32>
      %eq3A_908 = arith.cmpf oeq, %select_n3A_863, %select_n3A : vector<16xf32>
      %lt3A_909 = arith.cmpi slt, %select_n3A_864, %select_n3A_857 : vector<16xi32>
      %and3A_910 = arith.andi %eq3A_908, %lt3A_909 : vector<16xi1>
      %or3A_911 = arith.ori %gt3A_907, %and3A_910 : vector<16xi1>
      %select_n3A_912 = arith.select %or3A_911, %select_n3A_863, %select_n3A : vector<16xi1>, vector<16xf32>
      %select_n3A_913 = arith.select %or3A_911, %select_n3A_864, %select_n3A_857 : vector<16xi1>, vector<16xi32>
      %gt3A_914 = arith.cmpf ogt, %select_n3A_877, %select_n3A_870 : vector<16xf32>
      %eq3A_915 = arith.cmpf oeq, %select_n3A_877, %select_n3A_870 : vector<16xf32>
      %lt3A_916 = arith.cmpi slt, %select_n3A_878, %select_n3A_871 : vector<16xi32>
      %and3A_917 = arith.andi %eq3A_915, %lt3A_916 : vector<16xi1>
      %or3A_918 = arith.ori %gt3A_914, %and3A_917 : vector<16xi1>
      %select_n3A_919 = arith.select %or3A_918, %select_n3A_877, %select_n3A_870 : vector<16xi1>, vector<16xf32>
      %select_n3A_920 = arith.select %or3A_918, %select_n3A_878, %select_n3A_871 : vector<16xi1>, vector<16xi32>
      %gt3A_921 = arith.cmpf ogt, %select_n3A_891, %select_n3A_884 : vector<16xf32>
      %eq3A_922 = arith.cmpf oeq, %select_n3A_891, %select_n3A_884 : vector<16xf32>
      %lt3A_923 = arith.cmpi slt, %select_n3A_892, %select_n3A_885 : vector<16xi32>
      %and3A_924 = arith.andi %eq3A_922, %lt3A_923 : vector<16xi1>
      %or3A_925 = arith.ori %gt3A_921, %and3A_924 : vector<16xi1>
      %select_n3A_926 = arith.select %or3A_925, %select_n3A_891, %select_n3A_884 : vector<16xi1>, vector<16xf32>
      %select_n3A_927 = arith.select %or3A_925, %select_n3A_892, %select_n3A_885 : vector<16xi1>, vector<16xi32>
      %gt3A_928 = arith.cmpf ogt, %select_n3A_905, %select_n3A_898 : vector<16xf32>
      %eq3A_929 = arith.cmpf oeq, %select_n3A_905, %select_n3A_898 : vector<16xf32>
      %lt3A_930 = arith.cmpi slt, %select_n3A_906, %select_n3A_899 : vector<16xi32>
      %and3A_931 = arith.andi %eq3A_929, %lt3A_930 : vector<16xi1>
      %or3A_932 = arith.ori %gt3A_928, %and3A_931 : vector<16xi1>
      %select_n3A_933 = arith.select %or3A_932, %select_n3A_905, %select_n3A_898 : vector<16xi1>, vector<16xf32>
      %select_n3A_934 = arith.select %or3A_932, %select_n3A_906, %select_n3A_899 : vector<16xi1>, vector<16xi32>
      %gt3A_935 = arith.cmpf ogt, %select_n3A_919, %select_n3A_912 : vector<16xf32>
      %eq3A_936 = arith.cmpf oeq, %select_n3A_919, %select_n3A_912 : vector<16xf32>
      %lt3A_937 = arith.cmpi slt, %select_n3A_920, %select_n3A_913 : vector<16xi32>
      %and3A_938 = arith.andi %eq3A_936, %lt3A_937 : vector<16xi1>
      %or3A_939 = arith.ori %gt3A_935, %and3A_938 : vector<16xi1>
      %select_n3A_940 = arith.select %or3A_939, %select_n3A_919, %select_n3A_912 : vector<16xi1>, vector<16xf32>
      %select_n3A_941 = arith.select %or3A_939, %select_n3A_920, %select_n3A_913 : vector<16xi1>, vector<16xi32>
      %gt3A_942 = arith.cmpf ogt, %select_n3A_933, %select_n3A_926 : vector<16xf32>
      %eq3A_943 = arith.cmpf oeq, %select_n3A_933, %select_n3A_926 : vector<16xf32>
      %lt3A_944 = arith.cmpi slt, %select_n3A_934, %select_n3A_927 : vector<16xi32>
      %and3A_945 = arith.andi %eq3A_943, %lt3A_944 : vector<16xi1>
      %or3A_946 = arith.ori %gt3A_942, %and3A_945 : vector<16xi1>
      %select_n3A_947 = arith.select %or3A_946, %select_n3A_933, %select_n3A_926 : vector<16xi1>, vector<16xf32>
      %select_n3A_948 = arith.select %or3A_946, %select_n3A_934, %select_n3A_927 : vector<16xi1>, vector<16xi32>
      %gt3A_949 = arith.cmpf ogt, %select_n3A_947, %select_n3A_940 : vector<16xf32>
      %eq3A_950 = arith.cmpf oeq, %select_n3A_947, %select_n3A_940 : vector<16xf32>
      %lt3A_951 = arith.cmpi slt, %select_n3A_948, %select_n3A_941 : vector<16xi32>
      %and3A_952 = arith.andi %eq3A_950, %lt3A_951 : vector<16xi1>
      %or3A_953 = arith.ori %gt3A_949, %and3A_952 : vector<16xi1>
      %select_n3A_954 = arith.select %or3A_953, %select_n3A_947, %select_n3A_940 : vector<16xi1>, vector<16xf32>
      %select_n3A_955 = arith.select %or3A_953, %select_n3A_948, %select_n3A_941 : vector<16xi1>, vector<16xi32>
      %mul3A_956 = arith.constant 16 : i32
      %mul3A_957 = arith.muli %add3A_652, %mul3A_956 : i32
      %add3A_958 = vector.broadcast %mul3A_957 : i32 to vector<16xi32>
      %add3A_959 = arith.addi %add3A_958, %iota3A : vector<16xi32>
      tpu.vector_store_idx %arg13[%add3A_959], %select_n3A_955 : memref<512xi32, #tpu.memory_space<vmem>>[vector<16xi32>], vector<16xi32>,
      %add3A_960 = arith.constant 0 : i32
      %add3A_961 = arith.addi %mul3A_650, %add3A_960 : i32
      %add3A_962 = arith.constant 4 : i32
      %add3A_963 = arith.addi %add3A_961, %add3A_962 : i32
      %lt3A_964 = arith.constant 32 : i32
      %lt3A_965 = arith.cmpi slt, %add3A_963, %lt3A_964 : i32
      %convert_element_type3A = arith.extui %lt3A_965 : i1 to i32
      %cond3A = arith.constant 0 : i32
      %cond3A_966 = arith.cmpi ne, %convert_element_type3A, %cond3A : i32
      scf.if %cond3A_966 {
        %add3A_1945 = arith.constant 0 : i32
        %add3A_1946 = arith.addi %mul3A_650, %add3A_1945 : i32
        %add3A_1947 = arith.constant 4 : i32
        %add3A_1948 = arith.addi %add3A_1946, %add3A_1947 : i32
        %dma_start3A_1949 = arith.constant 0 : i32
        %dma_start3A_1950 = tpu.memref_slice %arg6[%add3A_1948, %dma_start3A_1949] : memref<32x16xi32, #tpu.memory_space<vmem>> -> memref<1x16xi32, #tpu.memory_space<vmem>>
        %dma_start3A_1951 = tpu.memref_squeeze %dma_start3A_1950 : memref<1x16xi32, #tpu.memory_space<vmem>> -> memref<16xi32, #tpu.memory_space<vmem>>
        %dma_start3A_1952 = arith.constant 0 : i32
        %dma_start3A_1953 = arith.constant 0 : i32
        %dma_start3A_1954 = tpu.memref_slice %arg3[%dma_start3A_1952, %dma_start3A_1953] : memref<16384x1024xf32, #tpu.memory_space<hbm>> -> memref<16384x1024xf32, #tpu.memory_space<hbm>>
        tpu.enqueue_indirect_dma source(%dma_start3A_1954 : memref<16384x1024xf32, #tpu.memory_space<hbm>>) target(%arg7 : memref<16x1024xf32, #tpu.memory_space<vmem>>) offsets(%dma_start3A_1951 : memref<16xi32, #tpu.memory_space<vmem>>) semaphore(%arg14 : memref<!tpu.dma_semaphore, #tpu.memory_space<semaphore_mem>>)
      } else {
      }
      %add3A_967 = arith.constant 1 : i32
      %add3A_968 = arith.addi %mul3A_650, %add3A_967 : i32
      %dma_wait3A_969 = arith.constant 0 : i32
      %dma_wait3A_970 = tpu.memref_slice %arg6[%add3A_968, %dma_wait3A_969] : memref<32x16xi32, #tpu.memory_space<vmem>> -> memref<1x16xi32, #tpu.memory_space<vmem>>
      %dma_wait3A_971 = tpu.memref_squeeze %dma_wait3A_970 : memref<1x16xi32, #tpu.memory_space<vmem>> -> memref<16xi32, #tpu.memory_space<vmem>>
      %dma_wait3A_972 = arith.constant 0 : i32
      %dma_wait3A_973 = arith.constant 0 : i32
      %dma_wait3A_974 = tpu.memref_slice %arg3[%dma_wait3A_972, %dma_wait3A_973] : memref<16384x1024xf32, #tpu.memory_space<hbm>> -> memref<16384x1024xf32, #tpu.memory_space<hbm>>
      tpu.wait_indirect_dma semaphore(%arg15 : memref<!tpu.dma_semaphore, #tpu.memory_space<semaphore_mem>>) src(%dma_wait3A_974 : memref<16384x1024xf32, #tpu.memory_space<hbm>>) dst(%arg8 : memref<16x1024xf32, #tpu.memory_space<vmem>>)
      %parallel_loop3A_975 = arith.constant 0 : i32
      %parallel_loop3A_976 = arith.constant 64 : i32
      %parallel_loop3A_977 = arith.constant 1 : i32
      %parallel_loop3A_978:17 = scf.for %parallel_loop3A_1945 = %parallel_loop3A_975 to %parallel_loop3A_976 step %parallel_loop3A_977 iter_args(%parallel_loop3A_1946 = %broadcast_in_dim3A_638, %parallel_loop3A_1947 = %broadcast_in_dim3A_640, %parallel_loop3A_1948 = %broadcast_in_dim3A_638, %parallel_loop3A_1949 = %broadcast_in_dim3A_640, %parallel_loop3A_1950 = %broadcast_in_dim3A_638, %parallel_loop3A_1951 = %broadcast_in_dim3A_640, %parallel_loop3A_1952 = %broadcast_in_dim3A_638, %parallel_loop3A_1953 = %broadcast_in_dim3A_640, %parallel_loop3A_1954 = %broadcast_in_dim3A_638, %parallel_loop3A_1955 = %broadcast_in_dim3A_640, %parallel_loop3A_1956 = %broadcast_in_dim3A_638, %parallel_loop3A_1957 = %broadcast_in_dim3A_640, %parallel_loop3A_1958 = %broadcast_in_dim3A_638, %parallel_loop3A_1959 = %broadcast_in_dim3A_640, %parallel_loop3A_1960 = %broadcast_in_dim3A_638, %parallel_loop3A_1961 = %broadcast_in_dim3A_640, %parallel_loop3A_1962 = %iota3A) -> (vector<16xf32>, vector<16xi32>, vector<16xf32>, vector<16xi32>, vector<16xf32>, vector<16xi32>, vector<16xf32>, vector<16xi32>, vector<16xf32>, vector<16xi32>, vector<16xf32>, vector<16xi32>, vector<16xf32>, vector<16xi32>, vector<16xf32>, vector<16xi32>, vector<16xi32>)  : i32 {
        %parallel_loop3A_1963 = arith.constant 16 : i32
        %parallel_loop3A_1964 = arith.muli %parallel_loop3A_1945, %parallel_loop3A_1963 : i32
        %parallel_loop3A_1965 = arith.constant 0 : i32
        %parallel_loop3A_1966 = arith.index_cast %parallel_loop3A_1965 : i32 to index
        %parallel_loop3A_1967 = arith.index_cast %parallel_loop3A_1964 : i32 to index
        %parallel_loop3A_1968 = tpu.vector_load %arg8[%parallel_loop3A_1966, %parallel_loop3A_1967] {strides = array<i32>} : memref<16x1024xf32, #tpu.memory_space<vmem>>, vector<16xf32>,
        %parallel_loop3A_1969 = arith.cmpf ogt, %parallel_loop3A_1968, %parallel_loop3A_1946 : vector<16xf32>
        %parallel_loop3A_1970 = arith.select %parallel_loop3A_1969, %parallel_loop3A_1968, %parallel_loop3A_1946 : vector<16xi1>, vector<16xf32>
        %parallel_loop3A_1971 = arith.select %parallel_loop3A_1969, %parallel_loop3A_1962, %parallel_loop3A_1947 : vector<16xi1>, vector<16xi32>
        %parallel_loop3A_1972 = arith.constant 1 : i32
        %parallel_loop3A_1973 = arith.index_cast %parallel_loop3A_1972 : i32 to index
        %parallel_loop3A_1974 = arith.index_cast %parallel_loop3A_1964 : i32 to index
        %parallel_loop3A_1975 = tpu.vector_load %arg8[%parallel_loop3A_1973, %parallel_loop3A_1974] {strides = array<i32>} : memref<16x1024xf32, #tpu.memory_space<vmem>>, vector<16xf32>,
        %parallel_loop3A_1976 = arith.cmpf ogt, %parallel_loop3A_1975, %parallel_loop3A_1948 : vector<16xf32>
        %parallel_loop3A_1977 = arith.select %parallel_loop3A_1976, %parallel_loop3A_1975, %parallel_loop3A_1948 : vector<16xi1>, vector<16xf32>
        %parallel_loop3A_1978 = arith.select %parallel_loop3A_1976, %parallel_loop3A_1962, %parallel_loop3A_1949 : vector<16xi1>, vector<16xi32>
        %parallel_loop3A_1979 = arith.constant 2 : i32
        %parallel_loop3A_1980 = arith.index_cast %parallel_loop3A_1979 : i32 to index
        %parallel_loop3A_1981 = arith.index_cast %parallel_loop3A_1964 : i32 to index
        %parallel_loop3A_1982 = tpu.vector_load %arg8[%parallel_loop3A_1980, %parallel_loop3A_1981] {strides = array<i32>} : memref<16x1024xf32, #tpu.memory_space<vmem>>, vector<16xf32>,
        %parallel_loop3A_1983 = arith.cmpf ogt, %parallel_loop3A_1982, %parallel_loop3A_1950 : vector<16xf32>
        %parallel_loop3A_1984 = arith.select %parallel_loop3A_1983, %parallel_loop3A_1982, %parallel_loop3A_1950 : vector<16xi1>, vector<16xf32>
        %parallel_loop3A_1985 = arith.select %parallel_loop3A_1983, %parallel_loop3A_1962, %parallel_loop3A_1951 : vector<16xi1>, vector<16xi32>
        %parallel_loop3A_1986 = arith.constant 3 : i32
        %parallel_loop3A_1987 = arith.index_cast %parallel_loop3A_1986 : i32 to index
        %parallel_loop3A_1988 = arith.index_cast %parallel_loop3A_1964 : i32 to index
        %parallel_loop3A_1989 = tpu.vector_load %arg8[%parallel_loop3A_1987, %parallel_loop3A_1988] {strides = array<i32>} : memref<16x1024xf32, #tpu.memory_space<vmem>>, vector<16xf32>,
        %parallel_loop3A_1990 = arith.cmpf ogt, %parallel_loop3A_1989, %parallel_loop3A_1952 : vector<16xf32>
        %parallel_loop3A_1991 = arith.select %parallel_loop3A_1990, %parallel_loop3A_1989, %parallel_loop3A_1952 : vector<16xi1>, vector<16xf32>
        %parallel_loop3A_1992 = arith.select %parallel_loop3A_1990, %parallel_loop3A_1962, %parallel_loop3A_1953 : vector<16xi1>, vector<16xi32>
        %parallel_loop3A_1993 = arith.constant 4 : i32
        %parallel_loop3A_1994 = arith.index_cast %parallel_loop3A_1993 : i32 to index
        %parallel_loop3A_1995 = arith.index_cast %parallel_loop3A_1964 : i32 to index
        %parallel_loop3A_1996 = tpu.vector_load %arg8[%parallel_loop3A_1994, %parallel_loop3A_1995] {strides = array<i32>} : memref<16x1024xf32, #tpu.memory_space<vmem>>, vector<16xf32>,
        %parallel_loop3A_1997 = arith.cmpf ogt, %parallel_loop3A_1996, %parallel_loop3A_1954 : vector<16xf32>
        %parallel_loop3A_1998 = arith.select %parallel_loop3A_1997, %parallel_loop3A_1996, %parallel_loop3A_1954 : vector<16xi1>, vector<16xf32>
        %parallel_loop3A_1999 = arith.select %parallel_loop3A_1997, %parallel_loop3A_1962, %parallel_loop3A_1955 : vector<16xi1>, vector<16xi32>
        %parallel_loop3A_2000 = arith.constant 5 : i32
        %parallel_loop3A_2001 = arith.index_cast %parallel_loop3A_2000 : i32 to index
        %parallel_loop3A_2002 = arith.index_cast %parallel_loop3A_1964 : i32 to index
        %parallel_loop3A_2003 = tpu.vector_load %arg8[%parallel_loop3A_2001, %parallel_loop3A_2002] {strides = array<i32>} : memref<16x1024xf32, #tpu.memory_space<vmem>>, vector<16xf32>,
        %parallel_loop3A_2004 = arith.cmpf ogt, %parallel_loop3A_2003, %parallel_loop3A_1956 : vector<16xf32>
        %parallel_loop3A_2005 = arith.select %parallel_loop3A_2004, %parallel_loop3A_2003, %parallel_loop3A_1956 : vector<16xi1>, vector<16xf32>
        %parallel_loop3A_2006 = arith.select %parallel_loop3A_2004, %parallel_loop3A_1962, %parallel_loop3A_1957 : vector<16xi1>, vector<16xi32>
        %parallel_loop3A_2007 = arith.constant 6 : i32
        %parallel_loop3A_2008 = arith.index_cast %parallel_loop3A_2007 : i32 to index
        %parallel_loop3A_2009 = arith.index_cast %parallel_loop3A_1964 : i32 to index
        %parallel_loop3A_2010 = tpu.vector_load %arg8[%parallel_loop3A_2008, %parallel_loop3A_2009] {strides = array<i32>} : memref<16x1024xf32, #tpu.memory_space<vmem>>, vector<16xf32>,
        %parallel_loop3A_2011 = arith.cmpf ogt, %parallel_loop3A_2010, %parallel_loop3A_1958 : vector<16xf32>
        %parallel_loop3A_2012 = arith.select %parallel_loop3A_2011, %parallel_loop3A_2010, %parallel_loop3A_1958 : vector<16xi1>, vector<16xf32>
        %parallel_loop3A_2013 = arith.select %parallel_loop3A_2011, %parallel_loop3A_1962, %parallel_loop3A_1959 : vector<16xi1>, vector<16xi32>
        %parallel_loop3A_2014 = arith.constant 7 : i32
        %parallel_loop3A_2015 = arith.index_cast %parallel_loop3A_2014 : i32 to index
        %parallel_loop3A_2016 = arith.index_cast %parallel_loop3A_1964 : i32 to index
        %parallel_loop3A_2017 = tpu.vector_load %arg8[%parallel_loop3A_2015, %parallel_loop3A_2016] {strides = array<i32>} : memref<16x1024xf32, #tpu.memory_space<vmem>>, vector<16xf32>,
        %parallel_loop3A_2018 = arith.cmpf ogt, %parallel_loop3A_2017, %parallel_loop3A_1960 : vector<16xf32>
        %parallel_loop3A_2019 = arith.select %parallel_loop3A_2018, %parallel_loop3A_2017, %parallel_loop3A_1960 : vector<16xi1>, vector<16xf32>
        %parallel_loop3A_2020 = arith.select %parallel_loop3A_2018, %parallel_loop3A_1962, %parallel_loop3A_1961 : vector<16xi1>, vector<16xi32>
        %parallel_loop3A_2021 = arith.constant 16 : i32
        %parallel_loop3A_2022 = vector.broadcast %parallel_loop3A_2021 : i32 to vector<16xi32>
        %parallel_loop3A_2023 = arith.addi %parallel_loop3A_1962, %parallel_loop3A_2022 : vector<16xi32>
        scf.yield %parallel_loop3A_1970, %parallel_loop3A_1971, %parallel_loop3A_1977, %parallel_loop3A_1978, %parallel_loop3A_1984, %parallel_loop3A_1985, %parallel_loop3A_1991, %parallel_loop3A_1992, %parallel_loop3A_1998, %parallel_loop3A_1999, %parallel_loop3A_2005, %parallel_loop3A_2006, %parallel_loop3A_2012, %parallel_loop3A_2013, %parallel_loop3A_2019, %parallel_loop3A_2020, %parallel_loop3A_2023 : vector<16xf32>, vector<16xi32>, vector<16xf32>, vector<16xi32>, vector<16xf32>, vector<16xi32>, vector<16xf32>, vector<16xi32>, vector<16xf32>, vector<16xi32>, vector<16xf32>, vector<16xi32>, vector<16xf32>, vector<16xi32>, vector<16xf32>, vector<16xi32>, vector<16xi32>
      } {sc.loop_unroll_factor = 2 : i64, sc.parallel_access}
      %swap3A_979 = arith.constant 0 : i32
      %swap3A_980 = arith.index_cast %swap3A_979 : i32 to index
      %swap3A_981 = arith.constant 0 : index
      %swap3A_982 = tpu.vector_load %arg11[%swap3A_980, %swap3A_981] {strides = array<i32>} : memref<16x17xf32, #tpu.memory_space<vmem>>, vector<16xf32>,
      tpu.vector_store %arg11[%swap3A_980, %swap3A_981], %parallel_loop3A_978#0 {strides = array<i32>} : memref<16x17xf32, #tpu.memory_space<vmem>>, vector<16xf32>,
      %swap3A_983 = arith.constant 0 : i32
      %swap3A_984 = arith.index_cast %swap3A_983 : i32 to index
      %swap3A_985 = arith.constant 0 : index
      %swap3A_986 = tpu.vector_load %arg12[%swap3A_984, %swap3A_985] {strides = array<i32>} : memref<16x17xi32, #tpu.memory_space<vmem>>, vector<16xi32>,
      tpu.vector_store %arg12[%swap3A_984, %swap3A_985], %parallel_loop3A_978#1 {strides = array<i32>} : memref<16x17xi32, #tpu.memory_space<vmem>>, vector<16xi32>,
      %swap3A_987 = arith.constant 1 : i32
      %swap3A_988 = arith.index_cast %swap3A_987 : i32 to index
      %swap3A_989 = arith.constant 0 : index
      %swap3A_990 = tpu.vector_load %arg11[%swap3A_988, %swap3A_989] {strides = array<i32>} : memref<16x17xf32, #tpu.memory_space<vmem>>, vector<16xf32>,
      tpu.vector_store %arg11[%swap3A_988, %swap3A_989], %parallel_loop3A_978#2 {strides = array<i32>} : memref<16x17xf32, #tpu.memory_space<vmem>>, vector<16xf32>,
      %swap3A_991 = arith.constant 1 : i32
      %swap3A_992 = arith.index_cast %swap3A_991 : i32 to index
      %swap3A_993 = arith.constant 0 : index
      %swap3A_994 = tpu.vector_load %arg12[%swap3A_992, %swap3A_993] {strides = array<i32>} : memref<16x17xi32, #tpu.memory_space<vmem>>, vector<16xi32>,
      tpu.vector_store %arg12[%swap3A_992, %swap3A_993], %parallel_loop3A_978#3 {strides = array<i32>} : memref<16x17xi32, #tpu.memory_space<vmem>>, vector<16xi32>,
      %swap3A_995 = arith.constant 2 : i32
      %swap3A_996 = arith.index_cast %swap3A_995 : i32 to index
      %swap3A_997 = arith.constant 0 : index
      %swap3A_998 = tpu.vector_load %arg11[%swap3A_996, %swap3A_997] {strides = array<i32>} : memref<16x17xf32, #tpu.memory_space<vmem>>, vector<16xf32>,
      tpu.vector_store %arg11[%swap3A_996, %swap3A_997], %parallel_loop3A_978#4 {strides = array<i32>} : memref<16x17xf32, #tpu.memory_space<vmem>>, vector<16xf32>,
      %swap3A_999 = arith.constant 2 : i32
      %swap3A_1000 = arith.index_cast %swap3A_999 : i32 to index
      %swap3A_1001 = arith.constant 0 : index
      %swap3A_1002 = tpu.vector_load %arg12[%swap3A_1000, %swap3A_1001] {strides = array<i32>} : memref<16x17xi32, #tpu.memory_space<vmem>>, vector<16xi32>,
      tpu.vector_store %arg12[%swap3A_1000, %swap3A_1001], %parallel_loop3A_978#5 {strides = array<i32>} : memref<16x17xi32, #tpu.memory_space<vmem>>, vector<16xi32>,
      %swap3A_1003 = arith.constant 3 : i32
      %swap3A_1004 = arith.index_cast %swap3A_1003 : i32 to index
      %swap3A_1005 = arith.constant 0 : index
      %swap3A_1006 = tpu.vector_load %arg11[%swap3A_1004, %swap3A_1005] {strides = array<i32>} : memref<16x17xf32, #tpu.memory_space<vmem>>, vector<16xf32>,
      tpu.vector_store %arg11[%swap3A_1004, %swap3A_1005], %parallel_loop3A_978#6 {strides = array<i32>} : memref<16x17xf32, #tpu.memory_space<vmem>>, vector<16xf32>,
      %swap3A_1007 = arith.constant 3 : i32
      %swap3A_1008 = arith.index_cast %swap3A_1007 : i32 to index
      %swap3A_1009 = arith.constant 0 : index
      %swap3A_1010 = tpu.vector_load %arg12[%swap3A_1008, %swap3A_1009] {strides = array<i32>} : memref<16x17xi32, #tpu.memory_space<vmem>>, vector<16xi32>,
      tpu.vector_store %arg12[%swap3A_1008, %swap3A_1009], %parallel_loop3A_978#7 {strides = array<i32>} : memref<16x17xi32, #tpu.memory_space<vmem>>, vector<16xi32>,
      %swap3A_1011 = arith.constant 4 : i32
      %swap3A_1012 = arith.index_cast %swap3A_1011 : i32 to index
      %swap3A_1013 = arith.constant 0 : index
      %swap3A_1014 = tpu.vector_load %arg11[%swap3A_1012, %swap3A_1013] {strides = array<i32>} : memref<16x17xf32, #tpu.memory_space<vmem>>, vector<16xf32>,
      tpu.vector_store %arg11[%swap3A_1012, %swap3A_1013], %parallel_loop3A_978#8 {strides = array<i32>} : memref<16x17xf32, #tpu.memory_space<vmem>>, vector<16xf32>,
      %swap3A_1015 = arith.constant 4 : i32
      %swap3A_1016 = arith.index_cast %swap3A_1015 : i32 to index
      %swap3A_1017 = arith.constant 0 : index
      %swap3A_1018 = tpu.vector_load %arg12[%swap3A_1016, %swap3A_1017] {strides = array<i32>} : memref<16x17xi32, #tpu.memory_space<vmem>>, vector<16xi32>,
      tpu.vector_store %arg12[%swap3A_1016, %swap3A_1017], %parallel_loop3A_978#9 {strides = array<i32>} : memref<16x17xi32, #tpu.memory_space<vmem>>, vector<16xi32>,
      %swap3A_1019 = arith.constant 5 : i32
      %swap3A_1020 = arith.index_cast %swap3A_1019 : i32 to index
      %swap3A_1021 = arith.constant 0 : index
      %swap3A_1022 = tpu.vector_load %arg11[%swap3A_1020, %swap3A_1021] {strides = array<i32>} : memref<16x17xf32, #tpu.memory_space<vmem>>, vector<16xf32>,
      tpu.vector_store %arg11[%swap3A_1020, %swap3A_1021], %parallel_loop3A_978#10 {strides = array<i32>} : memref<16x17xf32, #tpu.memory_space<vmem>>, vector<16xf32>,
      %swap3A_1023 = arith.constant 5 : i32
      %swap3A_1024 = arith.index_cast %swap3A_1023 : i32 to index
      %swap3A_1025 = arith.constant 0 : index
      %swap3A_1026 = tpu.vector_load %arg12[%swap3A_1024, %swap3A_1025] {strides = array<i32>} : memref<16x17xi32, #tpu.memory_space<vmem>>, vector<16xi32>,
      tpu.vector_store %arg12[%swap3A_1024, %swap3A_1025], %parallel_loop3A_978#11 {strides = array<i32>} : memref<16x17xi32, #tpu.memory_space<vmem>>, vector<16xi32>,
      %swap3A_1027 = arith.constant 6 : i32
      %swap3A_1028 = arith.index_cast %swap3A_1027 : i32 to index
      %swap3A_1029 = arith.constant 0 : index
      %swap3A_1030 = tpu.vector_load %arg11[%swap3A_1028, %swap3A_1029] {strides = array<i32>} : memref<16x17xf32, #tpu.memory_space<vmem>>, vector<16xf32>,
      tpu.vector_store %arg11[%swap3A_1028, %swap3A_1029], %parallel_loop3A_978#12 {strides = array<i32>} : memref<16x17xf32, #tpu.memory_space<vmem>>, vector<16xf32>,
      %swap3A_1031 = arith.constant 6 : i32
      %swap3A_1032 = arith.index_cast %swap3A_1031 : i32 to index
      %swap3A_1033 = arith.constant 0 : index
      %swap3A_1034 = tpu.vector_load %arg12[%swap3A_1032, %swap3A_1033] {strides = array<i32>} : memref<16x17xi32, #tpu.memory_space<vmem>>, vector<16xi32>,
      tpu.vector_store %arg12[%swap3A_1032, %swap3A_1033], %parallel_loop3A_978#13 {strides = array<i32>} : memref<16x17xi32, #tpu.memory_space<vmem>>, vector<16xi32>,
      %swap3A_1035 = arith.constant 7 : i32
      %swap3A_1036 = arith.index_cast %swap3A_1035 : i32 to index
      %swap3A_1037 = arith.constant 0 : index
      %swap3A_1038 = tpu.vector_load %arg11[%swap3A_1036, %swap3A_1037] {strides = array<i32>} : memref<16x17xf32, #tpu.memory_space<vmem>>, vector<16xf32>,
      tpu.vector_store %arg11[%swap3A_1036, %swap3A_1037], %parallel_loop3A_978#14 {strides = array<i32>} : memref<16x17xf32, #tpu.memory_space<vmem>>, vector<16xf32>,
      %swap3A_1039 = arith.constant 7 : i32
      %swap3A_1040 = arith.index_cast %swap3A_1039 : i32 to index
      %swap3A_1041 = arith.constant 0 : index
      %swap3A_1042 = tpu.vector_load %arg12[%swap3A_1040, %swap3A_1041] {strides = array<i32>} : memref<16x17xi32, #tpu.memory_space<vmem>>, vector<16xi32>,
      tpu.vector_store %arg12[%swap3A_1040, %swap3A_1041], %parallel_loop3A_978#15 {strides = array<i32>} : memref<16x17xi32, #tpu.memory_space<vmem>>, vector<16xi32>,
      %parallel_loop3A_1043 = arith.constant 0 : i32
      %parallel_loop3A_1044 = arith.constant 64 : i32
      %parallel_loop3A_1045 = arith.constant 1 : i32
      %parallel_loop3A_1046:17 = scf.for %parallel_loop3A_1945 = %parallel_loop3A_1043 to %parallel_loop3A_1044 step %parallel_loop3A_1045 iter_args(%parallel_loop3A_1946 = %broadcast_in_dim3A_638, %parallel_loop3A_1947 = %broadcast_in_dim3A_640, %parallel_loop3A_1948 = %broadcast_in_dim3A_638, %parallel_loop3A_1949 = %broadcast_in_dim3A_640, %parallel_loop3A_1950 = %broadcast_in_dim3A_638, %parallel_loop3A_1951 = %broadcast_in_dim3A_640, %parallel_loop3A_1952 = %broadcast_in_dim3A_638, %parallel_loop3A_1953 = %broadcast_in_dim3A_640, %parallel_loop3A_1954 = %broadcast_in_dim3A_638, %parallel_loop3A_1955 = %broadcast_in_dim3A_640, %parallel_loop3A_1956 = %broadcast_in_dim3A_638, %parallel_loop3A_1957 = %broadcast_in_dim3A_640, %parallel_loop3A_1958 = %broadcast_in_dim3A_638, %parallel_loop3A_1959 = %broadcast_in_dim3A_640, %parallel_loop3A_1960 = %broadcast_in_dim3A_638, %parallel_loop3A_1961 = %broadcast_in_dim3A_640, %parallel_loop3A_1962 = %iota3A) -> (vector<16xf32>, vector<16xi32>, vector<16xf32>, vector<16xi32>, vector<16xf32>, vector<16xi32>, vector<16xf32>, vector<16xi32>, vector<16xf32>, vector<16xi32>, vector<16xf32>, vector<16xi32>, vector<16xf32>, vector<16xi32>, vector<16xf32>, vector<16xi32>, vector<16xi32>)  : i32 {
        %parallel_loop3A_1963 = arith.constant 16 : i32
        %parallel_loop3A_1964 = arith.muli %parallel_loop3A_1945, %parallel_loop3A_1963 : i32
        %parallel_loop3A_1965 = arith.constant 8 : i32
        %parallel_loop3A_1966 = arith.index_cast %parallel_loop3A_1965 : i32 to index
        %parallel_loop3A_1967 = arith.index_cast %parallel_loop3A_1964 : i32 to index
        %parallel_loop3A_1968 = tpu.vector_load %arg8[%parallel_loop3A_1966, %parallel_loop3A_1967] {strides = array<i32>} : memref<16x1024xf32, #tpu.memory_space<vmem>>, vector<16xf32>,
        %parallel_loop3A_1969 = arith.cmpf ogt, %parallel_loop3A_1968, %parallel_loop3A_1946 : vector<16xf32>
        %parallel_loop3A_1970 = arith.select %parallel_loop3A_1969, %parallel_loop3A_1968, %parallel_loop3A_1946 : vector<16xi1>, vector<16xf32>
        %parallel_loop3A_1971 = arith.select %parallel_loop3A_1969, %parallel_loop3A_1962, %parallel_loop3A_1947 : vector<16xi1>, vector<16xi32>
        %parallel_loop3A_1972 = arith.constant 9 : i32
        %parallel_loop3A_1973 = arith.index_cast %parallel_loop3A_1972 : i32 to index
        %parallel_loop3A_1974 = arith.index_cast %parallel_loop3A_1964 : i32 to index
        %parallel_loop3A_1975 = tpu.vector_load %arg8[%parallel_loop3A_1973, %parallel_loop3A_1974] {strides = array<i32>} : memref<16x1024xf32, #tpu.memory_space<vmem>>, vector<16xf32>,
        %parallel_loop3A_1976 = arith.cmpf ogt, %parallel_loop3A_1975, %parallel_loop3A_1948 : vector<16xf32>
        %parallel_loop3A_1977 = arith.select %parallel_loop3A_1976, %parallel_loop3A_1975, %parallel_loop3A_1948 : vector<16xi1>, vector<16xf32>
        %parallel_loop3A_1978 = arith.select %parallel_loop3A_1976, %parallel_loop3A_1962, %parallel_loop3A_1949 : vector<16xi1>, vector<16xi32>
        %parallel_loop3A_1979 = arith.constant 10 : i32
        %parallel_loop3A_1980 = arith.index_cast %parallel_loop3A_1979 : i32 to index
        %parallel_loop3A_1981 = arith.index_cast %parallel_loop3A_1964 : i32 to index
        %parallel_loop3A_1982 = tpu.vector_load %arg8[%parallel_loop3A_1980, %parallel_loop3A_1981] {strides = array<i32>} : memref<16x1024xf32, #tpu.memory_space<vmem>>, vector<16xf32>,
        %parallel_loop3A_1983 = arith.cmpf ogt, %parallel_loop3A_1982, %parallel_loop3A_1950 : vector<16xf32>
        %parallel_loop3A_1984 = arith.select %parallel_loop3A_1983, %parallel_loop3A_1982, %parallel_loop3A_1950 : vector<16xi1>, vector<16xf32>
        %parallel_loop3A_1985 = arith.select %parallel_loop3A_1983, %parallel_loop3A_1962, %parallel_loop3A_1951 : vector<16xi1>, vector<16xi32>
        %parallel_loop3A_1986 = arith.constant 11 : i32
        %parallel_loop3A_1987 = arith.index_cast %parallel_loop3A_1986 : i32 to index
        %parallel_loop3A_1988 = arith.index_cast %parallel_loop3A_1964 : i32 to index
        %parallel_loop3A_1989 = tpu.vector_load %arg8[%parallel_loop3A_1987, %parallel_loop3A_1988] {strides = array<i32>} : memref<16x1024xf32, #tpu.memory_space<vmem>>, vector<16xf32>,
        %parallel_loop3A_1990 = arith.cmpf ogt, %parallel_loop3A_1989, %parallel_loop3A_1952 : vector<16xf32>
        %parallel_loop3A_1991 = arith.select %parallel_loop3A_1990, %parallel_loop3A_1989, %parallel_loop3A_1952 : vector<16xi1>, vector<16xf32>
        %parallel_loop3A_1992 = arith.select %parallel_loop3A_1990, %parallel_loop3A_1962, %parallel_loop3A_1953 : vector<16xi1>, vector<16xi32>
        %parallel_loop3A_1993 = arith.constant 12 : i32
        %parallel_loop3A_1994 = arith.index_cast %parallel_loop3A_1993 : i32 to index
        %parallel_loop3A_1995 = arith.index_cast %parallel_loop3A_1964 : i32 to index
        %parallel_loop3A_1996 = tpu.vector_load %arg8[%parallel_loop3A_1994, %parallel_loop3A_1995] {strides = array<i32>} : memref<16x1024xf32, #tpu.memory_space<vmem>>, vector<16xf32>,
        %parallel_loop3A_1997 = arith.cmpf ogt, %parallel_loop3A_1996, %parallel_loop3A_1954 : vector<16xf32>
        %parallel_loop3A_1998 = arith.select %parallel_loop3A_1997, %parallel_loop3A_1996, %parallel_loop3A_1954 : vector<16xi1>, vector<16xf32>
        %parallel_loop3A_1999 = arith.select %parallel_loop3A_1997, %parallel_loop3A_1962, %parallel_loop3A_1955 : vector<16xi1>, vector<16xi32>
        %parallel_loop3A_2000 = arith.constant 13 : i32
        %parallel_loop3A_2001 = arith.index_cast %parallel_loop3A_2000 : i32 to index
        %parallel_loop3A_2002 = arith.index_cast %parallel_loop3A_1964 : i32 to index
        %parallel_loop3A_2003 = tpu.vector_load %arg8[%parallel_loop3A_2001, %parallel_loop3A_2002] {strides = array<i32>} : memref<16x1024xf32, #tpu.memory_space<vmem>>, vector<16xf32>,
        %parallel_loop3A_2004 = arith.cmpf ogt, %parallel_loop3A_2003, %parallel_loop3A_1956 : vector<16xf32>
        %parallel_loop3A_2005 = arith.select %parallel_loop3A_2004, %parallel_loop3A_2003, %parallel_loop3A_1956 : vector<16xi1>, vector<16xf32>
        %parallel_loop3A_2006 = arith.select %parallel_loop3A_2004, %parallel_loop3A_1962, %parallel_loop3A_1957 : vector<16xi1>, vector<16xi32>
        %parallel_loop3A_2007 = arith.constant 14 : i32
        %parallel_loop3A_2008 = arith.index_cast %parallel_loop3A_2007 : i32 to index
        %parallel_loop3A_2009 = arith.index_cast %parallel_loop3A_1964 : i32 to index
        %parallel_loop3A_2010 = tpu.vector_load %arg8[%parallel_loop3A_2008, %parallel_loop3A_2009] {strides = array<i32>} : memref<16x1024xf32, #tpu.memory_space<vmem>>, vector<16xf32>,
        %parallel_loop3A_2011 = arith.cmpf ogt, %parallel_loop3A_2010, %parallel_loop3A_1958 : vector<16xf32>
        %parallel_loop3A_2012 = arith.select %parallel_loop3A_2011, %parallel_loop3A_2010, %parallel_loop3A_1958 : vector<16xi1>, vector<16xf32>
        %parallel_loop3A_2013 = arith.select %parallel_loop3A_2011, %parallel_loop3A_1962, %parallel_loop3A_1959 : vector<16xi1>, vector<16xi32>
        %parallel_loop3A_2014 = arith.constant 15 : i32
        %parallel_loop3A_2015 = arith.index_cast %parallel_loop3A_2014 : i32 to index
        %parallel_loop3A_2016 = arith.index_cast %parallel_loop3A_1964 : i32 to index
        %parallel_loop3A_2017 = tpu.vector_load %arg8[%parallel_loop3A_2015, %parallel_loop3A_2016] {strides = array<i32>} : memref<16x1024xf32, #tpu.memory_space<vmem>>, vector<16xf32>,
        %parallel_loop3A_2018 = arith.cmpf ogt, %parallel_loop3A_2017, %parallel_loop3A_1960 : vector<16xf32>
        %parallel_loop3A_2019 = arith.select %parallel_loop3A_2018, %parallel_loop3A_2017, %parallel_loop3A_1960 : vector<16xi1>, vector<16xf32>
        %parallel_loop3A_2020 = arith.select %parallel_loop3A_2018, %parallel_loop3A_1962, %parallel_loop3A_1961 : vector<16xi1>, vector<16xi32>
        %parallel_loop3A_2021 = arith.constant 16 : i32
        %parallel_loop3A_2022 = vector.broadcast %parallel_loop3A_2021 : i32 to vector<16xi32>
        %parallel_loop3A_2023 = arith.addi %parallel_loop3A_1962, %parallel_loop3A_2022 : vector<16xi32>
        scf.yield %parallel_loop3A_1970, %parallel_loop3A_1971, %parallel_loop3A_1977, %parallel_loop3A_1978, %parallel_loop3A_1984, %parallel_loop3A_1985, %parallel_loop3A_1991, %parallel_loop3A_1992, %parallel_loop3A_1998, %parallel_loop3A_1999, %parallel_loop3A_2005, %parallel_loop3A_2006, %parallel_loop3A_2012, %parallel_loop3A_2013, %parallel_loop3A_2019, %parallel_loop3A_2020, %parallel_loop3A_2023 : vector<16xf32>, vector<16xi32>, vector<16xf32>, vector<16xi32>, vector<16xf32>, vector<16xi32>, vector<16xf32>, vector<16xi32>, vector<16xf32>, vector<16xi32>, vector<16xf32>, vector<16xi32>, vector<16xf32>, vector<16xi32>, vector<16xf32>, vector<16xi32>, vector<16xi32>
      } {sc.loop_unroll_factor = 2 : i64, sc.parallel_access}
      %swap3A_1047 = arith.constant 8 : i32
      %swap3A_1048 = arith.index_cast %swap3A_1047 : i32 to index
      %swap3A_1049 = arith.constant 0 : index
      %swap3A_1050 = tpu.vector_load %arg11[%swap3A_1048, %swap3A_1049] {strides = array<i32>} : memref<16x17xf32, #tpu.memory_space<vmem>>, vector<16xf32>,
      tpu.vector_store %arg11[%swap3A_1048, %swap3A_1049], %parallel_loop3A_1046#0 {strides = array<i32>} : memref<16x17xf32, #tpu.memory_space<vmem>>, vector<16xf32>,
      %swap3A_1051 = arith.constant 8 : i32
      %swap3A_1052 = arith.index_cast %swap3A_1051 : i32 to index
      %swap3A_1053 = arith.constant 0 : index
      %swap3A_1054 = tpu.vector_load %arg12[%swap3A_1052, %swap3A_1053] {strides = array<i32>} : memref<16x17xi32, #tpu.memory_space<vmem>>, vector<16xi32>,
      tpu.vector_store %arg12[%swap3A_1052, %swap3A_1053], %parallel_loop3A_1046#1 {strides = array<i32>} : memref<16x17xi32, #tpu.memory_space<vmem>>, vector<16xi32>,
      %swap3A_1055 = arith.constant 9 : i32
      %swap3A_1056 = arith.index_cast %swap3A_1055 : i32 to index
      %swap3A_1057 = arith.constant 0 : index
      %swap3A_1058 = tpu.vector_load %arg11[%swap3A_1056, %swap3A_1057] {strides = array<i32>} : memref<16x17xf32, #tpu.memory_space<vmem>>, vector<16xf32>,
      tpu.vector_store %arg11[%swap3A_1056, %swap3A_1057], %parallel_loop3A_1046#2 {strides = array<i32>} : memref<16x17xf32, #tpu.memory_space<vmem>>, vector<16xf32>,
      %swap3A_1059 = arith.constant 9 : i32
      %swap3A_1060 = arith.index_cast %swap3A_1059 : i32 to index
      %swap3A_1061 = arith.constant 0 : index
      %swap3A_1062 = tpu.vector_load %arg12[%swap3A_1060, %swap3A_1061] {strides = array<i32>} : memref<16x17xi32, #tpu.memory_space<vmem>>, vector<16xi32>,
      tpu.vector_store %arg12[%swap3A_1060, %swap3A_1061], %parallel_loop3A_1046#3 {strides = array<i32>} : memref<16x17xi32, #tpu.memory_space<vmem>>, vector<16xi32>,
      %swap3A_1063 = arith.constant 10 : i32
      %swap3A_1064 = arith.index_cast %swap3A_1063 : i32 to index
      %swap3A_1065 = arith.constant 0 : index
      %swap3A_1066 = tpu.vector_load %arg11[%swap3A_1064, %swap3A_1065] {strides = array<i32>} : memref<16x17xf32, #tpu.memory_space<vmem>>, vector<16xf32>,
      tpu.vector_store %arg11[%swap3A_1064, %swap3A_1065], %parallel_loop3A_1046#4 {strides = array<i32>} : memref<16x17xf32, #tpu.memory_space<vmem>>, vector<16xf32>,
      %swap3A_1067 = arith.constant 10 : i32
      %swap3A_1068 = arith.index_cast %swap3A_1067 : i32 to index
      %swap3A_1069 = arith.constant 0 : index
      %swap3A_1070 = tpu.vector_load %arg12[%swap3A_1068, %swap3A_1069] {strides = array<i32>} : memref<16x17xi32, #tpu.memory_space<vmem>>, vector<16xi32>,
      tpu.vector_store %arg12[%swap3A_1068, %swap3A_1069], %parallel_loop3A_1046#5 {strides = array<i32>} : memref<16x17xi32, #tpu.memory_space<vmem>>, vector<16xi32>,
      %swap3A_1071 = arith.constant 11 : i32
      %swap3A_1072 = arith.index_cast %swap3A_1071 : i32 to index
      %swap3A_1073 = arith.constant 0 : index
      %swap3A_1074 = tpu.vector_load %arg11[%swap3A_1072, %swap3A_1073] {strides = array<i32>} : memref<16x17xf32, #tpu.memory_space<vmem>>, vector<16xf32>,
      tpu.vector_store %arg11[%swap3A_1072, %swap3A_1073], %parallel_loop3A_1046#6 {strides = array<i32>} : memref<16x17xf32, #tpu.memory_space<vmem>>, vector<16xf32>,
      %swap3A_1075 = arith.constant 11 : i32
      %swap3A_1076 = arith.index_cast %swap3A_1075 : i32 to index
      %swap3A_1077 = arith.constant 0 : index
      %swap3A_1078 = tpu.vector_load %arg12[%swap3A_1076, %swap3A_1077] {strides = array<i32>} : memref<16x17xi32, #tpu.memory_space<vmem>>, vector<16xi32>,
      tpu.vector_store %arg12[%swap3A_1076, %swap3A_1077], %parallel_loop3A_1046#7 {strides = array<i32>} : memref<16x17xi32, #tpu.memory_space<vmem>>, vector<16xi32>,
      %swap3A_1079 = arith.constant 12 : i32
      %swap3A_1080 = arith.index_cast %swap3A_1079 : i32 to index
      %swap3A_1081 = arith.constant 0 : index
      %swap3A_1082 = tpu.vector_load %arg11[%swap3A_1080, %swap3A_1081] {strides = array<i32>} : memref<16x17xf32, #tpu.memory_space<vmem>>, vector<16xf32>,
      tpu.vector_store %arg11[%swap3A_1080, %swap3A_1081], %parallel_loop3A_1046#8 {strides = array<i32>} : memref<16x17xf32, #tpu.memory_space<vmem>>, vector<16xf32>,
      %swap3A_1083 = arith.constant 12 : i32
      %swap3A_1084 = arith.index_cast %swap3A_1083 : i32 to index
      %swap3A_1085 = arith.constant 0 : index
      %swap3A_1086 = tpu.vector_load %arg12[%swap3A_1084, %swap3A_1085] {strides = array<i32>} : memref<16x17xi32, #tpu.memory_space<vmem>>, vector<16xi32>,
      tpu.vector_store %arg12[%swap3A_1084, %swap3A_1085], %parallel_loop3A_1046#9 {strides = array<i32>} : memref<16x17xi32, #tpu.memory_space<vmem>>, vector<16xi32>,
      %swap3A_1087 = arith.constant 13 : i32
      %swap3A_1088 = arith.index_cast %swap3A_1087 : i32 to index
      %swap3A_1089 = arith.constant 0 : index
      %swap3A_1090 = tpu.vector_load %arg11[%swap3A_1088, %swap3A_1089] {strides = array<i32>} : memref<16x17xf32, #tpu.memory_space<vmem>>, vector<16xf32>,
      tpu.vector_store %arg11[%swap3A_1088, %swap3A_1089], %parallel_loop3A_1046#10 {strides = array<i32>} : memref<16x17xf32, #tpu.memory_space<vmem>>, vector<16xf32>,
      %swap3A_1091 = arith.constant 13 : i32
      %swap3A_1092 = arith.index_cast %swap3A_1091 : i32 to index
      %swap3A_1093 = arith.constant 0 : index
      %swap3A_1094 = tpu.vector_load %arg12[%swap3A_1092, %swap3A_1093] {strides = array<i32>} : memref<16x17xi32, #tpu.memory_space<vmem>>, vector<16xi32>,
      tpu.vector_store %arg12[%swap3A_1092, %swap3A_1093], %parallel_loop3A_1046#11 {strides = array<i32>} : memref<16x17xi32, #tpu.memory_space<vmem>>, vector<16xi32>,
      %swap3A_1095 = arith.constant 14 : i32
      %swap3A_1096 = arith.index_cast %swap3A_1095 : i32 to index
      %swap3A_1097 = arith.constant 0 : index
      %swap3A_1098 = tpu.vector_load %arg11[%swap3A_1096, %swap3A_1097] {strides = array<i32>} : memref<16x17xf32, #tpu.memory_space<vmem>>, vector<16xf32>,
      tpu.vector_store %arg11[%swap3A_1096, %swap3A_1097], %parallel_loop3A_1046#12 {strides = array<i32>} : memref<16x17xf32, #tpu.memory_space<vmem>>, vector<16xf32>,
      %swap3A_1099 = arith.constant 14 : i32
      %swap3A_1100 = arith.index_cast %swap3A_1099 : i32 to index
      %swap3A_1101 = arith.constant 0 : index
      %swap3A_1102 = tpu.vector_load %arg12[%swap3A_1100, %swap3A_1101] {strides = array<i32>} : memref<16x17xi32, #tpu.memory_space<vmem>>, vector<16xi32>,
      tpu.vector_store %arg12[%swap3A_1100, %swap3A_1101], %parallel_loop3A_1046#13 {strides = array<i32>} : memref<16x17xi32, #tpu.memory_space<vmem>>, vector<16xi32>,
      %swap3A_1103 = arith.constant 15 : i32
      %swap3A_1104 = arith.index_cast %swap3A_1103 : i32 to index
      %swap3A_1105 = arith.constant 0 : index
      %swap3A_1106 = tpu.vector_load %arg11[%swap3A_1104, %swap3A_1105] {strides = array<i32>} : memref<16x17xf32, #tpu.memory_space<vmem>>, vector<16xf32>,
      tpu.vector_store %arg11[%swap3A_1104, %swap3A_1105], %parallel_loop3A_1046#14 {strides = array<i32>} : memref<16x17xf32, #tpu.memory_space<vmem>>, vector<16xf32>,
      %swap3A_1107 = arith.constant 15 : i32
      %swap3A_1108 = arith.index_cast %swap3A_1107 : i32 to index
      %swap3A_1109 = arith.constant 0 : index
      %swap3A_1110 = tpu.vector_load %arg12[%swap3A_1108, %swap3A_1109] {strides = array<i32>} : memref<16x17xi32, #tpu.memory_space<vmem>>, vector<16xi32>,
      tpu.vector_store %arg12[%swap3A_1108, %swap3A_1109], %parallel_loop3A_1046#15 {strides = array<i32>} : memref<16x17xi32, #tpu.memory_space<vmem>>, vector<16xi32>,
      %broadcast_in_dim3A_1111 = arith.constant 0 : i32
      %broadcast_in_dim3A_1112 = vector.broadcast %broadcast_in_dim3A_1111 : i32 to vector<16xi32>
      %gather3A_1113 = tpu.vector_load_idx %arg11[%iota3A, %broadcast_in_dim3A_1112] : memref<16x17xf32, #tpu.memory_space<vmem>>[vector<16xi32>, vector<16xi32>], vector<16xf32>,
      %gather3A_1114 = tpu.vector_load_idx %arg12[%iota3A, %broadcast_in_dim3A_1112] : memref<16x17xi32, #tpu.memory_space<vmem>>[vector<16xi32>, vector<16xi32>], vector<16xi32>,
      %broadcast_in_dim3A_1115 = arith.constant 1 : i32
      %broadcast_in_dim3A_1116 = vector.broadcast %broadcast_in_dim3A_1115 : i32 to vector<16xi32>
      %gather3A_1117 = tpu.vector_load_idx %arg11[%iota3A, %broadcast_in_dim3A_1116] : memref<16x17xf32, #tpu.memory_space<vmem>>[vector<16xi32>, vector<16xi32>], vector<16xf32>,
      %gather3A_1118 = tpu.vector_load_idx %arg12[%iota3A, %broadcast_in_dim3A_1116] : memref<16x17xi32, #tpu.memory_space<vmem>>[vector<16xi32>, vector<16xi32>], vector<16xi32>,
      %broadcast_in_dim3A_1119 = arith.constant 2 : i32
      %broadcast_in_dim3A_1120 = vector.broadcast %broadcast_in_dim3A_1119 : i32 to vector<16xi32>
      %gather3A_1121 = tpu.vector_load_idx %arg11[%iota3A, %broadcast_in_dim3A_1120] : memref<16x17xf32, #tpu.memory_space<vmem>>[vector<16xi32>, vector<16xi32>], vector<16xf32>,
      %gather3A_1122 = tpu.vector_load_idx %arg12[%iota3A, %broadcast_in_dim3A_1120] : memref<16x17xi32, #tpu.memory_space<vmem>>[vector<16xi32>, vector<16xi32>], vector<16xi32>,
      %broadcast_in_dim3A_1123 = arith.constant 3 : i32
      %broadcast_in_dim3A_1124 = vector.broadcast %broadcast_in_dim3A_1123 : i32 to vector<16xi32>
      %gather3A_1125 = tpu.vector_load_idx %arg11[%iota3A, %broadcast_in_dim3A_1124] : memref<16x17xf32, #tpu.memory_space<vmem>>[vector<16xi32>, vector<16xi32>], vector<16xf32>,
      %gather3A_1126 = tpu.vector_load_idx %arg12[%iota3A, %broadcast_in_dim3A_1124] : memref<16x17xi32, #tpu.memory_space<vmem>>[vector<16xi32>, vector<16xi32>], vector<16xi32>,
      %broadcast_in_dim3A_1127 = arith.constant 4 : i32
      %broadcast_in_dim3A_1128 = vector.broadcast %broadcast_in_dim3A_1127 : i32 to vector<16xi32>
      %gather3A_1129 = tpu.vector_load_idx %arg11[%iota3A, %broadcast_in_dim3A_1128] : memref<16x17xf32, #tpu.memory_space<vmem>>[vector<16xi32>, vector<16xi32>], vector<16xf32>,
      %gather3A_1130 = tpu.vector_load_idx %arg12[%iota3A, %broadcast_in_dim3A_1128] : memref<16x17xi32, #tpu.memory_space<vmem>>[vector<16xi32>, vector<16xi32>], vector<16xi32>,
      %broadcast_in_dim3A_1131 = arith.constant 5 : i32
      %broadcast_in_dim3A_1132 = vector.broadcast %broadcast_in_dim3A_1131 : i32 to vector<16xi32>
      %gather3A_1133 = tpu.vector_load_idx %arg11[%iota3A, %broadcast_in_dim3A_1132] : memref<16x17xf32, #tpu.memory_space<vmem>>[vector<16xi32>, vector<16xi32>], vector<16xf32>,
      %gather3A_1134 = tpu.vector_load_idx %arg12[%iota3A, %broadcast_in_dim3A_1132] : memref<16x17xi32, #tpu.memory_space<vmem>>[vector<16xi32>, vector<16xi32>], vector<16xi32>,
      %broadcast_in_dim3A_1135 = arith.constant 6 : i32
      %broadcast_in_dim3A_1136 = vector.broadcast %broadcast_in_dim3A_1135 : i32 to vector<16xi32>
      %gather3A_1137 = tpu.vector_load_idx %arg11[%iota3A, %broadcast_in_dim3A_1136] : memref<16x17xf32, #tpu.memory_space<vmem>>[vector<16xi32>, vector<16xi32>], vector<16xf32>,
      %gather3A_1138 = tpu.vector_load_idx %arg12[%iota3A, %broadcast_in_dim3A_1136] : memref<16x17xi32, #tpu.memory_space<vmem>>[vector<16xi32>, vector<16xi32>], vector<16xi32>,
      %broadcast_in_dim3A_1139 = arith.constant 7 : i32
      %broadcast_in_dim3A_1140 = vector.broadcast %broadcast_in_dim3A_1139 : i32 to vector<16xi32>
      %gather3A_1141 = tpu.vector_load_idx %arg11[%iota3A, %broadcast_in_dim3A_1140] : memref<16x17xf32, #tpu.memory_space<vmem>>[vector<16xi32>, vector<16xi32>], vector<16xf32>,
      %gather3A_1142 = tpu.vector_load_idx %arg12[%iota3A, %broadcast_in_dim3A_1140] : memref<16x17xi32, #tpu.memory_space<vmem>>[vector<16xi32>, vector<16xi32>], vector<16xi32>,
      %broadcast_in_dim3A_1143 = arith.constant 8 : i32
      %broadcast_in_dim3A_1144 = vector.broadcast %broadcast_in_dim3A_1143 : i32 to vector<16xi32>
      %gather3A_1145 = tpu.vector_load_idx %arg11[%iota3A, %broadcast_in_dim3A_1144] : memref<16x17xf32, #tpu.memory_space<vmem>>[vector<16xi32>, vector<16xi32>], vector<16xf32>,
      %gather3A_1146 = tpu.vector_load_idx %arg12[%iota3A, %broadcast_in_dim3A_1144] : memref<16x17xi32, #tpu.memory_space<vmem>>[vector<16xi32>, vector<16xi32>], vector<16xi32>,
      %broadcast_in_dim3A_1147 = arith.constant 9 : i32
      %broadcast_in_dim3A_1148 = vector.broadcast %broadcast_in_dim3A_1147 : i32 to vector<16xi32>
      %gather3A_1149 = tpu.vector_load_idx %arg11[%iota3A, %broadcast_in_dim3A_1148] : memref<16x17xf32, #tpu.memory_space<vmem>>[vector<16xi32>, vector<16xi32>], vector<16xf32>,
      %gather3A_1150 = tpu.vector_load_idx %arg12[%iota3A, %broadcast_in_dim3A_1148] : memref<16x17xi32, #tpu.memory_space<vmem>>[vector<16xi32>, vector<16xi32>], vector<16xi32>,
      %broadcast_in_dim3A_1151 = arith.constant 10 : i32
      %broadcast_in_dim3A_1152 = vector.broadcast %broadcast_in_dim3A_1151 : i32 to vector<16xi32>
      %gather3A_1153 = tpu.vector_load_idx %arg11[%iota3A, %broadcast_in_dim3A_1152] : memref<16x17xf32, #tpu.memory_space<vmem>>[vector<16xi32>, vector<16xi32>], vector<16xf32>,
      %gather3A_1154 = tpu.vector_load_idx %arg12[%iota3A, %broadcast_in_dim3A_1152] : memref<16x17xi32, #tpu.memory_space<vmem>>[vector<16xi32>, vector<16xi32>], vector<16xi32>,
      %broadcast_in_dim3A_1155 = arith.constant 11 : i32
      %broadcast_in_dim3A_1156 = vector.broadcast %broadcast_in_dim3A_1155 : i32 to vector<16xi32>
      %gather3A_1157 = tpu.vector_load_idx %arg11[%iota3A, %broadcast_in_dim3A_1156] : memref<16x17xf32, #tpu.memory_space<vmem>>[vector<16xi32>, vector<16xi32>], vector<16xf32>,
      %gather3A_1158 = tpu.vector_load_idx %arg12[%iota3A, %broadcast_in_dim3A_1156] : memref<16x17xi32, #tpu.memory_space<vmem>>[vector<16xi32>, vector<16xi32>], vector<16xi32>,
      %broadcast_in_dim3A_1159 = arith.constant 12 : i32
      %broadcast_in_dim3A_1160 = vector.broadcast %broadcast_in_dim3A_1159 : i32 to vector<16xi32>
      %gather3A_1161 = tpu.vector_load_idx %arg11[%iota3A, %broadcast_in_dim3A_1160] : memref<16x17xf32, #tpu.memory_space<vmem>>[vector<16xi32>, vector<16xi32>], vector<16xf32>,
      %gather3A_1162 = tpu.vector_load_idx %arg12[%iota3A, %broadcast_in_dim3A_1160] : memref<16x17xi32, #tpu.memory_space<vmem>>[vector<16xi32>, vector<16xi32>], vector<16xi32>,
      %broadcast_in_dim3A_1163 = arith.constant 13 : i32
      %broadcast_in_dim3A_1164 = vector.broadcast %broadcast_in_dim3A_1163 : i32 to vector<16xi32>
      %gather3A_1165 = tpu.vector_load_idx %arg11[%iota3A, %broadcast_in_dim3A_1164] : memref<16x17xf32, #tpu.memory_space<vmem>>[vector<16xi32>, vector<16xi32>], vector<16xf32>,
      %gather3A_1166 = tpu.vector_load_idx %arg12[%iota3A, %broadcast_in_dim3A_1164] : memref<16x17xi32, #tpu.memory_space<vmem>>[vector<16xi32>, vector<16xi32>], vector<16xi32>,
      %broadcast_in_dim3A_1167 = arith.constant 14 : i32
      %broadcast_in_dim3A_1168 = vector.broadcast %broadcast_in_dim3A_1167 : i32 to vector<16xi32>
      %gather3A_1169 = tpu.vector_load_idx %arg11[%iota3A, %broadcast_in_dim3A_1168] : memref<16x17xf32, #tpu.memory_space<vmem>>[vector<16xi32>, vector<16xi32>], vector<16xf32>,
      %gather3A_1170 = tpu.vector_load_idx %arg12[%iota3A, %broadcast_in_dim3A_1168] : memref<16x17xi32, #tpu.memory_space<vmem>>[vector<16xi32>, vector<16xi32>], vector<16xi32>,
      %broadcast_in_dim3A_1171 = arith.constant 15 : i32
      %broadcast_in_dim3A_1172 = vector.broadcast %broadcast_in_dim3A_1171 : i32 to vector<16xi32>
      %gather3A_1173 = tpu.vector_load_idx %arg11[%iota3A, %broadcast_in_dim3A_1172] : memref<16x17xf32, #tpu.memory_space<vmem>>[vector<16xi32>, vector<16xi32>], vector<16xf32>,
      %gather3A_1174 = tpu.vector_load_idx %arg12[%iota3A, %broadcast_in_dim3A_1172] : memref<16x17xi32, #tpu.memory_space<vmem>>[vector<16xi32>, vector<16xi32>], vector<16xi32>,
      %gt3A_1175 = arith.cmpf ogt, %gather3A_1117, %gather3A_1113 : vector<16xf32>
      %eq3A_1176 = arith.cmpf oeq, %gather3A_1117, %gather3A_1113 : vector<16xf32>
      %lt3A_1177 = arith.cmpi slt, %gather3A_1118, %gather3A_1114 : vector<16xi32>
      %and3A_1178 = arith.andi %eq3A_1176, %lt3A_1177 : vector<16xi1>
      %or3A_1179 = arith.ori %gt3A_1175, %and3A_1178 : vector<16xi1>
      %select_n3A_1180 = arith.select %or3A_1179, %gather3A_1117, %gather3A_1113 : vector<16xi1>, vector<16xf32>
      %select_n3A_1181 = arith.select %or3A_1179, %gather3A_1118, %gather3A_1114 : vector<16xi1>, vector<16xi32>
      %gt3A_1182 = arith.cmpf ogt, %gather3A_1125, %gather3A_1121 : vector<16xf32>
      %eq3A_1183 = arith.cmpf oeq, %gather3A_1125, %gather3A_1121 : vector<16xf32>
      %lt3A_1184 = arith.cmpi slt, %gather3A_1126, %gather3A_1122 : vector<16xi32>
      %and3A_1185 = arith.andi %eq3A_1183, %lt3A_1184 : vector<16xi1>
      %or3A_1186 = arith.ori %gt3A_1182, %and3A_1185 : vector<16xi1>
      %select_n3A_1187 = arith.select %or3A_1186, %gather3A_1125, %gather3A_1121 : vector<16xi1>, vector<16xf32>
      %select_n3A_1188 = arith.select %or3A_1186, %gather3A_1126, %gather3A_1122 : vector<16xi1>, vector<16xi32>
      %gt3A_1189 = arith.cmpf ogt, %gather3A_1133, %gather3A_1129 : vector<16xf32>
      %eq3A_1190 = arith.cmpf oeq, %gather3A_1133, %gather3A_1129 : vector<16xf32>
      %lt3A_1191 = arith.cmpi slt, %gather3A_1134, %gather3A_1130 : vector<16xi32>
      %and3A_1192 = arith.andi %eq3A_1190, %lt3A_1191 : vector<16xi1>
      %or3A_1193 = arith.ori %gt3A_1189, %and3A_1192 : vector<16xi1>
      %select_n3A_1194 = arith.select %or3A_1193, %gather3A_1133, %gather3A_1129 : vector<16xi1>, vector<16xf32>
      %select_n3A_1195 = arith.select %or3A_1193, %gather3A_1134, %gather3A_1130 : vector<16xi1>, vector<16xi32>
      %gt3A_1196 = arith.cmpf ogt, %gather3A_1141, %gather3A_1137 : vector<16xf32>
      %eq3A_1197 = arith.cmpf oeq, %gather3A_1141, %gather3A_1137 : vector<16xf32>
      %lt3A_1198 = arith.cmpi slt, %gather3A_1142, %gather3A_1138 : vector<16xi32>
      %and3A_1199 = arith.andi %eq3A_1197, %lt3A_1198 : vector<16xi1>
      %or3A_1200 = arith.ori %gt3A_1196, %and3A_1199 : vector<16xi1>
      %select_n3A_1201 = arith.select %or3A_1200, %gather3A_1141, %gather3A_1137 : vector<16xi1>, vector<16xf32>
      %select_n3A_1202 = arith.select %or3A_1200, %gather3A_1142, %gather3A_1138 : vector<16xi1>, vector<16xi32>
      %gt3A_1203 = arith.cmpf ogt, %gather3A_1149, %gather3A_1145 : vector<16xf32>
      %eq3A_1204 = arith.cmpf oeq, %gather3A_1149, %gather3A_1145 : vector<16xf32>
      %lt3A_1205 = arith.cmpi slt, %gather3A_1150, %gather3A_1146 : vector<16xi32>
      %and3A_1206 = arith.andi %eq3A_1204, %lt3A_1205 : vector<16xi1>
      %or3A_1207 = arith.ori %gt3A_1203, %and3A_1206 : vector<16xi1>
      %select_n3A_1208 = arith.select %or3A_1207, %gather3A_1149, %gather3A_1145 : vector<16xi1>, vector<16xf32>
      %select_n3A_1209 = arith.select %or3A_1207, %gather3A_1150, %gather3A_1146 : vector<16xi1>, vector<16xi32>
      %gt3A_1210 = arith.cmpf ogt, %gather3A_1157, %gather3A_1153 : vector<16xf32>
      %eq3A_1211 = arith.cmpf oeq, %gather3A_1157, %gather3A_1153 : vector<16xf32>
      %lt3A_1212 = arith.cmpi slt, %gather3A_1158, %gather3A_1154 : vector<16xi32>
      %and3A_1213 = arith.andi %eq3A_1211, %lt3A_1212 : vector<16xi1>
      %or3A_1214 = arith.ori %gt3A_1210, %and3A_1213 : vector<16xi1>
      %select_n3A_1215 = arith.select %or3A_1214, %gather3A_1157, %gather3A_1153 : vector<16xi1>, vector<16xf32>
      %select_n3A_1216 = arith.select %or3A_1214, %gather3A_1158, %gather3A_1154 : vector<16xi1>, vector<16xi32>
      %gt3A_1217 = arith.cmpf ogt, %gather3A_1165, %gather3A_1161 : vector<16xf32>
      %eq3A_1218 = arith.cmpf oeq, %gather3A_1165, %gather3A_1161 : vector<16xf32>
      %lt3A_1219 = arith.cmpi slt, %gather3A_1166, %gather3A_1162 : vector<16xi32>
      %and3A_1220 = arith.andi %eq3A_1218, %lt3A_1219 : vector<16xi1>
      %or3A_1221 = arith.ori %gt3A_1217, %and3A_1220 : vector<16xi1>
      %select_n3A_1222 = arith.select %or3A_1221, %gather3A_1165, %gather3A_1161 : vector<16xi1>, vector<16xf32>
      %select_n3A_1223 = arith.select %or3A_1221, %gather3A_1166, %gather3A_1162 : vector<16xi1>, vector<16xi32>
      %gt3A_1224 = arith.cmpf ogt, %gather3A_1173, %gather3A_1169 : vector<16xf32>
      %eq3A_1225 = arith.cmpf oeq, %gather3A_1173, %gather3A_1169 : vector<16xf32>
      %lt3A_1226 = arith.cmpi slt, %gather3A_1174, %gather3A_1170 : vector<16xi32>
      %and3A_1227 = arith.andi %eq3A_1225, %lt3A_1226 : vector<16xi1>
      %or3A_1228 = arith.ori %gt3A_1224, %and3A_1227 : vector<16xi1>
      %select_n3A_1229 = arith.select %or3A_1228, %gather3A_1173, %gather3A_1169 : vector<16xi1>, vector<16xf32>
      %select_n3A_1230 = arith.select %or3A_1228, %gather3A_1174, %gather3A_1170 : vector<16xi1>, vector<16xi32>
      %gt3A_1231 = arith.cmpf ogt, %select_n3A_1187, %select_n3A_1180 : vector<16xf32>
      %eq3A_1232 = arith.cmpf oeq, %select_n3A_1187, %select_n3A_1180 : vector<16xf32>
      %lt3A_1233 = arith.cmpi slt, %select_n3A_1188, %select_n3A_1181 : vector<16xi32>
      %and3A_1234 = arith.andi %eq3A_1232, %lt3A_1233 : vector<16xi1>
      %or3A_1235 = arith.ori %gt3A_1231, %and3A_1234 : vector<16xi1>
      %select_n3A_1236 = arith.select %or3A_1235, %select_n3A_1187, %select_n3A_1180 : vector<16xi1>, vector<16xf32>
      %select_n3A_1237 = arith.select %or3A_1235, %select_n3A_1188, %select_n3A_1181 : vector<16xi1>, vector<16xi32>
      %gt3A_1238 = arith.cmpf ogt, %select_n3A_1201, %select_n3A_1194 : vector<16xf32>
      %eq3A_1239 = arith.cmpf oeq, %select_n3A_1201, %select_n3A_1194 : vector<16xf32>
      %lt3A_1240 = arith.cmpi slt, %select_n3A_1202, %select_n3A_1195 : vector<16xi32>
      %and3A_1241 = arith.andi %eq3A_1239, %lt3A_1240 : vector<16xi1>
      %or3A_1242 = arith.ori %gt3A_1238, %and3A_1241 : vector<16xi1>
      %select_n3A_1243 = arith.select %or3A_1242, %select_n3A_1201, %select_n3A_1194 : vector<16xi1>, vector<16xf32>
      %select_n3A_1244 = arith.select %or3A_1242, %select_n3A_1202, %select_n3A_1195 : vector<16xi1>, vector<16xi32>
      %gt3A_1245 = arith.cmpf ogt, %select_n3A_1215, %select_n3A_1208 : vector<16xf32>
      %eq3A_1246 = arith.cmpf oeq, %select_n3A_1215, %select_n3A_1208 : vector<16xf32>
      %lt3A_1247 = arith.cmpi slt, %select_n3A_1216, %select_n3A_1209 : vector<16xi32>
      %and3A_1248 = arith.andi %eq3A_1246, %lt3A_1247 : vector<16xi1>
      %or3A_1249 = arith.ori %gt3A_1245, %and3A_1248 : vector<16xi1>
      %select_n3A_1250 = arith.select %or3A_1249, %select_n3A_1215, %select_n3A_1208 : vector<16xi1>, vector<16xf32>
      %select_n3A_1251 = arith.select %or3A_1249, %select_n3A_1216, %select_n3A_1209 : vector<16xi1>, vector<16xi32>
      %gt3A_1252 = arith.cmpf ogt, %select_n3A_1229, %select_n3A_1222 : vector<16xf32>
      %eq3A_1253 = arith.cmpf oeq, %select_n3A_1229, %select_n3A_1222 : vector<16xf32>
      %lt3A_1254 = arith.cmpi slt, %select_n3A_1230, %select_n3A_1223 : vector<16xi32>
      %and3A_1255 = arith.andi %eq3A_1253, %lt3A_1254 : vector<16xi1>
      %or3A_1256 = arith.ori %gt3A_1252, %and3A_1255 : vector<16xi1>
      %select_n3A_1257 = arith.select %or3A_1256, %select_n3A_1229, %select_n3A_1222 : vector<16xi1>, vector<16xf32>
      %select_n3A_1258 = arith.select %or3A_1256, %select_n3A_1230, %select_n3A_1223 : vector<16xi1>, vector<16xi32>
      %gt3A_1259 = arith.cmpf ogt, %select_n3A_1243, %select_n3A_1236 : vector<16xf32>
      %eq3A_1260 = arith.cmpf oeq, %select_n3A_1243, %select_n3A_1236 : vector<16xf32>
      %lt3A_1261 = arith.cmpi slt, %select_n3A_1244, %select_n3A_1237 : vector<16xi32>
      %and3A_1262 = arith.andi %eq3A_1260, %lt3A_1261 : vector<16xi1>
      %or3A_1263 = arith.ori %gt3A_1259, %and3A_1262 : vector<16xi1>
      %select_n3A_1264 = arith.select %or3A_1263, %select_n3A_1243, %select_n3A_1236 : vector<16xi1>, vector<16xf32>
      %select_n3A_1265 = arith.select %or3A_1263, %select_n3A_1244, %select_n3A_1237 : vector<16xi1>, vector<16xi32>
      %gt3A_1266 = arith.cmpf ogt, %select_n3A_1257, %select_n3A_1250 : vector<16xf32>
      %eq3A_1267 = arith.cmpf oeq, %select_n3A_1257, %select_n3A_1250 : vector<16xf32>
      %lt3A_1268 = arith.cmpi slt, %select_n3A_1258, %select_n3A_1251 : vector<16xi32>
      %and3A_1269 = arith.andi %eq3A_1267, %lt3A_1268 : vector<16xi1>
      %or3A_1270 = arith.ori %gt3A_1266, %and3A_1269 : vector<16xi1>
      %select_n3A_1271 = arith.select %or3A_1270, %select_n3A_1257, %select_n3A_1250 : vector<16xi1>, vector<16xf32>
      %select_n3A_1272 = arith.select %or3A_1270, %select_n3A_1258, %select_n3A_1251 : vector<16xi1>, vector<16xi32>
      %gt3A_1273 = arith.cmpf ogt, %select_n3A_1271, %select_n3A_1264 : vector<16xf32>
      %eq3A_1274 = arith.cmpf oeq, %select_n3A_1271, %select_n3A_1264 : vector<16xf32>
      %lt3A_1275 = arith.cmpi slt, %select_n3A_1272, %select_n3A_1265 : vector<16xi32>
      %and3A_1276 = arith.andi %eq3A_1274, %lt3A_1275 : vector<16xi1>
      %or3A_1277 = arith.ori %gt3A_1273, %and3A_1276 : vector<16xi1>
      %select_n3A_1278 = arith.select %or3A_1277, %select_n3A_1271, %select_n3A_1264 : vector<16xi1>, vector<16xf32>
      %select_n3A_1279 = arith.select %or3A_1277, %select_n3A_1272, %select_n3A_1265 : vector<16xi1>, vector<16xi32>
      %mul3A_1280 = arith.constant 16 : i32
      %mul3A_1281 = arith.muli %add3A_968, %mul3A_1280 : i32
      %add3A_1282 = vector.broadcast %mul3A_1281 : i32 to vector<16xi32>
      %add3A_1283 = arith.addi %add3A_1282, %iota3A : vector<16xi32>
      tpu.vector_store_idx %arg13[%add3A_1283], %select_n3A_1279 : memref<512xi32, #tpu.memory_space<vmem>>[vector<16xi32>], vector<16xi32>,
      %add3A_1284 = arith.constant 1 : i32
      %add3A_1285 = arith.addi %mul3A_650, %add3A_1284 : i32
      %add3A_1286 = arith.constant 4 : i32
      %add3A_1287 = arith.addi %add3A_1285, %add3A_1286 : i32
      %lt3A_1288 = arith.constant 32 : i32
      %lt3A_1289 = arith.cmpi slt, %add3A_1287, %lt3A_1288 : i32
      %convert_element_type3A_1290 = arith.extui %lt3A_1289 : i1 to i32
      %cond3A_1291 = arith.constant 0 : i32
      %cond3A_1292 = arith.cmpi ne, %convert_element_type3A_1290, %cond3A_1291 : i32
      scf.if %cond3A_1292 {
        %add3A_1945 = arith.constant 1 : i32
        %add3A_1946 = arith.addi %mul3A_650, %add3A_1945 : i32
        %add3A_1947 = arith.constant 4 : i32
        %add3A_1948 = arith.addi %add3A_1946, %add3A_1947 : i32
        %dma_start3A_1949 = arith.constant 0 : i32
        %dma_start3A_1950 = tpu.memref_slice %arg6[%add3A_1948, %dma_start3A_1949] : memref<32x16xi32, #tpu.memory_space<vmem>> -> memref<1x16xi32, #tpu.memory_space<vmem>>
        %dma_start3A_1951 = tpu.memref_squeeze %dma_start3A_1950 : memref<1x16xi32, #tpu.memory_space<vmem>> -> memref<16xi32, #tpu.memory_space<vmem>>
        %dma_start3A_1952 = arith.constant 0 : i32
        %dma_start3A_1953 = arith.constant 0 : i32
        %dma_start3A_1954 = tpu.memref_slice %arg3[%dma_start3A_1952, %dma_start3A_1953] : memref<16384x1024xf32, #tpu.memory_space<hbm>> -> memref<16384x1024xf32, #tpu.memory_space<hbm>>
        tpu.enqueue_indirect_dma source(%dma_start3A_1954 : memref<16384x1024xf32, #tpu.memory_space<hbm>>) target(%arg8 : memref<16x1024xf32, #tpu.memory_space<vmem>>) offsets(%dma_start3A_1951 : memref<16xi32, #tpu.memory_space<vmem>>) semaphore(%arg15 : memref<!tpu.dma_semaphore, #tpu.memory_space<semaphore_mem>>)
      } else {
      }
      %add3A_1293 = arith.constant 2 : i32
      %add3A_1294 = arith.addi %mul3A_650, %add3A_1293 : i32
      %dma_wait3A_1295 = arith.constant 0 : i32
      %dma_wait3A_1296 = tpu.memref_slice %arg6[%add3A_1294, %dma_wait3A_1295] : memref<32x16xi32, #tpu.memory_space<vmem>> -> memref<1x16xi32, #tpu.memory_space<vmem>>
      %dma_wait3A_1297 = tpu.memref_squeeze %dma_wait3A_1296 : memref<1x16xi32, #tpu.memory_space<vmem>> -> memref<16xi32, #tpu.memory_space<vmem>>
      %dma_wait3A_1298 = arith.constant 0 : i32
      %dma_wait3A_1299 = arith.constant 0 : i32
      %dma_wait3A_1300 = tpu.memref_slice %arg3[%dma_wait3A_1298, %dma_wait3A_1299] : memref<16384x1024xf32, #tpu.memory_space<hbm>> -> memref<16384x1024xf32, #tpu.memory_space<hbm>>
      tpu.wait_indirect_dma semaphore(%arg16 : memref<!tpu.dma_semaphore, #tpu.memory_space<semaphore_mem>>) src(%dma_wait3A_1300 : memref<16384x1024xf32, #tpu.memory_space<hbm>>) dst(%arg9 : memref<16x1024xf32, #tpu.memory_space<vmem>>)
      %parallel_loop3A_1301 = arith.constant 0 : i32
      %parallel_loop3A_1302 = arith.constant 64 : i32
      %parallel_loop3A_1303 = arith.constant 1 : i32
      %parallel_loop3A_1304:17 = scf.for %parallel_loop3A_1945 = %parallel_loop3A_1301 to %parallel_loop3A_1302 step %parallel_loop3A_1303 iter_args(%parallel_loop3A_1946 = %broadcast_in_dim3A_638, %parallel_loop3A_1947 = %broadcast_in_dim3A_640, %parallel_loop3A_1948 = %broadcast_in_dim3A_638, %parallel_loop3A_1949 = %broadcast_in_dim3A_640, %parallel_loop3A_1950 = %broadcast_in_dim3A_638, %parallel_loop3A_1951 = %broadcast_in_dim3A_640, %parallel_loop3A_1952 = %broadcast_in_dim3A_638, %parallel_loop3A_1953 = %broadcast_in_dim3A_640, %parallel_loop3A_1954 = %broadcast_in_dim3A_638, %parallel_loop3A_1955 = %broadcast_in_dim3A_640, %parallel_loop3A_1956 = %broadcast_in_dim3A_638, %parallel_loop3A_1957 = %broadcast_in_dim3A_640, %parallel_loop3A_1958 = %broadcast_in_dim3A_638, %parallel_loop3A_1959 = %broadcast_in_dim3A_640, %parallel_loop3A_1960 = %broadcast_in_dim3A_638, %parallel_loop3A_1961 = %broadcast_in_dim3A_640, %parallel_loop3A_1962 = %iota3A) -> (vector<16xf32>, vector<16xi32>, vector<16xf32>, vector<16xi32>, vector<16xf32>, vector<16xi32>, vector<16xf32>, vector<16xi32>, vector<16xf32>, vector<16xi32>, vector<16xf32>, vector<16xi32>, vector<16xf32>, vector<16xi32>, vector<16xf32>, vector<16xi32>, vector<16xi32>)  : i32 {
        %parallel_loop3A_1963 = arith.constant 16 : i32
        %parallel_loop3A_1964 = arith.muli %parallel_loop3A_1945, %parallel_loop3A_1963 : i32
        %parallel_loop3A_1965 = arith.constant 0 : i32
        %parallel_loop3A_1966 = arith.index_cast %parallel_loop3A_1965 : i32 to index
        %parallel_loop3A_1967 = arith.index_cast %parallel_loop3A_1964 : i32 to index
        %parallel_loop3A_1968 = tpu.vector_load %arg9[%parallel_loop3A_1966, %parallel_loop3A_1967] {strides = array<i32>} : memref<16x1024xf32, #tpu.memory_space<vmem>>, vector<16xf32>,
        %parallel_loop3A_1969 = arith.cmpf ogt, %parallel_loop3A_1968, %parallel_loop3A_1946 : vector<16xf32>
        %parallel_loop3A_1970 = arith.select %parallel_loop3A_1969, %parallel_loop3A_1968, %parallel_loop3A_1946 : vector<16xi1>, vector<16xf32>
        %parallel_loop3A_1971 = arith.select %parallel_loop3A_1969, %parallel_loop3A_1962, %parallel_loop3A_1947 : vector<16xi1>, vector<16xi32>
        %parallel_loop3A_1972 = arith.constant 1 : i32
        %parallel_loop3A_1973 = arith.index_cast %parallel_loop3A_1972 : i32 to index
        %parallel_loop3A_1974 = arith.index_cast %parallel_loop3A_1964 : i32 to index
        %parallel_loop3A_1975 = tpu.vector_load %arg9[%parallel_loop3A_1973, %parallel_loop3A_1974] {strides = array<i32>} : memref<16x1024xf32, #tpu.memory_space<vmem>>, vector<16xf32>,
        %parallel_loop3A_1976 = arith.cmpf ogt, %parallel_loop3A_1975, %parallel_loop3A_1948 : vector<16xf32>
        %parallel_loop3A_1977 = arith.select %parallel_loop3A_1976, %parallel_loop3A_1975, %parallel_loop3A_1948 : vector<16xi1>, vector<16xf32>
        %parallel_loop3A_1978 = arith.select %parallel_loop3A_1976, %parallel_loop3A_1962, %parallel_loop3A_1949 : vector<16xi1>, vector<16xi32>
        %parallel_loop3A_1979 = arith.constant 2 : i32
        %parallel_loop3A_1980 = arith.index_cast %parallel_loop3A_1979 : i32 to index
        %parallel_loop3A_1981 = arith.index_cast %parallel_loop3A_1964 : i32 to index
        %parallel_loop3A_1982 = tpu.vector_load %arg9[%parallel_loop3A_1980, %parallel_loop3A_1981] {strides = array<i32>} : memref<16x1024xf32, #tpu.memory_space<vmem>>, vector<16xf32>,
        %parallel_loop3A_1983 = arith.cmpf ogt, %parallel_loop3A_1982, %parallel_loop3A_1950 : vector<16xf32>
        %parallel_loop3A_1984 = arith.select %parallel_loop3A_1983, %parallel_loop3A_1982, %parallel_loop3A_1950 : vector<16xi1>, vector<16xf32>
        %parallel_loop3A_1985 = arith.select %parallel_loop3A_1983, %parallel_loop3A_1962, %parallel_loop3A_1951 : vector<16xi1>, vector<16xi32>
        %parallel_loop3A_1986 = arith.constant 3 : i32
        %parallel_loop3A_1987 = arith.index_cast %parallel_loop3A_1986 : i32 to index
        %parallel_loop3A_1988 = arith.index_cast %parallel_loop3A_1964 : i32 to index
        %parallel_loop3A_1989 = tpu.vector_load %arg9[%parallel_loop3A_1987, %parallel_loop3A_1988] {strides = array<i32>} : memref<16x1024xf32, #tpu.memory_space<vmem>>, vector<16xf32>,
        %parallel_loop3A_1990 = arith.cmpf ogt, %parallel_loop3A_1989, %parallel_loop3A_1952 : vector<16xf32>
        %parallel_loop3A_1991 = arith.select %parallel_loop3A_1990, %parallel_loop3A_1989, %parallel_loop3A_1952 : vector<16xi1>, vector<16xf32>
        %parallel_loop3A_1992 = arith.select %parallel_loop3A_1990, %parallel_loop3A_1962, %parallel_loop3A_1953 : vector<16xi1>, vector<16xi32>
        %parallel_loop3A_1993 = arith.constant 4 : i32
        %parallel_loop3A_1994 = arith.index_cast %parallel_loop3A_1993 : i32 to index
        %parallel_loop3A_1995 = arith.index_cast %parallel_loop3A_1964 : i32 to index
        %parallel_loop3A_1996 = tpu.vector_load %arg9[%parallel_loop3A_1994, %parallel_loop3A_1995] {strides = array<i32>} : memref<16x1024xf32, #tpu.memory_space<vmem>>, vector<16xf32>,
        %parallel_loop3A_1997 = arith.cmpf ogt, %parallel_loop3A_1996, %parallel_loop3A_1954 : vector<16xf32>
        %parallel_loop3A_1998 = arith.select %parallel_loop3A_1997, %parallel_loop3A_1996, %parallel_loop3A_1954 : vector<16xi1>, vector<16xf32>
        %parallel_loop3A_1999 = arith.select %parallel_loop3A_1997, %parallel_loop3A_1962, %parallel_loop3A_1955 : vector<16xi1>, vector<16xi32>
        %parallel_loop3A_2000 = arith.constant 5 : i32
        %parallel_loop3A_2001 = arith.index_cast %parallel_loop3A_2000 : i32 to index
        %parallel_loop3A_2002 = arith.index_cast %parallel_loop3A_1964 : i32 to index
        %parallel_loop3A_2003 = tpu.vector_load %arg9[%parallel_loop3A_2001, %parallel_loop3A_2002] {strides = array<i32>} : memref<16x1024xf32, #tpu.memory_space<vmem>>, vector<16xf32>,
        %parallel_loop3A_2004 = arith.cmpf ogt, %parallel_loop3A_2003, %parallel_loop3A_1956 : vector<16xf32>
        %parallel_loop3A_2005 = arith.select %parallel_loop3A_2004, %parallel_loop3A_2003, %parallel_loop3A_1956 : vector<16xi1>, vector<16xf32>
        %parallel_loop3A_2006 = arith.select %parallel_loop3A_2004, %parallel_loop3A_1962, %parallel_loop3A_1957 : vector<16xi1>, vector<16xi32>
        %parallel_loop3A_2007 = arith.constant 6 : i32
        %parallel_loop3A_2008 = arith.index_cast %parallel_loop3A_2007 : i32 to index
        %parallel_loop3A_2009 = arith.index_cast %parallel_loop3A_1964 : i32 to index
        %parallel_loop3A_2010 = tpu.vector_load %arg9[%parallel_loop3A_2008, %parallel_loop3A_2009] {strides = array<i32>} : memref<16x1024xf32, #tpu.memory_space<vmem>>, vector<16xf32>,
        %parallel_loop3A_2011 = arith.cmpf ogt, %parallel_loop3A_2010, %parallel_loop3A_1958 : vector<16xf32>
        %parallel_loop3A_2012 = arith.select %parallel_loop3A_2011, %parallel_loop3A_2010, %parallel_loop3A_1958 : vector<16xi1>, vector<16xf32>
        %parallel_loop3A_2013 = arith.select %parallel_loop3A_2011, %parallel_loop3A_1962, %parallel_loop3A_1959 : vector<16xi1>, vector<16xi32>
        %parallel_loop3A_2014 = arith.constant 7 : i32
        %parallel_loop3A_2015 = arith.index_cast %parallel_loop3A_2014 : i32 to index
        %parallel_loop3A_2016 = arith.index_cast %parallel_loop3A_1964 : i32 to index
        %parallel_loop3A_2017 = tpu.vector_load %arg9[%parallel_loop3A_2015, %parallel_loop3A_2016] {strides = array<i32>} : memref<16x1024xf32, #tpu.memory_space<vmem>>, vector<16xf32>,
        %parallel_loop3A_2018 = arith.cmpf ogt, %parallel_loop3A_2017, %parallel_loop3A_1960 : vector<16xf32>
        %parallel_loop3A_2019 = arith.select %parallel_loop3A_2018, %parallel_loop3A_2017, %parallel_loop3A_1960 : vector<16xi1>, vector<16xf32>
        %parallel_loop3A_2020 = arith.select %parallel_loop3A_2018, %parallel_loop3A_1962, %parallel_loop3A_1961 : vector<16xi1>, vector<16xi32>
        %parallel_loop3A_2021 = arith.constant 16 : i32
        %parallel_loop3A_2022 = vector.broadcast %parallel_loop3A_2021 : i32 to vector<16xi32>
        %parallel_loop3A_2023 = arith.addi %parallel_loop3A_1962, %parallel_loop3A_2022 : vector<16xi32>
        scf.yield %parallel_loop3A_1970, %parallel_loop3A_1971, %parallel_loop3A_1977, %parallel_loop3A_1978, %parallel_loop3A_1984, %parallel_loop3A_1985, %parallel_loop3A_1991, %parallel_loop3A_1992, %parallel_loop3A_1998, %parallel_loop3A_1999, %parallel_loop3A_2005, %parallel_loop3A_2006, %parallel_loop3A_2012, %parallel_loop3A_2013, %parallel_loop3A_2019, %parallel_loop3A_2020, %parallel_loop3A_2023 : vector<16xf32>, vector<16xi32>, vector<16xf32>, vector<16xi32>, vector<16xf32>, vector<16xi32>, vector<16xf32>, vector<16xi32>, vector<16xf32>, vector<16xi32>, vector<16xf32>, vector<16xi32>, vector<16xf32>, vector<16xi32>, vector<16xf32>, vector<16xi32>, vector<16xi32>
      } {sc.loop_unroll_factor = 2 : i64, sc.parallel_access}
      %swap3A_1305 = arith.constant 0 : i32
      %swap3A_1306 = arith.index_cast %swap3A_1305 : i32 to index
      %swap3A_1307 = arith.constant 0 : index
      %swap3A_1308 = tpu.vector_load %arg11[%swap3A_1306, %swap3A_1307] {strides = array<i32>} : memref<16x17xf32, #tpu.memory_space<vmem>>, vector<16xf32>,
      tpu.vector_store %arg11[%swap3A_1306, %swap3A_1307], %parallel_loop3A_1304#0 {strides = array<i32>} : memref<16x17xf32, #tpu.memory_space<vmem>>, vector<16xf32>,
      %swap3A_1309 = arith.constant 0 : i32
      %swap3A_1310 = arith.index_cast %swap3A_1309 : i32 to index
      %swap3A_1311 = arith.constant 0 : index
      %swap3A_1312 = tpu.vector_load %arg12[%swap3A_1310, %swap3A_1311] {strides = array<i32>} : memref<16x17xi32, #tpu.memory_space<vmem>>, vector<16xi32>,
      tpu.vector_store %arg12[%swap3A_1310, %swap3A_1311], %parallel_loop3A_1304#1 {strides = array<i32>} : memref<16x17xi32, #tpu.memory_space<vmem>>, vector<16xi32>,
      %swap3A_1313 = arith.constant 1 : i32
      %swap3A_1314 = arith.index_cast %swap3A_1313 : i32 to index
      %swap3A_1315 = arith.constant 0 : index
      %swap3A_1316 = tpu.vector_load %arg11[%swap3A_1314, %swap3A_1315] {strides = array<i32>} : memref<16x17xf32, #tpu.memory_space<vmem>>, vector<16xf32>,
      tpu.vector_store %arg11[%swap3A_1314, %swap3A_1315], %parallel_loop3A_1304#2 {strides = array<i32>} : memref<16x17xf32, #tpu.memory_space<vmem>>, vector<16xf32>,
      %swap3A_1317 = arith.constant 1 : i32
      %swap3A_1318 = arith.index_cast %swap3A_1317 : i32 to index
      %swap3A_1319 = arith.constant 0 : index
      %swap3A_1320 = tpu.vector_load %arg12[%swap3A_1318, %swap3A_1319] {strides = array<i32>} : memref<16x17xi32, #tpu.memory_space<vmem>>, vector<16xi32>,
      tpu.vector_store %arg12[%swap3A_1318, %swap3A_1319], %parallel_loop3A_1304#3 {strides = array<i32>} : memref<16x17xi32, #tpu.memory_space<vmem>>, vector<16xi32>,
      %swap3A_1321 = arith.constant 2 : i32
      %swap3A_1322 = arith.index_cast %swap3A_1321 : i32 to index
      %swap3A_1323 = arith.constant 0 : index
      %swap3A_1324 = tpu.vector_load %arg11[%swap3A_1322, %swap3A_1323] {strides = array<i32>} : memref<16x17xf32, #tpu.memory_space<vmem>>, vector<16xf32>,
      tpu.vector_store %arg11[%swap3A_1322, %swap3A_1323], %parallel_loop3A_1304#4 {strides = array<i32>} : memref<16x17xf32, #tpu.memory_space<vmem>>, vector<16xf32>,
      %swap3A_1325 = arith.constant 2 : i32
      %swap3A_1326 = arith.index_cast %swap3A_1325 : i32 to index
      %swap3A_1327 = arith.constant 0 : index
      %swap3A_1328 = tpu.vector_load %arg12[%swap3A_1326, %swap3A_1327] {strides = array<i32>} : memref<16x17xi32, #tpu.memory_space<vmem>>, vector<16xi32>,
      tpu.vector_store %arg12[%swap3A_1326, %swap3A_1327], %parallel_loop3A_1304#5 {strides = array<i32>} : memref<16x17xi32, #tpu.memory_space<vmem>>, vector<16xi32>,
      %swap3A_1329 = arith.constant 3 : i32
      %swap3A_1330 = arith.index_cast %swap3A_1329 : i32 to index
      %swap3A_1331 = arith.constant 0 : index
      %swap3A_1332 = tpu.vector_load %arg11[%swap3A_1330, %swap3A_1331] {strides = array<i32>} : memref<16x17xf32, #tpu.memory_space<vmem>>, vector<16xf32>,
      tpu.vector_store %arg11[%swap3A_1330, %swap3A_1331], %parallel_loop3A_1304#6 {strides = array<i32>} : memref<16x17xf32, #tpu.memory_space<vmem>>, vector<16xf32>,
      %swap3A_1333 = arith.constant 3 : i32
      %swap3A_1334 = arith.index_cast %swap3A_1333 : i32 to index
      %swap3A_1335 = arith.constant 0 : index
      %swap3A_1336 = tpu.vector_load %arg12[%swap3A_1334, %swap3A_1335] {strides = array<i32>} : memref<16x17xi32, #tpu.memory_space<vmem>>, vector<16xi32>,
      tpu.vector_store %arg12[%swap3A_1334, %swap3A_1335], %parallel_loop3A_1304#7 {strides = array<i32>} : memref<16x17xi32, #tpu.memory_space<vmem>>, vector<16xi32>,
      %swap3A_1337 = arith.constant 4 : i32
      %swap3A_1338 = arith.index_cast %swap3A_1337 : i32 to index
      %swap3A_1339 = arith.constant 0 : index
      %swap3A_1340 = tpu.vector_load %arg11[%swap3A_1338, %swap3A_1339] {strides = array<i32>} : memref<16x17xf32, #tpu.memory_space<vmem>>, vector<16xf32>,
      tpu.vector_store %arg11[%swap3A_1338, %swap3A_1339], %parallel_loop3A_1304#8 {strides = array<i32>} : memref<16x17xf32, #tpu.memory_space<vmem>>, vector<16xf32>,
      %swap3A_1341 = arith.constant 4 : i32
      %swap3A_1342 = arith.index_cast %swap3A_1341 : i32 to index
      %swap3A_1343 = arith.constant 0 : index
      %swap3A_1344 = tpu.vector_load %arg12[%swap3A_1342, %swap3A_1343] {strides = array<i32>} : memref<16x17xi32, #tpu.memory_space<vmem>>, vector<16xi32>,
      tpu.vector_store %arg12[%swap3A_1342, %swap3A_1343], %parallel_loop3A_1304#9 {strides = array<i32>} : memref<16x17xi32, #tpu.memory_space<vmem>>, vector<16xi32>,
      %swap3A_1345 = arith.constant 5 : i32
      %swap3A_1346 = arith.index_cast %swap3A_1345 : i32 to index
      %swap3A_1347 = arith.constant 0 : index
      %swap3A_1348 = tpu.vector_load %arg11[%swap3A_1346, %swap3A_1347] {strides = array<i32>} : memref<16x17xf32, #tpu.memory_space<vmem>>, vector<16xf32>,
      tpu.vector_store %arg11[%swap3A_1346, %swap3A_1347], %parallel_loop3A_1304#10 {strides = array<i32>} : memref<16x17xf32, #tpu.memory_space<vmem>>, vector<16xf32>,
      %swap3A_1349 = arith.constant 5 : i32
      %swap3A_1350 = arith.index_cast %swap3A_1349 : i32 to index
      %swap3A_1351 = arith.constant 0 : index
      %swap3A_1352 = tpu.vector_load %arg12[%swap3A_1350, %swap3A_1351] {strides = array<i32>} : memref<16x17xi32, #tpu.memory_space<vmem>>, vector<16xi32>,
      tpu.vector_store %arg12[%swap3A_1350, %swap3A_1351], %parallel_loop3A_1304#11 {strides = array<i32>} : memref<16x17xi32, #tpu.memory_space<vmem>>, vector<16xi32>,
      %swap3A_1353 = arith.constant 6 : i32
      %swap3A_1354 = arith.index_cast %swap3A_1353 : i32 to index
      %swap3A_1355 = arith.constant 0 : index
      %swap3A_1356 = tpu.vector_load %arg11[%swap3A_1354, %swap3A_1355] {strides = array<i32>} : memref<16x17xf32, #tpu.memory_space<vmem>>, vector<16xf32>,
      tpu.vector_store %arg11[%swap3A_1354, %swap3A_1355], %parallel_loop3A_1304#12 {strides = array<i32>} : memref<16x17xf32, #tpu.memory_space<vmem>>, vector<16xf32>,
      %swap3A_1357 = arith.constant 6 : i32
      %swap3A_1358 = arith.index_cast %swap3A_1357 : i32 to index
      %swap3A_1359 = arith.constant 0 : index
      %swap3A_1360 = tpu.vector_load %arg12[%swap3A_1358, %swap3A_1359] {strides = array<i32>} : memref<16x17xi32, #tpu.memory_space<vmem>>, vector<16xi32>,
      tpu.vector_store %arg12[%swap3A_1358, %swap3A_1359], %parallel_loop3A_1304#13 {strides = array<i32>} : memref<16x17xi32, #tpu.memory_space<vmem>>, vector<16xi32>,
      %swap3A_1361 = arith.constant 7 : i32
      %swap3A_1362 = arith.index_cast %swap3A_1361 : i32 to index
      %swap3A_1363 = arith.constant 0 : index
      %swap3A_1364 = tpu.vector_load %arg11[%swap3A_1362, %swap3A_1363] {strides = array<i32>} : memref<16x17xf32, #tpu.memory_space<vmem>>, vector<16xf32>,
      tpu.vector_store %arg11[%swap3A_1362, %swap3A_1363], %parallel_loop3A_1304#14 {strides = array<i32>} : memref<16x17xf32, #tpu.memory_space<vmem>>, vector<16xf32>,
      %swap3A_1365 = arith.constant 7 : i32
      %swap3A_1366 = arith.index_cast %swap3A_1365 : i32 to index
      %swap3A_1367 = arith.constant 0 : index
      %swap3A_1368 = tpu.vector_load %arg12[%swap3A_1366, %swap3A_1367] {strides = array<i32>} : memref<16x17xi32, #tpu.memory_space<vmem>>, vector<16xi32>,
      tpu.vector_store %arg12[%swap3A_1366, %swap3A_1367], %parallel_loop3A_1304#15 {strides = array<i32>} : memref<16x17xi32, #tpu.memory_space<vmem>>, vector<16xi32>,
      %parallel_loop3A_1369 = arith.constant 0 : i32
      %parallel_loop3A_1370 = arith.constant 64 : i32
      %parallel_loop3A_1371 = arith.constant 1 : i32
      %parallel_loop3A_1372:17 = scf.for %parallel_loop3A_1945 = %parallel_loop3A_1369 to %parallel_loop3A_1370 step %parallel_loop3A_1371 iter_args(%parallel_loop3A_1946 = %broadcast_in_dim3A_638, %parallel_loop3A_1947 = %broadcast_in_dim3A_640, %parallel_loop3A_1948 = %broadcast_in_dim3A_638, %parallel_loop3A_1949 = %broadcast_in_dim3A_640, %parallel_loop3A_1950 = %broadcast_in_dim3A_638, %parallel_loop3A_1951 = %broadcast_in_dim3A_640, %parallel_loop3A_1952 = %broadcast_in_dim3A_638, %parallel_loop3A_1953 = %broadcast_in_dim3A_640, %parallel_loop3A_1954 = %broadcast_in_dim3A_638, %parallel_loop3A_1955 = %broadcast_in_dim3A_640, %parallel_loop3A_1956 = %broadcast_in_dim3A_638, %parallel_loop3A_1957 = %broadcast_in_dim3A_640, %parallel_loop3A_1958 = %broadcast_in_dim3A_638, %parallel_loop3A_1959 = %broadcast_in_dim3A_640, %parallel_loop3A_1960 = %broadcast_in_dim3A_638, %parallel_loop3A_1961 = %broadcast_in_dim3A_640, %parallel_loop3A_1962 = %iota3A) -> (vector<16xf32>, vector<16xi32>, vector<16xf32>, vector<16xi32>, vector<16xf32>, vector<16xi32>, vector<16xf32>, vector<16xi32>, vector<16xf32>, vector<16xi32>, vector<16xf32>, vector<16xi32>, vector<16xf32>, vector<16xi32>, vector<16xf32>, vector<16xi32>, vector<16xi32>)  : i32 {
        %parallel_loop3A_1963 = arith.constant 16 : i32
        %parallel_loop3A_1964 = arith.muli %parallel_loop3A_1945, %parallel_loop3A_1963 : i32
        %parallel_loop3A_1965 = arith.constant 8 : i32
        %parallel_loop3A_1966 = arith.index_cast %parallel_loop3A_1965 : i32 to index
        %parallel_loop3A_1967 = arith.index_cast %parallel_loop3A_1964 : i32 to index
        %parallel_loop3A_1968 = tpu.vector_load %arg9[%parallel_loop3A_1966, %parallel_loop3A_1967] {strides = array<i32>} : memref<16x1024xf32, #tpu.memory_space<vmem>>, vector<16xf32>,
        %parallel_loop3A_1969 = arith.cmpf ogt, %parallel_loop3A_1968, %parallel_loop3A_1946 : vector<16xf32>
        %parallel_loop3A_1970 = arith.select %parallel_loop3A_1969, %parallel_loop3A_1968, %parallel_loop3A_1946 : vector<16xi1>, vector<16xf32>
        %parallel_loop3A_1971 = arith.select %parallel_loop3A_1969, %parallel_loop3A_1962, %parallel_loop3A_1947 : vector<16xi1>, vector<16xi32>
        %parallel_loop3A_1972 = arith.constant 9 : i32
        %parallel_loop3A_1973 = arith.index_cast %parallel_loop3A_1972 : i32 to index
        %parallel_loop3A_1974 = arith.index_cast %parallel_loop3A_1964 : i32 to index
        %parallel_loop3A_1975 = tpu.vector_load %arg9[%parallel_loop3A_1973, %parallel_loop3A_1974] {strides = array<i32>} : memref<16x1024xf32, #tpu.memory_space<vmem>>, vector<16xf32>,
        %parallel_loop3A_1976 = arith.cmpf ogt, %parallel_loop3A_1975, %parallel_loop3A_1948 : vector<16xf32>
        %parallel_loop3A_1977 = arith.select %parallel_loop3A_1976, %parallel_loop3A_1975, %parallel_loop3A_1948 : vector<16xi1>, vector<16xf32>
        %parallel_loop3A_1978 = arith.select %parallel_loop3A_1976, %parallel_loop3A_1962, %parallel_loop3A_1949 : vector<16xi1>, vector<16xi32>
        %parallel_loop3A_1979 = arith.constant 10 : i32
        %parallel_loop3A_1980 = arith.index_cast %parallel_loop3A_1979 : i32 to index
        %parallel_loop3A_1981 = arith.index_cast %parallel_loop3A_1964 : i32 to index
        %parallel_loop3A_1982 = tpu.vector_load %arg9[%parallel_loop3A_1980, %parallel_loop3A_1981] {strides = array<i32>} : memref<16x1024xf32, #tpu.memory_space<vmem>>, vector<16xf32>,
        %parallel_loop3A_1983 = arith.cmpf ogt, %parallel_loop3A_1982, %parallel_loop3A_1950 : vector<16xf32>
        %parallel_loop3A_1984 = arith.select %parallel_loop3A_1983, %parallel_loop3A_1982, %parallel_loop3A_1950 : vector<16xi1>, vector<16xf32>
        %parallel_loop3A_1985 = arith.select %parallel_loop3A_1983, %parallel_loop3A_1962, %parallel_loop3A_1951 : vector<16xi1>, vector<16xi32>
        %parallel_loop3A_1986 = arith.constant 11 : i32
        %parallel_loop3A_1987 = arith.index_cast %parallel_loop3A_1986 : i32 to index
        %parallel_loop3A_1988 = arith.index_cast %parallel_loop3A_1964 : i32 to index
        %parallel_loop3A_1989 = tpu.vector_load %arg9[%parallel_loop3A_1987, %parallel_loop3A_1988] {strides = array<i32>} : memref<16x1024xf32, #tpu.memory_space<vmem>>, vector<16xf32>,
        %parallel_loop3A_1990 = arith.cmpf ogt, %parallel_loop3A_1989, %parallel_loop3A_1952 : vector<16xf32>
        %parallel_loop3A_1991 = arith.select %parallel_loop3A_1990, %parallel_loop3A_1989, %parallel_loop3A_1952 : vector<16xi1>, vector<16xf32>
        %parallel_loop3A_1992 = arith.select %parallel_loop3A_1990, %parallel_loop3A_1962, %parallel_loop3A_1953 : vector<16xi1>, vector<16xi32>
        %parallel_loop3A_1993 = arith.constant 12 : i32
        %parallel_loop3A_1994 = arith.index_cast %parallel_loop3A_1993 : i32 to index
        %parallel_loop3A_1995 = arith.index_cast %parallel_loop3A_1964 : i32 to index
        %parallel_loop3A_1996 = tpu.vector_load %arg9[%parallel_loop3A_1994, %parallel_loop3A_1995] {strides = array<i32>} : memref<16x1024xf32, #tpu.memory_space<vmem>>, vector<16xf32>,
        %parallel_loop3A_1997 = arith.cmpf ogt, %parallel_loop3A_1996, %parallel_loop3A_1954 : vector<16xf32>
        %parallel_loop3A_1998 = arith.select %parallel_loop3A_1997, %parallel_loop3A_1996, %parallel_loop3A_1954 : vector<16xi1>, vector<16xf32>
        %parallel_loop3A_1999 = arith.select %parallel_loop3A_1997, %parallel_loop3A_1962, %parallel_loop3A_1955 : vector<16xi1>, vector<16xi32>
        %parallel_loop3A_2000 = arith.constant 13 : i32
        %parallel_loop3A_2001 = arith.index_cast %parallel_loop3A_2000 : i32 to index
        %parallel_loop3A_2002 = arith.index_cast %parallel_loop3A_1964 : i32 to index
        %parallel_loop3A_2003 = tpu.vector_load %arg9[%parallel_loop3A_2001, %parallel_loop3A_2002] {strides = array<i32>} : memref<16x1024xf32, #tpu.memory_space<vmem>>, vector<16xf32>,
        %parallel_loop3A_2004 = arith.cmpf ogt, %parallel_loop3A_2003, %parallel_loop3A_1956 : vector<16xf32>
        %parallel_loop3A_2005 = arith.select %parallel_loop3A_2004, %parallel_loop3A_2003, %parallel_loop3A_1956 : vector<16xi1>, vector<16xf32>
        %parallel_loop3A_2006 = arith.select %parallel_loop3A_2004, %parallel_loop3A_1962, %parallel_loop3A_1957 : vector<16xi1>, vector<16xi32>
        %parallel_loop3A_2007 = arith.constant 14 : i32
        %parallel_loop3A_2008 = arith.index_cast %parallel_loop3A_2007 : i32 to index
        %parallel_loop3A_2009 = arith.index_cast %parallel_loop3A_1964 : i32 to index
        %parallel_loop3A_2010 = tpu.vector_load %arg9[%parallel_loop3A_2008, %parallel_loop3A_2009] {strides = array<i32>} : memref<16x1024xf32, #tpu.memory_space<vmem>>, vector<16xf32>,
        %parallel_loop3A_2011 = arith.cmpf ogt, %parallel_loop3A_2010, %parallel_loop3A_1958 : vector<16xf32>
        %parallel_loop3A_2012 = arith.select %parallel_loop3A_2011, %parallel_loop3A_2010, %parallel_loop3A_1958 : vector<16xi1>, vector<16xf32>
        %parallel_loop3A_2013 = arith.select %parallel_loop3A_2011, %parallel_loop3A_1962, %parallel_loop3A_1959 : vector<16xi1>, vector<16xi32>
        %parallel_loop3A_2014 = arith.constant 15 : i32
        %parallel_loop3A_2015 = arith.index_cast %parallel_loop3A_2014 : i32 to index
        %parallel_loop3A_2016 = arith.index_cast %parallel_loop3A_1964 : i32 to index
        %parallel_loop3A_2017 = tpu.vector_load %arg9[%parallel_loop3A_2015, %parallel_loop3A_2016] {strides = array<i32>} : memref<16x1024xf32, #tpu.memory_space<vmem>>, vector<16xf32>,
        %parallel_loop3A_2018 = arith.cmpf ogt, %parallel_loop3A_2017, %parallel_loop3A_1960 : vector<16xf32>
        %parallel_loop3A_2019 = arith.select %parallel_loop3A_2018, %parallel_loop3A_2017, %parallel_loop3A_1960 : vector<16xi1>, vector<16xf32>
        %parallel_loop3A_2020 = arith.select %parallel_loop3A_2018, %parallel_loop3A_1962, %parallel_loop3A_1961 : vector<16xi1>, vector<16xi32>
        %parallel_loop3A_2021 = arith.constant 16 : i32
        %parallel_loop3A_2022 = vector.broadcast %parallel_loop3A_2021 : i32 to vector<16xi32>
        %parallel_loop3A_2023 = arith.addi %parallel_loop3A_1962, %parallel_loop3A_2022 : vector<16xi32>
        scf.yield %parallel_loop3A_1970, %parallel_loop3A_1971, %parallel_loop3A_1977, %parallel_loop3A_1978, %parallel_loop3A_1984, %parallel_loop3A_1985, %parallel_loop3A_1991, %parallel_loop3A_1992, %parallel_loop3A_1998, %parallel_loop3A_1999, %parallel_loop3A_2005, %parallel_loop3A_2006, %parallel_loop3A_2012, %parallel_loop3A_2013, %parallel_loop3A_2019, %parallel_loop3A_2020, %parallel_loop3A_2023 : vector<16xf32>, vector<16xi32>, vector<16xf32>, vector<16xi32>, vector<16xf32>, vector<16xi32>, vector<16xf32>, vector<16xi32>, vector<16xf32>, vector<16xi32>, vector<16xf32>, vector<16xi32>, vector<16xf32>, vector<16xi32>, vector<16xf32>, vector<16xi32>, vector<16xi32>
      } {sc.loop_unroll_factor = 2 : i64, sc.parallel_access}
      %swap3A_1373 = arith.constant 8 : i32
      %swap3A_1374 = arith.index_cast %swap3A_1373 : i32 to index
      %swap3A_1375 = arith.constant 0 : index
      %swap3A_1376 = tpu.vector_load %arg11[%swap3A_1374, %swap3A_1375] {strides = array<i32>} : memref<16x17xf32, #tpu.memory_space<vmem>>, vector<16xf32>,
      tpu.vector_store %arg11[%swap3A_1374, %swap3A_1375], %parallel_loop3A_1372#0 {strides = array<i32>} : memref<16x17xf32, #tpu.memory_space<vmem>>, vector<16xf32>,
      %swap3A_1377 = arith.constant 8 : i32
      %swap3A_1378 = arith.index_cast %swap3A_1377 : i32 to index
      %swap3A_1379 = arith.constant 0 : index
      %swap3A_1380 = tpu.vector_load %arg12[%swap3A_1378, %swap3A_1379] {strides = array<i32>} : memref<16x17xi32, #tpu.memory_space<vmem>>, vector<16xi32>,
      tpu.vector_store %arg12[%swap3A_1378, %swap3A_1379], %parallel_loop3A_1372#1 {strides = array<i32>} : memref<16x17xi32, #tpu.memory_space<vmem>>, vector<16xi32>,
      %swap3A_1381 = arith.constant 9 : i32
      %swap3A_1382 = arith.index_cast %swap3A_1381 : i32 to index
      %swap3A_1383 = arith.constant 0 : index
      %swap3A_1384 = tpu.vector_load %arg11[%swap3A_1382, %swap3A_1383] {strides = array<i32>} : memref<16x17xf32, #tpu.memory_space<vmem>>, vector<16xf32>,
      tpu.vector_store %arg11[%swap3A_1382, %swap3A_1383], %parallel_loop3A_1372#2 {strides = array<i32>} : memref<16x17xf32, #tpu.memory_space<vmem>>, vector<16xf32>,
      %swap3A_1385 = arith.constant 9 : i32
      %swap3A_1386 = arith.index_cast %swap3A_1385 : i32 to index
      %swap3A_1387 = arith.constant 0 : index
      %swap3A_1388 = tpu.vector_load %arg12[%swap3A_1386, %swap3A_1387] {strides = array<i32>} : memref<16x17xi32, #tpu.memory_space<vmem>>, vector<16xi32>,
      tpu.vector_store %arg12[%swap3A_1386, %swap3A_1387], %parallel_loop3A_1372#3 {strides = array<i32>} : memref<16x17xi32, #tpu.memory_space<vmem>>, vector<16xi32>,
      %swap3A_1389 = arith.constant 10 : i32
      %swap3A_1390 = arith.index_cast %swap3A_1389 : i32 to index
      %swap3A_1391 = arith.constant 0 : index
      %swap3A_1392 = tpu.vector_load %arg11[%swap3A_1390, %swap3A_1391] {strides = array<i32>} : memref<16x17xf32, #tpu.memory_space<vmem>>, vector<16xf32>,
      tpu.vector_store %arg11[%swap3A_1390, %swap3A_1391], %parallel_loop3A_1372#4 {strides = array<i32>} : memref<16x17xf32, #tpu.memory_space<vmem>>, vector<16xf32>,
      %swap3A_1393 = arith.constant 10 : i32
      %swap3A_1394 = arith.index_cast %swap3A_1393 : i32 to index
      %swap3A_1395 = arith.constant 0 : index
      %swap3A_1396 = tpu.vector_load %arg12[%swap3A_1394, %swap3A_1395] {strides = array<i32>} : memref<16x17xi32, #tpu.memory_space<vmem>>, vector<16xi32>,
      tpu.vector_store %arg12[%swap3A_1394, %swap3A_1395], %parallel_loop3A_1372#5 {strides = array<i32>} : memref<16x17xi32, #tpu.memory_space<vmem>>, vector<16xi32>,
      %swap3A_1397 = arith.constant 11 : i32
      %swap3A_1398 = arith.index_cast %swap3A_1397 : i32 to index
      %swap3A_1399 = arith.constant 0 : index
      %swap3A_1400 = tpu.vector_load %arg11[%swap3A_1398, %swap3A_1399] {strides = array<i32>} : memref<16x17xf32, #tpu.memory_space<vmem>>, vector<16xf32>,
      tpu.vector_store %arg11[%swap3A_1398, %swap3A_1399], %parallel_loop3A_1372#6 {strides = array<i32>} : memref<16x17xf32, #tpu.memory_space<vmem>>, vector<16xf32>,
      %swap3A_1401 = arith.constant 11 : i32
      %swap3A_1402 = arith.index_cast %swap3A_1401 : i32 to index
      %swap3A_1403 = arith.constant 0 : index
      %swap3A_1404 = tpu.vector_load %arg12[%swap3A_1402, %swap3A_1403] {strides = array<i32>} : memref<16x17xi32, #tpu.memory_space<vmem>>, vector<16xi32>,
      tpu.vector_store %arg12[%swap3A_1402, %swap3A_1403], %parallel_loop3A_1372#7 {strides = array<i32>} : memref<16x17xi32, #tpu.memory_space<vmem>>, vector<16xi32>,
      %swap3A_1405 = arith.constant 12 : i32
      %swap3A_1406 = arith.index_cast %swap3A_1405 : i32 to index
      %swap3A_1407 = arith.constant 0 : index
      %swap3A_1408 = tpu.vector_load %arg11[%swap3A_1406, %swap3A_1407] {strides = array<i32>} : memref<16x17xf32, #tpu.memory_space<vmem>>, vector<16xf32>,
      tpu.vector_store %arg11[%swap3A_1406, %swap3A_1407], %parallel_loop3A_1372#8 {strides = array<i32>} : memref<16x17xf32, #tpu.memory_space<vmem>>, vector<16xf32>,
      %swap3A_1409 = arith.constant 12 : i32
      %swap3A_1410 = arith.index_cast %swap3A_1409 : i32 to index
      %swap3A_1411 = arith.constant 0 : index
      %swap3A_1412 = tpu.vector_load %arg12[%swap3A_1410, %swap3A_1411] {strides = array<i32>} : memref<16x17xi32, #tpu.memory_space<vmem>>, vector<16xi32>,
      tpu.vector_store %arg12[%swap3A_1410, %swap3A_1411], %parallel_loop3A_1372#9 {strides = array<i32>} : memref<16x17xi32, #tpu.memory_space<vmem>>, vector<16xi32>,
      %swap3A_1413 = arith.constant 13 : i32
      %swap3A_1414 = arith.index_cast %swap3A_1413 : i32 to index
      %swap3A_1415 = arith.constant 0 : index
      %swap3A_1416 = tpu.vector_load %arg11[%swap3A_1414, %swap3A_1415] {strides = array<i32>} : memref<16x17xf32, #tpu.memory_space<vmem>>, vector<16xf32>,
      tpu.vector_store %arg11[%swap3A_1414, %swap3A_1415], %parallel_loop3A_1372#10 {strides = array<i32>} : memref<16x17xf32, #tpu.memory_space<vmem>>, vector<16xf32>,
      %swap3A_1417 = arith.constant 13 : i32
      %swap3A_1418 = arith.index_cast %swap3A_1417 : i32 to index
      %swap3A_1419 = arith.constant 0 : index
      %swap3A_1420 = tpu.vector_load %arg12[%swap3A_1418, %swap3A_1419] {strides = array<i32>} : memref<16x17xi32, #tpu.memory_space<vmem>>, vector<16xi32>,
      tpu.vector_store %arg12[%swap3A_1418, %swap3A_1419], %parallel_loop3A_1372#11 {strides = array<i32>} : memref<16x17xi32, #tpu.memory_space<vmem>>, vector<16xi32>,
      %swap3A_1421 = arith.constant 14 : i32
      %swap3A_1422 = arith.index_cast %swap3A_1421 : i32 to index
      %swap3A_1423 = arith.constant 0 : index
      %swap3A_1424 = tpu.vector_load %arg11[%swap3A_1422, %swap3A_1423] {strides = array<i32>} : memref<16x17xf32, #tpu.memory_space<vmem>>, vector<16xf32>,
      tpu.vector_store %arg11[%swap3A_1422, %swap3A_1423], %parallel_loop3A_1372#12 {strides = array<i32>} : memref<16x17xf32, #tpu.memory_space<vmem>>, vector<16xf32>,
      %swap3A_1425 = arith.constant 14 : i32
      %swap3A_1426 = arith.index_cast %swap3A_1425 : i32 to index
      %swap3A_1427 = arith.constant 0 : index
      %swap3A_1428 = tpu.vector_load %arg12[%swap3A_1426, %swap3A_1427] {strides = array<i32>} : memref<16x17xi32, #tpu.memory_space<vmem>>, vector<16xi32>,
      tpu.vector_store %arg12[%swap3A_1426, %swap3A_1427], %parallel_loop3A_1372#13 {strides = array<i32>} : memref<16x17xi32, #tpu.memory_space<vmem>>, vector<16xi32>,
      %swap3A_1429 = arith.constant 15 : i32
      %swap3A_1430 = arith.index_cast %swap3A_1429 : i32 to index
      %swap3A_1431 = arith.constant 0 : index
      %swap3A_1432 = tpu.vector_load %arg11[%swap3A_1430, %swap3A_1431] {strides = array<i32>} : memref<16x17xf32, #tpu.memory_space<vmem>>, vector<16xf32>,
      tpu.vector_store %arg11[%swap3A_1430, %swap3A_1431], %parallel_loop3A_1372#14 {strides = array<i32>} : memref<16x17xf32, #tpu.memory_space<vmem>>, vector<16xf32>,
      %swap3A_1433 = arith.constant 15 : i32
      %swap3A_1434 = arith.index_cast %swap3A_1433 : i32 to index
      %swap3A_1435 = arith.constant 0 : index
      %swap3A_1436 = tpu.vector_load %arg12[%swap3A_1434, %swap3A_1435] {strides = array<i32>} : memref<16x17xi32, #tpu.memory_space<vmem>>, vector<16xi32>,
      tpu.vector_store %arg12[%swap3A_1434, %swap3A_1435], %parallel_loop3A_1372#15 {strides = array<i32>} : memref<16x17xi32, #tpu.memory_space<vmem>>, vector<16xi32>,
      %broadcast_in_dim3A_1437 = arith.constant 0 : i32
      %broadcast_in_dim3A_1438 = vector.broadcast %broadcast_in_dim3A_1437 : i32 to vector<16xi32>
      %gather3A_1439 = tpu.vector_load_idx %arg11[%iota3A, %broadcast_in_dim3A_1438] : memref<16x17xf32, #tpu.memory_space<vmem>>[vector<16xi32>, vector<16xi32>], vector<16xf32>,
      %gather3A_1440 = tpu.vector_load_idx %arg12[%iota3A, %broadcast_in_dim3A_1438] : memref<16x17xi32, #tpu.memory_space<vmem>>[vector<16xi32>, vector<16xi32>], vector<16xi32>,
      %broadcast_in_dim3A_1441 = arith.constant 1 : i32
      %broadcast_in_dim3A_1442 = vector.broadcast %broadcast_in_dim3A_1441 : i32 to vector<16xi32>
      %gather3A_1443 = tpu.vector_load_idx %arg11[%iota3A, %broadcast_in_dim3A_1442] : memref<16x17xf32, #tpu.memory_space<vmem>>[vector<16xi32>, vector<16xi32>], vector<16xf32>,
      %gather3A_1444 = tpu.vector_load_idx %arg12[%iota3A, %broadcast_in_dim3A_1442] : memref<16x17xi32, #tpu.memory_space<vmem>>[vector<16xi32>, vector<16xi32>], vector<16xi32>,
      %broadcast_in_dim3A_1445 = arith.constant 2 : i32
      %broadcast_in_dim3A_1446 = vector.broadcast %broadcast_in_dim3A_1445 : i32 to vector<16xi32>
      %gather3A_1447 = tpu.vector_load_idx %arg11[%iota3A, %broadcast_in_dim3A_1446] : memref<16x17xf32, #tpu.memory_space<vmem>>[vector<16xi32>, vector<16xi32>], vector<16xf32>,
      %gather3A_1448 = tpu.vector_load_idx %arg12[%iota3A, %broadcast_in_dim3A_1446] : memref<16x17xi32, #tpu.memory_space<vmem>>[vector<16xi32>, vector<16xi32>], vector<16xi32>,
      %broadcast_in_dim3A_1449 = arith.constant 3 : i32
      %broadcast_in_dim3A_1450 = vector.broadcast %broadcast_in_dim3A_1449 : i32 to vector<16xi32>
      %gather3A_1451 = tpu.vector_load_idx %arg11[%iota3A, %broadcast_in_dim3A_1450] : memref<16x17xf32, #tpu.memory_space<vmem>>[vector<16xi32>, vector<16xi32>], vector<16xf32>,
      %gather3A_1452 = tpu.vector_load_idx %arg12[%iota3A, %broadcast_in_dim3A_1450] : memref<16x17xi32, #tpu.memory_space<vmem>>[vector<16xi32>, vector<16xi32>], vector<16xi32>,
      %broadcast_in_dim3A_1453 = arith.constant 4 : i32
      %broadcast_in_dim3A_1454 = vector.broadcast %broadcast_in_dim3A_1453 : i32 to vector<16xi32>
      %gather3A_1455 = tpu.vector_load_idx %arg11[%iota3A, %broadcast_in_dim3A_1454] : memref<16x17xf32, #tpu.memory_space<vmem>>[vector<16xi32>, vector<16xi32>], vector<16xf32>,
      %gather3A_1456 = tpu.vector_load_idx %arg12[%iota3A, %broadcast_in_dim3A_1454] : memref<16x17xi32, #tpu.memory_space<vmem>>[vector<16xi32>, vector<16xi32>], vector<16xi32>,
      %broadcast_in_dim3A_1457 = arith.constant 5 : i32
      %broadcast_in_dim3A_1458 = vector.broadcast %broadcast_in_dim3A_1457 : i32 to vector<16xi32>
      %gather3A_1459 = tpu.vector_load_idx %arg11[%iota3A, %broadcast_in_dim3A_1458] : memref<16x17xf32, #tpu.memory_space<vmem>>[vector<16xi32>, vector<16xi32>], vector<16xf32>,
      %gather3A_1460 = tpu.vector_load_idx %arg12[%iota3A, %broadcast_in_dim3A_1458] : memref<16x17xi32, #tpu.memory_space<vmem>>[vector<16xi32>, vector<16xi32>], vector<16xi32>,
      %broadcast_in_dim3A_1461 = arith.constant 6 : i32
      %broadcast_in_dim3A_1462 = vector.broadcast %broadcast_in_dim3A_1461 : i32 to vector<16xi32>
      %gather3A_1463 = tpu.vector_load_idx %arg11[%iota3A, %broadcast_in_dim3A_1462] : memref<16x17xf32, #tpu.memory_space<vmem>>[vector<16xi32>, vector<16xi32>], vector<16xf32>,
      %gather3A_1464 = tpu.vector_load_idx %arg12[%iota3A, %broadcast_in_dim3A_1462] : memref<16x17xi32, #tpu.memory_space<vmem>>[vector<16xi32>, vector<16xi32>], vector<16xi32>,
      %broadcast_in_dim3A_1465 = arith.constant 7 : i32
      %broadcast_in_dim3A_1466 = vector.broadcast %broadcast_in_dim3A_1465 : i32 to vector<16xi32>
      %gather3A_1467 = tpu.vector_load_idx %arg11[%iota3A, %broadcast_in_dim3A_1466] : memref<16x17xf32, #tpu.memory_space<vmem>>[vector<16xi32>, vector<16xi32>], vector<16xf32>,
      %gather3A_1468 = tpu.vector_load_idx %arg12[%iota3A, %broadcast_in_dim3A_1466] : memref<16x17xi32, #tpu.memory_space<vmem>>[vector<16xi32>, vector<16xi32>], vector<16xi32>,
      %broadcast_in_dim3A_1469 = arith.constant 8 : i32
      %broadcast_in_dim3A_1470 = vector.broadcast %broadcast_in_dim3A_1469 : i32 to vector<16xi32>
      %gather3A_1471 = tpu.vector_load_idx %arg11[%iota3A, %broadcast_in_dim3A_1470] : memref<16x17xf32, #tpu.memory_space<vmem>>[vector<16xi32>, vector<16xi32>], vector<16xf32>,
      %gather3A_1472 = tpu.vector_load_idx %arg12[%iota3A, %broadcast_in_dim3A_1470] : memref<16x17xi32, #tpu.memory_space<vmem>>[vector<16xi32>, vector<16xi32>], vector<16xi32>,
      %broadcast_in_dim3A_1473 = arith.constant 9 : i32
      %broadcast_in_dim3A_1474 = vector.broadcast %broadcast_in_dim3A_1473 : i32 to vector<16xi32>
      %gather3A_1475 = tpu.vector_load_idx %arg11[%iota3A, %broadcast_in_dim3A_1474] : memref<16x17xf32, #tpu.memory_space<vmem>>[vector<16xi32>, vector<16xi32>], vector<16xf32>,
      %gather3A_1476 = tpu.vector_load_idx %arg12[%iota3A, %broadcast_in_dim3A_1474] : memref<16x17xi32, #tpu.memory_space<vmem>>[vector<16xi32>, vector<16xi32>], vector<16xi32>,
      %broadcast_in_dim3A_1477 = arith.constant 10 : i32
      %broadcast_in_dim3A_1478 = vector.broadcast %broadcast_in_dim3A_1477 : i32 to vector<16xi32>
      %gather3A_1479 = tpu.vector_load_idx %arg11[%iota3A, %broadcast_in_dim3A_1478] : memref<16x17xf32, #tpu.memory_space<vmem>>[vector<16xi32>, vector<16xi32>], vector<16xf32>,
      %gather3A_1480 = tpu.vector_load_idx %arg12[%iota3A, %broadcast_in_dim3A_1478] : memref<16x17xi32, #tpu.memory_space<vmem>>[vector<16xi32>, vector<16xi32>], vector<16xi32>,
      %broadcast_in_dim3A_1481 = arith.constant 11 : i32
      %broadcast_in_dim3A_1482 = vector.broadcast %broadcast_in_dim3A_1481 : i32 to vector<16xi32>
      %gather3A_1483 = tpu.vector_load_idx %arg11[%iota3A, %broadcast_in_dim3A_1482] : memref<16x17xf32, #tpu.memory_space<vmem>>[vector<16xi32>, vector<16xi32>], vector<16xf32>,
      %gather3A_1484 = tpu.vector_load_idx %arg12[%iota3A, %broadcast_in_dim3A_1482] : memref<16x17xi32, #tpu.memory_space<vmem>>[vector<16xi32>, vector<16xi32>], vector<16xi32>,
      %broadcast_in_dim3A_1485 = arith.constant 12 : i32
      %broadcast_in_dim3A_1486 = vector.broadcast %broadcast_in_dim3A_1485 : i32 to vector<16xi32>
      %gather3A_1487 = tpu.vector_load_idx %arg11[%iota3A, %broadcast_in_dim3A_1486] : memref<16x17xf32, #tpu.memory_space<vmem>>[vector<16xi32>, vector<16xi32>], vector<16xf32>,
      %gather3A_1488 = tpu.vector_load_idx %arg12[%iota3A, %broadcast_in_dim3A_1486] : memref<16x17xi32, #tpu.memory_space<vmem>>[vector<16xi32>, vector<16xi32>], vector<16xi32>,
      %broadcast_in_dim3A_1489 = arith.constant 13 : i32
      %broadcast_in_dim3A_1490 = vector.broadcast %broadcast_in_dim3A_1489 : i32 to vector<16xi32>
      %gather3A_1491 = tpu.vector_load_idx %arg11[%iota3A, %broadcast_in_dim3A_1490] : memref<16x17xf32, #tpu.memory_space<vmem>>[vector<16xi32>, vector<16xi32>], vector<16xf32>,
      %gather3A_1492 = tpu.vector_load_idx %arg12[%iota3A, %broadcast_in_dim3A_1490] : memref<16x17xi32, #tpu.memory_space<vmem>>[vector<16xi32>, vector<16xi32>], vector<16xi32>,
      %broadcast_in_dim3A_1493 = arith.constant 14 : i32
      %broadcast_in_dim3A_1494 = vector.broadcast %broadcast_in_dim3A_1493 : i32 to vector<16xi32>
      %gather3A_1495 = tpu.vector_load_idx %arg11[%iota3A, %broadcast_in_dim3A_1494] : memref<16x17xf32, #tpu.memory_space<vmem>>[vector<16xi32>, vector<16xi32>], vector<16xf32>,
      %gather3A_1496 = tpu.vector_load_idx %arg12[%iota3A, %broadcast_in_dim3A_1494] : memref<16x17xi32, #tpu.memory_space<vmem>>[vector<16xi32>, vector<16xi32>], vector<16xi32>,
      %broadcast_in_dim3A_1497 = arith.constant 15 : i32
      %broadcast_in_dim3A_1498 = vector.broadcast %broadcast_in_dim3A_1497 : i32 to vector<16xi32>
      %gather3A_1499 = tpu.vector_load_idx %arg11[%iota3A, %broadcast_in_dim3A_1498] : memref<16x17xf32, #tpu.memory_space<vmem>>[vector<16xi32>, vector<16xi32>], vector<16xf32>,
      %gather3A_1500 = tpu.vector_load_idx %arg12[%iota3A, %broadcast_in_dim3A_1498] : memref<16x17xi32, #tpu.memory_space<vmem>>[vector<16xi32>, vector<16xi32>], vector<16xi32>,
      %gt3A_1501 = arith.cmpf ogt, %gather3A_1443, %gather3A_1439 : vector<16xf32>
      %eq3A_1502 = arith.cmpf oeq, %gather3A_1443, %gather3A_1439 : vector<16xf32>
      %lt3A_1503 = arith.cmpi slt, %gather3A_1444, %gather3A_1440 : vector<16xi32>
      %and3A_1504 = arith.andi %eq3A_1502, %lt3A_1503 : vector<16xi1>
      %or3A_1505 = arith.ori %gt3A_1501, %and3A_1504 : vector<16xi1>
      %select_n3A_1506 = arith.select %or3A_1505, %gather3A_1443, %gather3A_1439 : vector<16xi1>, vector<16xf32>
      %select_n3A_1507 = arith.select %or3A_1505, %gather3A_1444, %gather3A_1440 : vector<16xi1>, vector<16xi32>
      %gt3A_1508 = arith.cmpf ogt, %gather3A_1451, %gather3A_1447 : vector<16xf32>
      %eq3A_1509 = arith.cmpf oeq, %gather3A_1451, %gather3A_1447 : vector<16xf32>
      %lt3A_1510 = arith.cmpi slt, %gather3A_1452, %gather3A_1448 : vector<16xi32>
      %and3A_1511 = arith.andi %eq3A_1509, %lt3A_1510 : vector<16xi1>
      %or3A_1512 = arith.ori %gt3A_1508, %and3A_1511 : vector<16xi1>
      %select_n3A_1513 = arith.select %or3A_1512, %gather3A_1451, %gather3A_1447 : vector<16xi1>, vector<16xf32>
      %select_n3A_1514 = arith.select %or3A_1512, %gather3A_1452, %gather3A_1448 : vector<16xi1>, vector<16xi32>
      %gt3A_1515 = arith.cmpf ogt, %gather3A_1459, %gather3A_1455 : vector<16xf32>
      %eq3A_1516 = arith.cmpf oeq, %gather3A_1459, %gather3A_1455 : vector<16xf32>
      %lt3A_1517 = arith.cmpi slt, %gather3A_1460, %gather3A_1456 : vector<16xi32>
      %and3A_1518 = arith.andi %eq3A_1516, %lt3A_1517 : vector<16xi1>
      %or3A_1519 = arith.ori %gt3A_1515, %and3A_1518 : vector<16xi1>
      %select_n3A_1520 = arith.select %or3A_1519, %gather3A_1459, %gather3A_1455 : vector<16xi1>, vector<16xf32>
      %select_n3A_1521 = arith.select %or3A_1519, %gather3A_1460, %gather3A_1456 : vector<16xi1>, vector<16xi32>
      %gt3A_1522 = arith.cmpf ogt, %gather3A_1467, %gather3A_1463 : vector<16xf32>
      %eq3A_1523 = arith.cmpf oeq, %gather3A_1467, %gather3A_1463 : vector<16xf32>
      %lt3A_1524 = arith.cmpi slt, %gather3A_1468, %gather3A_1464 : vector<16xi32>
      %and3A_1525 = arith.andi %eq3A_1523, %lt3A_1524 : vector<16xi1>
      %or3A_1526 = arith.ori %gt3A_1522, %and3A_1525 : vector<16xi1>
      %select_n3A_1527 = arith.select %or3A_1526, %gather3A_1467, %gather3A_1463 : vector<16xi1>, vector<16xf32>
      %select_n3A_1528 = arith.select %or3A_1526, %gather3A_1468, %gather3A_1464 : vector<16xi1>, vector<16xi32>
      %gt3A_1529 = arith.cmpf ogt, %gather3A_1475, %gather3A_1471 : vector<16xf32>
      %eq3A_1530 = arith.cmpf oeq, %gather3A_1475, %gather3A_1471 : vector<16xf32>
      %lt3A_1531 = arith.cmpi slt, %gather3A_1476, %gather3A_1472 : vector<16xi32>
      %and3A_1532 = arith.andi %eq3A_1530, %lt3A_1531 : vector<16xi1>
      %or3A_1533 = arith.ori %gt3A_1529, %and3A_1532 : vector<16xi1>
      %select_n3A_1534 = arith.select %or3A_1533, %gather3A_1475, %gather3A_1471 : vector<16xi1>, vector<16xf32>
      %select_n3A_1535 = arith.select %or3A_1533, %gather3A_1476, %gather3A_1472 : vector<16xi1>, vector<16xi32>
      %gt3A_1536 = arith.cmpf ogt, %gather3A_1483, %gather3A_1479 : vector<16xf32>
      %eq3A_1537 = arith.cmpf oeq, %gather3A_1483, %gather3A_1479 : vector<16xf32>
      %lt3A_1538 = arith.cmpi slt, %gather3A_1484, %gather3A_1480 : vector<16xi32>
      %and3A_1539 = arith.andi %eq3A_1537, %lt3A_1538 : vector<16xi1>
      %or3A_1540 = arith.ori %gt3A_1536, %and3A_1539 : vector<16xi1>
      %select_n3A_1541 = arith.select %or3A_1540, %gather3A_1483, %gather3A_1479 : vector<16xi1>, vector<16xf32>
      %select_n3A_1542 = arith.select %or3A_1540, %gather3A_1484, %gather3A_1480 : vector<16xi1>, vector<16xi32>
      %gt3A_1543 = arith.cmpf ogt, %gather3A_1491, %gather3A_1487 : vector<16xf32>
      %eq3A_1544 = arith.cmpf oeq, %gather3A_1491, %gather3A_1487 : vector<16xf32>
      %lt3A_1545 = arith.cmpi slt, %gather3A_1492, %gather3A_1488 : vector<16xi32>
      %and3A_1546 = arith.andi %eq3A_1544, %lt3A_1545 : vector<16xi1>
      %or3A_1547 = arith.ori %gt3A_1543, %and3A_1546 : vector<16xi1>
      %select_n3A_1548 = arith.select %or3A_1547, %gather3A_1491, %gather3A_1487 : vector<16xi1>, vector<16xf32>
      %select_n3A_1549 = arith.select %or3A_1547, %gather3A_1492, %gather3A_1488 : vector<16xi1>, vector<16xi32>
      %gt3A_1550 = arith.cmpf ogt, %gather3A_1499, %gather3A_1495 : vector<16xf32>
      %eq3A_1551 = arith.cmpf oeq, %gather3A_1499, %gather3A_1495 : vector<16xf32>
      %lt3A_1552 = arith.cmpi slt, %gather3A_1500, %gather3A_1496 : vector<16xi32>
      %and3A_1553 = arith.andi %eq3A_1551, %lt3A_1552 : vector<16xi1>
      %or3A_1554 = arith.ori %gt3A_1550, %and3A_1553 : vector<16xi1>
      %select_n3A_1555 = arith.select %or3A_1554, %gather3A_1499, %gather3A_1495 : vector<16xi1>, vector<16xf32>
      %select_n3A_1556 = arith.select %or3A_1554, %gather3A_1500, %gather3A_1496 : vector<16xi1>, vector<16xi32>
      %gt3A_1557 = arith.cmpf ogt, %select_n3A_1513, %select_n3A_1506 : vector<16xf32>
      %eq3A_1558 = arith.cmpf oeq, %select_n3A_1513, %select_n3A_1506 : vector<16xf32>
      %lt3A_1559 = arith.cmpi slt, %select_n3A_1514, %select_n3A_1507 : vector<16xi32>
      %and3A_1560 = arith.andi %eq3A_1558, %lt3A_1559 : vector<16xi1>
      %or3A_1561 = arith.ori %gt3A_1557, %and3A_1560 : vector<16xi1>
      %select_n3A_1562 = arith.select %or3A_1561, %select_n3A_1513, %select_n3A_1506 : vector<16xi1>, vector<16xf32>
      %select_n3A_1563 = arith.select %or3A_1561, %select_n3A_1514, %select_n3A_1507 : vector<16xi1>, vector<16xi32>
      %gt3A_1564 = arith.cmpf ogt, %select_n3A_1527, %select_n3A_1520 : vector<16xf32>
      %eq3A_1565 = arith.cmpf oeq, %select_n3A_1527, %select_n3A_1520 : vector<16xf32>
      %lt3A_1566 = arith.cmpi slt, %select_n3A_1528, %select_n3A_1521 : vector<16xi32>
      %and3A_1567 = arith.andi %eq3A_1565, %lt3A_1566 : vector<16xi1>
      %or3A_1568 = arith.ori %gt3A_1564, %and3A_1567 : vector<16xi1>
      %select_n3A_1569 = arith.select %or3A_1568, %select_n3A_1527, %select_n3A_1520 : vector<16xi1>, vector<16xf32>
      %select_n3A_1570 = arith.select %or3A_1568, %select_n3A_1528, %select_n3A_1521 : vector<16xi1>, vector<16xi32>
      %gt3A_1571 = arith.cmpf ogt, %select_n3A_1541, %select_n3A_1534 : vector<16xf32>
      %eq3A_1572 = arith.cmpf oeq, %select_n3A_1541, %select_n3A_1534 : vector<16xf32>
      %lt3A_1573 = arith.cmpi slt, %select_n3A_1542, %select_n3A_1535 : vector<16xi32>
      %and3A_1574 = arith.andi %eq3A_1572, %lt3A_1573 : vector<16xi1>
      %or3A_1575 = arith.ori %gt3A_1571, %and3A_1574 : vector<16xi1>
      %select_n3A_1576 = arith.select %or3A_1575, %select_n3A_1541, %select_n3A_1534 : vector<16xi1>, vector<16xf32>
      %select_n3A_1577 = arith.select %or3A_1575, %select_n3A_1542, %select_n3A_1535 : vector<16xi1>, vector<16xi32>
      %gt3A_1578 = arith.cmpf ogt, %select_n3A_1555, %select_n3A_1548 : vector<16xf32>
      %eq3A_1579 = arith.cmpf oeq, %select_n3A_1555, %select_n3A_1548 : vector<16xf32>
      %lt3A_1580 = arith.cmpi slt, %select_n3A_1556, %select_n3A_1549 : vector<16xi32>
      %and3A_1581 = arith.andi %eq3A_1579, %lt3A_1580 : vector<16xi1>
      %or3A_1582 = arith.ori %gt3A_1578, %and3A_1581 : vector<16xi1>
      %select_n3A_1583 = arith.select %or3A_1582, %select_n3A_1555, %select_n3A_1548 : vector<16xi1>, vector<16xf32>
      %select_n3A_1584 = arith.select %or3A_1582, %select_n3A_1556, %select_n3A_1549 : vector<16xi1>, vector<16xi32>
      %gt3A_1585 = arith.cmpf ogt, %select_n3A_1569, %select_n3A_1562 : vector<16xf32>
      %eq3A_1586 = arith.cmpf oeq, %select_n3A_1569, %select_n3A_1562 : vector<16xf32>
      %lt3A_1587 = arith.cmpi slt, %select_n3A_1570, %select_n3A_1563 : vector<16xi32>
      %and3A_1588 = arith.andi %eq3A_1586, %lt3A_1587 : vector<16xi1>
      %or3A_1589 = arith.ori %gt3A_1585, %and3A_1588 : vector<16xi1>
      %select_n3A_1590 = arith.select %or3A_1589, %select_n3A_1569, %select_n3A_1562 : vector<16xi1>, vector<16xf32>
      %select_n3A_1591 = arith.select %or3A_1589, %select_n3A_1570, %select_n3A_1563 : vector<16xi1>, vector<16xi32>
      %gt3A_1592 = arith.cmpf ogt, %select_n3A_1583, %select_n3A_1576 : vector<16xf32>
      %eq3A_1593 = arith.cmpf oeq, %select_n3A_1583, %select_n3A_1576 : vector<16xf32>
      %lt3A_1594 = arith.cmpi slt, %select_n3A_1584, %select_n3A_1577 : vector<16xi32>
      %and3A_1595 = arith.andi %eq3A_1593, %lt3A_1594 : vector<16xi1>
      %or3A_1596 = arith.ori %gt3A_1592, %and3A_1595 : vector<16xi1>
      %select_n3A_1597 = arith.select %or3A_1596, %select_n3A_1583, %select_n3A_1576 : vector<16xi1>, vector<16xf32>
      %select_n3A_1598 = arith.select %or3A_1596, %select_n3A_1584, %select_n3A_1577 : vector<16xi1>, vector<16xi32>
      %gt3A_1599 = arith.cmpf ogt, %select_n3A_1597, %select_n3A_1590 : vector<16xf32>
      %eq3A_1600 = arith.cmpf oeq, %select_n3A_1597, %select_n3A_1590 : vector<16xf32>
      %lt3A_1601 = arith.cmpi slt, %select_n3A_1598, %select_n3A_1591 : vector<16xi32>
      %and3A_1602 = arith.andi %eq3A_1600, %lt3A_1601 : vector<16xi1>
      %or3A_1603 = arith.ori %gt3A_1599, %and3A_1602 : vector<16xi1>
      %select_n3A_1604 = arith.select %or3A_1603, %select_n3A_1597, %select_n3A_1590 : vector<16xi1>, vector<16xf32>
      %select_n3A_1605 = arith.select %or3A_1603, %select_n3A_1598, %select_n3A_1591 : vector<16xi1>, vector<16xi32>
      %mul3A_1606 = arith.constant 16 : i32
      %mul3A_1607 = arith.muli %add3A_1294, %mul3A_1606 : i32
      %add3A_1608 = vector.broadcast %mul3A_1607 : i32 to vector<16xi32>
      %add3A_1609 = arith.addi %add3A_1608, %iota3A : vector<16xi32>
      tpu.vector_store_idx %arg13[%add3A_1609], %select_n3A_1605 : memref<512xi32, #tpu.memory_space<vmem>>[vector<16xi32>], vector<16xi32>,
      %add3A_1610 = arith.constant 2 : i32
      %add3A_1611 = arith.addi %mul3A_650, %add3A_1610 : i32
      %add3A_1612 = arith.constant 4 : i32
      %add3A_1613 = arith.addi %add3A_1611, %add3A_1612 : i32
      %lt3A_1614 = arith.constant 32 : i32
      %lt3A_1615 = arith.cmpi slt, %add3A_1613, %lt3A_1614 : i32
      %convert_element_type3A_1616 = arith.extui %lt3A_1615 : i1 to i32
      %cond3A_1617 = arith.constant 0 : i32
      %cond3A_1618 = arith.cmpi ne, %convert_element_type3A_1616, %cond3A_1617 : i32
      scf.if %cond3A_1618 {
        %add3A_1945 = arith.constant 2 : i32
        %add3A_1946 = arith.addi %mul3A_650, %add3A_1945 : i32
        %add3A_1947 = arith.constant 4 : i32
        %add3A_1948 = arith.addi %add3A_1946, %add3A_1947 : i32
        %dma_start3A_1949 = arith.constant 0 : i32
        %dma_start3A_1950 = tpu.memref_slice %arg6[%add3A_1948, %dma_start3A_1949] : memref<32x16xi32, #tpu.memory_space<vmem>> -> memref<1x16xi32, #tpu.memory_space<vmem>>
        %dma_start3A_1951 = tpu.memref_squeeze %dma_start3A_1950 : memref<1x16xi32, #tpu.memory_space<vmem>> -> memref<16xi32, #tpu.memory_space<vmem>>
        %dma_start3A_1952 = arith.constant 0 : i32
        %dma_start3A_1953 = arith.constant 0 : i32
        %dma_start3A_1954 = tpu.memref_slice %arg3[%dma_start3A_1952, %dma_start3A_1953] : memref<16384x1024xf32, #tpu.memory_space<hbm>> -> memref<16384x1024xf32, #tpu.memory_space<hbm>>
        tpu.enqueue_indirect_dma source(%dma_start3A_1954 : memref<16384x1024xf32, #tpu.memory_space<hbm>>) target(%arg9 : memref<16x1024xf32, #tpu.memory_space<vmem>>) offsets(%dma_start3A_1951 : memref<16xi32, #tpu.memory_space<vmem>>) semaphore(%arg16 : memref<!tpu.dma_semaphore, #tpu.memory_space<semaphore_mem>>)
      } else {
      }
      %add3A_1619 = arith.constant 3 : i32
      %add3A_1620 = arith.addi %mul3A_650, %add3A_1619 : i32
      %dma_wait3A_1621 = arith.constant 0 : i32
      %dma_wait3A_1622 = tpu.memref_slice %arg6[%add3A_1620, %dma_wait3A_1621] : memref<32x16xi32, #tpu.memory_space<vmem>> -> memref<1x16xi32, #tpu.memory_space<vmem>>
      %dma_wait3A_1623 = tpu.memref_squeeze %dma_wait3A_1622 : memref<1x16xi32, #tpu.memory_space<vmem>> -> memref<16xi32, #tpu.memory_space<vmem>>
      %dma_wait3A_1624 = arith.constant 0 : i32
      %dma_wait3A_1625 = arith.constant 0 : i32
      %dma_wait3A_1626 = tpu.memref_slice %arg3[%dma_wait3A_1624, %dma_wait3A_1625] : memref<16384x1024xf32, #tpu.memory_space<hbm>> -> memref<16384x1024xf32, #tpu.memory_space<hbm>>
      tpu.wait_indirect_dma semaphore(%arg17 : memref<!tpu.dma_semaphore, #tpu.memory_space<semaphore_mem>>) src(%dma_wait3A_1626 : memref<16384x1024xf32, #tpu.memory_space<hbm>>) dst(%arg10 : memref<16x1024xf32, #tpu.memory_space<vmem>>)
      %parallel_loop3A_1627 = arith.constant 0 : i32
      %parallel_loop3A_1628 = arith.constant 64 : i32
      %parallel_loop3A_1629 = arith.constant 1 : i32
      %parallel_loop3A_1630:17 = scf.for %parallel_loop3A_1945 = %parallel_loop3A_1627 to %parallel_loop3A_1628 step %parallel_loop3A_1629 iter_args(%parallel_loop3A_1946 = %broadcast_in_dim3A_638, %parallel_loop3A_1947 = %broadcast_in_dim3A_640, %parallel_loop3A_1948 = %broadcast_in_dim3A_638, %parallel_loop3A_1949 = %broadcast_in_dim3A_640, %parallel_loop3A_1950 = %broadcast_in_dim3A_638, %parallel_loop3A_1951 = %broadcast_in_dim3A_640, %parallel_loop3A_1952 = %broadcast_in_dim3A_638, %parallel_loop3A_1953 = %broadcast_in_dim3A_640, %parallel_loop3A_1954 = %broadcast_in_dim3A_638, %parallel_loop3A_1955 = %broadcast_in_dim3A_640, %parallel_loop3A_1956 = %broadcast_in_dim3A_638, %parallel_loop3A_1957 = %broadcast_in_dim3A_640, %parallel_loop3A_1958 = %broadcast_in_dim3A_638, %parallel_loop3A_1959 = %broadcast_in_dim3A_640, %parallel_loop3A_1960 = %broadcast_in_dim3A_638, %parallel_loop3A_1961 = %broadcast_in_dim3A_640, %parallel_loop3A_1962 = %iota3A) -> (vector<16xf32>, vector<16xi32>, vector<16xf32>, vector<16xi32>, vector<16xf32>, vector<16xi32>, vector<16xf32>, vector<16xi32>, vector<16xf32>, vector<16xi32>, vector<16xf32>, vector<16xi32>, vector<16xf32>, vector<16xi32>, vector<16xf32>, vector<16xi32>, vector<16xi32>)  : i32 {
        %parallel_loop3A_1963 = arith.constant 16 : i32
        %parallel_loop3A_1964 = arith.muli %parallel_loop3A_1945, %parallel_loop3A_1963 : i32
        %parallel_loop3A_1965 = arith.constant 0 : i32
        %parallel_loop3A_1966 = arith.index_cast %parallel_loop3A_1965 : i32 to index
        %parallel_loop3A_1967 = arith.index_cast %parallel_loop3A_1964 : i32 to index
        %parallel_loop3A_1968 = tpu.vector_load %arg10[%parallel_loop3A_1966, %parallel_loop3A_1967] {strides = array<i32>} : memref<16x1024xf32, #tpu.memory_space<vmem>>, vector<16xf32>,
        %parallel_loop3A_1969 = arith.cmpf ogt, %parallel_loop3A_1968, %parallel_loop3A_1946 : vector<16xf32>
        %parallel_loop3A_1970 = arith.select %parallel_loop3A_1969, %parallel_loop3A_1968, %parallel_loop3A_1946 : vector<16xi1>, vector<16xf32>
        %parallel_loop3A_1971 = arith.select %parallel_loop3A_1969, %parallel_loop3A_1962, %parallel_loop3A_1947 : vector<16xi1>, vector<16xi32>
        %parallel_loop3A_1972 = arith.constant 1 : i32
        %parallel_loop3A_1973 = arith.index_cast %parallel_loop3A_1972 : i32 to index
        %parallel_loop3A_1974 = arith.index_cast %parallel_loop3A_1964 : i32 to index
        %parallel_loop3A_1975 = tpu.vector_load %arg10[%parallel_loop3A_1973, %parallel_loop3A_1974] {strides = array<i32>} : memref<16x1024xf32, #tpu.memory_space<vmem>>, vector<16xf32>,
        %parallel_loop3A_1976 = arith.cmpf ogt, %parallel_loop3A_1975, %parallel_loop3A_1948 : vector<16xf32>
        %parallel_loop3A_1977 = arith.select %parallel_loop3A_1976, %parallel_loop3A_1975, %parallel_loop3A_1948 : vector<16xi1>, vector<16xf32>
        %parallel_loop3A_1978 = arith.select %parallel_loop3A_1976, %parallel_loop3A_1962, %parallel_loop3A_1949 : vector<16xi1>, vector<16xi32>
        %parallel_loop3A_1979 = arith.constant 2 : i32
        %parallel_loop3A_1980 = arith.index_cast %parallel_loop3A_1979 : i32 to index
        %parallel_loop3A_1981 = arith.index_cast %parallel_loop3A_1964 : i32 to index
        %parallel_loop3A_1982 = tpu.vector_load %arg10[%parallel_loop3A_1980, %parallel_loop3A_1981] {strides = array<i32>} : memref<16x1024xf32, #tpu.memory_space<vmem>>, vector<16xf32>,
        %parallel_loop3A_1983 = arith.cmpf ogt, %parallel_loop3A_1982, %parallel_loop3A_1950 : vector<16xf32>
        %parallel_loop3A_1984 = arith.select %parallel_loop3A_1983, %parallel_loop3A_1982, %parallel_loop3A_1950 : vector<16xi1>, vector<16xf32>
        %parallel_loop3A_1985 = arith.select %parallel_loop3A_1983, %parallel_loop3A_1962, %parallel_loop3A_1951 : vector<16xi1>, vector<16xi32>
        %parallel_loop3A_1986 = arith.constant 3 : i32
        %parallel_loop3A_1987 = arith.index_cast %parallel_loop3A_1986 : i32 to index
        %parallel_loop3A_1988 = arith.index_cast %parallel_loop3A_1964 : i32 to index
        %parallel_loop3A_1989 = tpu.vector_load %arg10[%parallel_loop3A_1987, %parallel_loop3A_1988] {strides = array<i32>} : memref<16x1024xf32, #tpu.memory_space<vmem>>, vector<16xf32>,
        %parallel_loop3A_1990 = arith.cmpf ogt, %parallel_loop3A_1989, %parallel_loop3A_1952 : vector<16xf32>
        %parallel_loop3A_1991 = arith.select %parallel_loop3A_1990, %parallel_loop3A_1989, %parallel_loop3A_1952 : vector<16xi1>, vector<16xf32>
        %parallel_loop3A_1992 = arith.select %parallel_loop3A_1990, %parallel_loop3A_1962, %parallel_loop3A_1953 : vector<16xi1>, vector<16xi32>
        %parallel_loop3A_1993 = arith.constant 4 : i32
        %parallel_loop3A_1994 = arith.index_cast %parallel_loop3A_1993 : i32 to index
        %parallel_loop3A_1995 = arith.index_cast %parallel_loop3A_1964 : i32 to index
        %parallel_loop3A_1996 = tpu.vector_load %arg10[%parallel_loop3A_1994, %parallel_loop3A_1995] {strides = array<i32>} : memref<16x1024xf32, #tpu.memory_space<vmem>>, vector<16xf32>,
        %parallel_loop3A_1997 = arith.cmpf ogt, %parallel_loop3A_1996, %parallel_loop3A_1954 : vector<16xf32>
        %parallel_loop3A_1998 = arith.select %parallel_loop3A_1997, %parallel_loop3A_1996, %parallel_loop3A_1954 : vector<16xi1>, vector<16xf32>
        %parallel_loop3A_1999 = arith.select %parallel_loop3A_1997, %parallel_loop3A_1962, %parallel_loop3A_1955 : vector<16xi1>, vector<16xi32>
        %parallel_loop3A_2000 = arith.constant 5 : i32
        %parallel_loop3A_2001 = arith.index_cast %parallel_loop3A_2000 : i32 to index
        %parallel_loop3A_2002 = arith.index_cast %parallel_loop3A_1964 : i32 to index
        %parallel_loop3A_2003 = tpu.vector_load %arg10[%parallel_loop3A_2001, %parallel_loop3A_2002] {strides = array<i32>} : memref<16x1024xf32, #tpu.memory_space<vmem>>, vector<16xf32>,
        %parallel_loop3A_2004 = arith.cmpf ogt, %parallel_loop3A_2003, %parallel_loop3A_1956 : vector<16xf32>
        %parallel_loop3A_2005 = arith.select %parallel_loop3A_2004, %parallel_loop3A_2003, %parallel_loop3A_1956 : vector<16xi1>, vector<16xf32>
        %parallel_loop3A_2006 = arith.select %parallel_loop3A_2004, %parallel_loop3A_1962, %parallel_loop3A_1957 : vector<16xi1>, vector<16xi32>
        %parallel_loop3A_2007 = arith.constant 6 : i32
        %parallel_loop3A_2008 = arith.index_cast %parallel_loop3A_2007 : i32 to index
        %parallel_loop3A_2009 = arith.index_cast %parallel_loop3A_1964 : i32 to index
        %parallel_loop3A_2010 = tpu.vector_load %arg10[%parallel_loop3A_2008, %parallel_loop3A_2009] {strides = array<i32>} : memref<16x1024xf32, #tpu.memory_space<vmem>>, vector<16xf32>,
        %parallel_loop3A_2011 = arith.cmpf ogt, %parallel_loop3A_2010, %parallel_loop3A_1958 : vector<16xf32>
        %parallel_loop3A_2012 = arith.select %parallel_loop3A_2011, %parallel_loop3A_2010, %parallel_loop3A_1958 : vector<16xi1>, vector<16xf32>
        %parallel_loop3A_2013 = arith.select %parallel_loop3A_2011, %parallel_loop3A_1962, %parallel_loop3A_1959 : vector<16xi1>, vector<16xi32>
        %parallel_loop3A_2014 = arith.constant 7 : i32
        %parallel_loop3A_2015 = arith.index_cast %parallel_loop3A_2014 : i32 to index
        %parallel_loop3A_2016 = arith.index_cast %parallel_loop3A_1964 : i32 to index
        %parallel_loop3A_2017 = tpu.vector_load %arg10[%parallel_loop3A_2015, %parallel_loop3A_2016] {strides = array<i32>} : memref<16x1024xf32, #tpu.memory_space<vmem>>, vector<16xf32>,
        %parallel_loop3A_2018 = arith.cmpf ogt, %parallel_loop3A_2017, %parallel_loop3A_1960 : vector<16xf32>
        %parallel_loop3A_2019 = arith.select %parallel_loop3A_2018, %parallel_loop3A_2017, %parallel_loop3A_1960 : vector<16xi1>, vector<16xf32>
        %parallel_loop3A_2020 = arith.select %parallel_loop3A_2018, %parallel_loop3A_1962, %parallel_loop3A_1961 : vector<16xi1>, vector<16xi32>
        %parallel_loop3A_2021 = arith.constant 16 : i32
        %parallel_loop3A_2022 = vector.broadcast %parallel_loop3A_2021 : i32 to vector<16xi32>
        %parallel_loop3A_2023 = arith.addi %parallel_loop3A_1962, %parallel_loop3A_2022 : vector<16xi32>
        scf.yield %parallel_loop3A_1970, %parallel_loop3A_1971, %parallel_loop3A_1977, %parallel_loop3A_1978, %parallel_loop3A_1984, %parallel_loop3A_1985, %parallel_loop3A_1991, %parallel_loop3A_1992, %parallel_loop3A_1998, %parallel_loop3A_1999, %parallel_loop3A_2005, %parallel_loop3A_2006, %parallel_loop3A_2012, %parallel_loop3A_2013, %parallel_loop3A_2019, %parallel_loop3A_2020, %parallel_loop3A_2023 : vector<16xf32>, vector<16xi32>, vector<16xf32>, vector<16xi32>, vector<16xf32>, vector<16xi32>, vector<16xf32>, vector<16xi32>, vector<16xf32>, vector<16xi32>, vector<16xf32>, vector<16xi32>, vector<16xf32>, vector<16xi32>, vector<16xf32>, vector<16xi32>, vector<16xi32>
      } {sc.loop_unroll_factor = 2 : i64, sc.parallel_access}
      %swap3A_1631 = arith.constant 0 : i32
      %swap3A_1632 = arith.index_cast %swap3A_1631 : i32 to index
      %swap3A_1633 = arith.constant 0 : index
      %swap3A_1634 = tpu.vector_load %arg11[%swap3A_1632, %swap3A_1633] {strides = array<i32>} : memref<16x17xf32, #tpu.memory_space<vmem>>, vector<16xf32>,
      tpu.vector_store %arg11[%swap3A_1632, %swap3A_1633], %parallel_loop3A_1630#0 {strides = array<i32>} : memref<16x17xf32, #tpu.memory_space<vmem>>, vector<16xf32>,
      %swap3A_1635 = arith.constant 0 : i32
      %swap3A_1636 = arith.index_cast %swap3A_1635 : i32 to index
      %swap3A_1637 = arith.constant 0 : index
      %swap3A_1638 = tpu.vector_load %arg12[%swap3A_1636, %swap3A_1637] {strides = array<i32>} : memref<16x17xi32, #tpu.memory_space<vmem>>, vector<16xi32>,
      tpu.vector_store %arg12[%swap3A_1636, %swap3A_1637], %parallel_loop3A_1630#1 {strides = array<i32>} : memref<16x17xi32, #tpu.memory_space<vmem>>, vector<16xi32>,
      %swap3A_1639 = arith.constant 1 : i32
      %swap3A_1640 = arith.index_cast %swap3A_1639 : i32 to index
      %swap3A_1641 = arith.constant 0 : index
      %swap3A_1642 = tpu.vector_load %arg11[%swap3A_1640, %swap3A_1641] {strides = array<i32>} : memref<16x17xf32, #tpu.memory_space<vmem>>, vector<16xf32>,
      tpu.vector_store %arg11[%swap3A_1640, %swap3A_1641], %parallel_loop3A_1630#2 {strides = array<i32>} : memref<16x17xf32, #tpu.memory_space<vmem>>, vector<16xf32>,
      %swap3A_1643 = arith.constant 1 : i32
      %swap3A_1644 = arith.index_cast %swap3A_1643 : i32 to index
      %swap3A_1645 = arith.constant 0 : index
      %swap3A_1646 = tpu.vector_load %arg12[%swap3A_1644, %swap3A_1645] {strides = array<i32>} : memref<16x17xi32, #tpu.memory_space<vmem>>, vector<16xi32>,
      tpu.vector_store %arg12[%swap3A_1644, %swap3A_1645], %parallel_loop3A_1630#3 {strides = array<i32>} : memref<16x17xi32, #tpu.memory_space<vmem>>, vector<16xi32>,
      %swap3A_1647 = arith.constant 2 : i32
      %swap3A_1648 = arith.index_cast %swap3A_1647 : i32 to index
      %swap3A_1649 = arith.constant 0 : index
      %swap3A_1650 = tpu.vector_load %arg11[%swap3A_1648, %swap3A_1649] {strides = array<i32>} : memref<16x17xf32, #tpu.memory_space<vmem>>, vector<16xf32>,
      tpu.vector_store %arg11[%swap3A_1648, %swap3A_1649], %parallel_loop3A_1630#4 {strides = array<i32>} : memref<16x17xf32, #tpu.memory_space<vmem>>, vector<16xf32>,
      %swap3A_1651 = arith.constant 2 : i32
      %swap3A_1652 = arith.index_cast %swap3A_1651 : i32 to index
      %swap3A_1653 = arith.constant 0 : index
      %swap3A_1654 = tpu.vector_load %arg12[%swap3A_1652, %swap3A_1653] {strides = array<i32>} : memref<16x17xi32, #tpu.memory_space<vmem>>, vector<16xi32>,
      tpu.vector_store %arg12[%swap3A_1652, %swap3A_1653], %parallel_loop3A_1630#5 {strides = array<i32>} : memref<16x17xi32, #tpu.memory_space<vmem>>, vector<16xi32>,
      %swap3A_1655 = arith.constant 3 : i32
      %swap3A_1656 = arith.index_cast %swap3A_1655 : i32 to index
      %swap3A_1657 = arith.constant 0 : index
      %swap3A_1658 = tpu.vector_load %arg11[%swap3A_1656, %swap3A_1657] {strides = array<i32>} : memref<16x17xf32, #tpu.memory_space<vmem>>, vector<16xf32>,
      tpu.vector_store %arg11[%swap3A_1656, %swap3A_1657], %parallel_loop3A_1630#6 {strides = array<i32>} : memref<16x17xf32, #tpu.memory_space<vmem>>, vector<16xf32>,
      %swap3A_1659 = arith.constant 3 : i32
      %swap3A_1660 = arith.index_cast %swap3A_1659 : i32 to index
      %swap3A_1661 = arith.constant 0 : index
      %swap3A_1662 = tpu.vector_load %arg12[%swap3A_1660, %swap3A_1661] {strides = array<i32>} : memref<16x17xi32, #tpu.memory_space<vmem>>, vector<16xi32>,
      tpu.vector_store %arg12[%swap3A_1660, %swap3A_1661], %parallel_loop3A_1630#7 {strides = array<i32>} : memref<16x17xi32, #tpu.memory_space<vmem>>, vector<16xi32>,
      %swap3A_1663 = arith.constant 4 : i32
      %swap3A_1664 = arith.index_cast %swap3A_1663 : i32 to index
      %swap3A_1665 = arith.constant 0 : index
      %swap3A_1666 = tpu.vector_load %arg11[%swap3A_1664, %swap3A_1665] {strides = array<i32>} : memref<16x17xf32, #tpu.memory_space<vmem>>, vector<16xf32>,
      tpu.vector_store %arg11[%swap3A_1664, %swap3A_1665], %parallel_loop3A_1630#8 {strides = array<i32>} : memref<16x17xf32, #tpu.memory_space<vmem>>, vector<16xf32>,
      %swap3A_1667 = arith.constant 4 : i32
      %swap3A_1668 = arith.index_cast %swap3A_1667 : i32 to index
      %swap3A_1669 = arith.constant 0 : index
      %swap3A_1670 = tpu.vector_load %arg12[%swap3A_1668, %swap3A_1669] {strides = array<i32>} : memref<16x17xi32, #tpu.memory_space<vmem>>, vector<16xi32>,
      tpu.vector_store %arg12[%swap3A_1668, %swap3A_1669], %parallel_loop3A_1630#9 {strides = array<i32>} : memref<16x17xi32, #tpu.memory_space<vmem>>, vector<16xi32>,
      %swap3A_1671 = arith.constant 5 : i32
      %swap3A_1672 = arith.index_cast %swap3A_1671 : i32 to index
      %swap3A_1673 = arith.constant 0 : index
      %swap3A_1674 = tpu.vector_load %arg11[%swap3A_1672, %swap3A_1673] {strides = array<i32>} : memref<16x17xf32, #tpu.memory_space<vmem>>, vector<16xf32>,
      tpu.vector_store %arg11[%swap3A_1672, %swap3A_1673], %parallel_loop3A_1630#10 {strides = array<i32>} : memref<16x17xf32, #tpu.memory_space<vmem>>, vector<16xf32>,
      %swap3A_1675 = arith.constant 5 : i32
      %swap3A_1676 = arith.index_cast %swap3A_1675 : i32 to index
      %swap3A_1677 = arith.constant 0 : index
      %swap3A_1678 = tpu.vector_load %arg12[%swap3A_1676, %swap3A_1677] {strides = array<i32>} : memref<16x17xi32, #tpu.memory_space<vmem>>, vector<16xi32>,
      tpu.vector_store %arg12[%swap3A_1676, %swap3A_1677], %parallel_loop3A_1630#11 {strides = array<i32>} : memref<16x17xi32, #tpu.memory_space<vmem>>, vector<16xi32>,
      %swap3A_1679 = arith.constant 6 : i32
      %swap3A_1680 = arith.index_cast %swap3A_1679 : i32 to index
      %swap3A_1681 = arith.constant 0 : index
      %swap3A_1682 = tpu.vector_load %arg11[%swap3A_1680, %swap3A_1681] {strides = array<i32>} : memref<16x17xf32, #tpu.memory_space<vmem>>, vector<16xf32>,
      tpu.vector_store %arg11[%swap3A_1680, %swap3A_1681], %parallel_loop3A_1630#12 {strides = array<i32>} : memref<16x17xf32, #tpu.memory_space<vmem>>, vector<16xf32>,
      %swap3A_1683 = arith.constant 6 : i32
      %swap3A_1684 = arith.index_cast %swap3A_1683 : i32 to index
      %swap3A_1685 = arith.constant 0 : index
      %swap3A_1686 = tpu.vector_load %arg12[%swap3A_1684, %swap3A_1685] {strides = array<i32>} : memref<16x17xi32, #tpu.memory_space<vmem>>, vector<16xi32>,
      tpu.vector_store %arg12[%swap3A_1684, %swap3A_1685], %parallel_loop3A_1630#13 {strides = array<i32>} : memref<16x17xi32, #tpu.memory_space<vmem>>, vector<16xi32>,
      %swap3A_1687 = arith.constant 7 : i32
      %swap3A_1688 = arith.index_cast %swap3A_1687 : i32 to index
      %swap3A_1689 = arith.constant 0 : index
      %swap3A_1690 = tpu.vector_load %arg11[%swap3A_1688, %swap3A_1689] {strides = array<i32>} : memref<16x17xf32, #tpu.memory_space<vmem>>, vector<16xf32>,
      tpu.vector_store %arg11[%swap3A_1688, %swap3A_1689], %parallel_loop3A_1630#14 {strides = array<i32>} : memref<16x17xf32, #tpu.memory_space<vmem>>, vector<16xf32>,
      %swap3A_1691 = arith.constant 7 : i32
      %swap3A_1692 = arith.index_cast %swap3A_1691 : i32 to index
      %swap3A_1693 = arith.constant 0 : index
      %swap3A_1694 = tpu.vector_load %arg12[%swap3A_1692, %swap3A_1693] {strides = array<i32>} : memref<16x17xi32, #tpu.memory_space<vmem>>, vector<16xi32>,
      tpu.vector_store %arg12[%swap3A_1692, %swap3A_1693], %parallel_loop3A_1630#15 {strides = array<i32>} : memref<16x17xi32, #tpu.memory_space<vmem>>, vector<16xi32>,
      %parallel_loop3A_1695 = arith.constant 0 : i32
      %parallel_loop3A_1696 = arith.constant 64 : i32
      %parallel_loop3A_1697 = arith.constant 1 : i32
      %parallel_loop3A_1698:17 = scf.for %parallel_loop3A_1945 = %parallel_loop3A_1695 to %parallel_loop3A_1696 step %parallel_loop3A_1697 iter_args(%parallel_loop3A_1946 = %broadcast_in_dim3A_638, %parallel_loop3A_1947 = %broadcast_in_dim3A_640, %parallel_loop3A_1948 = %broadcast_in_dim3A_638, %parallel_loop3A_1949 = %broadcast_in_dim3A_640, %parallel_loop3A_1950 = %broadcast_in_dim3A_638, %parallel_loop3A_1951 = %broadcast_in_dim3A_640, %parallel_loop3A_1952 = %broadcast_in_dim3A_638, %parallel_loop3A_1953 = %broadcast_in_dim3A_640, %parallel_loop3A_1954 = %broadcast_in_dim3A_638, %parallel_loop3A_1955 = %broadcast_in_dim3A_640, %parallel_loop3A_1956 = %broadcast_in_dim3A_638, %parallel_loop3A_1957 = %broadcast_in_dim3A_640, %parallel_loop3A_1958 = %broadcast_in_dim3A_638, %parallel_loop3A_1959 = %broadcast_in_dim3A_640, %parallel_loop3A_1960 = %broadcast_in_dim3A_638, %parallel_loop3A_1961 = %broadcast_in_dim3A_640, %parallel_loop3A_1962 = %iota3A) -> (vector<16xf32>, vector<16xi32>, vector<16xf32>, vector<16xi32>, vector<16xf32>, vector<16xi32>, vector<16xf32>, vector<16xi32>, vector<16xf32>, vector<16xi32>, vector<16xf32>, vector<16xi32>, vector<16xf32>, vector<16xi32>, vector<16xf32>, vector<16xi32>, vector<16xi32>)  : i32 {
        %parallel_loop3A_1963 = arith.constant 16 : i32
        %parallel_loop3A_1964 = arith.muli %parallel_loop3A_1945, %parallel_loop3A_1963 : i32
        %parallel_loop3A_1965 = arith.constant 8 : i32
        %parallel_loop3A_1966 = arith.index_cast %parallel_loop3A_1965 : i32 to index
        %parallel_loop3A_1967 = arith.index_cast %parallel_loop3A_1964 : i32 to index
        %parallel_loop3A_1968 = tpu.vector_load %arg10[%parallel_loop3A_1966, %parallel_loop3A_1967] {strides = array<i32>} : memref<16x1024xf32, #tpu.memory_space<vmem>>, vector<16xf32>,
        %parallel_loop3A_1969 = arith.cmpf ogt, %parallel_loop3A_1968, %parallel_loop3A_1946 : vector<16xf32>
        %parallel_loop3A_1970 = arith.select %parallel_loop3A_1969, %parallel_loop3A_1968, %parallel_loop3A_1946 : vector<16xi1>, vector<16xf32>
        %parallel_loop3A_1971 = arith.select %parallel_loop3A_1969, %parallel_loop3A_1962, %parallel_loop3A_1947 : vector<16xi1>, vector<16xi32>
        %parallel_loop3A_1972 = arith.constant 9 : i32
        %parallel_loop3A_1973 = arith.index_cast %parallel_loop3A_1972 : i32 to index
        %parallel_loop3A_1974 = arith.index_cast %parallel_loop3A_1964 : i32 to index
        %parallel_loop3A_1975 = tpu.vector_load %arg10[%parallel_loop3A_1973, %parallel_loop3A_1974] {strides = array<i32>} : memref<16x1024xf32, #tpu.memory_space<vmem>>, vector<16xf32>,
        %parallel_loop3A_1976 = arith.cmpf ogt, %parallel_loop3A_1975, %parallel_loop3A_1948 : vector<16xf32>
        %parallel_loop3A_1977 = arith.select %parallel_loop3A_1976, %parallel_loop3A_1975, %parallel_loop3A_1948 : vector<16xi1>, vector<16xf32>
        %parallel_loop3A_1978 = arith.select %parallel_loop3A_1976, %parallel_loop3A_1962, %parallel_loop3A_1949 : vector<16xi1>, vector<16xi32>
        %parallel_loop3A_1979 = arith.constant 10 : i32
        %parallel_loop3A_1980 = arith.index_cast %parallel_loop3A_1979 : i32 to index
        %parallel_loop3A_1981 = arith.index_cast %parallel_loop3A_1964 : i32 to index
        %parallel_loop3A_1982 = tpu.vector_load %arg10[%parallel_loop3A_1980, %parallel_loop3A_1981] {strides = array<i32>} : memref<16x1024xf32, #tpu.memory_space<vmem>>, vector<16xf32>,
        %parallel_loop3A_1983 = arith.cmpf ogt, %parallel_loop3A_1982, %parallel_loop3A_1950 : vector<16xf32>
        %parallel_loop3A_1984 = arith.select %parallel_loop3A_1983, %parallel_loop3A_1982, %parallel_loop3A_1950 : vector<16xi1>, vector<16xf32>
        %parallel_loop3A_1985 = arith.select %parallel_loop3A_1983, %parallel_loop3A_1962, %parallel_loop3A_1951 : vector<16xi1>, vector<16xi32>
        %parallel_loop3A_1986 = arith.constant 11 : i32
        %parallel_loop3A_1987 = arith.index_cast %parallel_loop3A_1986 : i32 to index
        %parallel_loop3A_1988 = arith.index_cast %parallel_loop3A_1964 : i32 to index
        %parallel_loop3A_1989 = tpu.vector_load %arg10[%parallel_loop3A_1987, %parallel_loop3A_1988] {strides = array<i32>} : memref<16x1024xf32, #tpu.memory_space<vmem>>, vector<16xf32>,
        %parallel_loop3A_1990 = arith.cmpf ogt, %parallel_loop3A_1989, %parallel_loop3A_1952 : vector<16xf32>
        %parallel_loop3A_1991 = arith.select %parallel_loop3A_1990, %parallel_loop3A_1989, %parallel_loop3A_1952 : vector<16xi1>, vector<16xf32>
        %parallel_loop3A_1992 = arith.select %parallel_loop3A_1990, %parallel_loop3A_1962, %parallel_loop3A_1953 : vector<16xi1>, vector<16xi32>
        %parallel_loop3A_1993 = arith.constant 12 : i32
        %parallel_loop3A_1994 = arith.index_cast %parallel_loop3A_1993 : i32 to index
        %parallel_loop3A_1995 = arith.index_cast %parallel_loop3A_1964 : i32 to index
        %parallel_loop3A_1996 = tpu.vector_load %arg10[%parallel_loop3A_1994, %parallel_loop3A_1995] {strides = array<i32>} : memref<16x1024xf32, #tpu.memory_space<vmem>>, vector<16xf32>,
        %parallel_loop3A_1997 = arith.cmpf ogt, %parallel_loop3A_1996, %parallel_loop3A_1954 : vector<16xf32>
        %parallel_loop3A_1998 = arith.select %parallel_loop3A_1997, %parallel_loop3A_1996, %parallel_loop3A_1954 : vector<16xi1>, vector<16xf32>
        %parallel_loop3A_1999 = arith.select %parallel_loop3A_1997, %parallel_loop3A_1962, %parallel_loop3A_1955 : vector<16xi1>, vector<16xi32>
        %parallel_loop3A_2000 = arith.constant 13 : i32
        %parallel_loop3A_2001 = arith.index_cast %parallel_loop3A_2000 : i32 to index
        %parallel_loop3A_2002 = arith.index_cast %parallel_loop3A_1964 : i32 to index
        %parallel_loop3A_2003 = tpu.vector_load %arg10[%parallel_loop3A_2001, %parallel_loop3A_2002] {strides = array<i32>} : memref<16x1024xf32, #tpu.memory_space<vmem>>, vector<16xf32>,
        %parallel_loop3A_2004 = arith.cmpf ogt, %parallel_loop3A_2003, %parallel_loop3A_1956 : vector<16xf32>
        %parallel_loop3A_2005 = arith.select %parallel_loop3A_2004, %parallel_loop3A_2003, %parallel_loop3A_1956 : vector<16xi1>, vector<16xf32>
        %parallel_loop3A_2006 = arith.select %parallel_loop3A_2004, %parallel_loop3A_1962, %parallel_loop3A_1957 : vector<16xi1>, vector<16xi32>
        %parallel_loop3A_2007 = arith.constant 14 : i32
        %parallel_loop3A_2008 = arith.index_cast %parallel_loop3A_2007 : i32 to index
        %parallel_loop3A_2009 = arith.index_cast %parallel_loop3A_1964 : i32 to index
        %parallel_loop3A_2010 = tpu.vector_load %arg10[%parallel_loop3A_2008, %parallel_loop3A_2009] {strides = array<i32>} : memref<16x1024xf32, #tpu.memory_space<vmem>>, vector<16xf32>,
        %parallel_loop3A_2011 = arith.cmpf ogt, %parallel_loop3A_2010, %parallel_loop3A_1958 : vector<16xf32>
        %parallel_loop3A_2012 = arith.select %parallel_loop3A_2011, %parallel_loop3A_2010, %parallel_loop3A_1958 : vector<16xi1>, vector<16xf32>
        %parallel_loop3A_2013 = arith.select %parallel_loop3A_2011, %parallel_loop3A_1962, %parallel_loop3A_1959 : vector<16xi1>, vector<16xi32>
        %parallel_loop3A_2014 = arith.constant 15 : i32
        %parallel_loop3A_2015 = arith.index_cast %parallel_loop3A_2014 : i32 to index
        %parallel_loop3A_2016 = arith.index_cast %parallel_loop3A_1964 : i32 to index
        %parallel_loop3A_2017 = tpu.vector_load %arg10[%parallel_loop3A_2015, %parallel_loop3A_2016] {strides = array<i32>} : memref<16x1024xf32, #tpu.memory_space<vmem>>, vector<16xf32>,
        %parallel_loop3A_2018 = arith.cmpf ogt, %parallel_loop3A_2017, %parallel_loop3A_1960 : vector<16xf32>
        %parallel_loop3A_2019 = arith.select %parallel_loop3A_2018, %parallel_loop3A_2017, %parallel_loop3A_1960 : vector<16xi1>, vector<16xf32>
        %parallel_loop3A_2020 = arith.select %parallel_loop3A_2018, %parallel_loop3A_1962, %parallel_loop3A_1961 : vector<16xi1>, vector<16xi32>
        %parallel_loop3A_2021 = arith.constant 16 : i32
        %parallel_loop3A_2022 = vector.broadcast %parallel_loop3A_2021 : i32 to vector<16xi32>
        %parallel_loop3A_2023 = arith.addi %parallel_loop3A_1962, %parallel_loop3A_2022 : vector<16xi32>
        scf.yield %parallel_loop3A_1970, %parallel_loop3A_1971, %parallel_loop3A_1977, %parallel_loop3A_1978, %parallel_loop3A_1984, %parallel_loop3A_1985, %parallel_loop3A_1991, %parallel_loop3A_1992, %parallel_loop3A_1998, %parallel_loop3A_1999, %parallel_loop3A_2005, %parallel_loop3A_2006, %parallel_loop3A_2012, %parallel_loop3A_2013, %parallel_loop3A_2019, %parallel_loop3A_2020, %parallel_loop3A_2023 : vector<16xf32>, vector<16xi32>, vector<16xf32>, vector<16xi32>, vector<16xf32>, vector<16xi32>, vector<16xf32>, vector<16xi32>, vector<16xf32>, vector<16xi32>, vector<16xf32>, vector<16xi32>, vector<16xf32>, vector<16xi32>, vector<16xf32>, vector<16xi32>, vector<16xi32>
      } {sc.loop_unroll_factor = 2 : i64, sc.parallel_access}
      %swap3A_1699 = arith.constant 8 : i32
      %swap3A_1700 = arith.index_cast %swap3A_1699 : i32 to index
      %swap3A_1701 = arith.constant 0 : index
      %swap3A_1702 = tpu.vector_load %arg11[%swap3A_1700, %swap3A_1701] {strides = array<i32>} : memref<16x17xf32, #tpu.memory_space<vmem>>, vector<16xf32>,
      tpu.vector_store %arg11[%swap3A_1700, %swap3A_1701], %parallel_loop3A_1698#0 {strides = array<i32>} : memref<16x17xf32, #tpu.memory_space<vmem>>, vector<16xf32>,
      %swap3A_1703 = arith.constant 8 : i32
      %swap3A_1704 = arith.index_cast %swap3A_1703 : i32 to index
      %swap3A_1705 = arith.constant 0 : index
      %swap3A_1706 = tpu.vector_load %arg12[%swap3A_1704, %swap3A_1705] {strides = array<i32>} : memref<16x17xi32, #tpu.memory_space<vmem>>, vector<16xi32>,
      tpu.vector_store %arg12[%swap3A_1704, %swap3A_1705], %parallel_loop3A_1698#1 {strides = array<i32>} : memref<16x17xi32, #tpu.memory_space<vmem>>, vector<16xi32>,
      %swap3A_1707 = arith.constant 9 : i32
      %swap3A_1708 = arith.index_cast %swap3A_1707 : i32 to index
      %swap3A_1709 = arith.constant 0 : index
      %swap3A_1710 = tpu.vector_load %arg11[%swap3A_1708, %swap3A_1709] {strides = array<i32>} : memref<16x17xf32, #tpu.memory_space<vmem>>, vector<16xf32>,
      tpu.vector_store %arg11[%swap3A_1708, %swap3A_1709], %parallel_loop3A_1698#2 {strides = array<i32>} : memref<16x17xf32, #tpu.memory_space<vmem>>, vector<16xf32>,
      %swap3A_1711 = arith.constant 9 : i32
      %swap3A_1712 = arith.index_cast %swap3A_1711 : i32 to index
      %swap3A_1713 = arith.constant 0 : index
      %swap3A_1714 = tpu.vector_load %arg12[%swap3A_1712, %swap3A_1713] {strides = array<i32>} : memref<16x17xi32, #tpu.memory_space<vmem>>, vector<16xi32>,
      tpu.vector_store %arg12[%swap3A_1712, %swap3A_1713], %parallel_loop3A_1698#3 {strides = array<i32>} : memref<16x17xi32, #tpu.memory_space<vmem>>, vector<16xi32>,
      %swap3A_1715 = arith.constant 10 : i32
      %swap3A_1716 = arith.index_cast %swap3A_1715 : i32 to index
      %swap3A_1717 = arith.constant 0 : index
      %swap3A_1718 = tpu.vector_load %arg11[%swap3A_1716, %swap3A_1717] {strides = array<i32>} : memref<16x17xf32, #tpu.memory_space<vmem>>, vector<16xf32>,
      tpu.vector_store %arg11[%swap3A_1716, %swap3A_1717], %parallel_loop3A_1698#4 {strides = array<i32>} : memref<16x17xf32, #tpu.memory_space<vmem>>, vector<16xf32>,
      %swap3A_1719 = arith.constant 10 : i32
      %swap3A_1720 = arith.index_cast %swap3A_1719 : i32 to index
      %swap3A_1721 = arith.constant 0 : index
      %swap3A_1722 = tpu.vector_load %arg12[%swap3A_1720, %swap3A_1721] {strides = array<i32>} : memref<16x17xi32, #tpu.memory_space<vmem>>, vector<16xi32>,
      tpu.vector_store %arg12[%swap3A_1720, %swap3A_1721], %parallel_loop3A_1698#5 {strides = array<i32>} : memref<16x17xi32, #tpu.memory_space<vmem>>, vector<16xi32>,
      %swap3A_1723 = arith.constant 11 : i32
      %swap3A_1724 = arith.index_cast %swap3A_1723 : i32 to index
      %swap3A_1725 = arith.constant 0 : index
      %swap3A_1726 = tpu.vector_load %arg11[%swap3A_1724, %swap3A_1725] {strides = array<i32>} : memref<16x17xf32, #tpu.memory_space<vmem>>, vector<16xf32>,
      tpu.vector_store %arg11[%swap3A_1724, %swap3A_1725], %parallel_loop3A_1698#6 {strides = array<i32>} : memref<16x17xf32, #tpu.memory_space<vmem>>, vector<16xf32>,
      %swap3A_1727 = arith.constant 11 : i32
      %swap3A_1728 = arith.index_cast %swap3A_1727 : i32 to index
      %swap3A_1729 = arith.constant 0 : index
      %swap3A_1730 = tpu.vector_load %arg12[%swap3A_1728, %swap3A_1729] {strides = array<i32>} : memref<16x17xi32, #tpu.memory_space<vmem>>, vector<16xi32>,
      tpu.vector_store %arg12[%swap3A_1728, %swap3A_1729], %parallel_loop3A_1698#7 {strides = array<i32>} : memref<16x17xi32, #tpu.memory_space<vmem>>, vector<16xi32>,
      %swap3A_1731 = arith.constant 12 : i32
      %swap3A_1732 = arith.index_cast %swap3A_1731 : i32 to index
      %swap3A_1733 = arith.constant 0 : index
      %swap3A_1734 = tpu.vector_load %arg11[%swap3A_1732, %swap3A_1733] {strides = array<i32>} : memref<16x17xf32, #tpu.memory_space<vmem>>, vector<16xf32>,
      tpu.vector_store %arg11[%swap3A_1732, %swap3A_1733], %parallel_loop3A_1698#8 {strides = array<i32>} : memref<16x17xf32, #tpu.memory_space<vmem>>, vector<16xf32>,
      %swap3A_1735 = arith.constant 12 : i32
      %swap3A_1736 = arith.index_cast %swap3A_1735 : i32 to index
      %swap3A_1737 = arith.constant 0 : index
      %swap3A_1738 = tpu.vector_load %arg12[%swap3A_1736, %swap3A_1737] {strides = array<i32>} : memref<16x17xi32, #tpu.memory_space<vmem>>, vector<16xi32>,
      tpu.vector_store %arg12[%swap3A_1736, %swap3A_1737], %parallel_loop3A_1698#9 {strides = array<i32>} : memref<16x17xi32, #tpu.memory_space<vmem>>, vector<16xi32>,
      %swap3A_1739 = arith.constant 13 : i32
      %swap3A_1740 = arith.index_cast %swap3A_1739 : i32 to index
      %swap3A_1741 = arith.constant 0 : index
      %swap3A_1742 = tpu.vector_load %arg11[%swap3A_1740, %swap3A_1741] {strides = array<i32>} : memref<16x17xf32, #tpu.memory_space<vmem>>, vector<16xf32>,
      tpu.vector_store %arg11[%swap3A_1740, %swap3A_1741], %parallel_loop3A_1698#10 {strides = array<i32>} : memref<16x17xf32, #tpu.memory_space<vmem>>, vector<16xf32>,
      %swap3A_1743 = arith.constant 13 : i32
      %swap3A_1744 = arith.index_cast %swap3A_1743 : i32 to index
      %swap3A_1745 = arith.constant 0 : index
      %swap3A_1746 = tpu.vector_load %arg12[%swap3A_1744, %swap3A_1745] {strides = array<i32>} : memref<16x17xi32, #tpu.memory_space<vmem>>, vector<16xi32>,
      tpu.vector_store %arg12[%swap3A_1744, %swap3A_1745], %parallel_loop3A_1698#11 {strides = array<i32>} : memref<16x17xi32, #tpu.memory_space<vmem>>, vector<16xi32>,
      %swap3A_1747 = arith.constant 14 : i32
      %swap3A_1748 = arith.index_cast %swap3A_1747 : i32 to index
      %swap3A_1749 = arith.constant 0 : index
      %swap3A_1750 = tpu.vector_load %arg11[%swap3A_1748, %swap3A_1749] {strides = array<i32>} : memref<16x17xf32, #tpu.memory_space<vmem>>, vector<16xf32>,
      tpu.vector_store %arg11[%swap3A_1748, %swap3A_1749], %parallel_loop3A_1698#12 {strides = array<i32>} : memref<16x17xf32, #tpu.memory_space<vmem>>, vector<16xf32>,
      %swap3A_1751 = arith.constant 14 : i32
      %swap3A_1752 = arith.index_cast %swap3A_1751 : i32 to index
      %swap3A_1753 = arith.constant 0 : index
      %swap3A_1754 = tpu.vector_load %arg12[%swap3A_1752, %swap3A_1753] {strides = array<i32>} : memref<16x17xi32, #tpu.memory_space<vmem>>, vector<16xi32>,
      tpu.vector_store %arg12[%swap3A_1752, %swap3A_1753], %parallel_loop3A_1698#13 {strides = array<i32>} : memref<16x17xi32, #tpu.memory_space<vmem>>, vector<16xi32>,
      %swap3A_1755 = arith.constant 15 : i32
      %swap3A_1756 = arith.index_cast %swap3A_1755 : i32 to index
      %swap3A_1757 = arith.constant 0 : index
      %swap3A_1758 = tpu.vector_load %arg11[%swap3A_1756, %swap3A_1757] {strides = array<i32>} : memref<16x17xf32, #tpu.memory_space<vmem>>, vector<16xf32>,
      tpu.vector_store %arg11[%swap3A_1756, %swap3A_1757], %parallel_loop3A_1698#14 {strides = array<i32>} : memref<16x17xf32, #tpu.memory_space<vmem>>, vector<16xf32>,
      %swap3A_1759 = arith.constant 15 : i32
      %swap3A_1760 = arith.index_cast %swap3A_1759 : i32 to index
      %swap3A_1761 = arith.constant 0 : index
      %swap3A_1762 = tpu.vector_load %arg12[%swap3A_1760, %swap3A_1761] {strides = array<i32>} : memref<16x17xi32, #tpu.memory_space<vmem>>, vector<16xi32>,
      tpu.vector_store %arg12[%swap3A_1760, %swap3A_1761], %parallel_loop3A_1698#15 {strides = array<i32>} : memref<16x17xi32, #tpu.memory_space<vmem>>, vector<16xi32>,
      %broadcast_in_dim3A_1763 = arith.constant 0 : i32
      %broadcast_in_dim3A_1764 = vector.broadcast %broadcast_in_dim3A_1763 : i32 to vector<16xi32>
      %gather3A_1765 = tpu.vector_load_idx %arg11[%iota3A, %broadcast_in_dim3A_1764] : memref<16x17xf32, #tpu.memory_space<vmem>>[vector<16xi32>, vector<16xi32>], vector<16xf32>,
      %gather3A_1766 = tpu.vector_load_idx %arg12[%iota3A, %broadcast_in_dim3A_1764] : memref<16x17xi32, #tpu.memory_space<vmem>>[vector<16xi32>, vector<16xi32>], vector<16xi32>,
      %broadcast_in_dim3A_1767 = arith.constant 1 : i32
      %broadcast_in_dim3A_1768 = vector.broadcast %broadcast_in_dim3A_1767 : i32 to vector<16xi32>
      %gather3A_1769 = tpu.vector_load_idx %arg11[%iota3A, %broadcast_in_dim3A_1768] : memref<16x17xf32, #tpu.memory_space<vmem>>[vector<16xi32>, vector<16xi32>], vector<16xf32>,
      %gather3A_1770 = tpu.vector_load_idx %arg12[%iota3A, %broadcast_in_dim3A_1768] : memref<16x17xi32, #tpu.memory_space<vmem>>[vector<16xi32>, vector<16xi32>], vector<16xi32>,
      %broadcast_in_dim3A_1771 = arith.constant 2 : i32
      %broadcast_in_dim3A_1772 = vector.broadcast %broadcast_in_dim3A_1771 : i32 to vector<16xi32>
      %gather3A_1773 = tpu.vector_load_idx %arg11[%iota3A, %broadcast_in_dim3A_1772] : memref<16x17xf32, #tpu.memory_space<vmem>>[vector<16xi32>, vector<16xi32>], vector<16xf32>,
      %gather3A_1774 = tpu.vector_load_idx %arg12[%iota3A, %broadcast_in_dim3A_1772] : memref<16x17xi32, #tpu.memory_space<vmem>>[vector<16xi32>, vector<16xi32>], vector<16xi32>,
      %broadcast_in_dim3A_1775 = arith.constant 3 : i32
      %broadcast_in_dim3A_1776 = vector.broadcast %broadcast_in_dim3A_1775 : i32 to vector<16xi32>
      %gather3A_1777 = tpu.vector_load_idx %arg11[%iota3A, %broadcast_in_dim3A_1776] : memref<16x17xf32, #tpu.memory_space<vmem>>[vector<16xi32>, vector<16xi32>], vector<16xf32>,
      %gather3A_1778 = tpu.vector_load_idx %arg12[%iota3A, %broadcast_in_dim3A_1776] : memref<16x17xi32, #tpu.memory_space<vmem>>[vector<16xi32>, vector<16xi32>], vector<16xi32>,
      %broadcast_in_dim3A_1779 = arith.constant 4 : i32
      %broadcast_in_dim3A_1780 = vector.broadcast %broadcast_in_dim3A_1779 : i32 to vector<16xi32>
      %gather3A_1781 = tpu.vector_load_idx %arg11[%iota3A, %broadcast_in_dim3A_1780] : memref<16x17xf32, #tpu.memory_space<vmem>>[vector<16xi32>, vector<16xi32>], vector<16xf32>,
      %gather3A_1782 = tpu.vector_load_idx %arg12[%iota3A, %broadcast_in_dim3A_1780] : memref<16x17xi32, #tpu.memory_space<vmem>>[vector<16xi32>, vector<16xi32>], vector<16xi32>,
      %broadcast_in_dim3A_1783 = arith.constant 5 : i32
      %broadcast_in_dim3A_1784 = vector.broadcast %broadcast_in_dim3A_1783 : i32 to vector<16xi32>
      %gather3A_1785 = tpu.vector_load_idx %arg11[%iota3A, %broadcast_in_dim3A_1784] : memref<16x17xf32, #tpu.memory_space<vmem>>[vector<16xi32>, vector<16xi32>], vector<16xf32>,
      %gather3A_1786 = tpu.vector_load_idx %arg12[%iota3A, %broadcast_in_dim3A_1784] : memref<16x17xi32, #tpu.memory_space<vmem>>[vector<16xi32>, vector<16xi32>], vector<16xi32>,
      %broadcast_in_dim3A_1787 = arith.constant 6 : i32
      %broadcast_in_dim3A_1788 = vector.broadcast %broadcast_in_dim3A_1787 : i32 to vector<16xi32>
      %gather3A_1789 = tpu.vector_load_idx %arg11[%iota3A, %broadcast_in_dim3A_1788] : memref<16x17xf32, #tpu.memory_space<vmem>>[vector<16xi32>, vector<16xi32>], vector<16xf32>,
      %gather3A_1790 = tpu.vector_load_idx %arg12[%iota3A, %broadcast_in_dim3A_1788] : memref<16x17xi32, #tpu.memory_space<vmem>>[vector<16xi32>, vector<16xi32>], vector<16xi32>,
      %broadcast_in_dim3A_1791 = arith.constant 7 : i32
      %broadcast_in_dim3A_1792 = vector.broadcast %broadcast_in_dim3A_1791 : i32 to vector<16xi32>
      %gather3A_1793 = tpu.vector_load_idx %arg11[%iota3A, %broadcast_in_dim3A_1792] : memref<16x17xf32, #tpu.memory_space<vmem>>[vector<16xi32>, vector<16xi32>], vector<16xf32>,
      %gather3A_1794 = tpu.vector_load_idx %arg12[%iota3A, %broadcast_in_dim3A_1792] : memref<16x17xi32, #tpu.memory_space<vmem>>[vector<16xi32>, vector<16xi32>], vector<16xi32>,
      %broadcast_in_dim3A_1795 = arith.constant 8 : i32
      %broadcast_in_dim3A_1796 = vector.broadcast %broadcast_in_dim3A_1795 : i32 to vector<16xi32>
      %gather3A_1797 = tpu.vector_load_idx %arg11[%iota3A, %broadcast_in_dim3A_1796] : memref<16x17xf32, #tpu.memory_space<vmem>>[vector<16xi32>, vector<16xi32>], vector<16xf32>,
      %gather3A_1798 = tpu.vector_load_idx %arg12[%iota3A, %broadcast_in_dim3A_1796] : memref<16x17xi32, #tpu.memory_space<vmem>>[vector<16xi32>, vector<16xi32>], vector<16xi32>,
      %broadcast_in_dim3A_1799 = arith.constant 9 : i32
      %broadcast_in_dim3A_1800 = vector.broadcast %broadcast_in_dim3A_1799 : i32 to vector<16xi32>
      %gather3A_1801 = tpu.vector_load_idx %arg11[%iota3A, %broadcast_in_dim3A_1800] : memref<16x17xf32, #tpu.memory_space<vmem>>[vector<16xi32>, vector<16xi32>], vector<16xf32>,
      %gather3A_1802 = tpu.vector_load_idx %arg12[%iota3A, %broadcast_in_dim3A_1800] : memref<16x17xi32, #tpu.memory_space<vmem>>[vector<16xi32>, vector<16xi32>], vector<16xi32>,
      %broadcast_in_dim3A_1803 = arith.constant 10 : i32
      %broadcast_in_dim3A_1804 = vector.broadcast %broadcast_in_dim3A_1803 : i32 to vector<16xi32>
      %gather3A_1805 = tpu.vector_load_idx %arg11[%iota3A, %broadcast_in_dim3A_1804] : memref<16x17xf32, #tpu.memory_space<vmem>>[vector<16xi32>, vector<16xi32>], vector<16xf32>,
      %gather3A_1806 = tpu.vector_load_idx %arg12[%iota3A, %broadcast_in_dim3A_1804] : memref<16x17xi32, #tpu.memory_space<vmem>>[vector<16xi32>, vector<16xi32>], vector<16xi32>,
      %broadcast_in_dim3A_1807 = arith.constant 11 : i32
      %broadcast_in_dim3A_1808 = vector.broadcast %broadcast_in_dim3A_1807 : i32 to vector<16xi32>
      %gather3A_1809 = tpu.vector_load_idx %arg11[%iota3A, %broadcast_in_dim3A_1808] : memref<16x17xf32, #tpu.memory_space<vmem>>[vector<16xi32>, vector<16xi32>], vector<16xf32>,
      %gather3A_1810 = tpu.vector_load_idx %arg12[%iota3A, %broadcast_in_dim3A_1808] : memref<16x17xi32, #tpu.memory_space<vmem>>[vector<16xi32>, vector<16xi32>], vector<16xi32>,
      %broadcast_in_dim3A_1811 = arith.constant 12 : i32
      %broadcast_in_dim3A_1812 = vector.broadcast %broadcast_in_dim3A_1811 : i32 to vector<16xi32>
      %gather3A_1813 = tpu.vector_load_idx %arg11[%iota3A, %broadcast_in_dim3A_1812] : memref<16x17xf32, #tpu.memory_space<vmem>>[vector<16xi32>, vector<16xi32>], vector<16xf32>,
      %gather3A_1814 = tpu.vector_load_idx %arg12[%iota3A, %broadcast_in_dim3A_1812] : memref<16x17xi32, #tpu.memory_space<vmem>>[vector<16xi32>, vector<16xi32>], vector<16xi32>,
      %broadcast_in_dim3A_1815 = arith.constant 13 : i32
      %broadcast_in_dim3A_1816 = vector.broadcast %broadcast_in_dim3A_1815 : i32 to vector<16xi32>
      %gather3A_1817 = tpu.vector_load_idx %arg11[%iota3A, %broadcast_in_dim3A_1816] : memref<16x17xf32, #tpu.memory_space<vmem>>[vector<16xi32>, vector<16xi32>], vector<16xf32>,
      %gather3A_1818 = tpu.vector_load_idx %arg12[%iota3A, %broadcast_in_dim3A_1816] : memref<16x17xi32, #tpu.memory_space<vmem>>[vector<16xi32>, vector<16xi32>], vector<16xi32>,
      %broadcast_in_dim3A_1819 = arith.constant 14 : i32
      %broadcast_in_dim3A_1820 = vector.broadcast %broadcast_in_dim3A_1819 : i32 to vector<16xi32>
      %gather3A_1821 = tpu.vector_load_idx %arg11[%iota3A, %broadcast_in_dim3A_1820] : memref<16x17xf32, #tpu.memory_space<vmem>>[vector<16xi32>, vector<16xi32>], vector<16xf32>,
      %gather3A_1822 = tpu.vector_load_idx %arg12[%iota3A, %broadcast_in_dim3A_1820] : memref<16x17xi32, #tpu.memory_space<vmem>>[vector<16xi32>, vector<16xi32>], vector<16xi32>,
      %broadcast_in_dim3A_1823 = arith.constant 15 : i32
      %broadcast_in_dim3A_1824 = vector.broadcast %broadcast_in_dim3A_1823 : i32 to vector<16xi32>
      %gather3A_1825 = tpu.vector_load_idx %arg11[%iota3A, %broadcast_in_dim3A_1824] : memref<16x17xf32, #tpu.memory_space<vmem>>[vector<16xi32>, vector<16xi32>], vector<16xf32>,
      %gather3A_1826 = tpu.vector_load_idx %arg12[%iota3A, %broadcast_in_dim3A_1824] : memref<16x17xi32, #tpu.memory_space<vmem>>[vector<16xi32>, vector<16xi32>], vector<16xi32>,
      %gt3A_1827 = arith.cmpf ogt, %gather3A_1769, %gather3A_1765 : vector<16xf32>
      %eq3A_1828 = arith.cmpf oeq, %gather3A_1769, %gather3A_1765 : vector<16xf32>
      %lt3A_1829 = arith.cmpi slt, %gather3A_1770, %gather3A_1766 : vector<16xi32>
      %and3A_1830 = arith.andi %eq3A_1828, %lt3A_1829 : vector<16xi1>
      %or3A_1831 = arith.ori %gt3A_1827, %and3A_1830 : vector<16xi1>
      %select_n3A_1832 = arith.select %or3A_1831, %gather3A_1769, %gather3A_1765 : vector<16xi1>, vector<16xf32>
      %select_n3A_1833 = arith.select %or3A_1831, %gather3A_1770, %gather3A_1766 : vector<16xi1>, vector<16xi32>
      %gt3A_1834 = arith.cmpf ogt, %gather3A_1777, %gather3A_1773 : vector<16xf32>
      %eq3A_1835 = arith.cmpf oeq, %gather3A_1777, %gather3A_1773 : vector<16xf32>
      %lt3A_1836 = arith.cmpi slt, %gather3A_1778, %gather3A_1774 : vector<16xi32>
      %and3A_1837 = arith.andi %eq3A_1835, %lt3A_1836 : vector<16xi1>
      %or3A_1838 = arith.ori %gt3A_1834, %and3A_1837 : vector<16xi1>
      %select_n3A_1839 = arith.select %or3A_1838, %gather3A_1777, %gather3A_1773 : vector<16xi1>, vector<16xf32>
      %select_n3A_1840 = arith.select %or3A_1838, %gather3A_1778, %gather3A_1774 : vector<16xi1>, vector<16xi32>
      %gt3A_1841 = arith.cmpf ogt, %gather3A_1785, %gather3A_1781 : vector<16xf32>
      %eq3A_1842 = arith.cmpf oeq, %gather3A_1785, %gather3A_1781 : vector<16xf32>
      %lt3A_1843 = arith.cmpi slt, %gather3A_1786, %gather3A_1782 : vector<16xi32>
      %and3A_1844 = arith.andi %eq3A_1842, %lt3A_1843 : vector<16xi1>
      %or3A_1845 = arith.ori %gt3A_1841, %and3A_1844 : vector<16xi1>
      %select_n3A_1846 = arith.select %or3A_1845, %gather3A_1785, %gather3A_1781 : vector<16xi1>, vector<16xf32>
      %select_n3A_1847 = arith.select %or3A_1845, %gather3A_1786, %gather3A_1782 : vector<16xi1>, vector<16xi32>
      %gt3A_1848 = arith.cmpf ogt, %gather3A_1793, %gather3A_1789 : vector<16xf32>
      %eq3A_1849 = arith.cmpf oeq, %gather3A_1793, %gather3A_1789 : vector<16xf32>
      %lt3A_1850 = arith.cmpi slt, %gather3A_1794, %gather3A_1790 : vector<16xi32>
      %and3A_1851 = arith.andi %eq3A_1849, %lt3A_1850 : vector<16xi1>
      %or3A_1852 = arith.ori %gt3A_1848, %and3A_1851 : vector<16xi1>
      %select_n3A_1853 = arith.select %or3A_1852, %gather3A_1793, %gather3A_1789 : vector<16xi1>, vector<16xf32>
      %select_n3A_1854 = arith.select %or3A_1852, %gather3A_1794, %gather3A_1790 : vector<16xi1>, vector<16xi32>
      %gt3A_1855 = arith.cmpf ogt, %gather3A_1801, %gather3A_1797 : vector<16xf32>
      %eq3A_1856 = arith.cmpf oeq, %gather3A_1801, %gather3A_1797 : vector<16xf32>
      %lt3A_1857 = arith.cmpi slt, %gather3A_1802, %gather3A_1798 : vector<16xi32>
      %and3A_1858 = arith.andi %eq3A_1856, %lt3A_1857 : vector<16xi1>
      %or3A_1859 = arith.ori %gt3A_1855, %and3A_1858 : vector<16xi1>
      %select_n3A_1860 = arith.select %or3A_1859, %gather3A_1801, %gather3A_1797 : vector<16xi1>, vector<16xf32>
      %select_n3A_1861 = arith.select %or3A_1859, %gather3A_1802, %gather3A_1798 : vector<16xi1>, vector<16xi32>
      %gt3A_1862 = arith.cmpf ogt, %gather3A_1809, %gather3A_1805 : vector<16xf32>
      %eq3A_1863 = arith.cmpf oeq, %gather3A_1809, %gather3A_1805 : vector<16xf32>
      %lt3A_1864 = arith.cmpi slt, %gather3A_1810, %gather3A_1806 : vector<16xi32>
      %and3A_1865 = arith.andi %eq3A_1863, %lt3A_1864 : vector<16xi1>
      %or3A_1866 = arith.ori %gt3A_1862, %and3A_1865 : vector<16xi1>
      %select_n3A_1867 = arith.select %or3A_1866, %gather3A_1809, %gather3A_1805 : vector<16xi1>, vector<16xf32>
      %select_n3A_1868 = arith.select %or3A_1866, %gather3A_1810, %gather3A_1806 : vector<16xi1>, vector<16xi32>
      %gt3A_1869 = arith.cmpf ogt, %gather3A_1817, %gather3A_1813 : vector<16xf32>
      %eq3A_1870 = arith.cmpf oeq, %gather3A_1817, %gather3A_1813 : vector<16xf32>
      %lt3A_1871 = arith.cmpi slt, %gather3A_1818, %gather3A_1814 : vector<16xi32>
      %and3A_1872 = arith.andi %eq3A_1870, %lt3A_1871 : vector<16xi1>
      %or3A_1873 = arith.ori %gt3A_1869, %and3A_1872 : vector<16xi1>
      %select_n3A_1874 = arith.select %or3A_1873, %gather3A_1817, %gather3A_1813 : vector<16xi1>, vector<16xf32>
      %select_n3A_1875 = arith.select %or3A_1873, %gather3A_1818, %gather3A_1814 : vector<16xi1>, vector<16xi32>
      %gt3A_1876 = arith.cmpf ogt, %gather3A_1825, %gather3A_1821 : vector<16xf32>
      %eq3A_1877 = arith.cmpf oeq, %gather3A_1825, %gather3A_1821 : vector<16xf32>
      %lt3A_1878 = arith.cmpi slt, %gather3A_1826, %gather3A_1822 : vector<16xi32>
      %and3A_1879 = arith.andi %eq3A_1877, %lt3A_1878 : vector<16xi1>
      %or3A_1880 = arith.ori %gt3A_1876, %and3A_1879 : vector<16xi1>
      %select_n3A_1881 = arith.select %or3A_1880, %gather3A_1825, %gather3A_1821 : vector<16xi1>, vector<16xf32>
      %select_n3A_1882 = arith.select %or3A_1880, %gather3A_1826, %gather3A_1822 : vector<16xi1>, vector<16xi32>
      %gt3A_1883 = arith.cmpf ogt, %select_n3A_1839, %select_n3A_1832 : vector<16xf32>
      %eq3A_1884 = arith.cmpf oeq, %select_n3A_1839, %select_n3A_1832 : vector<16xf32>
      %lt3A_1885 = arith.cmpi slt, %select_n3A_1840, %select_n3A_1833 : vector<16xi32>
      %and3A_1886 = arith.andi %eq3A_1884, %lt3A_1885 : vector<16xi1>
      %or3A_1887 = arith.ori %gt3A_1883, %and3A_1886 : vector<16xi1>
      %select_n3A_1888 = arith.select %or3A_1887, %select_n3A_1839, %select_n3A_1832 : vector<16xi1>, vector<16xf32>
      %select_n3A_1889 = arith.select %or3A_1887, %select_n3A_1840, %select_n3A_1833 : vector<16xi1>, vector<16xi32>
      %gt3A_1890 = arith.cmpf ogt, %select_n3A_1853, %select_n3A_1846 : vector<16xf32>
      %eq3A_1891 = arith.cmpf oeq, %select_n3A_1853, %select_n3A_1846 : vector<16xf32>
      %lt3A_1892 = arith.cmpi slt, %select_n3A_1854, %select_n3A_1847 : vector<16xi32>
      %and3A_1893 = arith.andi %eq3A_1891, %lt3A_1892 : vector<16xi1>
      %or3A_1894 = arith.ori %gt3A_1890, %and3A_1893 : vector<16xi1>
      %select_n3A_1895 = arith.select %or3A_1894, %select_n3A_1853, %select_n3A_1846 : vector<16xi1>, vector<16xf32>
      %select_n3A_1896 = arith.select %or3A_1894, %select_n3A_1854, %select_n3A_1847 : vector<16xi1>, vector<16xi32>
      %gt3A_1897 = arith.cmpf ogt, %select_n3A_1867, %select_n3A_1860 : vector<16xf32>
      %eq3A_1898 = arith.cmpf oeq, %select_n3A_1867, %select_n3A_1860 : vector<16xf32>
      %lt3A_1899 = arith.cmpi slt, %select_n3A_1868, %select_n3A_1861 : vector<16xi32>
      %and3A_1900 = arith.andi %eq3A_1898, %lt3A_1899 : vector<16xi1>
      %or3A_1901 = arith.ori %gt3A_1897, %and3A_1900 : vector<16xi1>
      %select_n3A_1902 = arith.select %or3A_1901, %select_n3A_1867, %select_n3A_1860 : vector<16xi1>, vector<16xf32>
      %select_n3A_1903 = arith.select %or3A_1901, %select_n3A_1868, %select_n3A_1861 : vector<16xi1>, vector<16xi32>
      %gt3A_1904 = arith.cmpf ogt, %select_n3A_1881, %select_n3A_1874 : vector<16xf32>
      %eq3A_1905 = arith.cmpf oeq, %select_n3A_1881, %select_n3A_1874 : vector<16xf32>
      %lt3A_1906 = arith.cmpi slt, %select_n3A_1882, %select_n3A_1875 : vector<16xi32>
      %and3A_1907 = arith.andi %eq3A_1905, %lt3A_1906 : vector<16xi1>
      %or3A_1908 = arith.ori %gt3A_1904, %and3A_1907 : vector<16xi1>
      %select_n3A_1909 = arith.select %or3A_1908, %select_n3A_1881, %select_n3A_1874 : vector<16xi1>, vector<16xf32>
      %select_n3A_1910 = arith.select %or3A_1908, %select_n3A_1882, %select_n3A_1875 : vector<16xi1>, vector<16xi32>
      %gt3A_1911 = arith.cmpf ogt, %select_n3A_1895, %select_n3A_1888 : vector<16xf32>
      %eq3A_1912 = arith.cmpf oeq, %select_n3A_1895, %select_n3A_1888 : vector<16xf32>
      %lt3A_1913 = arith.cmpi slt, %select_n3A_1896, %select_n3A_1889 : vector<16xi32>
      %and3A_1914 = arith.andi %eq3A_1912, %lt3A_1913 : vector<16xi1>
      %or3A_1915 = arith.ori %gt3A_1911, %and3A_1914 : vector<16xi1>
      %select_n3A_1916 = arith.select %or3A_1915, %select_n3A_1895, %select_n3A_1888 : vector<16xi1>, vector<16xf32>
      %select_n3A_1917 = arith.select %or3A_1915, %select_n3A_1896, %select_n3A_1889 : vector<16xi1>, vector<16xi32>
      %gt3A_1918 = arith.cmpf ogt, %select_n3A_1909, %select_n3A_1902 : vector<16xf32>
      %eq3A_1919 = arith.cmpf oeq, %select_n3A_1909, %select_n3A_1902 : vector<16xf32>
      %lt3A_1920 = arith.cmpi slt, %select_n3A_1910, %select_n3A_1903 : vector<16xi32>
      %and3A_1921 = arith.andi %eq3A_1919, %lt3A_1920 : vector<16xi1>
      %or3A_1922 = arith.ori %gt3A_1918, %and3A_1921 : vector<16xi1>
      %select_n3A_1923 = arith.select %or3A_1922, %select_n3A_1909, %select_n3A_1902 : vector<16xi1>, vector<16xf32>
      %select_n3A_1924 = arith.select %or3A_1922, %select_n3A_1910, %select_n3A_1903 : vector<16xi1>, vector<16xi32>
      %gt3A_1925 = arith.cmpf ogt, %select_n3A_1923, %select_n3A_1916 : vector<16xf32>
      %eq3A_1926 = arith.cmpf oeq, %select_n3A_1923, %select_n3A_1916 : vector<16xf32>
      %lt3A_1927 = arith.cmpi slt, %select_n3A_1924, %select_n3A_1917 : vector<16xi32>
      %and3A_1928 = arith.andi %eq3A_1926, %lt3A_1927 : vector<16xi1>
      %or3A_1929 = arith.ori %gt3A_1925, %and3A_1928 : vector<16xi1>
      %select_n3A_1930 = arith.select %or3A_1929, %select_n3A_1923, %select_n3A_1916 : vector<16xi1>, vector<16xf32>
      %select_n3A_1931 = arith.select %or3A_1929, %select_n3A_1924, %select_n3A_1917 : vector<16xi1>, vector<16xi32>
      %mul3A_1932 = arith.constant 16 : i32
      %mul3A_1933 = arith.muli %add3A_1620, %mul3A_1932 : i32
      %add3A_1934 = vector.broadcast %mul3A_1933 : i32 to vector<16xi32>
      %add3A_1935 = arith.addi %add3A_1934, %iota3A : vector<16xi32>
      tpu.vector_store_idx %arg13[%add3A_1935], %select_n3A_1931 : memref<512xi32, #tpu.memory_space<vmem>>[vector<16xi32>], vector<16xi32>,
      %add3A_1936 = arith.constant 3 : i32
      %add3A_1937 = arith.addi %mul3A_650, %add3A_1936 : i32
      %add3A_1938 = arith.constant 4 : i32
      %add3A_1939 = arith.addi %add3A_1937, %add3A_1938 : i32
      %lt3A_1940 = arith.constant 32 : i32
      %lt3A_1941 = arith.cmpi slt, %add3A_1939, %lt3A_1940 : i32
      %convert_element_type3A_1942 = arith.extui %lt3A_1941 : i1 to i32
      %cond3A_1943 = arith.constant 0 : i32
      %cond3A_1944 = arith.cmpi ne, %convert_element_type3A_1942, %cond3A_1943 : i32
      scf.if %cond3A_1944 {
        %add3A_1945 = arith.constant 3 : i32
        %add3A_1946 = arith.addi %mul3A_650, %add3A_1945 : i32
        %add3A_1947 = arith.constant 4 : i32
        %add3A_1948 = arith.addi %add3A_1946, %add3A_1947 : i32
        %dma_start3A_1949 = arith.constant 0 : i32
        %dma_start3A_1950 = tpu.memref_slice %arg6[%add3A_1948, %dma_start3A_1949] : memref<32x16xi32, #tpu.memory_space<vmem>> -> memref<1x16xi32, #tpu.memory_space<vmem>>
        %dma_start3A_1951 = tpu.memref_squeeze %dma_start3A_1950 : memref<1x16xi32, #tpu.memory_space<vmem>> -> memref<16xi32, #tpu.memory_space<vmem>>
        %dma_start3A_1952 = arith.constant 0 : i32
        %dma_start3A_1953 = arith.constant 0 : i32
        %dma_start3A_1954 = tpu.memref_slice %arg3[%dma_start3A_1952, %dma_start3A_1953] : memref<16384x1024xf32, #tpu.memory_space<hbm>> -> memref<16384x1024xf32, #tpu.memory_space<hbm>>
        tpu.enqueue_indirect_dma source(%dma_start3A_1954 : memref<16384x1024xf32, #tpu.memory_space<hbm>>) target(%arg10 : memref<16x1024xf32, #tpu.memory_space<vmem>>) offsets(%dma_start3A_1951 : memref<16xi32, #tpu.memory_space<vmem>>) semaphore(%arg17 : memref<!tpu.dma_semaphore, #tpu.memory_space<semaphore_mem>>)
      } else {
      }
    }
    %scan3A_645 = arith.constant 8 : i32
    %mul3A_646 = arith.constant 512 : i32
    %mul3A_647 = arith.muli %add3A, %mul3A_646 : i32
    "tpu.region"() ({
      %run_scoped3A = tpu.sem_alloc : memref<!tpu.dma_semaphore, #tpu.memory_space<semaphore_mem>>
      %dma_start3A_648 = tpu.memref_slice %arg4[%mul3A_647] : memref<16384xi32, #tpu.memory_space<hbm>> -> memref<512xi32, #tpu.memory_space<hbm>>
      %dma_start3A_649 = tpu.memref_slice %arg4[%mul3A_647] : memref<16384xi32, #tpu.memory_space<hbm>> -> memref<512xi32, #tpu.memory_space<hbm>>
      tpu.enqueue_dma source(%arg13 : memref<512xi32, #tpu.memory_space<vmem>>) target(%dma_start3A_649 : memref<512xi32, #tpu.memory_space<hbm>>) target_semaphore(%run_scoped3A : memref<!tpu.dma_semaphore, #tpu.memory_space<semaphore_mem>>)
      %dma_wait3A = tpu.memref_slice %arg4[%mul3A_647] : memref<16384xi32, #tpu.memory_space<hbm>> -> memref<512xi32, #tpu.memory_space<hbm>>
      %dma_wait3A_650 = tpu.memref_slice %arg4[%mul3A_647] : memref<16384xi32, #tpu.memory_space<hbm>> -> memref<512xi32, #tpu.memory_space<hbm>>
      tpu.wait_dma2 semaphore(%run_scoped3A : memref<!tpu.dma_semaphore, #tpu.memory_space<semaphore_mem>>) src(%arg13 : memref<512xi32, #tpu.memory_space<vmem>>) dst(%dma_wait3A_650 : memref<512xi32, #tpu.memory_space<hbm>>)
      tpu.yield
    }) : () -> ()
    return
  }
}

</mosaic_0001>

<sc_bundles>
// kernel: kernel.3.cloned.1.call-start
scs
__scs_entry_jumppad:
0x0: {  	(pc) =	sbr.rel $0x88, $3  }
0x1: {  	(tag) =	ssettag $0x0;
	lr =	simm.s32 $0x1  }
0x2: {  	[smem:$0x3F9F] =	sst lr;
	_ =	strace $0xD0000000  }
0x3: {  	_ = 	snop  }
0x4: {  	_ = 	snop  }
0x5: {  	_ = 	snop  }
0x6: {  	_ = 	snop  }
0x7: {  	_ = 	snop  }
__scs_overlays_trampoline_lowered:
0x8: {  	[smem:$0x3FAE] =	sst s0  }
0x9: {  	[smem:$0x3FAF] =	sst s1  }
0xa: {  	[smem:$0x3FB0] =	sst s2  }
0xb: {  	[smem:$0x3FB1] =	sst s3  }
0xc: {  	[smem:$0x3FB2] =	sst s4  }
0xd: {  	[smem:$0x3FB3] =	sst s5  }
0xe: {  	[smem:$0x3FB4] =	sst s6  }
0xf: {  	[smem:$0x3FB5] =	sst s7  }
0x10: {  	[smem:$0x3FB6] =	sst s8  }
0x11: {  	[smem:$0x3FB7] =	sst s9;
	s0 =	simm.s32 @!p0 $0x0  }
0x12: {  	s1 =	sld [smem:$0x3F9D];
	s0 =	simm.s32 @p0 $0x1  }
0x13: {  	[smem:$0x3FB8] =	sst s0;
	s0 =	simm.s32 @!p1 $0x0  }
0x14: {  	s2 =	sld [smem:$0x3F9C];
	s0 =	simm.s32 @p1 $0x1  }
0x15: {  	[smem:$0x3FB9] =	sst s0;
	s0 =	simm.s32 @!p2 $0x0  }
0x16: {  	s3 =	sld [smem:$0x3FDB];
	s0 =	simm.s32 @p2 $0x1  }
0x17: {  	s4 =	simm.s32 $0x1BF5;
	[smem:$0x3FBB] =	sst s0  }
0x18: {  	s0 =	sld [smem:$0x3F9E];
	_ =	swait.ge [sflag:s4], $0x0  }
0x19: {  	s7 =	sld [smem:$0x3F9F]  }
0x1a: {  	s8 =	sadd.s32 $0xFFFFE003, lr  }
0x1b: {  	s9 =	sadd.s32 $0xFFFFFEF7, lr;
	s5 =	simm.s32 $0xFFFFFFFF;
	p2 =	slt.u32 s8, $0xFFFFF086  }
0x1c: {  	p1 =	slt.u32 s9, $0xF7A;
	s5 =	simm.s32 @!p2 $0x0  }
0x1d: {  	s5 =	simm.s32 @p1 $0x1;
	p0 =	seq.s32 s7, s2  }
0x1e: {  	s7 =	smul.u32 @!p0 $0xF7A, s2;
	p2 =	seq.s32 @!p0 s5, $0x0  }
0x1f: {  	s9 =	smul.u32 $0xF7A, s1;
	s8 =	simm.s32 @!p0 $0x1BF5;
	p2 =	por !p2, p0  }
0x20: {  	[sflag:s8] =	ssyncset.s32 @!p0 $0xFFFFF086;
	s6 =	sadd.s32 @!p0 s3, s7;
	s7 =	simm.s32 @!p0 $0x108  }
0x21: {  	s3 =	sadd.s32 s3, s9;
	s6 =	sadd.s32 @!p0 $0x88, s6;
	s7 =	simm.s32 @p2 $0x1082  }
0x22: {  	[simem:s7], [sflag:s8] =	dma.local @!p0 [hbm:s6], $0xF7A  }
0x23: {  	s9 =	sor.u32 $0xD0000000, s2;
	s6 =	simm.s32 $0x108;
	_ =	swait.ge @!p0 [sflag:s8], $0x0  }
0x24: {  	s3 =	sadd.s32 $0x88, s3;
	s6 =	simm.s32 @!p1 $0x1082;
	[sflag:s4] =	ssyncset.s32 $0xFFFFF086  }
0x25: {  	[simem:s6], [sflag:s4] =	dma.local [hbm:s3], $0xF7A  }
0x26: {  	[smem:$0x3F9F] =	sst s1;
	(tag) =	ssettag s2;
	_ =	strace s9  }
0x27: {  	s1 =	sld [smem:$0x3FAF]  }
0x28: {  	s2 =	sld [smem:$0x3FB0]  }
0x29: {  	s4 =	sld [smem:$0x3FB2]  }
0x2a: {  	p0 =	seq.s32 s5, $0x0;
	s5 =	sld [smem:$0x3FB3]  }
0x2b: {  	s6 =	sld [smem:$0x3FB4]  }
0x2c: {  	s7 =	sld [smem:$0x3FB5]  }
0x2d: {  	s3 =	simm.s32 $0x108;
	s8 =	sld [smem:$0x3FB6]  }
0x2e: {  	s3 =	simm.s32 @!p0 $0x1082;
	s9 =	sld [smem:$0x3FB7]  }
0x2f: {  	lr =	sadd.s32 s0, s3;
	s0 =	sld [smem:$0x3FAE]  }
0x30: {  	s3 =	sld [smem:$0x3FB1]  }
0x31: {  	[smem:$0x3FBA] =	sst s10  }
0x32: {  	s10 =	sld [smem:$0x3FB8];
	_ =	sdelay $0x3  }
0x33: {  	p0 =	seq.s32 s10, $0x1;
	s10 =	sld [smem:$0x3FBA];
	_ =	sdelay $0x3  }
0x34: {  	[smem:$0x3FBA] =	sst s10  }
0x35: {  	s10 =	sld [smem:$0x3FB9];
	_ =	sdelay $0x3  }
0x36: {  	p1 =	seq.s32 s10, $0x1;
	s10 =	sld [smem:$0x3FBA];
	_ =	sdelay $0x3  }
0x37: {  	[smem:$0x3FBA] =	sst s10  }
0x38: {  	s10 =	sld [smem:$0x3FBB]  }
0x39: {  	_ = 	snop;
	(pc) =	sbr.ind lr, $3  }
0x3a: {  	_ = 	snop  }
0x3b: {  	_ = 	snop  }
0x3c: {  	p2 =	seq.s32 s10, $0x1;
	s10 =	sld [smem:$0x3FBA]  }
0x3d: {  	_ =	shalt  }
0x3e: {  	_ =	shalt  }
0x3f: {  	_ =	shalt  }
0x40: {  	_ =	shalt  }
0x41: {  	_ =	shalt  }
0x42: {  	_ =	shalt  }
0x43: {  	_ =	shalt  }
0x44: {  	_ =	shalt  }
0x45: {  	_ =	shalt  }
0x46: {  	_ =	shalt  }
0x47: {  	_ =	shalt  }
0x48: {  	_ =	shalt  }
0x49: {  	_ =	shalt  }
0x4a: {  	_ =	shalt  }
0x4b: {  	_ =	shalt  }
0x4c: {  	_ =	shalt  }
0x4d: {  	_ =	shalt  }
0x4e: {  	_ =	shalt  }
0x4f: {  	_ =	shalt  }
0x50: {  	_ =	shalt  }
0x51: {  	_ =	shalt  }
0x52: {  	_ =	shalt  }
0x53: {  	_ =	shalt  }
0x54: {  	_ =	shalt  }
0x55: {  	_ =	shalt  }
0x56: {  	_ =	shalt  }
0x57: {  	_ =	shalt  }
0x58: {  	_ =	shalt  }
0x59: {  	_ =	shalt  }
0x5a: {  	_ =	shalt  }
0x5b: {  	_ =	shalt  }
0x5c: {  	_ =	shalt  }
0x5d: {  	_ =	shalt  }
0x5e: {  	_ =	shalt  }
0x5f: {  	_ =	shalt  }
0x60: {  	_ =	shalt  }
0x61: {  	_ =	shalt  }
0x62: {  	_ =	shalt  }
0x63: {  	_ =	shalt  }
0x64: {  	_ =	shalt  }
0x65: {  	_ =	shalt  }
0x66: {  	_ =	shalt  }
0x67: {  	_ =	shalt  }
0x68: {  	_ =	shalt  }
0x69: {  	_ =	shalt  }
0x6a: {  	_ =	shalt  }
0x6b: {  	_ =	shalt  }
0x6c: {  	_ =	shalt  }
0x6d: {  	_ =	shalt  }
0x6e: {  	_ =	shalt  }
0x6f: {  	_ =	shalt  }
0x70: {  	_ =	shalt  }
0x71: {  	_ =	shalt  }
0x72: {  	_ =	shalt  }
0x73: {  	_ =	shalt  }
0x74: {  	_ =	shalt  }
0x75: {  	_ =	shalt  }
0x76: {  	_ =	shalt  }
0x77: {  	_ =	shalt  }
0x78: {  	_ =	shalt  }
0x79: {  	_ =	shalt  }
0x7a: {  	_ =	shalt  }
0x7b: {  	_ =	shalt  }
0x7c: {  	_ =	shalt  }
0x7d: {  	_ =	shalt  }
0x7e: {  	_ =	shalt  }
0x7f: {  	_ =	shalt  }
0x80: {  	_ =	shalt  }
0x81: {  	_ =	shalt  }
0x82: {  	_ =	shalt  }
0x83: {  	_ =	shalt  }
0x84: {  	_ =	shalt  }
0x85: {  	_ =	shalt  }
0x86: {  	_ =	shalt  }
0x87: {  	_ =	shalt  }
.Lfunc_end0:
.L_simem_size_0:
called_computation_lowered:
.L_overlay_start_0:
0x88: {  	s2 =	sld [smem:$0x3FD9]  }
0x89: {  	s3 =	sld [smem:$0x3FFE];
	_ =	sdelay $0x1  }
0x8a: {  	s1 =	srdreg.scid  }
0x8b: {  	s0 =	sand.u32 $0x1, s1  }
0x8c: {  	s17 =	sshll.u32 s0, $0xA;
	s2 =	sadd.s32 s3, s2  }
0x8d: {  	s2 =	sadd.s32 s2, s17  }
0x8e: {  	[smem:$0x3FC6] =	sst s2  }
0x8f: {  	_ = 	snop  }
0x90: {  	s2 =	sld [smem:$0x3FC8]  }
0x91: {  	s18 =	sld [smem:$0x3FD0];
	(tm) =	ssettm $0x1  }
0x92: {  	s4 =	sld [smem:$0x3FFB];
	_ =	sdelay $0x3  }
0x93: {  	_ =	strace s4  }
0x94: {  	s4 =	sld [smem:$0x3FFC];
	_ =	sdelay $0x3  }
0x95: {  	_ =	strace s4  }
0x96: {  	s4 =	sld [smem:$0x3FFD];
	_ =	sdelay $0x3  }
0x97: {  	_ =	strace s4  }
0x98: {  	_ =	strace $0x8FFFFFFF  }
0x99: {  	s19 =	sld [smem:$0x3FDB];
	_ =	sdelay $0x1  }
0x9a: {  	s5 =	simm.s32 $_scs_section_size  }
0x9b: {  	s6 =	simm.s32 $_size__tile_overlayer_lowered;
	s7 =	simm.s32 $_tile_overlayer_lowered  }
0x9c: {  	s22 =	simm.s32 $0x1BFF;
	s21 =	sshll.u32 s7, $0x1;
	s4 =	sadd.s32 s5, s19  }
0x9d: {  	s8 =	simm.s32 $0x0;
	s20 =	sshll.u32 s6, $0x1;
	s6 =	sadd.s32 s21, s4  }
0x9e: {  	[timem:s8], [sflag:s22] =	dma.local [hbm:s6], s20  }
0x9f: {  	_ =	swait.ge [sflag:s22], s20  }
0xa0: {  	s5 =	ssub.s32 $0x0, s20;
	[sflag:s22] =	ssyncset.done $0x0  }
0xa1: {  	[sflag:s22] =	ssyncadd.s32 s5;
	_ =	sdelay $0x1  }
0xa2: {  	s23 =	simm.s32 $0x1B8B  }
0xa3: {  	_ =	swait.ge [sflag:s23], $0x1  }
0xa4: {  	[sflag:s23] =	ssyncset.done $0x0  }
0xa5: {  	s25 =	simm.s32 $0x1B8E;
	s24 =	sld [smem:$0x3FFE];
	[sflag:s23] =	ssyncadd.s32 $0xFFFFFFFF  }
0xa6: {  	s26 =	simm.s32 $execute0_lowered;
	[smem:$0x3FD2] =	sst s25  }
0xa7: {  	s6 =	sshll.u32 s26, $0x1;
	_ =	strace $0x80000046;
	[dreg:$0x1] =	wrdreg $0xFFFFFFFF  }
0xa8: {  	s28 =	simm.s32 $_size_execute0_lowered;
	s4 =	sadd.s32 s4, s6;
	[dreg:$0x0] =	wrdreg $0x0  }
0xa9: {  	s6 =	sshll.u32 s28, $0x1;
	[dreg:$0x2] =	wrdreg s4  }
0xaa: {  	[dreg:$0x3] =	wrdreg s6  }
0xab: {  	[dreg:$0x4] =	wrdreg $0xC0  }
0xac: {  	_ =	task [dreg:s8], $0x5FFFF  }
0xad: {  	[dreg:$0x1] =	wrdreg $0xFFFFFFFF  }
0xae: {  	[dreg:$0x0] =	wrdreg $0x60  }
0xaf: {  	[dreg:$0x2] =	wrdreg s24  }
0xb0: {  	[dreg:$0x3] =	wrdreg s2  }
0xb1: {  	[dreg:$0x4] =	wrdreg s18  }
0xb2: {  	[dreg:$0x5] =	wrdreg $0x9  }
0xb3: {  	_ =	task.clear_ibuf [dreg:s8], $0x6FFFF;
	_ =	strace $0x90000046  }
0xb4: {  	s29 =	simm.s32 $0x9;
	_ =	strace $0x80000048  }
0xb5: {  	_ =	swait.ge [sflag:s29], $0x1  }
0xb6: {  	[sflag:s29] =	ssyncadd.s32 $0xFFFFFFFF  }
0xb7: {  	_ =	strace $0x90000048  }
0xb8: {  	_ =	sfence  }
0xb9: {  	s30 =	sld [smem:$0x0];
	_ =	sdelay $0x2  }
0xba: {  	s31 =	sshll.u32 s1, $0xD;
	s1 =	sshrl.u32 s1, $0x2  }
0xbb: {  	s3 =	sand.u32 $0x4000, s31;
	s1 =	sadd.s32 s1, s30  }
0xbc: {  	s0 =	sor.u32 s3, s0;
	s1 =	sshll.u32 s1, $0x11  }
0xbd: {  	s0 =	sor.u32 s1, s0  }
0xbe: {  	s0 =	sadd.s32 $0x8F2B, s0  }
0xbf: {  	[sflag:s0] =	ssyncadd.remote.s32 $0x1  }
0xc0: {  	_ =	sfence.sel $0xFFFF  }
0xc1: {  	[dreg:$0x0] =	wrdreg $0xFFFFFFFF;
	(pc) =	sbr.abs _section_cstart, $3  }
0xc2: {  	[dreg:$0x1] =	wrdreg $0xFFFFFFFF  }
0xc3: {  	_ =	task.clear_ibuf [dreg:s8], $0x2FFFF;
	_ =	strace $0x9FFFFFFF  }
0xc4: {  	(tm) =	ssettm $0x7FFFFFFF  }
0xc5: {  	_ =	shalt  }
tec
execute0_lowered:
.L_overlay_start_1:
0x0: {  	(tag) =	ssettag $0x1  }
0x1: {  	v0 =	vlaneseq.u32  }
0x2: {  	v1 =	vmul.u32 $0x2, v0;
	_ =	sdelay $0x1  }
0x3: {  	v2 =	vor.u32 $0x1, v1  }
0x4: {  	[tilespmem:$0x1FD10] =	vst v2;
	v2 =	vor.u32 $0x20, v1  }
0x5: {  	[tilespmem:$0x1FD20] =	vst v2;
	v2 =	vor.u32 $0x21, v1  }
0x6: {  	[tilespmem:$0x1FD30] =	vst v2;
	v2 =	vor.u32 $0x40, v1  }
0x7: {  	[tilespmem:$0x1FD40] =	vst v2;
	v2 =	vor.u32 $0x41, v1  }
0x8: {  	[tilespmem:$0x1FD50] =	vst v2;
	v2 =	vor.u32 $0x60, v1  }
0x9: {  	[tilespmem:$0x1FD60] =	vst v2;
	v2 =	vor.u32 $0x61, v1  }
0xa: {  	s1 =	rddreg [dreg:$0x0];
	s3 =	srdreg.scid;
	[tilespmem:$0x1FD70] =	vst v2;
	v2 =	vshrl.u32 v0, $0x3  }
0xb: {  	s0 =	rddreg [dreg:$0x1];
	s4 =	sand.u32 $0x1, s3;
	s3 =	simm.s32 $0x0;
	v10 =	vmul.u32 $0x8, v2;
	v2 =	vor.u32 $0x80, v1  }
0xc: {  	[smem:$0x7FF] =	sst s3;
	[tilespmem:$0x1FD80] =	vst v2;
	v2 =	vor.u32 $0x81, v1  }
0xd: {  	s2 =	rddreg [dreg:$0x2];
	_ =	strace $0x80000047;
	[tilespmem:$0x1FD90] =	vst v2;
	v2 =	vor.u32 $0xA0, v1  }
0xe: {  	[tilespmem:$0x1FDA0] =	vst v2;
	v2 =	vor.u32 $0xA1, v1  }
0xf: {  	[tilespmem:$0x1FDB0] =	vst v2;
	v2 =	vor.u32 $0xC0, v1  }
0x10: {  	[tilespmem:$0x1FDC0] =	vst v2;
	v2 =	vor.u32 $0xC1, v1  }
0x11: {  	[tilespmem:$0x1FDD0] =	vst v2;
	v2 =	vor.u32 $0xE0, v1  }
0x12: {  	[tilespmem:$0x1FDE0] =	vst v2;
	v2 =	vor.u32 $0xE1, v1  }
0x13: {  	[tilespmem:$0x1FDF0] =	vst v2;
	v2 =	vor.u32 $0x100, v1  }
0x14: {  	[tilespmem:$0x1FE00] =	vst v2;
	v2 =	vor.u32 $0x101, v1  }
0x15: {  	[tilespmem:$0x1FE10] =	vst v2;
	v2 =	vor.u32 $0x120, v1  }
0x16: {  	[tilespmem:$0x1FE20] =	vst v2;
	v2 =	vor.u32 $0x121, v1  }
0x17: {  	[tilespmem:$0x1FE30] =	vst v2;
	v2 =	vor.u32 $0x140, v1  }
0x18: {  	[tilespmem:$0x1FE40] =	vst v2;
	v2 =	vor.u32 $0x141, v1  }
0x19: {  	[tilespmem:$0x1FE50] =	vst v2;
	v2 =	vor.u32 $0x160, v1  }
0x1a: {  	[tilespmem:$0x1FE60] =	vst v2;
	v2 =	vor.u32 $0x161, v1  }
0x1b: {  	[tilespmem:$0x1FE70] =	vst v2;
	v2 =	vor.u32 $0x180, v1  }
0x1c: {  	[tilespmem:$0x1FE80] =	vst v2;
	v2 =	vor.u32 $0x181, v1  }
0x1d: {  	[tilespmem:$0x1FE90] =	vst v2;
	v2 =	vor.u32 $0x1A0, v1  }
0x1e: {  	[tilespmem:$0x1FEA0] =	vst v2;
	v2 =	vor.u32 $0x1A1, v1  }
0x1f: {  	[tilespmem:$0x1FEB0] =	vst v2;
	v2 =	vor.u32 $0x1C0, v1  }
0x20: {  	[tilespmem:$0x1FEC0] =	vst v2;
	v2 =	vor.u32 $0x1C1, v1  }
0x21: {  	[tilespmem:$0x1FED0] =	vst v2;
	v2 =	vor.u32 $0x1E0, v1  }
0x22: {  	[tilespmem:$0x1FEE0] =	vst v2;
	v2 =	vor.u32 $0x1E1, v1  }
0x23: {  	[tilespmem:$0x1FEF0] =	vst v2;
	v2 =	vor.u32 $0x200, v1  }
0x24: {  	[tilespmem:$0x1FF00] =	vst v2;
	v2 =	vor.u32 $0x201, v1  }
0x25: {  	[tilespmem:$0x1FF10] =	vst v2;
	v2 =	vor.u32 $0x220, v1  }
0x26: {  	[tilespmem:$0x1FF20] =	vst v2;
	v2 =	vor.u32 $0x221, v1  }
0x27: {  	[tilespmem:$0x1FF30] =	vst v2;
	v2 =	vor.u32 $0x240, v1  }
0x28: {  	[tilespmem:$0x1FF40] =	vst v2;
	v2 =	vor.u32 $0x241, v1  }
0x29: {  	s5 =	stileid.u32;
	s17 =	simm.s32 $0xF400;
	[tilespmem:$0x1FF50] =	vst v2;
	v2 =	vor.u32 $0x260, v1  }
0x2a: {  	s18 =	simm.s32 $0xFC00;
	s19 =	simm.s32 $0x10400;
	s20 =	simm.s32 $0x10C00;
	[tilespmem:$0x1FF60] =	vst v2;
	v2 =	vor.u32 $0x261, v1  }
0x2b: {  	s21 =	simm.s32 $0x1;
	s22 =	simm.s32 $0x11400;
	s23 =	simm.s32 $0x11C00;
	[tilespmem:$0x1FF70] =	vst v2;
	v2 =	vor.u32 $0x280, v1  }
0x2c: {  	s24 =	simm.s32 $0x12400;
	s25 =	simm.s32 $0x2;
	s5 =	sshll.u32 s5, $0x1;
	[tilespmem:$0x1FF80] =	vst v2;
	v2 =	vor.u32 $0x281, v1  }
0x2d: {  	vm0 =	vmmov $0xffff;
	s26 =	simm.s32 $0x3;
	v9 =	vand.u32 $0x7, v0;
	s6 =	sor.u32 s4, s5;
	s4 =	ssub.s32 $0x2, s4;
	[tilespmem:$0x1FF90] =	vst v2;
	v2 =	vor.u32 $0x2A0, v1  }
0x2e: {  	s28 =	simm.s32 $0x4;
	v11 =	vor.u32 $0x8, v0;
	s5 =	sshll.u32 s6, $0x7;
	s7 =	sshrl.u32 s4, $0x1;
	v52 =	vor.u32 $0x300, v1;
	[tilespmem:$0x1FFA0] =	vst v2;
	v2 =	vor.u32 $0x2A1, v1  }
.Ltmp0:
0x2f: {  	s30 =	sshll.u32 s6, $0x6;
	v53 =	vor.u32 $0x301, v1;
	v54 =	vor.u32 $0x320, v1;
	s1 =	sadd.s32 s5, s1;
	[tilespmem:$0x1FFB0] =	vst v2;
	v2 =	vor.u32 $0x2C0, v1;
	(pc) =	sbr.rel .LBB2_1-.Ltmp0, $4  }
0x30: {  	s6 =	sadd.s32 $0x200, s0;
	v55 =	vor.u32 $0x321, v1;
	v56 =	vor.u32 $0x340, v1;
	s4 =	ssub.s32 s4, s7;
	s1 =	sadd.s32 $0x400, s1;
	[tilespmem:$0x1FFC0] =	vst v2;
	v2 =	vor.u32 $0x2C1, v1  }
0x31: {  	v57 =	vor.u32 $0x341, v1;
	v58 =	vor.u32 $0x360, v1;
	s5 =	sadd.s32 $0x100, s0;
	s31 =	smax.u32 s4, $0x1;
	[dreg:$0x4] =	wrdreg s1;
	[tilespmem:$0x1FFD0] =	vst v2;
	v2 =	vor.u32 $0x2E0, v1  }
0x32: {  	v59 =	vor.u32 $0x361, v1;
	v60 =	vor.u32 $0x380, v1;
	s7 =	sadd.s32 $0x300, s0;
	s1 =	sadd.s32 s2, s30;
	[dreg:$0x6] =	wrdreg s31;
	[tilespmem:$0x1FFE0] =	vst v2;
	v2 =	vor.u32 $0x2E1, v1  }
0x33: {  	v61 =	vor.u32 $0x381, v1;
	v62 =	vor.u32 $0x3A0, v1;
	v63 =	vor.u32 $0x3A1, v1;
	s4 =	simm.s32 $0x0;
	s2 =	simm.s32 $0x5;
	[dreg:$0x5] =	wrdreg s1;
	[tilespmem:$0x1FFF0] =	vst v2  }
.LBB2_20:
0x34: {  	s1 =	rddreg [dreg:$0x5];
	s2 =	simm.s32 $0x5  }
0x35: {  	[hbm4b:s1+s3] =	stream.linear.scatter [tilespmem:s24], [sflag:$0x5], $0x200, $0x38;
	[tilespmem:$0x12600] =	vst v63  }
0x36: {  	_ =	swait.ge [sflag:s2], $0x200  }
0x37: {  	s4 =	rddreg [dreg:$0x7]  }
0x38: {  	s31 =	rddreg [dreg:$0x6];
	s4 =	sadd.s32 $0x1, s4  }
0x39: {  	p0 =	sne.s32 s4, s31  }
.Ltmp1:
0x3a: {  	_ = 	snop;
	(pc) =	sbr.rel @!p0 .LBB2_21-.Ltmp1, $3  }
0x3b: {  	_ =	sdelay $0x1  }
0x3c: {  	[sflag:s2] =	ssyncset.done $0x0  }
0x3d: {  	[sflag:s2] =	ssyncadd.s32 $0xFFFFFE00  }
.LBB2_1:
0x3e: {  	[dreg:$0x7] =	wrdreg s4  }
0x3f: {  	s1 =	rddreg [dreg:$0x4]  }
0x40: {  	[tilespmem:s3], [sflag:$0x5] =	stream.linear.gather [hbm4b:s1+s3], $0x400, $0x38;
	[tilespmem:$0x12600] =	vst v63  }
0x41: {  	_ =	swait.ge [sflag:s2], $0x400  }
0x42: {  	v3 =	vld [tilespmem:$0x1FD10];
	_ =	sdelay $0x4  }
0x43: {  	[sflag:s2] =	ssyncset.done $0x0;
	v4 =	vld [tilespmem:$0x1FD20]  }
0x44: {  	v5 =	vld [tilespmem:$0x1FD30];
	[sflag:s2] =	ssyncadd.s32 $0xFFFFFC00  }
0x45: {  	v2 =	vld.idx.msk [tilespmem:v1+s3+$0x0], $0xffff  }
0x46: {  	v3 =	vld.idx.msk [tilespmem:v3+s3+$0x0], $0xffff;
	_ =	sdelay $0x3  }
0x47: {  	v2 =	vshll.u32 v2, $0x7  }
0x48: {  	v44 =	vld [tilespmem:$0x1FD40];
	v2 =	vadd.s32 v3, v2  }
0x49: {  	v45 =	vld [tilespmem:$0x1FD50];
	[tilespmem:$0x400] =	vst v2  }
0x4a: {  	v4 =	vld.idx.msk [tilespmem:v4+s3+$0x0], $0xffff  }
0x4b: {  	v5 =	vld.idx.msk [tilespmem:v5+s3+$0x0], $0xffff;
	_ =	sdelay $0x3  }
0x4c: {  	v2 =	vshll.u32 v2, $0x3;
	v4 =	vshll.u32 v4, $0x7  }
0x4d: {  	v46 =	vld [tilespmem:$0x1FD60];
	v3 =	vand.u32 $0x7, v3;
	v2 =	vand.u32 $0xFFFFFFC0, v2;
	v4 =	vadd.s32 v5, v4  }
0x4e: {  	v2 =	vor.u32 v3, v2;
	v3 =	vld [tilespmem:$0x1FD70];
	[tilespmem:$0x480] =	vst v4  }
0x4f: {  	v4 =	vld.idx.msk [tilespmem:v44+s3+$0x0], $0xffff  }
0x50: {  	v5 =	vld.idx.msk [tilespmem:v45+s3+$0x0], $0xffff;
	_ =	sdelay $0x3  }
0x51: {  	v4 =	vshll.u32 v4, $0x7  }
0x52: {  	v4 =	vadd.s32 v5, v4  }
0x53: {  	[tilespmem:$0x500] =	vst v4  }
0x54: {  	v4 =	vld.idx.msk [tilespmem:v46+s3+$0x0], $0xffff  }
0x55: {  	v47 =	vperm.xlane v2, v9;
	v3 =	vld.idx.msk [tilespmem:v3+s3+$0x0], $0xffff;
	_ =	sdelay $0x1  }
0x56: {  	v5 =	vadd.s32 v10, v47;
	_ =	sdelay $0x1  }
0x57: {  	v4 =	vshll.u32 v4, $0x7  }
0x58: {  	v3 =	vadd.s32 v3, v4  }
0x59: {  	s29 =	simm.s32 $0x1400;
	[tilespmem:$0x580] =	vst v3  }
0x5a: {  	[tilespmem:s29], [sflag:$0x1] =	stream.indirect_vreg.gather [hbm4b:s0+s3], $0x80, v5, vm0, $0xb8;
	[tilespmem:$0x12600] =	vst v63  }
0x5b: {  	s31 =	simm.s32 $0x1C00;
	v2 =	vperm.xlane v2, v11  }
0x5c: {  	[tilespmem:s31], [sflag:$0x1] =	stream.indirect_vreg.gather [hbm4b:s5+s3], $0x80, v5, vm0, $0xb8;
	[tilespmem:$0x12600] =	vst v63  }
0x5d: {  	s2 =	simm.s32 $0x2400;
	v2 =	vadd.s32 v10, v2  }
0x5e: {  	[tilespmem:s2], [sflag:$0x1] =	stream.indirect_vreg.gather [hbm4b:s6+s3], $0x80, v5, vm0, $0xb8;
	[tilespmem:$0x12600] =	vst v63  }
0x5f: {  	s4 =	simm.s32 $0x2C00  }
0x60: {  	[tilespmem:s4], [sflag:$0x1] =	stream.indirect_vreg.gather [hbm4b:s7+s3], $0x80, v5, vm0, $0xb8;
	[tilespmem:$0x12600] =	vst v63  }
0x61: {  	s8 =	simm.s32 $0x3400  }
0x62: {  	[tilespmem:s8], [sflag:$0x1] =	stream.indirect_vreg.gather [hbm4b:s0+s3], $0x80, v2, vm0, $0xb8;
	[tilespmem:$0x12600] =	vst v63  }
0x63: {  	s9 =	simm.s32 $0x3C00  }
0x64: {  	[tilespmem:s9], [sflag:$0x1] =	stream.indirect_vreg.gather [hbm4b:s5+s3], $0x80, v2, vm0, $0xb8;
	[tilespmem:$0x12600] =	vst v63  }
0x65: {  	s10 =	simm.s32 $0x4400  }
0x66: {  	[tilespmem:s10], [sflag:$0x1] =	stream.indirect_vreg.gather [hbm4b:s6+s3], $0x80, v2, vm0, $0xb8;
	[tilespmem:$0x12600] =	vst v63  }
0x67: {  	s11 =	simm.s32 $0x4C00  }
0x68: {  	[tilespmem:s11], [sflag:$0x1] =	stream.indirect_vreg.gather [hbm4b:s7+s3], $0x80, v2, vm0, $0xb8;
	[tilespmem:$0x12600] =	vst v63  }
0x69: {  	v2 =	vld [tilespmem:$0x480];
	_ =	sdelay $0x4  }
0x6a: {  	v3 =	vshll.u32 v2, $0x3  }
0x6b: {  	v2 =	vand.u32 $0x7, v2;
	v3 =	vand.u32 $0xFFFFFFC0, v3  }
0x6c: {  	v2 =	vor.u32 v2, v3  }
0x6d: {  	v3 =	vperm.xlane v2, v9;
	_ =	sdelay $0x1  }
0x6e: {  	v3 =	vadd.s32 v10, v3;
	_ =	sdelay $0x3  }
0x6f: {  	s12 =	simm.s32 $0x5400  }
0x70: {  	[tilespmem:s12], [sflag:$0x2] =	stream.indirect_vreg.gather [hbm4b:s0+s3], $0x80, v3, vm0, $0xb8;
	[tilespmem:$0x12600] =	vst v63  }
0x71: {  	s13 =	simm.s32 $0x5C00;
	v2 =	vperm.xlane v2, v11  }
0x72: {  	[tilespmem:s13], [sflag:$0x2] =	stream.indirect_vreg.gather [hbm4b:s5+s3], $0x80, v3, vm0, $0xb8;
	[tilespmem:$0x12600] =	vst v63  }
0x73: {  	s14 =	simm.s32 $0x6400;
	v2 =	vadd.s32 v10, v2  }
0x74: {  	[tilespmem:s14], [sflag:$0x2] =	stream.indirect_vreg.gather [hbm4b:s6+s3], $0x80, v3, vm0, $0xb8;
	[tilespmem:$0x12600] =	vst v63  }
0x75: {  	s15 =	simm.s32 $0x6C00  }
0x76: {  	[tilespmem:s15], [sflag:$0x2] =	stream.indirect_vreg.gather [hbm4b:s7+s3], $0x80, v3, vm0, $0xb8;
	[tilespmem:$0x12600] =	vst v63  }
0x77: {  	s16 =	simm.s32 $0x7400  }
0x78: {  	[tilespmem:s16], [sflag:$0x2] =	stream.indirect_vreg.gather [hbm4b:s0+s3], $0x80, v2, vm0, $0xb8;
	[tilespmem:$0x12600] =	vst v63  }
0x79: {  	s29 =	simm.s32 $0x7C00  }
0x7a: {  	[tilespmem:s29], [sflag:$0x2] =	stream.indirect_vreg.gather [hbm4b:s5+s3], $0x80, v2, vm0, $0xb8;
	[tilespmem:$0x12600] =	vst v63  }
0x7b: {  	s31 =	simm.s32 $0x8400  }
0x7c: {  	[tilespmem:s31], [sflag:$0x2] =	stream.indirect_vreg.gather [hbm4b:s6+s3], $0x80, v2, vm0, $0xb8;
	[tilespmem:$0x12600] =	vst v63  }
0x7d: {  	s2 =	simm.s32 $0x8C00  }
0x7e: {  	[tilespmem:s2], [sflag:$0x2] =	stream.indirect_vreg.gather [hbm4b:s7+s3], $0x80, v2, vm0, $0xb8;
	[tilespmem:$0x12600] =	vst v63  }
0x7f: {  	v2 =	vld [tilespmem:$0x500];
	_ =	sdelay $0x4  }
0x80: {  	v3 =	vshll.u32 v2, $0x3  }
0x81: {  	v2 =	vand.u32 $0x7, v2;
	v3 =	vand.u32 $0xFFFFFFC0, v3  }
0x82: {  	v2 =	vor.u32 v2, v3  }
0x83: {  	v3 =	vperm.xlane v2, v9;
	_ =	sdelay $0x1  }
0x84: {  	v3 =	vadd.s32 v10, v3;
	_ =	sdelay $0x3  }
0x85: {  	s4 =	simm.s32 $0x9400  }
0x86: {  	[tilespmem:s4], [sflag:$0x3] =	stream.indirect_vreg.gather [hbm4b:s0+s3], $0x80, v3, vm0, $0xb8;
	[tilespmem:$0x12600] =	vst v63  }
0x87: {  	s8 =	simm.s32 $0x9C00;
	v2 =	vperm.xlane v2, v11  }
0x88: {  	[tilespmem:s8], [sflag:$0x3] =	stream.indirect_vreg.gather [hbm4b:s5+s3], $0x80, v3, vm0, $0xb8;
	[tilespmem:$0x12600] =	vst v63  }
0x89: {  	s9 =	simm.s32 $0xA400;
	v2 =	vadd.s32 v10, v2  }
0x8a: {  	[tilespmem:s9], [sflag:$0x3] =	stream.indirect_vreg.gather [hbm4b:s6+s3], $0x80, v3, vm0, $0xb8;
	[tilespmem:$0x12600] =	vst v63  }
0x8b: {  	s10 =	simm.s32 $0xAC00  }
0x8c: {  	[tilespmem:s10], [sflag:$0x3] =	stream.indirect_vreg.gather [hbm4b:s7+s3], $0x80, v3, vm0, $0xb8;
	[tilespmem:$0x12600] =	vst v63  }
0x8d: {  	s11 =	simm.s32 $0xB400  }
0x8e: {  	[tilespmem:s11], [sflag:$0x3] =	stream.indirect_vreg.gather [hbm4b:s0+s3], $0x80, v2, vm0, $0xb8;
	[tilespmem:$0x12600] =	vst v63  }
0x8f: {  	s12 =	simm.s32 $0xBC00  }
0x90: {  	[tilespmem:s12], [sflag:$0x3] =	stream.indirect_vreg.gather [hbm4b:s5+s3], $0x80, v2, vm0, $0xb8;
	[tilespmem:$0x12600] =	vst v63  }
0x91: {  	s13 =	simm.s32 $0xC400  }
0x92: {  	[tilespmem:s13], [sflag:$0x3] =	stream.indirect_vreg.gather [hbm4b:s6+s3], $0x80, v2, vm0, $0xb8;
	[tilespmem:$0x12600] =	vst v63  }
0x93: {  	s14 =	simm.s32 $0xCC00  }
0x94: {  	[tilespmem:s14], [sflag:$0x3] =	stream.indirect_vreg.gather [hbm4b:s7+s3], $0x80, v2, vm0, $0xb8;
	[tilespmem:$0x12600] =	vst v63  }
0x95: {  	v2 =	vld [tilespmem:$0x580];
	_ =	sdelay $0x4  }
0x96: {  	v3 =	vshll.u32 v2, $0x3  }
0x97: {  	v2 =	vand.u32 $0x7, v2;
	v3 =	vand.u32 $0xFFFFFFC0, v3  }
0x98: {  	v2 =	vor.u32 v2, v3  }
0x99: {  	v3 =	vperm.xlane v2, v9;
	_ =	sdelay $0x1  }
0x9a: {  	v3 =	vadd.s32 v10, v3;
	_ =	sdelay $0x3  }
0x9b: {  	s15 =	simm.s32 $0xD400  }
0x9c: {  	[tilespmem:s15], [sflag:$0x4] =	stream.indirect_vreg.gather [hbm4b:s0+s3], $0x80, v3, vm0, $0xb8;
	[tilespmem:$0x12600] =	vst v63  }
0x9d: {  	s16 =	simm.s32 $0xDC00;
	v2 =	vperm.xlane v2, v11  }
0x9e: {  	[tilespmem:s16], [sflag:$0x4] =	stream.indirect_vreg.gather [hbm4b:s5+s3], $0x80, v3, vm0, $0xb8;
	[tilespmem:$0x12600] =	vst v63  }
0x9f: {  	s29 =	simm.s32 $0xE400;
	v2 =	vadd.s32 v10, v2  }
0xa0: {  	[tilespmem:s29], [sflag:$0x4] =	stream.indirect_vreg.gather [hbm4b:s6+s3], $0x80, v3, vm0, $0xb8;
	[tilespmem:$0x12600] =	vst v63  }
0xa1: {  	s31 =	simm.s32 $0xEC00  }
0xa2: {  	[tilespmem:s31], [sflag:$0x4] =	stream.indirect_vreg.gather [hbm4b:s7+s3], $0x80, v3, vm0, $0xb8;
	[tilespmem:$0x12600] =	vst v63  }
0xa3: {  	_ = 	snop  }
0xa4: {  	[tilespmem:s17], [sflag:$0x4] =	stream.indirect_vreg.gather [hbm4b:s0+s3], $0x80, v2, vm0, $0xb8;
	[tilespmem:$0x12600] =	vst v63  }
0xa5: {  	_ = 	snop  }
0xa6: {  	[tilespmem:s18], [sflag:$0x4] =	stream.indirect_vreg.gather [hbm4b:s5+s3], $0x80, v2, vm0, $0xb8;
	[tilespmem:$0x12600] =	vst v63  }
0xa7: {  	_ = 	snop  }
0xa8: {  	[tilespmem:s19], [sflag:$0x4] =	stream.indirect_vreg.gather [hbm4b:s6+s3], $0x80, v2, vm0, $0xb8;
	[tilespmem:$0x12600] =	vst v63  }
0xa9: {  	_ = 	snop  }
0xaa: {  	[tilespmem:s20], [sflag:$0x4] =	stream.indirect_vreg.gather [hbm4b:s7+s3], $0x80, v2, vm0, $0xb8;
	v2 =	vld [tilespmem:$0x1FD80]  }
0xab: {  	v3 =	vld [tilespmem:$0x1FD90];
	_ =	sdelay $0x6  }
0xac: {  	v2 =	vld.idx.msk [tilespmem:v2+s3+$0x0], $0xffff  }
0xad: {  	v3 =	vld.idx.msk [tilespmem:v3+s3+$0x0], $0xffff;
	_ =	sdelay $0x3  }
0xae: {  	v2 =	vshll.u32 v2, $0x7  }
0xaf: {  	v2 =	vadd.s32 v3, v2  }
0xb0: {  	[tilespmem:$0x600] =	vst v2;
	v2 =	vld [tilespmem:$0x1FDA0]  }
0xb1: {  	v3 =	vld [tilespmem:$0x1FDB0];
	_ =	sdelay $0x6  }
0xb2: {  	v2 =	vld.idx.msk [tilespmem:v2+s3+$0x0], $0xffff  }
0xb3: {  	v3 =	vld.idx.msk [tilespmem:v3+s3+$0x0], $0xffff;
	_ =	sdelay $0x3  }
0xb4: {  	v2 =	vshll.u32 v2, $0x7  }
0xb5: {  	v2 =	vadd.s32 v3, v2  }
0xb6: {  	[tilespmem:$0x680] =	vst v2;
	v2 =	vld [tilespmem:$0x1FDC0]  }
0xb7: {  	v3 =	vld [tilespmem:$0x1FDD0];
	_ =	sdelay $0x6  }
0xb8: {  	v2 =	vld.idx.msk [tilespmem:v2+s3+$0x0], $0xffff  }
0xb9: {  	v3 =	vld.idx.msk [tilespmem:v3+s3+$0x0], $0xffff;
	_ =	sdelay $0x3  }
0xba: {  	v2 =	vshll.u32 v2, $0x7  }
0xbb: {  	v2 =	vadd.s32 v3, v2  }
0xbc: {  	[tilespmem:$0x700] =	vst v2;
	v2 =	vld [tilespmem:$0x1FDE0]  }
0xbd: {  	v3 =	vld [tilespmem:$0x1FDF0];
	_ =	sdelay $0x6  }
0xbe: {  	v2 =	vld.idx.msk [tilespmem:v2+s3+$0x0], $0xffff  }
0xbf: {  	v3 =	vld.idx.msk [tilespmem:v3+s3+$0x0], $0xffff;
	_ =	sdelay $0x3  }
0xc0: {  	v2 =	vshll.u32 v2, $0x7  }
0xc1: {  	v2 =	vadd.s32 v3, v2  }
0xc2: {  	[tilespmem:$0x780] =	vst v2;
	v2 =	vld [tilespmem:$0x1FE00]  }
0xc3: {  	v3 =	vld [tilespmem:$0x1FE10];
	_ =	sdelay $0x6  }
0xc4: {  	v2 =	vld.idx.msk [tilespmem:v2+s3+$0x0], $0xffff  }
0xc5: {  	v3 =	vld.idx.msk [tilespmem:v3+s3+$0x0], $0xffff;
	_ =	sdelay $0x3  }
0xc6: {  	v2 =	vshll.u32 v2, $0x7  }
0xc7: {  	v2 =	vadd.s32 v3, v2  }
0xc8: {  	[tilespmem:$0x800] =	vst v2;
	v2 =	vld [tilespmem:$0x1FE20]  }
0xc9: {  	v3 =	vld [tilespmem:$0x1FE30];
	_ =	sdelay $0x6  }
0xca: {  	v2 =	vld.idx.msk [tilespmem:v2+s3+$0x0], $0xffff  }
0xcb: {  	v3 =	vld.idx.msk [tilespmem:v3+s3+$0x0], $0xffff;
	_ =	sdelay $0x3  }
0xcc: {  	v2 =	vshll.u32 v2, $0x7  }
0xcd: {  	v2 =	vadd.s32 v3, v2  }
0xce: {  	[tilespmem:$0x880] =	vst v2;
	v2 =	vld [tilespmem:$0x1FE40]  }
0xcf: {  	v3 =	vld [tilespmem:$0x1FE50];
	_ =	sdelay $0x6  }
0xd0: {  	v2 =	vld.idx.msk [tilespmem:v2+s3+$0x0], $0xffff  }
0xd1: {  	v3 =	vld.idx.msk [tilespmem:v3+s3+$0x0], $0xffff;
	_ =	sdelay $0x3  }
0xd2: {  	v2 =	vshll.u32 v2, $0x7  }
0xd3: {  	v2 =	vadd.s32 v3, v2  }
0xd4: {  	[tilespmem:$0x900] =	vst v2;
	v2 =	vld [tilespmem:$0x1FE60]  }
0xd5: {  	v3 =	vld [tilespmem:$0x1FE70];
	_ =	sdelay $0x6  }
0xd6: {  	v2 =	vld.idx.msk [tilespmem:v2+s3+$0x0], $0xffff  }
0xd7: {  	v3 =	vld.idx.msk [tilespmem:v3+s3+$0x0], $0xffff;
	_ =	sdelay $0x3  }
0xd8: {  	v2 =	vshll.u32 v2, $0x7  }
0xd9: {  	v2 =	vadd.s32 v3, v2  }
0xda: {  	[tilespmem:$0x980] =	vst v2;
	v2 =	vld [tilespmem:$0x1FE80]  }
0xdb: {  	v3 =	vld [tilespmem:$0x1FE90];
	_ =	sdelay $0x6  }
0xdc: {  	v2 =	vld.idx.msk [tilespmem:v2+s3+$0x0], $0xffff  }
0xdd: {  	v3 =	vld.idx.msk [tilespmem:v3+s3+$0x0], $0xffff;
	_ =	sdelay $0x3  }
0xde: {  	v2 =	vshll.u32 v2, $0x7  }
0xdf: {  	v2 =	vadd.s32 v3, v2  }
0xe0: {  	[tilespmem:$0xA00] =	vst v2;
	v2 =	vld [tilespmem:$0x1FEA0]  }
0xe1: {  	v3 =	vld [tilespmem:$0x1FEB0];
	_ =	sdelay $0x6  }
0xe2: {  	v2 =	vld.idx.msk [tilespmem:v2+s3+$0x0], $0xffff  }
0xe3: {  	v3 =	vld.idx.msk [tilespmem:v3+s3+$0x0], $0xffff;
	_ =	sdelay $0x3  }
0xe4: {  	v2 =	vshll.u32 v2, $0x7  }
0xe5: {  	v2 =	vadd.s32 v3, v2  }
0xe6: {  	[tilespmem:$0xA80] =	vst v2;
	v2 =	vld [tilespmem:$0x1FEC0]  }
0xe7: {  	v3 =	vld [tilespmem:$0x1FED0];
	_ =	sdelay $0x6  }
0xe8: {  	v2 =	vld.idx.msk [tilespmem:v2+s3+$0x0], $0xffff  }
0xe9: {  	v3 =	vld.idx.msk [tilespmem:v3+s3+$0x0], $0xffff;
	_ =	sdelay $0x3  }
0xea: {  	v2 =	vshll.u32 v2, $0x7  }
0xeb: {  	v2 =	vadd.s32 v3, v2  }
0xec: {  	[tilespmem:$0xB00] =	vst v2;
	v2 =	vld [tilespmem:$0x1FEE0]  }
0xed: {  	v3 =	vld [tilespmem:$0x1FEF0];
	_ =	sdelay $0x6  }
0xee: {  	v2 =	vld.idx.msk [tilespmem:v2+s3+$0x0], $0xffff  }
0xef: {  	v3 =	vld.idx.msk [tilespmem:v3+s3+$0x0], $0xffff;
	_ =	sdelay $0x3  }
0xf0: {  	v2 =	vshll.u32 v2, $0x7  }
0xf1: {  	v2 =	vadd.s32 v3, v2  }
0xf2: {  	[tilespmem:$0xB80] =	vst v2;
	v2 =	vld [tilespmem:$0x1FF00]  }
0xf3: {  	v3 =	vld [tilespmem:$0x1FF10];
	_ =	sdelay $0x6  }
0xf4: {  	v2 =	vld.idx.msk [tilespmem:v2+s3+$0x0], $0xffff  }
0xf5: {  	v3 =	vld.idx.msk [tilespmem:v3+s3+$0x0], $0xffff;
	_ =	sdelay $0x3  }
0xf6: {  	v2 =	vshll.u32 v2, $0x7  }
0xf7: {  	v2 =	vadd.s32 v3, v2  }
0xf8: {  	[tilespmem:$0xC00] =	vst v2;
	v2 =	vld [tilespmem:$0x1FF20]  }
0xf9: {  	v3 =	vld [tilespmem:$0x1FF30];
	_ =	sdelay $0x6  }
0xfa: {  	v2 =	vld.idx.msk [tilespmem:v2+s3+$0x0], $0xffff  }
0xfb: {  	v3 =	vld.idx.msk [tilespmem:v3+s3+$0x0], $0xffff;
	_ =	sdelay $0x3  }
0xfc: {  	v2 =	vshll.u32 v2, $0x7  }
0xfd: {  	v2 =	vadd.s32 v3, v2  }
0xfe: {  	[tilespmem:$0xC80] =	vst v2;
	v2 =	vld [tilespmem:$0x1FF40]  }
0xff: {  	v3 =	vld [tilespmem:$0x1FF50];
	_ =	sdelay $0x6  }
0x100: {  	v2 =	vld.idx.msk [tilespmem:v2+s3+$0x0], $0xffff  }
0x101: {  	v3 =	vld.idx.msk [tilespmem:v3+s3+$0x0], $0xffff;
	_ =	sdelay $0x3  }
0x102: {  	v2 =	vshll.u32 v2, $0x7  }
0x103: {  	v2 =	vadd.s32 v3, v2  }
0x104: {  	[tilespmem:$0xD00] =	vst v2;
	v2 =	vld [tilespmem:$0x1FF60]  }
0x105: {  	v3 =	vld [tilespmem:$0x1FF70];
	_ =	sdelay $0x6  }
0x106: {  	v2 =	vld.idx.msk [tilespmem:v2+s3+$0x0], $0xffff  }
0x107: {  	v3 =	vld.idx.msk [tilespmem:v3+s3+$0x0], $0xffff;
	_ =	sdelay $0x3  }
0x108: {  	v2 =	vshll.u32 v2, $0x7  }
0x109: {  	v2 =	vadd.s32 v3, v2  }
0x10a: {  	[tilespmem:$0xD80] =	vst v2;
	v2 =	vld [tilespmem:$0x1FF80]  }
0x10b: {  	v3 =	vld [tilespmem:$0x1FF90];
	_ =	sdelay $0x6  }
0x10c: {  	v2 =	vld.idx.msk [tilespmem:v2+s3+$0x0], $0xffff  }
0x10d: {  	v3 =	vld.idx.msk [tilespmem:v3+s3+$0x0], $0xffff;
	_ =	sdelay $0x3  }
0x10e: {  	v2 =	vshll.u32 v2, $0x7  }
0x10f: {  	v2 =	vadd.s32 v3, v2  }
0x110: {  	[tilespmem:$0xE00] =	vst v2;
	v2 =	vld [tilespmem:$0x1FFA0]  }
0x111: {  	v3 =	vld [tilespmem:$0x1FFB0];
	_ =	sdelay $0x6  }
0x112: {  	v2 =	vld.idx.msk [tilespmem:v2+s3+$0x0], $0xffff  }
0x113: {  	v3 =	vld.idx.msk [tilespmem:v3+s3+$0x0], $0xffff;
	_ =	sdelay $0x3  }
0x114: {  	v2 =	vshll.u32 v2, $0x7  }
0x115: {  	v2 =	vadd.s32 v3, v2  }
0x116: {  	[tilespmem:$0xE80] =	vst v2;
	v2 =	vld [tilespmem:$0x1FFC0]  }
0x117: {  	v3 =	vld [tilespmem:$0x1FFD0];
	_ =	sdelay $0x6  }
0x118: {  	v2 =	vld.idx.msk [tilespmem:v2+s3+$0x0], $0xffff  }
0x119: {  	v3 =	vld.idx.msk [tilespmem:v3+s3+$0x0], $0xffff;
	_ =	sdelay $0x3  }
0x11a: {  	v2 =	vshll.u32 v2, $0x7  }
0x11b: {  	v2 =	vadd.s32 v3, v2  }
0x11c: {  	[tilespmem:$0xF00] =	vst v2;
	v2 =	vld [tilespmem:$0x1FFE0]  }
0x11d: {  	v3 =	vld [tilespmem:$0x1FFF0];
	_ =	sdelay $0x6  }
0x11e: {  	v2 =	vld.idx.msk [tilespmem:v2+s3+$0x0], $0xffff  }
0x11f: {  	v3 =	vld.idx.msk [tilespmem:v3+s3+$0x0], $0xffff;
	_ =	sdelay $0x3  }
0x120: {  	v2 =	vshll.u32 v2, $0x7  }
0x121: {  	v2 =	vadd.s32 v3, v2  }
0x122: {  	[tilespmem:$0xF80] =	vst v2  }
0x123: {  	v2 =	vld.idx.msk [tilespmem:v52+s3+$0x0], $0xffff  }
0x124: {  	v3 =	vld.idx.msk [tilespmem:v53+s3+$0x0], $0xffff;
	_ =	sdelay $0x3  }
0x125: {  	v2 =	vshll.u32 v2, $0x7  }
0x126: {  	v2 =	vadd.s32 v3, v2  }
0x127: {  	[tilespmem:$0x1000] =	vst v2  }
0x128: {  	v2 =	vld.idx.msk [tilespmem:v54+s3+$0x0], $0xffff  }
0x129: {  	v3 =	vld.idx.msk [tilespmem:v55+s3+$0x0], $0xffff;
	_ =	sdelay $0x3  }
0x12a: {  	v2 =	vshll.u32 v2, $0x7  }
0x12b: {  	v2 =	vadd.s32 v3, v2  }
0x12c: {  	[tilespmem:$0x1080] =	vst v2  }
0x12d: {  	v2 =	vld.idx.msk [tilespmem:v56+s3+$0x0], $0xffff  }
0x12e: {  	v3 =	vld.idx.msk [tilespmem:v57+s3+$0x0], $0xffff;
	_ =	sdelay $0x3  }
0x12f: {  	v2 =	vshll.u32 v2, $0x7  }
0x130: {  	v2 =	vadd.s32 v3, v2  }
0x131: {  	[tilespmem:$0x1100] =	vst v2  }
0x132: {  	v2 =	vld.idx.msk [tilespmem:v58+s3+$0x0], $0xffff  }
0x133: {  	v3 =	vld.idx.msk [tilespmem:v59+s3+$0x0], $0xffff;
	_ =	sdelay $0x3  }
0x134: {  	v2 =	vshll.u32 v2, $0x7  }
0x135: {  	v2 =	vadd.s32 v3, v2  }
0x136: {  	[tilespmem:$0x1180] =	vst v2  }
0x137: {  	v2 =	vld.idx.msk [tilespmem:v60+s3+$0x0], $0xffff  }
0x138: {  	v3 =	vld.idx.msk [tilespmem:v61+s3+$0x0], $0xffff;
	_ =	sdelay $0x3  }
0x139: {  	v2 =	vshll.u32 v2, $0x7  }
0x13a: {  	v2 =	vadd.s32 v3, v2  }
0x13b: {  	[tilespmem:$0x1200] =	vst v2  }
0x13c: {  	v2 =	vld.idx.msk [tilespmem:v62+s3+$0x0], $0xffff  }
0x13d: {  	v3 =	vld.idx.msk [tilespmem:v63+s3+$0x0], $0xffff;
	_ =	sdelay $0x1  }
0x13e: {  	v48 =	vor.u32 $0x3C0, v1  }
0x13f: {  	v49 =	vor.u32 $0x3C1, v1  }
0x140: {  	v2 =	vshll.u32 v2, $0x7  }
0x141: {  	v2 =	vadd.s32 v3, v2  }
0x142: {  	[tilespmem:$0x1280] =	vst v2  }
0x143: {  	v2 =	vld.idx.msk [tilespmem:v48+s3+$0x0], $0xffff  }
0x144: {  	v3 =	vld.idx.msk [tilespmem:v49+s3+$0x0], $0xffff;
	_ =	sdelay $0x1  }
0x145: {  	v50 =	vor.u32 $0x3E0, v1  }
0x146: {  	v51 =	vor.u32 $0x3E1, v1  }
0x147: {  	v2 =	vshll.u32 v2, $0x7  }
0x148: {  	v2 =	vadd.s32 v3, v2  }
0x149: {  	[tilespmem:$0x1300] =	vst v2  }
0x14a: {  	v2 =	vld.idx.msk [tilespmem:v50+s3+$0x0], $0xffff  }
0x14b: {  	v3 =	vld.idx.msk [tilespmem:v51+s3+$0x0], $0xffff;
	_ =	sdelay $0x3  }
0x14c: {  	v2 =	vshll.u32 v2, $0x7  }
0x14d: {  	v2 =	vadd.s32 v3, v2  }
0x14e: {  	s30 =	simm.s32 $0x0;
	[tilespmem:$0x1380] =	vst v2  }
.LBB2_2:
0x14f: {  	_ =	swait.ge [sflag:s21], $0x4000;
	s1 =	simm.s32 $0x0  }
0x150: {  	[sflag:s21] =	ssyncset.done $0x0;
	s2 =	sand.u32 $0x60, s1;
	s4 =	sand.u32 $0x1C00, s1  }
0x151: {  	[sflag:s21] =	ssyncadd.s32 $0xFFFFC000;
	s2 =	sor.u32 s2, s4  }
0x152: {  	v5 =	vld [tilespmem:s2+$0x1410]  }
0x153: {  	v6 =	vld [tilespmem:s2+$0x1400]  }
0x154: {  	v13 =	vld [tilespmem:s2+$0x1480]  }
0x155: {  	v26 =	vld [tilespmem:s2+$0x1500]  }
0x156: {  	v27 =	vld [tilespmem:s2+$0x1580]  }
0x157: {  	v8 =	vimm.f32 $-Inf;
	v14 =	vld [tilespmem:s2+$0x1490]  }
0x158: {  	v4 =	vimm.s32 $0x0;
	v2 =	vlaneseq.u32;
	v24 =	vimm.f32 $-Inf;
	v29 =	vld [tilespmem:s2+$0x1600]  }
0x159: {  	v20 =	vimm.f32 $-Inf;
	v28 =	vimm.s32 $0x0;
	v25 =	vimm.s32 $0x0;
	v7 =	vld [tilespmem:s2+$0x1510]  }
0x15a: {  	v19 =	vimm.s32 $0x0;
	v3 =	vadd.s32 $0x10, v2;
	v12 =	vld [tilespmem:s2+$0x1590];
	vm2 =	vgt.f32 v6, v8  }
0x15b: {  	s13 =	sand.u32 $0x3, s1;
	v15 =	vld [tilespmem:s2+$0x1610];
	vm1 =	vgt.f32 v13, v8;
	vm4 =	vgt.f32 v26, v8;
	vm3 =	vgt.f32 v27, v8  }
0x15c: {  	s8 =	sor.u32 s1, s1;
	s4 =	sshll.u32 s13, $0x5;
	v17 =	vld [tilespmem:s2+$0x1690];
	v6 =	vsel vm2, v6, v8;
	v13 =	vsel vm1, v13, v8;
	v16 =	vsel vm1, v2, v4  }
0x15d: {  	s15 =	sor.u32 $0x380, s8;
	v31 =	vld [tilespmem:s2+$0x1680];
	s14 =	sadd.s32 $0x0, s4;
	v22 =	vsel vm2, v2, v4;
	vm1 =	vgt.f32 v5, v6;
	vm2 =	vgt.f32 v14, v13  }
0x15e: {  	v30 =	vld [tilespmem:s15+$0x1400];
	s16 =	sor.u32 $0x300, s14;
	s29 =	sadd.s32 $0x10, s14;
	v23 =	vsel vm1, v5, v6;
	v21 =	vsel vm2, v14, v13;
	v18 =	vsel vm2, v3, v16  }
0x15f: {  	s8 =	simm.s32 $0x20;
	v33 =	vld [tilespmem:s16+$0x1400];
	s31 =	sor.u32 $0x300, s29;
	vm2 =	vgt.f32 v29, v8;
	v16 =	vimm.f32 $-Inf;
	v14 =	vimm.f32 $-Inf  }
0x160: {  	s2 =	simm.s32 $0x0;
	s4 =	simm.s32 $0x100;
	s9 =	sor.u32 $0x380, s29;
	v32 =	vld [tilespmem:s31+$0x1400];
	v13 =	vimm.f32 $-Inf;
	v6 =	vimm.s32 $0x0;
	v5 =	vimm.s32 $0x0  }
.LBB2_3:
0x161: {  	s10 =	sand.u32 $0x60, s8;
	s11 =	sand.u32 $0x1C00, s4;
	v8 =	vsel vm4, v26, v8;
	v24 =	vsel vm3, v27, v24;
	v20 =	vsel vm2, v29, v20;
	v26 =	vld [tilespmem:s9+$0x1400]  }
0x162: {  	s9 =	sor.u32 s10, s11;
	vm5 =	vgt.f32 v7, v8;
	vm6 =	vgt.f32 v12, v24;
	vm7 =	vgt.f32 v15, v20  }
0x163: {  	v34 =	vld [tilespmem:s9+$0x1410];
	v8 =	vsel vm5, v7, v8;
	v24 =	vsel vm6, v12, v24;
	v20 =	vsel vm7, v15, v20  }
0x164: {  	vm8 =	vgt.f32 v31, v16;
	vm10 =	vgt.f32 v30, v13;
	v35 =	vld [tilespmem:s9+$0x1490];
	vm9 =	vgt.f32 v33, v14  }
0x165: {  	v15 =	vsel vm8, v31, v16;
	v13 =	vsel vm10, v30, v13;
	v7 =	vld [tilespmem:s9+$0x1510];
	v14 =	vsel vm9, v33, v14  }
0x166: {  	vm11 =	vgt.f32 v17, v15;
	v12 =	vld [tilespmem:s9+$0x1590];
	vm12 =	vgt.f32 v32, v14;
	vm13 =	vgt.f32 v26, v13  }
0x167: {  	v16 =	vsel vm11, v17, v15;
	v30 =	vld [tilespmem:s9+$0x1400];
	v14 =	vsel vm12, v32, v14;
	v13 =	vsel vm13, v26, v13  }
0x168: {  	v4 =	vsel vm8, v2, v4;
	v5 =	vsel vm10, v2, v5;
	v6 =	vsel vm9, v2, v6;
	v31 =	vld [tilespmem:s9+$0x1480]  }
0x169: {  	v4 =	vsel vm11, v3, v4;
	v6 =	vsel vm12, v3, v6;
	v5 =	vsel vm13, v3, v5;
	v15 =	vld [tilespmem:s9+$0x1610]  }
0x16a: {  	v25 =	vsel vm3, v2, v25;
	v19 =	vsel vm2, v2, v19;
	v17 =	vsel vm4, v2, v28;
	v26 =	vld [tilespmem:s9+$0x1500]  }
0x16b: {  	s1 =	sadd.s32 $0x1, s1;
	s2 =	sadd.s32 $0x2, s2;
	v25 =	vsel vm6, v3, v25;
	v19 =	vsel vm7, v3, v19;
	v28 =	vsel vm5, v3, v17;
	v27 =	vld [tilespmem:s9+$0x1580]  }
0x16c: {  	v22 =	vsel vm1, v3, v22;
	s10 =	sand.u32 $0x3, s1;
	p0 =	slt.u32 s2, $0x3E;
	v2 =	vadd.s32 $0x20, v2;
	v29 =	vld [tilespmem:s9+$0x1600]  }
.Ltmp2:
0x16d: {  	s11 =	sor.u32 s4, s8;
	s10 =	sshll.u32 s10, $0x5;
	v3 =	vadd.s32 $0x10, v2;
	vm1 =	vgt.f32 v30, v23;
	vm2 =	vgt.f32 v31, v21;
	v17 =	vld [tilespmem:s9+$0x1690];
	(pc) =	sbr.rel @p0 .LBB2_3-.Ltmp2, $4  }
0x16e: {  	v23 =	vsel vm1, v30, v23;
	v21 =	vsel vm2, v31, v21;
	v18 =	vsel vm2, v2, v18;
	v31 =	vld [tilespmem:s9+$0x1680];
	s9 =	sadd.s32 s10, s4;
	s10 =	sor.u32 $0x380, s11  }
0x16f: {  	v22 =	vsel vm1, v2, v22;
	vm1 =	vgt.f32 v34, v23;
	s11 =	sor.u32 $0x300, s9;
	v30 =	vld [tilespmem:s10+$0x1400];
	vm2 =	vgt.f32 v35, v21;
	s9 =	sadd.s32 $0x10, s9  }
0x170: {  	v23 =	vsel vm1, v34, v23;
	v33 =	vld [tilespmem:s11+$0x1400];
	v21 =	vsel vm2, v35, v21;
	v18 =	vsel vm2, v3, v18;
	s10 =	sor.u32 $0x300, s9  }
0x171: {  	s8 =	sadd.s32 $0x20, s8;
	s4 =	sadd.s32 $0x100, s4;
	vm4 =	vgt.f32 v26, v8;
	vm3 =	vgt.f32 v27, v24;
	s9 =	sor.u32 $0x380, s9;
	vm2 =	vgt.f32 v29, v20;
	v32 =	vld [tilespmem:s10+$0x1400]  }
0x172: {  	v34 =	vld [tilespmem:s9+$0x1400];
	[tilespmem:$0x11400] =	vst v23  }
0x173: {  	v8 =	vsel vm4, v26, v8;
	[tilespmem:$0x11480] =	vst v21  }
0x174: {  	v22 =	vsel vm1, v3, v22;
	v21 =	vsel vm3, v27, v24;
	[tilespmem:$0x11C80] =	vst v18;
	vm1 =	vgt.f32 v7, v8  }
0x175: {  	[tilespmem:$0x11C00] =	vst v22;
	vm14 =	vgt.f32 v12, v21;
	v7 =	vsel vm1, v7, v8  }
0x176: {  	v18 =	vsel vm3, v2, v25;
	v8 =	vsel vm4, v2, v28;
	v12 =	vsel vm14, v12, v21;
	[tilespmem:$0x11500] =	vst v7  }
0x177: {  	vm3 =	vgt.f32 v31, v16;
	v8 =	vsel vm1, v3, v8;
	v7 =	vsel vm2, v29, v20;
	[tilespmem:$0x11580] =	vst v12  }
0x178: {  	v12 =	vsel vm3, v31, v16;
	[tilespmem:$0x11D00] =	vst v8;
	vm1 =	vgt.f32 v15, v7;
	v8 =	vsel vm14, v3, v18  }
0x179: {  	v4 =	vsel vm3, v2, v4;
	vm15 =	vgt.f32 v17, v12;
	v7 =	vsel vm1, v15, v7;
	[tilespmem:$0x11D80] =	vst v8  }
0x17a: {  	v15 =	vsel vm2, v2, v19;
	vm2 =	vgt.f32 v33, v14;
	v12 =	vsel vm15, v17, v12;
	[tilespmem:$0x11600] =	vst v7  }
0x17b: {  	v4 =	vsel vm15, v3, v4;
	v7 =	vsel vm2, v33, v14;
	[tilespmem:$0x11680] =	vst v12  }
0x17c: {  	v8 =	vsel vm1, v3, v15;
	vm1 =	vgt.f32 v30, v13;
	[tilespmem:$0x11E80] =	vst v4;
	vm3 =	vgt.f32 v32, v7  }
0x17d: {  	v6 =	vsel vm2, v2, v6;
	[tilespmem:$0x11E00] =	vst v8;
	v8 =	vsel vm1, v30, v13;
	v7 =	vsel vm3, v32, v7  }
0x17e: {  	s1 =	simm.s32 $0x0;
	vm2 =	vgt.f32 v34, v8;
	v4 =	vsel vm3, v3, v6;
	[tilespmem:$0x11700] =	vst v7  }
0x17f: {  	s4 =	sand.u32 $0x60, s1;
	s2 =	sand.u32 $0x1C00, s1;
	v2 =	vsel vm1, v2, v5;
	v6 =	vsel vm2, v34, v8;
	[tilespmem:$0x11F00] =	vst v4  }
0x180: {  	s8 =	sadd.s32 $0x3400, s2;
	s1 =	sor.u32 $0x10, s4;
	v2 =	vsel vm2, v3, v2;
	[tilespmem:$0x11780] =	vst v6  }
0x181: {  	s15 =	sor.u32 s1, s8;
	[tilespmem:$0x11F80] =	vst v2  }
0x182: {  	s10 =	sadd.s32 $0x3480, s2;
	s8 =	sor.u32 s4, s8;
	v6 =	vld [tilespmem:s15+$0x0]  }
0x183: {  	s16 =	sor.u32 s4, s10;
	v8 =	vld [tilespmem:s8+$0x0]  }
0x184: {  	s29 =	sadd.s32 $0x3500, s2;
	s10 =	sor.u32 s1, s10;
	v13 =	vld [tilespmem:s16+$0x0]  }
0x185: {  	s31 =	sadd.s32 $0x3580, s2;
	s11 =	sor.u32 s1, s29;
	v14 =	vld [tilespmem:s10+$0x0]  }
0x186: {  	s12 =	sor.u32 s1, s31;
	v5 =	vld [tilespmem:s11+$0x0]  }
0x187: {  	v26 =	vimm.s32 $0x0;
	s9 =	sor.u32 s4, s29;
	v7 =	vld [tilespmem:s12+$0x0]  }
0x188: {  	v23 =	vimm.s32 $0x0;
	v21 =	vimm.f32 $-Inf;
	s29 =	sadd.s32 $0x3700, s2;
	v20 =	vimm.f32 $-Inf;
	v27 =	vld [tilespmem:s9+$0x0];
	s8 =	sor.u32 s4, s31  }
0x189: {  	v17 =	vimm.s32 $0x0;
	v12 =	vimm.f32 $-Inf;
	v4 =	vimm.s32 $0x0;
	s11 =	sadd.s32 $0x3600, s2;
	s31 =	sor.u32 s4, s29;
	v29 =	vld [tilespmem:s8+$0x0]  }
0x18a: {  	v2 =	vlaneseq.u32;
	s14 =	sor.u32 s4, s11;
	v30 =	vld [tilespmem:s31+$0x0];
	vm2 =	vgt.f32 v8, v12;
	vm1 =	vgt.f32 v13, v12  }
0x18b: {  	s15 =	sadd.s32 $0x3680, s2;
	s13 =	sor.u32 s1, s11;
	v32 =	vld [tilespmem:s14+$0x0];
	v8 =	vsel vm2, v8, v12;
	v13 =	vsel vm1, v13, v12;
	v16 =	vsel vm1, v2, v4  }
0x18c: {  	s16 =	sor.u32 s1, s15;
	v15 =	vld [tilespmem:s13+$0x0];
	v25 =	vsel vm2, v2, v4;
	vm1 =	vgt.f32 v6, v8;
	vm2 =	vgt.f32 v14, v13  }
0x18d: {  	v3 =	vadd.s32 $0x10, v2;
	s10 =	sadd.s32 $0x3780, s2;
	s9 =	sor.u32 s4, s15;
	v18 =	vld [tilespmem:s16+$0x0];
	v24 =	vsel vm1, v6, v8;
	v22 =	vsel vm2, v14, v13  }
0x18e: {  	s2 =	simm.s32 $0x0;
	s4 =	sor.u32 s4, s10;
	v28 =	vld [tilespmem:s9+$0x0];
	v19 =	vsel vm2, v3, v16;
	v16 =	vimm.f32 $-Inf;
	v14 =	vimm.f32 $-Inf  }
0x18f: {  	s12 =	sor.u32 s1, s29;
	s11 =	simm.s32 $0x100;
	v31 =	vld [tilespmem:s4+$0x0];
	s4 =	simm.s32 $0x20;
	v13 =	vimm.f32 $-Inf;
	v8 =	vimm.s32 $0x0;
	v6 =	vimm.s32 $0x0  }
.LBB2_5:
0x190: {  	s8 =	sand.u32 $0x60, s4;
	s9 =	sand.u32 $0x1C00, s11;
	vm2 =	vgt.f32 v27, v12;
	vm3 =	vgt.f32 v29, v20;
	vm4 =	vgt.f32 v32, v21;
	v33 =	vld [tilespmem:s12+$0x0];
	s10 =	sor.u32 s1, s10  }
0x191: {  	s12 =	sadd.s32 $0x3400, s9;
	s1 =	sor.u32 $0x10, s8;
	v12 =	vsel vm2, v27, v12;
	v20 =	vsel vm3, v29, v20;
	v21 =	vsel vm4, v32, v21;
	v27 =	vld [tilespmem:s10+$0x0]  }
0x192: {  	s10 =	sadd.s32 $0x3480, s9;
	s13 =	sor.u32 s1, s12;
	vm5 =	vgt.f32 v5, v12;
	vm6 =	vgt.f32 v7, v20;
	vm7 =	vgt.f32 v15, v21  }
0x193: {  	s29 =	sadd.s32 $0x3500, s9;
	v34 =	vld [tilespmem:s13+$0x0];
	s13 =	sor.u32 s1, s10;
	v12 =	vsel vm5, v5, v12;
	v20 =	vsel vm6, v7, v20;
	v21 =	vsel vm7, v15, v21  }
0x194: {  	s31 =	sadd.s32 $0x3580, s9;
	vm8 =	vgt.f32 v28, v16;
	vm9 =	vgt.f32 v30, v14;
	v35 =	vld [tilespmem:s13+$0x0];
	s13 =	sor.u32 s1, s29;
	vm10 =	vgt.f32 v31, v13  }
0x195: {  	v15 =	vsel vm8, v28, v16;
	v14 =	vsel vm9, v30, v14;
	v5 =	vld [tilespmem:s13+$0x0];
	s13 =	sor.u32 s1, s31;
	v13 =	vsel vm10, v31, v13  }
0x196: {  	s12 =	sor.u32 s8, s12;
	vm11 =	vgt.f32 v18, v15;
	vm12 =	vgt.f32 v33, v14;
	v7 =	vld [tilespmem:s13+$0x0];
	vm13 =	vgt.f32 v27, v13  }
0x197: {  	s10 =	sor.u32 s8, s10;
	v16 =	vsel vm11, v18, v15;
	v14 =	vsel vm12, v33, v14;
	v28 =	vld [tilespmem:s12+$0x0];
	s12 =	sadd.s32 $0x3600, s9;
	v13 =	vsel vm13, v27, v13  }
0x198: {  	v4 =	vsel vm8, v2, v4;
	v8 =	vsel vm9, v2, v8;
	v6 =	vsel vm10, v2, v6;
	v30 =	vld [tilespmem:s10+$0x0];
	s10 =	sor.u32 s1, s12  }
0x199: {  	v4 =	vsel vm11, v3, v4;
	s13 =	sor.u32 s8, s29;
	v8 =	vsel vm12, v3, v8;
	v6 =	vsel vm13, v3, v6;
	v15 =	vld [tilespmem:s10+$0x0]  }
0x19a: {  	s2 =	sadd.s32 $0x2, s2;
	v23 =	vsel vm3, v2, v23;
	v17 =	vsel vm4, v2, v17;
	v18 =	vsel vm2, v2, v26;
	s10 =	sor.u32 s8, s31;
	v27 =	vld [tilespmem:s13+$0x0]  }
0x19b: {  	p0 =	slt.u32 s2, $0x3E;
	v23 =	vsel vm6, v3, v23;
	v17 =	vsel vm7, v3, v17;
	v26 =	vsel vm5, v3, v18;
	v29 =	vld [tilespmem:s10+$0x0];
	s10 =	sor.u32 s8, s12;
	s12 =	sadd.s32 $0x3680, s9  }
.Ltmp3:
0x19c: {  	v25 =	vsel vm1, v3, v25;
	v2 =	vadd.s32 $0x20, v2;
	v32 =	vld [tilespmem:s10+$0x0];
	s10 =	sor.u32 s1, s12;
	(pc) =	sbr.rel @p0 .LBB2_5-.Ltmp3, $4  }
0x19d: {  	v3 =	vadd.s32 $0x10, v2;
	s13 =	sadd.s32 $0x3700, s9;
	vm1 =	vgt.f32 v28, v24;
	s12 =	sor.u32 s8, s12;
	vm2 =	vgt.f32 v30, v22;
	v18 =	vld [tilespmem:s10+$0x0]  }
0x19e: {  	v24 =	vsel vm1, v28, v24;
	s10 =	sadd.s32 $0x3780, s9;
	v22 =	vsel vm2, v30, v22;
	v19 =	vsel vm2, v2, v19;
	v28 =	vld [tilespmem:s12+$0x0];
	s12 =	sor.u32 s8, s13  }
0x19f: {  	v25 =	vsel vm1, v2, v25;
	s8 =	sor.u32 s8, s10;
	vm1 =	vgt.f32 v34, v24;
	v30 =	vld [tilespmem:s12+$0x0];
	vm2 =	vgt.f32 v35, v22  }
0x1a0: {  	s11 =	sadd.s32 $0x100, s11;
	s4 =	sadd.s32 $0x20, s4;
	v24 =	vsel vm1, v34, v24;
	s12 =	sor.u32 s1, s13;
	v31 =	vld [tilespmem:s8+$0x0];
	v22 =	vsel vm2, v35, v22;
	v19 =	vsel vm2, v3, v19  }
0x1a1: {  	v33 =	vld [tilespmem:s12+$0x0];
	s1 =	sor.u32 s1, s10  }
0x1a2: {  	vm2 =	vgt.f32 v27, v12;
	v25 =	vsel vm1, v3, v25;
	v34 =	vld [tilespmem:s1+$0x0];
	[tilespmem:$0x11800] =	vst v24  }
0x1a3: {  	v12 =	vsel vm2, v27, v12;
	[tilespmem:$0x12000] =	vst v25  }
0x1a4: {  	vm1 =	vgt.f32 v29, v20;
	vm3 =	vgt.f32 v32, v21;
	[tilespmem:$0x11880] =	vst v22;
	vm4 =	vgt.f32 v5, v12  }
0x1a5: {  	v20 =	vsel vm1, v29, v20;
	[tilespmem:$0x12080] =	vst v19;
	v5 =	vsel vm4, v5, v12;
	v12 =	vsel vm2, v2, v26  }
0x1a6: {  	v19 =	vsel vm3, v32, v21;
	vm2 =	vgt.f32 v7, v20;
	v12 =	vsel vm4, v3, v12;
	[tilespmem:$0x11900] =	vst v5  }
0x1a7: {  	vm4 =	vgt.f32 v15, v19;
	v5 =	vsel vm2, v7, v20;
	v7 =	vsel vm1, v2, v23;
	[tilespmem:$0x12100] =	vst v12  }
0x1a8: {  	vm1 =	vgt.f32 v28, v16;
	v12 =	vsel vm4, v15, v19;
	v7 =	vsel vm2, v3, v7;
	[tilespmem:$0x11980] =	vst v5  }
0x1a9: {  	vm2 =	vgt.f32 v30, v14;
	v5 =	vsel vm1, v28, v16;
	v15 =	vsel vm3, v2, v17;
	[tilespmem:$0x12180] =	vst v7  }
0x1aa: {  	vm3 =	vgt.f32 v31, v13;
	vm5 =	vgt.f32 v18, v5;
	v7 =	vsel vm4, v3, v15;
	[tilespmem:$0x11A00] =	vst v12  }
0x1ab: {  	v4 =	vsel vm1, v2, v4;
	v12 =	vsel vm2, v30, v14;
	v5 =	vsel vm5, v18, v5;
	[tilespmem:$0x12200] =	vst v7  }
0x1ac: {  	vm1 =	vgt.f32 v33, v12;
	v7 =	vsel vm5, v3, v4;
	v4 =	vmul.u32 $0x80, v0;
	[tilespmem:$0x11A80] =	vst v5  }
0x1ad: {  	v8 =	vsel vm2, v2, v8;
	v5 =	vsel vm3, v31, v13;
	v12 =	vsel vm1, v33, v12;
	[tilespmem:$0x12280] =	vst v7  }
0x1ae: {  	v7 =	vsel vm1, v3, v8;
	vm2 =	vgt.f32 v34, v5;
	[tilespmem:$0x11B00] =	vst v12  }
0x1af: {  	v2 =	vsel vm3, v2, v6;
	[tilespmem:$0x12300] =	vst v7;
	v6 =	vor.u32 $0x1, v4;
	v5 =	vsel vm2, v34, v5  }
0x1b0: {  	v2 =	vsel vm2, v3, v2;
	[tilespmem:$0x11B80] =	vst v5  }
0x1b1: {  	v8 =	vor.u32 $0x2, v4;
	[tilespmem:$0x12380] =	vst v2  }
0x1b2: {  	v21 =	vld.idx.msk [tilespmem:v4+s22+$0x0], $0xffff  }
0x1b3: {  	v12 =	vor.u32 $0x3, v4;
	v22 =	vld.idx.msk [tilespmem:v4+s23+$0x0], $0xffff  }
0x1b4: {  	v23 =	vld.idx.msk [tilespmem:v6+s22+$0x0], $0xffff  }
0x1b5: {  	v13 =	vor.u32 $0x4, v4;
	v24 =	vld.idx.msk [tilespmem:v6+s23+$0x0], $0xffff  }
0x1b6: {  	v25 =	vld.idx.msk [tilespmem:v8+s22+$0x0], $0xffff  }
0x1b7: {  	v14 =	vor.u32 $0x5, v4;
	v26 =	vld.idx.msk [tilespmem:v8+s23+$0x0], $0xffff  }
0x1b8: {  	v27 =	vld.idx.msk [tilespmem:v12+s22+$0x0], $0xffff  }
0x1b9: {  	v16 =	vor.u32 $0x6, v4;
	v28 =	vld.idx.msk [tilespmem:v12+s23+$0x0], $0xffff  }
0x1ba: {  	v29 =	vld.idx.msk [tilespmem:v13+s22+$0x0], $0xffff  }
0x1bb: {  	v17 =	vor.u32 $0x7, v4;
	v30 =	vld.idx.msk [tilespmem:v13+s23+$0x0], $0xffff  }
0x1bc: {  	v31 =	vld.idx.msk [tilespmem:v14+s22+$0x0], $0xffff  }
0x1bd: {  	v18 =	vor.u32 $0x8, v4;
	v48 =	vld.idx.msk [tilespmem:v14+s23+$0x0], $0xffff  }
0x1be: {  	v49 =	vld.idx.msk [tilespmem:v16+s22+$0x0], $0xffff  }
0x1bf: {  	v19 =	vor.u32 $0x9, v4;
	v50 =	vld.idx.msk [tilespmem:v16+s23+$0x0], $0xffff  }
0x1c0: {  	v35 =	vld.idx.msk [tilespmem:v17+s22+$0x0], $0xffff  }
0x1c1: {  	v20 =	vor.u32 $0xA, v4;
	v36 =	vld.idx.msk [tilespmem:v17+s23+$0x0], $0xffff  }
0x1c2: {  	v37 =	vld.idx.msk [tilespmem:v18+s22+$0x0], $0xffff  }
0x1c3: {  	v15 =	vor.u32 $0xB, v4;
	v38 =	vld.idx.msk [tilespmem:v18+s23+$0x0], $0xffff  }
0x1c4: {  	v7 =	vor.u32 $0xC, v4;
	v39 =	vld.idx.msk [tilespmem:v19+s22+$0x0], $0xffff  }
0x1c5: {  	v3 =	vor.u32 $0xE, v4;
	v5 =	vor.u32 $0xD, v4;
	v2 =	vor.u32 $0xF, v4;
	v40 =	vld.idx.msk [tilespmem:v19+s23+$0x0], $0xffff  }
0x1c6: {  	v41 =	vld.idx.msk [tilespmem:v20+s22+$0x0], $0xffff;
	vm1 =	vgt.f32 v23, v21;
	vm2 =	veq.f32 v23, v21;
	vm3 =	vlt.s32 v24, v22  }
0x1c7: {  	v42 =	vld.idx.msk [tilespmem:v20+s23+$0x0], $0xffff;
	vm4 =	vlt.s32 v28, v26;
	vm5 =	veq.f32 v35, v49;
	vm6 =	vlt.s32 v36, v50  }
0x1c8: {  	v43 =	vld.idx.msk [tilespmem:v15+s22+$0x0], $0xffff;
	vm2 =	vmand vm2, vm3;
	vm3 =	veq.f32 v27, v25;
	vm5 =	vmand vm5, vm6  }
0x1c9: {  	v44 =	vld.idx.msk [tilespmem:v15+s23+$0x0], $0xffff;
	vm1 =	vmor vm1, vm2;
	vm2 =	vgt.f32 v27, v25;
	vm3 =	vmand vm3, vm4  }
0x1ca: {  	v45 =	vld.idx.msk [tilespmem:v7+s22+$0x0], $0xffff;
	vm4 =	vlt.s32 v48, v30;
	v21 =	vsel vm1, v23, v21;
	v22 =	vsel vm1, v24, v22  }
0x1cb: {  	v46 =	vld.idx.msk [tilespmem:v3+s22+$0x0], $0xffff;
	vm1 =	vmor vm2, vm3;
	vm2 =	vgt.f32 v31, v29;
	vm3 =	veq.f32 v31, v29  }
0x1cc: {  	v32 =	vld.idx.msk [tilespmem:v2+s22+$0x0], $0xffff;
	v24 =	vsel vm1, v27, v25;
	vm3 =	vmand vm3, vm4;
	vm4 =	vgt.f32 v35, v49  }
0x1cd: {  	v51 =	vld.idx.msk [tilespmem:v2+s23+$0x0], $0xffff;
	v26 =	vsel vm1, v28, v26;
	vm1 =	vmor vm2, vm3;
	vm2 =	vmor vm4, vm5  }
0x1ce: {  	v23 =	vld.idx.msk [tilespmem:v7+s23+$0x0], $0xffff;
	vm3 =	veq.f32 v39, v37;
	vm4 =	vlt.s32 v40, v38;
	vm5 =	vlt.s32 v44, v42  }
0x1cf: {  	v25 =	vld.idx.msk [tilespmem:v5+s22+$0x0], $0xffff;
	v29 =	vsel vm1, v31, v29;
	v30 =	vsel vm1, v48, v30;
	v31 =	vsel vm2, v35, v49  }
0x1d0: {  	v27 =	vld.idx.msk [tilespmem:v5+s23+$0x0], $0xffff;
	vm1 =	vgt.f32 v39, v37;
	vm3 =	vmand vm3, vm4;
	vm4 =	veq.f32 v43, v41  }
0x1d1: {  	v28 =	vld.idx.msk [tilespmem:v3+s23+$0x0], $0xffff;
	v34 =	vsel vm2, v36, v50;
	vm1 =	vmor vm1, vm3;
	vm3 =	vgt.f32 v43, v41  }
0x1d2: {  	vm4 =	vmand vm4, vm5;
	vm5 =	veq.f32 v31, v29;
	vm6 =	vlt.s32 v34, v30  }
0x1d3: {  	v47 =	vsel vm1, v39, v37;
	vm2 =	vmor vm3, vm4;
	v48 =	vsel vm1, v40, v38  }
0x1d4: {  	vm5 =	vmand vm5, vm6;
	v49 =	vsel vm2, v43, v41;
	v50 =	vsel vm2, v44, v42  }
0x1d5: {  	vm1 =	vgt.f32 v25, v45;
	vm2 =	veq.f32 v25, v45;
	vm3 =	vlt.s32 v27, v23  }
0x1d6: {  	vm4 =	vlt.s32 v51, v28;
	vm2 =	vmand vm2, vm3;
	vm3 =	veq.f32 v32, v46  }
0x1d7: {  	vm1 =	vmor vm1, vm2;
	vm2 =	vgt.f32 v32, v46;
	vm3 =	vmand vm3, vm4  }
0x1d8: {  	vm4 =	vlt.s32 v26, v22;
	v25 =	vsel vm1, v25, v45;
	v23 =	vsel vm1, v27, v23  }
0x1d9: {  	vm1 =	vmor vm2, vm3;
	vm2 =	vgt.f32 v24, v21;
	vm3 =	veq.f32 v24, v21  }
0x1da: {  	v27 =	vsel vm1, v32, v46;
	vm3 =	vmand vm3, vm4;
	vm4 =	vgt.f32 v31, v29  }
0x1db: {  	v28 =	vsel vm1, v51, v28;
	vm1 =	vmor vm2, vm3;
	vm2 =	vmor vm4, vm5  }
0x1dc: {  	vm3 =	veq.f32 v49, v47;
	vm4 =	vlt.s32 v50, v48;
	vm5 =	vlt.s32 v28, v23  }
0x1dd: {  	v21 =	vsel vm1, v24, v21;
	v22 =	vsel vm1, v26, v22;
	v24 =	vsel vm2, v31, v29  }
0x1de: {  	vm1 =	vgt.f32 v49, v47;
	vm3 =	vmand vm3, vm4;
	vm4 =	veq.f32 v27, v25  }
0x1df: {  	vm1 =	vmor vm1, vm3;
	vm3 =	vgt.f32 v27, v25;
	vm4 =	vmand vm4, vm5  }
0x1e0: {  	v26 =	vsel vm2, v34, v30;
	v29 =	vsel vm1, v49, v47;
	vm2 =	vmor vm3, vm4  }
0x1e1: {  	v30 =	vsel vm1, v50, v48;
	vm1 =	vgt.f32 v24, v21;
	vm3 =	vlt.s32 v26, v22  }
0x1e2: {  	v25 =	vsel vm2, v27, v25;
	v23 =	vsel vm2, v28, v23;
	vm2 =	veq.f32 v24, v21  }
0x1e3: {  	vm2 =	vmand vm2, vm3;
	vm3 =	veq.f32 v25, v29;
	vm4 =	vlt.s32 v23, v30  }
0x1e4: {  	vm1 =	vmor vm1, vm2;
	vm2 =	vgt.f32 v25, v29;
	vm3 =	vmand vm3, vm4  }
0x1e5: {  	s2 =	sshll.u32 s30, $0x6;
	v21 =	vsel vm1, v24, v21;
	v22 =	vsel vm1, v26, v22;
	vm1 =	vmor vm2, vm3  }
0x1e6: {  	v24 =	vsel vm1, v25, v29;
	v23 =	vsel vm1, v23, v30;
	v25 =	vor.u32 s2, v0  }
0x1e7: {  	vm1 =	veq.f32 v24, v21;
	vm2 =	vlt.s32 v23, v22  }
0x1e8: {  	vm3 =	vgt.f32 v24, v21;
	vm1 =	vmand vm1, vm2  }
0x1e9: {  	vm1 =	vmor vm3, vm1  }
0x1ea: {  	s31 =	sshll.u32 s30, $0xB;
	p0 =	seq.s32 s30, $0x7;
	v21 =	vsel vm1, v23, v22  }
0x1eb: {  	s1 =	sshrl.u32 @!p0 s31, $0x2;
	[tilespmem:v25+s24+$0x0] =	vst.idx.msk $0xffff, v21  }
0x1ec: {  	v21 =	vld @!p0 [tilespmem:s1+$0x600];
	_ =	sdelay $0x4  }
0x1ed: {  	v22 =	vshll.u32 @!p0 v21, $0x3  }
0x1ee: {  	v23 =	vlaneseq.u32 @!p0;
	v21 =	vand.u32 @!p0 $0x7, v21;
	v22 =	vand.u32 @!p0 $0xFFFFFFC0, v22  }
0x1ef: {  	v24 =	vshrl.u32 @!p0 v23, $0x3;
	v21 =	vor.u32 @!p0 v21, v22;
	v22 =	vand.u32 @!p0 $0x7, v23  }
0x1f0: {  	v24 =	vmul.u32 @!p0 $0x8, v24;
	v22 =	vperm.xlane @!p0 v21, v22;
	_ =	sdelay $0x1  }
0x1f1: {  	v22 =	vadd.s32 @!p0 v24, v22;
	_ =	sdelay $0x3  }
0x1f2: {  	s4 =	simm.s32 @!p0 $0x0;
	s8 =	simm.s32 @!p0 $0x1400;
	vm1 =	vmmov @!p0 $0xffff  }
0x1f3: {  	v23 =	vor.u32 @!p0 $0x8, v23;
	[tilespmem:s8], [sflag:$0x1] =	stream.indirect_vreg.gather @!p0 [hbm4b:s0+s4], $0x80, v22, vm1, $0xb8;
	[tilespmem:$0x12600] =	vst v63  }
0x1f4: {  	v21 =	vperm.xlane @!p0 v21, v23;
	s8 =	simm.s32 @!p0 $0x1C00  }
0x1f5: {  	[tilespmem:s8], [sflag:$0x1] =	stream.indirect_vreg.gather @!p0 [hbm4b:s5+s4], $0x80, v22, vm1, $0xb8;
	[tilespmem:$0x12600] =	vst v63  }
0x1f6: {  	v21 =	vadd.s32 @!p0 v24, v21;
	s8 =	simm.s32 @!p0 $0x2400  }
0x1f7: {  	[tilespmem:s8], [sflag:$0x1] =	stream.indirect_vreg.gather @!p0 [hbm4b:s6+s4], $0x80, v22, vm1, $0xb8;
	[tilespmem:$0x12600] =	vst v63  }
0x1f8: {  	s8 =	simm.s32 @!p0 $0x2C00  }
0x1f9: {  	[tilespmem:s8], [sflag:$0x1] =	stream.indirect_vreg.gather @!p0 [hbm4b:s7+s4], $0x80, v22, vm1, $0xb8;
	[tilespmem:$0x12600] =	vst v63  }
0x1fa: {  	s8 =	simm.s32 @!p0 $0x3400  }
0x1fb: {  	[tilespmem:s8], [sflag:$0x1] =	stream.indirect_vreg.gather @!p0 [hbm4b:s0+s4], $0x80, v21, vm1, $0xb8;
	[tilespmem:$0x12600] =	vst v63  }
0x1fc: {  	s8 =	simm.s32 @!p0 $0x3C00  }
0x1fd: {  	[tilespmem:s8], [sflag:$0x1] =	stream.indirect_vreg.gather @!p0 [hbm4b:s5+s4], $0x80, v21, vm1, $0xb8;
	[tilespmem:$0x12600] =	vst v63  }
0x1fe: {  	s8 =	simm.s32 @!p0 $0x4400  }
0x1ff: {  	[tilespmem:s8], [sflag:$0x1] =	stream.indirect_vreg.gather @!p0 [hbm4b:s6+s4], $0x80, v21, vm1, $0xb8;
	[tilespmem:$0x12600] =	vst v63  }
0x200: {  	s8 =	simm.s32 @!p0 $0x4C00  }
0x201: {  	[tilespmem:s8], [sflag:$0x1] =	stream.indirect_vreg.gather @!p0 [hbm4b:s7+s4], $0x80, v21, vm1, $0xb8;
	[tilespmem:$0x12600] =	vst v63  }
0x202: {  	s11 =	simm.s32 $0x0;
	_ =	swait.ge [sflag:s25], $0x4000  }
0x203: {  	s9 =	sand.u32 $0x60, s11;
	s10 =	sand.u32 $0x1C00, s11;
	[sflag:s25] =	ssyncset.done $0x0  }
0x204: {  	s4 =	sor.u32 s9, s10;
	[sflag:s25] =	ssyncadd.s32 $0xFFFFC000  }
0x205: {  	v24 =	vld [tilespmem:s4+$0x5410]  }
0x206: {  	v25 =	vld [tilespmem:s4+$0x5400]  }
0x207: {  	v29 =	vld [tilespmem:s4+$0x5480]  }
0x208: {  	v30 =	vld [tilespmem:s4+$0x5490]  }
0x209: {  	v42 =	vld [tilespmem:s4+$0x5500]  }
0x20a: {  	v36 =	vimm.f32 $-Inf;
	v43 =	vld [tilespmem:s4+$0x5580]  }
0x20b: {  	v35 =	vimm.s32 $0x0;
	v40 =	vimm.f32 $-Inf;
	v44 =	vimm.s32 $0x0;
	v45 =	vld [tilespmem:s4+$0x5600]  }
0x20c: {  	v41 =	vimm.s32 $0x0;
	v32 =	vimm.f32 $-Inf;
	v21 =	vlaneseq.u32;
	v26 =	vld [tilespmem:s4+$0x5510]  }
0x20d: {  	v27 =	vimm.f32 $-Inf;
	v23 =	vimm.s32 $0x0;
	v22 =	vadd.s32 $0x10, v21;
	v28 =	vld [tilespmem:s4+$0x5590]  }
0x20e: {  	s12 =	sand.u32 $0x3, s11;
	v31 =	vld [tilespmem:s4+$0x5610];
	vm3 =	vgt.f32 v25, v27;
	vm2 =	vgt.f32 v29, v27;
	vm5 =	vgt.f32 v42, v27  }
0x20f: {  	s8 =	sshll.u32 s12, $0x5;
	s9 =	sor.u32 s11, s11;
	v33 =	vld [tilespmem:s4+$0x5690];
	v25 =	vsel vm3, v25, v27;
	v29 =	vsel vm2, v29, v27;
	v51 =	vsel vm2, v21, v23  }
0x210: {  	s13 =	sadd.s32 $0x0, s8;
	s14 =	sor.u32 $0x380, s9;
	v47 =	vld [tilespmem:s4+$0x5680];
	v38 =	vsel vm3, v21, v23;
	vm2 =	vgt.f32 v24, v25;
	vm3 =	vgt.f32 v30, v29  }
0x211: {  	s15 =	sor.u32 $0x300, s13;
	s16 =	sadd.s32 $0x10, s13;
	v46 =	vld [tilespmem:s14+$0x5400];
	vm4 =	vgt.f32 v43, v27;
	v39 =	vsel vm2, v24, v25;
	v37 =	vsel vm3, v30, v29  }
0x212: {  	s12 =	simm.s32 $0x20;
	s29 =	sor.u32 $0x300, s16;
	v49 =	vld [tilespmem:s15+$0x5400];
	v34 =	vsel vm3, v22, v51;
	vm3 =	vgt.f32 v45, v27;
	v30 =	vimm.f32 $-Inf  }
0x213: {  	s8 =	simm.s32 $0x100;
	s9 =	sor.u32 $0x380, s16;
	s4 =	simm.s32 $0x0;
	v48 =	vld [tilespmem:s29+$0x5400];
	v29 =	vimm.f32 $-Inf;
	v25 =	vimm.s32 $0x0;
	v24 =	vimm.s32 $0x0  }
.LBB2_7:
0x214: {  	s10 =	sand.u32 $0x60, s12;
	s13 =	sand.u32 $0x1C00, s8;
	v27 =	vsel vm5, v42, v27;
	v40 =	vsel vm4, v43, v40;
	v36 =	vsel vm3, v45, v36;
	v42 =	vld [tilespmem:s9+$0x5400]  }
0x215: {  	s9 =	sor.u32 s10, s13;
	vm6 =	vgt.f32 v26, v27;
	vm7 =	vgt.f32 v28, v40;
	vm8 =	vgt.f32 v31, v36  }
0x216: {  	v50 =	vld [tilespmem:s9+$0x5410];
	v27 =	vsel vm6, v26, v27;
	v40 =	vsel vm7, v28, v40;
	v36 =	vsel vm8, v31, v36  }
0x217: {  	vm9 =	vgt.f32 v47, v32;
	vm11 =	vgt.f32 v46, v29;
	v51 =	vld [tilespmem:s9+$0x5490];
	vm10 =	vgt.f32 v49, v30  }
0x218: {  	v31 =	vsel vm9, v47, v32;
	v29 =	vsel vm11, v46, v29;
	v26 =	vld [tilespmem:s9+$0x5510];
	v30 =	vsel vm10, v49, v30  }
0x219: {  	vm12 =	vgt.f32 v33, v31;
	v28 =	vld [tilespmem:s9+$0x5590];
	vm13 =	vgt.f32 v48, v30;
	vm14 =	vgt.f32 v42, v29  }
0x21a: {  	v32 =	vsel vm12, v33, v31;
	v46 =	vld [tilespmem:s9+$0x5400];
	v30 =	vsel vm13, v48, v30;
	v29 =	vsel vm14, v42, v29  }
0x21b: {  	v23 =	vsel vm9, v21, v23;
	v24 =	vsel vm11, v21, v24;
	v25 =	vsel vm10, v21, v25;
	v47 =	vld [tilespmem:s9+$0x5480]  }
0x21c: {  	v23 =	vsel vm12, v22, v23;
	v25 =	vsel vm13, v22, v25;
	v24 =	vsel vm14, v22, v24;
	v31 =	vld [tilespmem:s9+$0x5610]  }
0x21d: {  	v41 =	vsel vm4, v21, v41;
	v35 =	vsel vm3, v21, v35;
	v33 =	vsel vm5, v21, v44;
	v42 =	vld [tilespmem:s9+$0x5500]  }
0x21e: {  	s11 =	sadd.s32 $0x1, s11;
	s4 =	sadd.s32 $0x2, s4;
	v41 =	vsel vm7, v22, v41;
	v35 =	vsel vm8, v22, v35;
	v44 =	vsel vm6, v22, v33;
	v43 =	vld [tilespmem:s9+$0x5580]  }
0x21f: {  	v38 =	vsel vm2, v22, v38;
	s10 =	sand.u32 $0x3, s11;
	p1 =	slt.u32 s4, $0x3E;
	v21 =	vadd.s32 $0x20, v21;
	v45 =	vld [tilespmem:s9+$0x5600]  }
.Ltmp4:
0x220: {  	s13 =	sor.u32 s8, s12;
	s10 =	sshll.u32 s10, $0x5;
	v22 =	vadd.s32 $0x10, v21;
	vm2 =	vgt.f32 v46, v39;
	vm3 =	vgt.f32 v47, v37;
	v33 =	vld [tilespmem:s9+$0x5690];
	(pc) =	sbr.rel @p1 .LBB2_7-.Ltmp4, $4  }
0x221: {  	v39 =	vsel vm2, v46, v39;
	v37 =	vsel vm3, v47, v37;
	v34 =	vsel vm3, v21, v34;
	v47 =	vld [tilespmem:s9+$0x5680];
	s9 =	sadd.s32 s10, s8;
	s10 =	sor.u32 $0x380, s13  }
0x222: {  	v38 =	vsel vm2, v21, v38;
	vm2 =	vgt.f32 v50, v39;
	s13 =	sor.u32 $0x300, s9;
	v46 =	vld [tilespmem:s10+$0x5400];
	vm3 =	vgt.f32 v51, v37;
	s9 =	sadd.s32 $0x10, s9  }
0x223: {  	v39 =	vsel vm2, v50, v39;
	v49 =	vld [tilespmem:s13+$0x5400];
	v37 =	vsel vm3, v51, v37;
	v34 =	vsel vm3, v22, v34;
	s10 =	sor.u32 $0x300, s9  }
0x224: {  	s12 =	sadd.s32 $0x20, s12;
	s8 =	sadd.s32 $0x100, s8;
	vm5 =	vgt.f32 v42, v27;
	vm4 =	vgt.f32 v43, v40;
	s9 =	sor.u32 $0x380, s9;
	vm3 =	vgt.f32 v45, v36;
	v48 =	vld [tilespmem:s10+$0x5400]  }
0x225: {  	v50 =	vld [tilespmem:s9+$0x5400];
	[tilespmem:$0x11400] =	vst v39  }
0x226: {  	v27 =	vsel vm5, v42, v27;
	[tilespmem:$0x11480] =	vst v37  }
0x227: {  	v38 =	vsel vm2, v22, v38;
	v43 =	vsel vm4, v43, v40;
	[tilespmem:$0x11C80] =	vst v34;
	vm2 =	vgt.f32 v26, v27  }
0x228: {  	[tilespmem:$0x11C00] =	vst v38;
	vm12 =	vgt.f32 v28, v43;
	v26 =	vsel vm2, v26, v27  }
0x229: {  	vm13 =	vgt.f32 v47, v32;
	v27 =	vsel vm5, v21, v44;
	v28 =	vsel vm12, v28, v43;
	[tilespmem:$0x11500] =	vst v26  }
0x22a: {  	v27 =	vsel vm2, v22, v27;
	v26 =	vsel vm3, v45, v36;
	v45 =	vsel vm4, v21, v41;
	[tilespmem:$0x11580] =	vst v28  }
0x22b: {  	v28 =	vsel vm13, v47, v32;
	[tilespmem:$0x11D00] =	vst v27;
	vm2 =	vgt.f32 v31, v26;
	v27 =	vsel vm12, v22, v45  }
0x22c: {  	v23 =	vsel vm13, v21, v23;
	vm14 =	vgt.f32 v33, v28;
	v26 =	vsel vm2, v31, v26;
	[tilespmem:$0x11D80] =	vst v27  }
0x22d: {  	v31 =	vsel vm3, v21, v35;
	vm3 =	vgt.f32 v49, v30;
	v28 =	vsel vm14, v33, v28;
	[tilespmem:$0x11600] =	vst v26  }
0x22e: {  	v23 =	vsel vm14, v22, v23;
	v26 =	vsel vm3, v49, v30;
	[tilespmem:$0x11680] =	vst v28  }
0x22f: {  	v27 =	vsel vm2, v22, v31;
	vm2 =	vgt.f32 v46, v29;
	[tilespmem:$0x11E80] =	vst v23;
	vm15 =	vgt.f32 v48, v26  }
0x230: {  	v25 =	vsel vm3, v21, v25;
	[tilespmem:$0x11E00] =	vst v27;
	v27 =	vsel vm2, v46, v29;
	v26 =	vsel vm15, v48, v26  }
0x231: {  	s4 =	simm.s32 $0x0;
	vm3 =	vgt.f32 v50, v27;
	v23 =	vsel vm15, v22, v25;
	[tilespmem:$0x11700] =	vst v26  }
0x232: {  	s8 =	sand.u32 $0x60, s4;
	s4 =	sand.u32 $0x1C00, s4;
	v21 =	vsel vm2, v21, v24;
	v25 =	vsel vm3, v50, v27;
	[tilespmem:$0x11F00] =	vst v23  }
0x233: {  	s16 =	sadd.s32 $0x7400, s4;
	s11 =	sor.u32 $0x10, s8;
	v21 =	vsel vm3, v22, v21;
	[tilespmem:$0x11780] =	vst v25  }
0x234: {  	s10 =	sor.u32 s11, s16;
	[tilespmem:$0x11F80] =	vst v21  }
0x235: {  	s12 =	sadd.s32 $0x7480, s4;
	s9 =	sor.u32 s8, s16;
	v25 =	vld [tilespmem:s10+$0x0]  }
0x236: {  	s13 =	sor.u32 s8, s12;
	v27 =	vld [tilespmem:s9+$0x0]  }
0x237: {  	s12 =	sor.u32 s11, s12;
	s10 =	sadd.s32 $0x7500, s4;
	v29 =	vld [tilespmem:s13+$0x0]  }
0x238: {  	s9 =	sadd.s32 $0x7580, s4;
	v30 =	vld [tilespmem:s12+$0x0];
	s14 =	sor.u32 s11, s10  }
0x239: {  	s13 =	sadd.s32 $0x7600, s4;
	s15 =	sor.u32 s11, s9;
	v24 =	vld [tilespmem:s14+$0x0]  }
0x23a: {  	v37 =	vimm.f32 $-Inf;
	s16 =	sor.u32 s11, s13;
	v26 =	vld [tilespmem:s15+$0x0]  }
0x23b: {  	v34 =	vimm.f32 $-Inf;
	v42 =	vimm.s32 $0x0;
	v39 =	vimm.s32 $0x0;
	s10 =	sor.u32 s8, s10;
	v31 =	vld [tilespmem:s16+$0x0]  }
0x23c: {  	v32 =	vimm.f32 $-Inf;
	v33 =	vimm.s32 $0x0;
	v28 =	vimm.f32 $-Inf;
	s9 =	sor.u32 s8, s9;
	v43 =	vld [tilespmem:s10+$0x0]  }
0x23d: {  	v23 =	vimm.s32 $0x0;
	v21 =	vlaneseq.u32;
	s12 =	sor.u32 s8, s13;
	s13 =	sadd.s32 $0x7680, s4;
	v45 =	vld [tilespmem:s9+$0x0];
	vm3 =	vgt.f32 v27, v28  }
0x23e: {  	v22 =	vadd.s32 $0x10, v21;
	v48 =	vld [tilespmem:s12+$0x0];
	s14 =	sor.u32 s11, s13;
	vm2 =	vgt.f32 v29, v28;
	v27 =	vsel vm3, v27, v28  }
0x23f: {  	s10 =	sor.u32 s8, s13;
	s15 =	sadd.s32 $0x7700, s4;
	v35 =	vld [tilespmem:s14+$0x0];
	v29 =	vsel vm2, v29, v28;
	v47 =	vsel vm2, v21, v23;
	vm2 =	vgt.f32 v25, v27  }
0x240: {  	s29 =	sadd.s32 $0x7780, s4;
	v44 =	vld [tilespmem:s10+$0x0];
	s16 =	sor.u32 s8, s15;
	v41 =	vsel vm3, v21, v23;
	vm3 =	vgt.f32 v30, v29;
	v40 =	vsel vm2, v25, v27  }
0x241: {  	s12 =	simm.s32 $0x0;
	s4 =	sor.u32 s8, s29;
	v46 =	vld [tilespmem:s16+$0x0];
	v38 =	vsel vm3, v30, v29;
	v36 =	vsel vm3, v22, v47;
	v30 =	vimm.f32 $-Inf  }
0x242: {  	s13 =	sor.u32 s11, s15;
	s8 =	simm.s32 $0x20;
	v29 =	vimm.f32 $-Inf;
	v27 =	vimm.s32 $0x0;
	v25 =	vimm.s32 $0x0;
	v47 =	vld [tilespmem:s4+$0x0];
	s4 =	simm.s32 $0x100  }
.LBB2_9:
0x243: {  	s9 =	sand.u32 $0x60, s8;
	s10 =	sand.u32 $0x1C00, s4;
	vm3 =	vgt.f32 v43, v28;
	vm4 =	vgt.f32 v45, v37;
	vm5 =	vgt.f32 v48, v34;
	v49 =	vld [tilespmem:s13+$0x0];
	s13 =	sor.u32 s11, s29  }
0x244: {  	s29 =	sadd.s32 $0x7400, s10;
	s11 =	sor.u32 $0x10, s9;
	v28 =	vsel vm3, v43, v28;
	v37 =	vsel vm4, v45, v37;
	v34 =	vsel vm5, v48, v34;
	v43 =	vld [tilespmem:s13+$0x0]  }
0x245: {  	s13 =	sadd.s32 $0x7480, s10;
	s14 =	sor.u32 s11, s29;
	vm6 =	vgt.f32 v24, v28;
	vm7 =	vgt.f32 v26, v37;
	vm8 =	vgt.f32 v31, v34  }
0x246: {  	s15 =	sadd.s32 $0x7500, s10;
	v50 =	vld [tilespmem:s14+$0x0];
	s14 =	sor.u32 s11, s13;
	v28 =	vsel vm6, v24, v28;
	v37 =	vsel vm7, v26, v37;
	v34 =	vsel vm8, v31, v34  }
0x247: {  	s16 =	sadd.s32 $0x7580, s10;
	vm9 =	vgt.f32 v44, v32;
	vm10 =	vgt.f32 v46, v30;
	v51 =	vld [tilespmem:s14+$0x0];
	s14 =	sor.u32 s11, s15;
	vm11 =	vgt.f32 v47, v29  }
0x248: {  	v31 =	vsel vm9, v44, v32;
	v30 =	vsel vm10, v46, v30;
	v24 =	vld [tilespmem:s14+$0x0];
	s14 =	sor.u32 s11, s16;
	v29 =	vsel vm11, v47, v29  }
0x249: {  	s29 =	sor.u32 s9, s29;
	vm12 =	vgt.f32 v35, v31;
	vm13 =	vgt.f32 v49, v30;
	v26 =	vld [tilespmem:s14+$0x0];
	vm14 =	vgt.f32 v43, v29  }
0x24a: {  	s13 =	sor.u32 s9, s13;
	v32 =	vsel vm12, v35, v31;
	s14 =	sadd.s32 $0x7600, s10;
	v30 =	vsel vm13, v49, v30;
	v44 =	vld [tilespmem:s29+$0x0];
	v29 =	vsel vm14, v43, v29  }
0x24b: {  	v23 =	vsel vm9, v21, v23;
	v27 =	vsel vm10, v21, v27;
	v25 =	vsel vm11, v21, v25;
	v46 =	vld [tilespmem:s13+$0x0];
	s13 =	sor.u32 s11, s14  }
0x24c: {  	s15 =	sor.u32 s9, s15;
	v23 =	vsel vm12, v22, v23;
	v27 =	vsel vm13, v22, v27;
	v25 =	vsel vm14, v22, v25;
	v31 =	vld [tilespmem:s13+$0x0]  }
0x24d: {  	s12 =	sadd.s32 $0x2, s12;
	v39 =	vsel vm4, v21, v39;
	v33 =	vsel vm5, v21, v33;
	v35 =	vsel vm3, v21, v42;
	s13 =	sor.u32 s9, s16;
	v43 =	vld [tilespmem:s15+$0x0]  }
0x24e: {  	p1 =	slt.u32 s12, $0x3E;
	v39 =	vsel vm7, v22, v39;
	v33 =	vsel vm8, v22, v33;
	v42 =	vsel vm6, v22, v35;
	v45 =	vld [tilespmem:s13+$0x0];
	s13 =	sor.u32 s9, s14;
	s14 =	sadd.s32 $0x7680, s10  }
.Ltmp5:
0x24f: {  	v41 =	vsel vm2, v22, v41;
	v21 =	vadd.s32 $0x20, v21;
	v48 =	vld [tilespmem:s13+$0x0];
	s13 =	sor.u32 s11, s14;
	(pc) =	sbr.rel @p1 .LBB2_9-.Ltmp5, $4  }
0x250: {  	v22 =	vadd.s32 $0x10, v21;
	s15 =	sadd.s32 $0x7700, s10;
	vm2 =	vgt.f32 v44, v40;
	s14 =	sor.u32 s9, s14;
	vm3 =	vgt.f32 v46, v38;
	v35 =	vld [tilespmem:s13+$0x0]  }
0x251: {  	s29 =	sadd.s32 $0x7780, s10;
	v40 =	vsel vm2, v44, v40;
	s13 =	sor.u32 s9, s15;
	v38 =	vsel vm3, v46, v38;
	v36 =	vsel vm3, v21, v36;
	v44 =	vld [tilespmem:s14+$0x0]  }
0x252: {  	v41 =	vsel vm2, v21, v41;
	s9 =	sor.u32 s9, s29;
	vm2 =	vgt.f32 v50, v40;
	v46 =	vld [tilespmem:s13+$0x0];
	vm3 =	vgt.f32 v51, v38  }
0x253: {  	s4 =	sadd.s32 $0x100, s4;
	s8 =	sadd.s32 $0x20, s8;
	v40 =	vsel vm2, v50, v40;
	s13 =	sor.u32 s11, s15;
	v47 =	vld [tilespmem:s9+$0x0];
	v38 =	vsel vm3, v51, v38;
	v36 =	vsel vm3, v22, v36  }
0x254: {  	v49 =	vld [tilespmem:s13+$0x0];
	s4 =	sor.u32 s11, s29  }
0x255: {  	vm3 =	vgt.f32 v43, v28;
	v41 =	vsel vm2, v22, v41;
	v50 =	vld [tilespmem:s4+$0x0];
	[tilespmem:$0x11800] =	vst v40  }
0x256: {  	vm2 =	vgt.f32 v45, v37;
	v28 =	vsel vm3, v43, v28;
	[tilespmem:$0x12000] =	vst v41  }
0x257: {  	[tilespmem:$0x11880] =	vst v38;
	v37 =	vsel vm2, v45, v37;
	vm4 =	vgt.f32 v24, v28  }
0x258: {  	[tilespmem:$0x12080] =	vst v36;
	vm5 =	vgt.f32 v26, v37;
	v24 =	vsel vm4, v24, v28  }
0x259: {  	v28 =	vsel vm3, v21, v42;
	vm3 =	vgt.f32 v48, v34;
	v26 =	vsel vm5, v26, v37;
	[tilespmem:$0x11900] =	vst v24  }
0x25a: {  	v28 =	vsel vm4, v22, v28;
	v24 =	vsel vm3, v48, v34;
	v48 =	vsel vm2, v21, v39;
	[tilespmem:$0x11980] =	vst v26  }
0x25b: {  	vm4 =	vgt.f32 v44, v32;
	[tilespmem:$0x12100] =	vst v28;
	vm2 =	vgt.f32 v31, v24;
	v28 =	vsel vm5, v22, v48  }
0x25c: {  	v26 =	vsel vm4, v44, v32;
	v24 =	vsel vm2, v31, v24;
	v31 =	vsel vm3, v21, v33;
	[tilespmem:$0x12180] =	vst v28  }
0x25d: {  	vm3 =	vgt.f32 v46, v30;
	vm5 =	vgt.f32 v35, v26;
	v28 =	vsel vm2, v22, v31;
	[tilespmem:$0x11A00] =	vst v24  }
0x25e: {  	v23 =	vsel vm4, v21, v23;
	v24 =	vsel vm3, v46, v30;
	v26 =	vsel vm5, v35, v26;
	[tilespmem:$0x12200] =	vst v28  }
0x25f: {  	vm2 =	vgt.f32 v47, v29;
	v23 =	vsel vm5, v22, v23;
	vm4 =	vgt.f32 v49, v24;
	[tilespmem:$0x11A80] =	vst v26  }
0x260: {  	v27 =	vsel vm3, v21, v27;
	v26 =	vsel vm2, v47, v29;
	[tilespmem:$0x12280] =	vst v23;
	v24 =	vsel vm4, v49, v24  }
0x261: {  	vm3 =	vgt.f32 v50, v26;
	v23 =	vsel vm4, v22, v27;
	[tilespmem:$0x11B00] =	vst v24  }
0x262: {  	v21 =	vsel vm2, v21, v25;
	v24 =	vsel vm3, v50, v26;
	[tilespmem:$0x12300] =	vst v23  }
0x263: {  	v21 =	vsel vm3, v22, v21;
	[tilespmem:$0x11B80] =	vst v24  }
0x264: {  	[tilespmem:$0x12380] =	vst v21  }
0x265: {  	v21 =	vld.idx.msk [tilespmem:v4+s22+$0x0], $0xffff  }
0x266: {  	v22 =	vld.idx.msk [tilespmem:v4+s23+$0x0], $0xffff  }
0x267: {  	v23 =	vld.idx.msk [tilespmem:v6+s22+$0x0], $0xffff  }
0x268: {  	v24 =	vld.idx.msk [tilespmem:v6+s23+$0x0], $0xffff  }
0x269: {  	v25 =	vld.idx.msk [tilespmem:v8+s22+$0x0], $0xffff  }
0x26a: {  	v26 =	vld.idx.msk [tilespmem:v8+s23+$0x0], $0xffff  }
0x26b: {  	v27 =	vld.idx.msk [tilespmem:v12+s22+$0x0], $0xffff  }
0x26c: {  	v28 =	vld.idx.msk [tilespmem:v12+s23+$0x0], $0xffff  }
0x26d: {  	v29 =	vld.idx.msk [tilespmem:v13+s22+$0x0], $0xffff  }
0x26e: {  	v30 =	vld.idx.msk [tilespmem:v13+s23+$0x0], $0xffff  }
0x26f: {  	v31 =	vld.idx.msk [tilespmem:v14+s22+$0x0], $0xffff  }
0x270: {  	v32 =	vld.idx.msk [tilespmem:v14+s23+$0x0], $0xffff  }
0x271: {  	v33 =	vld.idx.msk [tilespmem:v16+s22+$0x0], $0xffff  }
0x272: {  	v34 =	vld.idx.msk [tilespmem:v16+s23+$0x0], $0xffff  }
0x273: {  	v51 =	vld.idx.msk [tilespmem:v17+s22+$0x0], $0xffff  }
0x274: {  	v36 =	vld.idx.msk [tilespmem:v17+s23+$0x0], $0xffff  }
0x275: {  	v37 =	vld.idx.msk [tilespmem:v18+s22+$0x0], $0xffff  }
0x276: {  	v38 =	vld.idx.msk [tilespmem:v18+s23+$0x0], $0xffff  }
0x277: {  	v48 =	vld.idx.msk [tilespmem:v19+s22+$0x0], $0xffff  }
0x278: {  	v40 =	vld.idx.msk [tilespmem:v19+s23+$0x0], $0xffff  }
0x279: {  	v41 =	vld.idx.msk [tilespmem:v20+s22+$0x0], $0xffff;
	vm2 =	vgt.f32 v23, v21;
	vm3 =	veq.f32 v23, v21;
	vm4 =	vlt.s32 v24, v22  }
0x27a: {  	v42 =	vld.idx.msk [tilespmem:v20+s23+$0x0], $0xffff;
	vm5 =	vlt.s32 v28, v26;
	vm6 =	veq.f32 v51, v33;
	vm7 =	vlt.s32 v36, v34  }
0x27b: {  	v49 =	vld.idx.msk [tilespmem:v15+s22+$0x0], $0xffff;
	vm3 =	vmand vm3, vm4;
	vm4 =	veq.f32 v27, v25;
	vm6 =	vmand vm6, vm7  }
0x27c: {  	v50 =	vld.idx.msk [tilespmem:v15+s23+$0x0], $0xffff;
	vm2 =	vmor vm2, vm3;
	vm3 =	vgt.f32 v27, v25;
	vm4 =	vmand vm4, vm5  }
0x27d: {  	v45 =	vld.idx.msk [tilespmem:v7+s22+$0x0], $0xffff;
	vm5 =	vlt.s32 v32, v30;
	v21 =	vsel vm2, v23, v21;
	v22 =	vsel vm2, v24, v22  }
0x27e: {  	v46 =	vld.idx.msk [tilespmem:v3+s22+$0x0], $0xffff;
	vm2 =	vmor vm3, vm4;
	vm3 =	vgt.f32 v31, v29;
	vm4 =	veq.f32 v31, v29  }
0x27f: {  	v23 =	vld.idx.msk [tilespmem:v7+s23+$0x0], $0xffff;
	v24 =	vsel vm2, v27, v25;
	vm4 =	vmand vm4, vm5;
	vm5 =	vgt.f32 v51, v33  }
0x280: {  	v25 =	vld.idx.msk [tilespmem:v5+s22+$0x0], $0xffff;
	v26 =	vsel vm2, v28, v26;
	vm2 =	vmor vm3, vm4;
	vm3 =	vmor vm5, vm6  }
0x281: {  	v27 =	vld.idx.msk [tilespmem:v5+s23+$0x0], $0xffff;
	vm4 =	veq.f32 v48, v37;
	vm5 =	vlt.s32 v40, v38;
	vm6 =	vlt.s32 v50, v42  }
0x282: {  	v28 =	vld.idx.msk [tilespmem:v3+s23+$0x0], $0xffff;
	v29 =	vsel vm2, v31, v29;
	v30 =	vsel vm2, v32, v30;
	v31 =	vsel vm3, v51, v33  }
0x283: {  	v32 =	vld.idx.msk [tilespmem:v2+s22+$0x0], $0xffff;
	vm2 =	vgt.f32 v48, v37;
	vm4 =	vmand vm4, vm5;
	vm5 =	veq.f32 v49, v41  }
0x284: {  	v51 =	vld.idx.msk [tilespmem:v2+s23+$0x0], $0xffff;
	v34 =	vsel vm3, v36, v34;
	vm2 =	vmor vm2, vm4;
	vm4 =	vgt.f32 v49, v41  }
0x285: {  	vm5 =	vmand vm5, vm6;
	vm6 =	veq.f32 v31, v29;
	vm7 =	vlt.s32 v34, v30  }
0x286: {  	v47 =	vsel vm2, v48, v37;
	vm3 =	vmor vm4, vm5;
	v48 =	vsel vm2, v40, v38  }
0x287: {  	vm6 =	vmand vm6, vm7;
	v49 =	vsel vm3, v49, v41;
	v50 =	vsel vm3, v50, v42  }
0x288: {  	vm2 =	vgt.f32 v25, v45;
	vm3 =	veq.f32 v25, v45;
	vm4 =	vlt.s32 v27, v23  }
0x289: {  	vm3 =	vmand vm3, vm4;
	vm4 =	veq.f32 v32, v46;
	vm5 =	vlt.s32 v51, v28  }
0x28a: {  	vm2 =	vmor vm2, vm3;
	vm3 =	vgt.f32 v32, v46;
	vm4 =	vmand vm4, vm5  }
0x28b: {  	v25 =	vsel vm2, v25, v45;
	v23 =	vsel vm2, v27, v23;
	vm5 =	vlt.s32 v26, v22  }
0x28c: {  	vm2 =	vmor vm3, vm4;
	vm3 =	vgt.f32 v24, v21;
	vm4 =	veq.f32 v24, v21  }
0x28d: {  	v27 =	vsel vm2, v32, v46;
	vm4 =	vmand vm4, vm5;
	vm5 =	vgt.f32 v31, v29  }
0x28e: {  	v28 =	vsel vm2, v51, v28;
	vm2 =	vmor vm3, vm4;
	vm3 =	vmor vm5, vm6  }
0x28f: {  	vm4 =	veq.f32 v49, v47;
	vm5 =	vlt.s32 v50, v48;
	vm6 =	vlt.s32 v28, v23  }
0x290: {  	v21 =	vsel vm2, v24, v21;
	v22 =	vsel vm2, v26, v22;
	v24 =	vsel vm3, v31, v29  }
0x291: {  	vm2 =	vgt.f32 v49, v47;
	vm4 =	vmand vm4, vm5;
	vm5 =	veq.f32 v27, v25  }
0x292: {  	vm2 =	vmor vm2, vm4;
	vm4 =	vgt.f32 v27, v25;
	vm5 =	vmand vm5, vm6  }
0x293: {  	v26 =	vsel vm3, v34, v30;
	v29 =	vsel vm2, v49, v47;
	vm3 =	vmor vm4, vm5  }
0x294: {  	v30 =	vsel vm2, v50, v48;
	vm2 =	vgt.f32 v24, v21;
	vm4 =	vlt.s32 v26, v22  }
0x295: {  	v25 =	vsel vm3, v27, v25;
	v23 =	vsel vm3, v28, v23;
	vm3 =	veq.f32 v24, v21  }
0x296: {  	vm3 =	vmand vm3, vm4;
	vm4 =	veq.f32 v25, v29;
	vm5 =	vlt.s32 v23, v30  }
0x297: {  	vm2 =	vmor vm2, vm3;
	vm3 =	vgt.f32 v25, v29;
	vm4 =	vmand vm4, vm5  }
0x298: {  	s8 =	sor.u32 $0x10, s2;
	v21 =	vsel vm2, v24, v21;
	v22 =	vsel vm2, v26, v22;
	vm2 =	vmor vm3, vm4  }
0x299: {  	v24 =	vsel vm2, v25, v29;
	v23 =	vsel vm2, v23, v30;
	v25 =	vor.u32 s8, v0  }
0x29a: {  	vm2 =	veq.f32 v24, v21;
	vm3 =	vlt.s32 v23, v22  }
0x29b: {  	vm4 =	vgt.f32 v24, v21;
	vm2 =	vmand vm2, vm3  }
0x29c: {  	vm2 =	vmor vm4, vm2  }
0x29d: {  	v21 =	vsel vm2, v23, v22  }
0x29e: {  	[tilespmem:v25+s24+$0x0] =	vst.idx.msk $0xffff, v21  }
0x29f: {  	v21 =	vld @!p0 [tilespmem:s1+$0x680];
	_ =	sdelay $0x4  }
0x2a0: {  	v22 =	vshll.u32 @!p0 v21, $0x3  }
0x2a1: {  	v23 =	vlaneseq.u32 @!p0;
	v21 =	vand.u32 @!p0 $0x7, v21;
	v22 =	vand.u32 @!p0 $0xFFFFFFC0, v22  }
0x2a2: {  	v24 =	vshrl.u32 @!p0 v23, $0x3;
	v21 =	vor.u32 @!p0 v21, v22;
	v22 =	vand.u32 @!p0 $0x7, v23  }
0x2a3: {  	v24 =	vmul.u32 @!p0 $0x8, v24;
	v22 =	vperm.xlane @!p0 v21, v22;
	_ =	sdelay $0x1  }
0x2a4: {  	v22 =	vadd.s32 @!p0 v24, v22;
	_ =	sdelay $0x3  }
0x2a5: {  	s4 =	simm.s32 @!p0 $0x0;
	s8 =	simm.s32 @!p0 $0x5400  }
0x2a6: {  	v23 =	vor.u32 @!p0 $0x8, v23;
	[tilespmem:s8], [sflag:$0x2] =	stream.indirect_vreg.gather @!p0 [hbm4b:s0+s4], $0x80, v22, vm1, $0xb8;
	[tilespmem:$0x12600] =	vst v63  }
0x2a7: {  	v21 =	vperm.xlane @!p0 v21, v23;
	s8 =	simm.s32 @!p0 $0x5C00  }
0x2a8: {  	[tilespmem:s8], [sflag:$0x2] =	stream.indirect_vreg.gather @!p0 [hbm4b:s5+s4], $0x80, v22, vm1, $0xb8;
	[tilespmem:$0x12600] =	vst v63  }
0x2a9: {  	v21 =	vadd.s32 @!p0 v24, v21;
	s8 =	simm.s32 @!p0 $0x6400  }
0x2aa: {  	[tilespmem:s8], [sflag:$0x2] =	stream.indirect_vreg.gather @!p0 [hbm4b:s6+s4], $0x80, v22, vm1, $0xb8;
	[tilespmem:$0x12600] =	vst v63  }
0x2ab: {  	s8 =	simm.s32 @!p0 $0x6C00  }
0x2ac: {  	[tilespmem:s8], [sflag:$0x2] =	stream.indirect_vreg.gather @!p0 [hbm4b:s7+s4], $0x80, v22, vm1, $0xb8;
	[tilespmem:$0x12600] =	vst v63  }
0x2ad: {  	s8 =	simm.s32 @!p0 $0x7400  }
0x2ae: {  	[tilespmem:s8], [sflag:$0x2] =	stream.indirect_vreg.gather @!p0 [hbm4b:s0+s4], $0x80, v21, vm1, $0xb8;
	[tilespmem:$0x12600] =	vst v63  }
0x2af: {  	s8 =	simm.s32 @!p0 $0x7C00  }
0x2b0: {  	[tilespmem:s8], [sflag:$0x2] =	stream.indirect_vreg.gather @!p0 [hbm4b:s5+s4], $0x80, v21, vm1, $0xb8;
	[tilespmem:$0x12600] =	vst v63  }
0x2b1: {  	s8 =	simm.s32 @!p0 $0x8400  }
0x2b2: {  	[tilespmem:s8], [sflag:$0x2] =	stream.indirect_vreg.gather @!p0 [hbm4b:s6+s4], $0x80, v21, vm1, $0xb8;
	[tilespmem:$0x12600] =	vst v63  }
0x2b3: {  	s8 =	simm.s32 @!p0 $0x8C00  }
0x2b4: {  	[tilespmem:s8], [sflag:$0x2] =	stream.indirect_vreg.gather @!p0 [hbm4b:s7+s4], $0x80, v21, vm1, $0xb8;
	[tilespmem:$0x12600] =	vst v63  }
0x2b5: {  	s11 =	simm.s32 $0x0;
	_ =	swait.ge [sflag:s26], $0x4000  }
0x2b6: {  	s9 =	sand.u32 $0x60, s11;
	s10 =	sand.u32 $0x1C00, s11;
	[sflag:s26] =	ssyncset.done $0x0  }
0x2b7: {  	s4 =	sor.u32 s9, s10;
	[sflag:s26] =	ssyncadd.s32 $0xFFFFC000  }
0x2b8: {  	v24 =	vld [tilespmem:s4+$0x9410]  }
0x2b9: {  	v25 =	vld [tilespmem:s4+$0x9400]  }
0x2ba: {  	v29 =	vld [tilespmem:s4+$0x9480]  }
0x2bb: {  	v30 =	vld [tilespmem:s4+$0x9490]  }
0x2bc: {  	v42 =	vld [tilespmem:s4+$0x9500]  }
0x2bd: {  	v44 =	vimm.s32 $0x0;
	v43 =	vld [tilespmem:s4+$0x9580]  }
0x2be: {  	v35 =	vimm.s32 $0x0;
	v36 =	vimm.f32 $-Inf;
	v40 =	vimm.f32 $-Inf;
	v45 =	vld [tilespmem:s4+$0x9600]  }
0x2bf: {  	v41 =	vimm.s32 $0x0;
	v32 =	vimm.f32 $-Inf;
	v21 =	vlaneseq.u32;
	v26 =	vld [tilespmem:s4+$0x9510]  }
0x2c0: {  	v27 =	vimm.f32 $-Inf;
	v23 =	vimm.s32 $0x0;
	v22 =	vadd.s32 $0x10, v21;
	v28 =	vld [tilespmem:s4+$0x9590]  }
0x2c1: {  	s12 =	sand.u32 $0x3, s11;
	v31 =	vld [tilespmem:s4+$0x9610];
	vm3 =	vgt.f32 v25, v27;
	vm2 =	vgt.f32 v29, v27;
	vm5 =	vgt.f32 v42, v27  }
0x2c2: {  	s8 =	sshll.u32 s12, $0x5;
	s9 =	sor.u32 s11, s11;
	v33 =	vld [tilespmem:s4+$0x9690];
	v25 =	vsel vm3, v25, v27;
	v29 =	vsel vm2, v29, v27;
	v51 =	vsel vm2, v21, v23  }
0x2c3: {  	s13 =	sadd.s32 $0x0, s8;
	s14 =	sor.u32 $0x380, s9;
	v47 =	vld [tilespmem:s4+$0x9680];
	v38 =	vsel vm3, v21, v23;
	vm2 =	vgt.f32 v24, v25;
	vm3 =	vgt.f32 v30, v29  }
0x2c4: {  	s15 =	sor.u32 $0x300, s13;
	s16 =	sadd.s32 $0x10, s13;
	v46 =	vld [tilespmem:s14+$0x9400];
	vm4 =	vgt.f32 v43, v27;
	v39 =	vsel vm2, v24, v25;
	v37 =	vsel vm3, v30, v29  }
0x2c5: {  	s12 =	simm.s32 $0x20;
	s29 =	sor.u32 $0x300, s16;
	v49 =	vld [tilespmem:s15+$0x9400];
	v34 =	vsel vm3, v22, v51;
	vm3 =	vgt.f32 v45, v27;
	v30 =	vimm.f32 $-Inf  }
0x2c6: {  	s8 =	simm.s32 $0x100;
	s9 =	sor.u32 $0x380, s16;
	s4 =	simm.s32 $0x0;
	v48 =	vld [tilespmem:s29+$0x9400];
	v29 =	vimm.f32 $-Inf;
	v25 =	vimm.s32 $0x0;
	v24 =	vimm.s32 $0x0  }
.LBB2_11:
0x2c7: {  	s10 =	sand.u32 $0x60, s12;
	s13 =	sand.u32 $0x1C00, s8;
	v27 =	vsel vm5, v42, v27;
	v40 =	vsel vm4, v43, v40;
	v36 =	vsel vm3, v45, v36;
	v42 =	vld [tilespmem:s9+$0x9400]  }
0x2c8: {  	s9 =	sor.u32 s10, s13;
	vm6 =	vgt.f32 v26, v27;
	vm7 =	vgt.f32 v28, v40;
	vm8 =	vgt.f32 v31, v36  }
0x2c9: {  	v50 =	vld [tilespmem:s9+$0x9410];
	v27 =	vsel vm6, v26, v27;
	v40 =	vsel vm7, v28, v40;
	v36 =	vsel vm8, v31, v36  }
0x2ca: {  	vm9 =	vgt.f32 v47, v32;
	vm11 =	vgt.f32 v46, v29;
	v51 =	vld [tilespmem:s9+$0x9490];
	vm10 =	vgt.f32 v49, v30  }
0x2cb: {  	v31 =	vsel vm9, v47, v32;
	v29 =	vsel vm11, v46, v29;
	v26 =	vld [tilespmem:s9+$0x9510];
	v30 =	vsel vm10, v49, v30  }
0x2cc: {  	vm12 =	vgt.f32 v33, v31;
	v28 =	vld [tilespmem:s9+$0x9590];
	vm13 =	vgt.f32 v48, v30;
	vm14 =	vgt.f32 v42, v29  }
0x2cd: {  	v32 =	vsel vm12, v33, v31;
	v46 =	vld [tilespmem:s9+$0x9400];
	v30 =	vsel vm13, v48, v30;
	v29 =	vsel vm14, v42, v29  }
0x2ce: {  	v23 =	vsel vm9, v21, v23;
	v24 =	vsel vm11, v21, v24;
	v25 =	vsel vm10, v21, v25;
	v47 =	vld [tilespmem:s9+$0x9480]  }
0x2cf: {  	v23 =	vsel vm12, v22, v23;
	v25 =	vsel vm13, v22, v25;
	v24 =	vsel vm14, v22, v24;
	v31 =	vld [tilespmem:s9+$0x9610]  }
0x2d0: {  	v41 =	vsel vm4, v21, v41;
	v35 =	vsel vm3, v21, v35;
	v33 =	vsel vm5, v21, v44;
	v42 =	vld [tilespmem:s9+$0x9500]  }
0x2d1: {  	s11 =	sadd.s32 $0x1, s11;
	s4 =	sadd.s32 $0x2, s4;
	v41 =	vsel vm7, v22, v41;
	v35 =	vsel vm8, v22, v35;
	v44 =	vsel vm6, v22, v33;
	v43 =	vld [tilespmem:s9+$0x9580]  }
0x2d2: {  	v38 =	vsel vm2, v22, v38;
	s10 =	sand.u32 $0x3, s11;
	p1 =	slt.u32 s4, $0x3E;
	v21 =	vadd.s32 $0x20, v21;
	v45 =	vld [tilespmem:s9+$0x9600]  }
.Ltmp6:
0x2d3: {  	s13 =	sor.u32 s8, s12;
	s10 =	sshll.u32 s10, $0x5;
	v22 =	vadd.s32 $0x10, v21;
	vm2 =	vgt.f32 v46, v39;
	vm3 =	vgt.f32 v47, v37;
	v33 =	vld [tilespmem:s9+$0x9690];
	(pc) =	sbr.rel @p1 .LBB2_11-.Ltmp6, $4  }
0x2d4: {  	v39 =	vsel vm2, v46, v39;
	v37 =	vsel vm3, v47, v37;
	v34 =	vsel vm3, v21, v34;
	v47 =	vld [tilespmem:s9+$0x9680];
	s9 =	sadd.s32 s10, s8;
	s10 =	sor.u32 $0x380, s13  }
0x2d5: {  	v38 =	vsel vm2, v21, v38;
	vm2 =	vgt.f32 v50, v39;
	s13 =	sor.u32 $0x300, s9;
	v46 =	vld [tilespmem:s10+$0x9400];
	vm3 =	vgt.f32 v51, v37;
	s9 =	sadd.s32 $0x10, s9  }
0x2d6: {  	v39 =	vsel vm2, v50, v39;
	v49 =	vld [tilespmem:s13+$0x9400];
	v37 =	vsel vm3, v51, v37;
	v34 =	vsel vm3, v22, v34;
	s10 =	sor.u32 $0x300, s9  }
0x2d7: {  	s12 =	sadd.s32 $0x20, s12;
	s8 =	sadd.s32 $0x100, s8;
	vm5 =	vgt.f32 v42, v27;
	vm4 =	vgt.f32 v43, v40;
	s9 =	sor.u32 $0x380, s9;
	vm3 =	vgt.f32 v45, v36;
	v48 =	vld [tilespmem:s10+$0x9400]  }
0x2d8: {  	v50 =	vld [tilespmem:s9+$0x9400];
	[tilespmem:$0x11400] =	vst v39  }
0x2d9: {  	v27 =	vsel vm5, v42, v27;
	[tilespmem:$0x11480] =	vst v37  }
0x2da: {  	v38 =	vsel vm2, v22, v38;
	v43 =	vsel vm4, v43, v40;
	[tilespmem:$0x11C80] =	vst v34;
	vm2 =	vgt.f32 v26, v27  }
0x2db: {  	[tilespmem:$0x11C00] =	vst v38;
	vm12 =	vgt.f32 v28, v43;
	v26 =	vsel vm2, v26, v27  }
0x2dc: {  	vm13 =	vgt.f32 v47, v32;
	v27 =	vsel vm5, v21, v44;
	v28 =	vsel vm12, v28, v43;
	[tilespmem:$0x11500] =	vst v26  }
0x2dd: {  	v27 =	vsel vm2, v22, v27;
	v26 =	vsel vm3, v45, v36;
	v45 =	vsel vm4, v21, v41;
	[tilespmem:$0x11580] =	vst v28  }
0x2de: {  	v28 =	vsel vm13, v47, v32;
	[tilespmem:$0x11D00] =	vst v27;
	vm2 =	vgt.f32 v31, v26;
	v27 =	vsel vm12, v22, v45  }
0x2df: {  	v23 =	vsel vm13, v21, v23;
	vm14 =	vgt.f32 v33, v28;
	v26 =	vsel vm2, v31, v26;
	[tilespmem:$0x11D80] =	vst v27  }
0x2e0: {  	v31 =	vsel vm3, v21, v35;
	vm3 =	vgt.f32 v49, v30;
	v28 =	vsel vm14, v33, v28;
	[tilespmem:$0x11600] =	vst v26  }
0x2e1: {  	v23 =	vsel vm14, v22, v23;
	v26 =	vsel vm3, v49, v30;
	[tilespmem:$0x11680] =	vst v28  }
0x2e2: {  	v27 =	vsel vm2, v22, v31;
	vm2 =	vgt.f32 v46, v29;
	[tilespmem:$0x11E80] =	vst v23;
	vm15 =	vgt.f32 v48, v26  }
0x2e3: {  	v25 =	vsel vm3, v21, v25;
	[tilespmem:$0x11E00] =	vst v27;
	v27 =	vsel vm2, v46, v29;
	v26 =	vsel vm15, v48, v26  }
0x2e4: {  	s4 =	simm.s32 $0x0;
	vm3 =	vgt.f32 v50, v27;
	v23 =	vsel vm15, v22, v25;
	[tilespmem:$0x11700] =	vst v26  }
0x2e5: {  	s8 =	sand.u32 $0x60, s4;
	s4 =	sand.u32 $0x1C00, s4;
	v21 =	vsel vm2, v21, v24;
	v25 =	vsel vm3, v50, v27;
	[tilespmem:$0x11F00] =	vst v23  }
0x2e6: {  	s16 =	sadd.s32 $0xB400, s4;
	s11 =	sor.u32 $0x10, s8;
	v21 =	vsel vm3, v22, v21;
	[tilespmem:$0x11780] =	vst v25  }
0x2e7: {  	s10 =	sor.u32 s11, s16;
	[tilespmem:$0x11F80] =	vst v21  }
0x2e8: {  	s12 =	sadd.s32 $0xB480, s4;
	s9 =	sor.u32 s8, s16;
	v25 =	vld [tilespmem:s10+$0x0]  }
0x2e9: {  	s13 =	sor.u32 s8, s12;
	v27 =	vld [tilespmem:s9+$0x0]  }
0x2ea: {  	s12 =	sor.u32 s11, s12;
	s10 =	sadd.s32 $0xB500, s4;
	v29 =	vld [tilespmem:s13+$0x0]  }
0x2eb: {  	s9 =	sadd.s32 $0xB580, s4;
	v30 =	vld [tilespmem:s12+$0x0];
	s14 =	sor.u32 s11, s10  }
0x2ec: {  	s13 =	sadd.s32 $0xB600, s4;
	s15 =	sor.u32 s11, s9;
	v24 =	vld [tilespmem:s14+$0x0]  }
0x2ed: {  	v37 =	vimm.f32 $-Inf;
	s16 =	sor.u32 s11, s13;
	v26 =	vld [tilespmem:s15+$0x0]  }
0x2ee: {  	v34 =	vimm.f32 $-Inf;
	v42 =	vimm.s32 $0x0;
	v39 =	vimm.s32 $0x0;
	s10 =	sor.u32 s8, s10;
	v31 =	vld [tilespmem:s16+$0x0]  }
0x2ef: {  	v32 =	vimm.f32 $-Inf;
	v33 =	vimm.s32 $0x0;
	v28 =	vimm.f32 $-Inf;
	s9 =	sor.u32 s8, s9;
	v43 =	vld [tilespmem:s10+$0x0]  }
0x2f0: {  	v23 =	vimm.s32 $0x0;
	v21 =	vlaneseq.u32;
	s12 =	sor.u32 s8, s13;
	s13 =	sadd.s32 $0xB680, s4;
	v45 =	vld [tilespmem:s9+$0x0];
	vm3 =	vgt.f32 v27, v28  }
0x2f1: {  	v22 =	vadd.s32 $0x10, v21;
	v48 =	vld [tilespmem:s12+$0x0];
	s14 =	sor.u32 s11, s13;
	vm2 =	vgt.f32 v29, v28;
	v27 =	vsel vm3, v27, v28  }
0x2f2: {  	s10 =	sor.u32 s8, s13;
	s15 =	sadd.s32 $0xB700, s4;
	v35 =	vld [tilespmem:s14+$0x0];
	v29 =	vsel vm2, v29, v28;
	v47 =	vsel vm2, v21, v23;
	vm2 =	vgt.f32 v25, v27  }
0x2f3: {  	s29 =	sadd.s32 $0xB780, s4;
	v44 =	vld [tilespmem:s10+$0x0];
	s16 =	sor.u32 s8, s15;
	v41 =	vsel vm3, v21, v23;
	vm3 =	vgt.f32 v30, v29;
	v40 =	vsel vm2, v25, v27  }
0x2f4: {  	s12 =	simm.s32 $0x0;
	s4 =	sor.u32 s8, s29;
	v46 =	vld [tilespmem:s16+$0x0];
	v38 =	vsel vm3, v30, v29;
	v36 =	vsel vm3, v22, v47;
	v30 =	vimm.f32 $-Inf  }
0x2f5: {  	s13 =	sor.u32 s11, s15;
	s8 =	simm.s32 $0x20;
	v29 =	vimm.f32 $-Inf;
	v27 =	vimm.s32 $0x0;
	v25 =	vimm.s32 $0x0;
	v47 =	vld [tilespmem:s4+$0x0];
	s4 =	simm.s32 $0x100  }
.LBB2_13:
0x2f6: {  	s9 =	sand.u32 $0x60, s8;
	s10 =	sand.u32 $0x1C00, s4;
	vm3 =	vgt.f32 v43, v28;
	vm4 =	vgt.f32 v45, v37;
	vm5 =	vgt.f32 v48, v34;
	v49 =	vld [tilespmem:s13+$0x0];
	s13 =	sor.u32 s11, s29  }
0x2f7: {  	s14 =	sadd.s32 $0xB400, s10;
	s11 =	sor.u32 $0x10, s9;
	v28 =	vsel vm3, v43, v28;
	v37 =	vsel vm4, v45, v37;
	v34 =	vsel vm5, v48, v34;
	v43 =	vld [tilespmem:s13+$0x0]  }
0x2f8: {  	s13 =	sadd.s32 $0xB480, s10;
	s15 =	sor.u32 s11, s14;
	vm6 =	vgt.f32 v24, v28;
	vm7 =	vgt.f32 v26, v37;
	vm8 =	vgt.f32 v31, v34  }
0x2f9: {  	s16 =	sadd.s32 $0xB500, s10;
	v50 =	vld [tilespmem:s15+$0x0];
	s15 =	sor.u32 s11, s13;
	v28 =	vsel vm6, v24, v28;
	v37 =	vsel vm7, v26, v37;
	v34 =	vsel vm8, v31, v34  }
0x2fa: {  	s29 =	sadd.s32 $0xB580, s10;
	vm9 =	vgt.f32 v44, v32;
	vm10 =	vgt.f32 v46, v30;
	v51 =	vld [tilespmem:s15+$0x0];
	s15 =	sor.u32 s11, s16;
	vm11 =	vgt.f32 v47, v29  }
0x2fb: {  	v31 =	vsel vm9, v44, v32;
	v30 =	vsel vm10, v46, v30;
	v24 =	vld [tilespmem:s15+$0x0];
	s15 =	sor.u32 s11, s29;
	v29 =	vsel vm11, v47, v29  }
0x2fc: {  	s14 =	sor.u32 s9, s14;
	vm12 =	vgt.f32 v35, v31;
	vm13 =	vgt.f32 v49, v30;
	v26 =	vld [tilespmem:s15+$0x0];
	vm14 =	vgt.f32 v43, v29  }
0x2fd: {  	s13 =	sor.u32 s9, s13;
	v32 =	vsel vm12, v35, v31;
	v30 =	vsel vm13, v49, v30;
	v44 =	vld [tilespmem:s14+$0x0];
	s14 =	sadd.s32 $0xB600, s10;
	v29 =	vsel vm14, v43, v29  }
0x2fe: {  	v23 =	vsel vm9, v21, v23;
	v27 =	vsel vm10, v21, v27;
	v25 =	vsel vm11, v21, v25;
	v46 =	vld [tilespmem:s13+$0x0];
	s13 =	sor.u32 s11, s14  }
0x2ff: {  	v23 =	vsel vm12, v22, v23;
	s15 =	sor.u32 s9, s16;
	v27 =	vsel vm13, v22, v27;
	v25 =	vsel vm14, v22, v25;
	v31 =	vld [tilespmem:s13+$0x0]  }
0x300: {  	s12 =	sadd.s32 $0x2, s12;
	v39 =	vsel vm4, v21, v39;
	v33 =	vsel vm5, v21, v33;
	v35 =	vsel vm3, v21, v42;
	s13 =	sor.u32 s9, s29;
	v43 =	vld [tilespmem:s15+$0x0]  }
0x301: {  	p1 =	slt.u32 s12, $0x3E;
	v39 =	vsel vm7, v22, v39;
	v33 =	vsel vm8, v22, v33;
	v42 =	vsel vm6, v22, v35;
	v45 =	vld [tilespmem:s13+$0x0];
	s13 =	sor.u32 s9, s14;
	s14 =	sadd.s32 $0xB680, s10  }
.Ltmp7:
0x302: {  	v41 =	vsel vm2, v22, v41;
	v21 =	vadd.s32 $0x20, v21;
	v48 =	vld [tilespmem:s13+$0x0];
	s13 =	sor.u32 s11, s14;
	(pc) =	sbr.rel @p1 .LBB2_13-.Ltmp7, $4  }
0x303: {  	v22 =	vadd.s32 $0x10, v21;
	s15 =	sadd.s32 $0xB700, s10;
	vm2 =	vgt.f32 v44, v40;
	s14 =	sor.u32 s9, s14;
	vm3 =	vgt.f32 v46, v38;
	v35 =	vld [tilespmem:s13+$0x0]  }
0x304: {  	s29 =	sadd.s32 $0xB780, s10;
	v40 =	vsel vm2, v44, v40;
	s13 =	sor.u32 s9, s15;
	v38 =	vsel vm3, v46, v38;
	v36 =	vsel vm3, v21, v36;
	v44 =	vld [tilespmem:s14+$0x0]  }
0x305: {  	v41 =	vsel vm2, v21, v41;
	s9 =	sor.u32 s9, s29;
	vm2 =	vgt.f32 v50, v40;
	v46 =	vld [tilespmem:s13+$0x0];
	vm3 =	vgt.f32 v51, v38  }
0x306: {  	s4 =	sadd.s32 $0x100, s4;
	s8 =	sadd.s32 $0x20, s8;
	v40 =	vsel vm2, v50, v40;
	s13 =	sor.u32 s11, s15;
	v47 =	vld [tilespmem:s9+$0x0];
	v38 =	vsel vm3, v51, v38;
	v36 =	vsel vm3, v22, v36  }
0x307: {  	v49 =	vld [tilespmem:s13+$0x0];
	s4 =	sor.u32 s11, s29  }
0x308: {  	vm3 =	vgt.f32 v43, v28;
	v41 =	vsel vm2, v22, v41;
	v50 =	vld [tilespmem:s4+$0x0];
	[tilespmem:$0x11800] =	vst v40  }
0x309: {  	vm2 =	vgt.f32 v45, v37;
	v28 =	vsel vm3, v43, v28;
	[tilespmem:$0x12000] =	vst v41  }
0x30a: {  	[tilespmem:$0x11880] =	vst v38;
	v37 =	vsel vm2, v45, v37;
	vm4 =	vgt.f32 v24, v28  }
0x30b: {  	[tilespmem:$0x12080] =	vst v36;
	vm5 =	vgt.f32 v26, v37;
	v24 =	vsel vm4, v24, v28  }
0x30c: {  	v28 =	vsel vm3, v21, v42;
	vm3 =	vgt.f32 v48, v34;
	v26 =	vsel vm5, v26, v37;
	[tilespmem:$0x11900] =	vst v24  }
0x30d: {  	v28 =	vsel vm4, v22, v28;
	v24 =	vsel vm3, v48, v34;
	v48 =	vsel vm2, v21, v39;
	[tilespmem:$0x11980] =	vst v26  }
0x30e: {  	vm4 =	vgt.f32 v44, v32;
	[tilespmem:$0x12100] =	vst v28;
	vm2 =	vgt.f32 v31, v24;
	v28 =	vsel vm5, v22, v48  }
0x30f: {  	v26 =	vsel vm4, v44, v32;
	v24 =	vsel vm2, v31, v24;
	v31 =	vsel vm3, v21, v33;
	[tilespmem:$0x12180] =	vst v28  }
0x310: {  	vm3 =	vgt.f32 v46, v30;
	vm5 =	vgt.f32 v35, v26;
	v28 =	vsel vm2, v22, v31;
	[tilespmem:$0x11A00] =	vst v24  }
0x311: {  	v23 =	vsel vm4, v21, v23;
	v24 =	vsel vm3, v46, v30;
	v26 =	vsel vm5, v35, v26;
	[tilespmem:$0x12200] =	vst v28  }
0x312: {  	vm2 =	vgt.f32 v47, v29;
	v23 =	vsel vm5, v22, v23;
	vm4 =	vgt.f32 v49, v24;
	[tilespmem:$0x11A80] =	vst v26  }
0x313: {  	v27 =	vsel vm3, v21, v27;
	v26 =	vsel vm2, v47, v29;
	[tilespmem:$0x12280] =	vst v23;
	v24 =	vsel vm4, v49, v24  }
0x314: {  	vm3 =	vgt.f32 v50, v26;
	v23 =	vsel vm4, v22, v27;
	[tilespmem:$0x11B00] =	vst v24  }
0x315: {  	v21 =	vsel vm2, v21, v25;
	v24 =	vsel vm3, v50, v26;
	[tilespmem:$0x12300] =	vst v23  }
0x316: {  	v21 =	vsel vm3, v22, v21;
	[tilespmem:$0x11B80] =	vst v24  }
0x317: {  	[tilespmem:$0x12380] =	vst v21  }
0x318: {  	v21 =	vld.idx.msk [tilespmem:v4+s22+$0x0], $0xffff  }
0x319: {  	v22 =	vld.idx.msk [tilespmem:v4+s23+$0x0], $0xffff  }
0x31a: {  	v23 =	vld.idx.msk [tilespmem:v6+s22+$0x0], $0xffff  }
0x31b: {  	v24 =	vld.idx.msk [tilespmem:v6+s23+$0x0], $0xffff  }
0x31c: {  	v25 =	vld.idx.msk [tilespmem:v8+s22+$0x0], $0xffff  }
0x31d: {  	v26 =	vld.idx.msk [tilespmem:v8+s23+$0x0], $0xffff  }
0x31e: {  	v27 =	vld.idx.msk [tilespmem:v12+s22+$0x0], $0xffff  }
0x31f: {  	v28 =	vld.idx.msk [tilespmem:v12+s23+$0x0], $0xffff  }
0x320: {  	v29 =	vld.idx.msk [tilespmem:v13+s22+$0x0], $0xffff  }
0x321: {  	v30 =	vld.idx.msk [tilespmem:v13+s23+$0x0], $0xffff  }
0x322: {  	v31 =	vld.idx.msk [tilespmem:v14+s22+$0x0], $0xffff  }
0x323: {  	v32 =	vld.idx.msk [tilespmem:v14+s23+$0x0], $0xffff  }
0x324: {  	v33 =	vld.idx.msk [tilespmem:v16+s22+$0x0], $0xffff  }
0x325: {  	v34 =	vld.idx.msk [tilespmem:v16+s23+$0x0], $0xffff  }
0x326: {  	v51 =	vld.idx.msk [tilespmem:v17+s22+$0x0], $0xffff  }
0x327: {  	v36 =	vld.idx.msk [tilespmem:v17+s23+$0x0], $0xffff  }
0x328: {  	v37 =	vld.idx.msk [tilespmem:v18+s22+$0x0], $0xffff  }
0x329: {  	v38 =	vld.idx.msk [tilespmem:v18+s23+$0x0], $0xffff  }
0x32a: {  	v48 =	vld.idx.msk [tilespmem:v19+s22+$0x0], $0xffff  }
0x32b: {  	v40 =	vld.idx.msk [tilespmem:v19+s23+$0x0], $0xffff  }
0x32c: {  	v41 =	vld.idx.msk [tilespmem:v20+s22+$0x0], $0xffff;
	vm2 =	vgt.f32 v23, v21;
	vm3 =	veq.f32 v23, v21;
	vm4 =	vlt.s32 v24, v22  }
0x32d: {  	v42 =	vld.idx.msk [tilespmem:v20+s23+$0x0], $0xffff;
	vm5 =	vlt.s32 v28, v26;
	vm6 =	veq.f32 v51, v33;
	vm7 =	vlt.s32 v36, v34  }
0x32e: {  	v49 =	vld.idx.msk [tilespmem:v15+s22+$0x0], $0xffff;
	vm3 =	vmand vm3, vm4;
	vm4 =	veq.f32 v27, v25;
	vm6 =	vmand vm6, vm7  }
0x32f: {  	v50 =	vld.idx.msk [tilespmem:v15+s23+$0x0], $0xffff;
	vm2 =	vmor vm2, vm3;
	vm3 =	vgt.f32 v27, v25;
	vm4 =	vmand vm4, vm5  }
0x330: {  	v45 =	vld.idx.msk [tilespmem:v7+s22+$0x0], $0xffff;
	vm5 =	vlt.s32 v32, v30;
	v21 =	vsel vm2, v23, v21;
	v22 =	vsel vm2, v24, v22  }
0x331: {  	v46 =	vld.idx.msk [tilespmem:v3+s22+$0x0], $0xffff;
	vm2 =	vmor vm3, vm4;
	vm3 =	vgt.f32 v31, v29;
	vm4 =	veq.f32 v31, v29  }
0x332: {  	v23 =	vld.idx.msk [tilespmem:v7+s23+$0x0], $0xffff;
	v24 =	vsel vm2, v27, v25;
	vm4 =	vmand vm4, vm5;
	vm5 =	vgt.f32 v51, v33  }
0x333: {  	v25 =	vld.idx.msk [tilespmem:v5+s22+$0x0], $0xffff;
	v26 =	vsel vm2, v28, v26;
	vm2 =	vmor vm3, vm4;
	vm3 =	vmor vm5, vm6  }
0x334: {  	v27 =	vld.idx.msk [tilespmem:v5+s23+$0x0], $0xffff;
	vm4 =	veq.f32 v48, v37;
	vm5 =	vlt.s32 v40, v38;
	vm6 =	vlt.s32 v50, v42  }
0x335: {  	v28 =	vld.idx.msk [tilespmem:v3+s23+$0x0], $0xffff;
	v29 =	vsel vm2, v31, v29;
	v30 =	vsel vm2, v32, v30;
	v31 =	vsel vm3, v51, v33  }
0x336: {  	v32 =	vld.idx.msk [tilespmem:v2+s22+$0x0], $0xffff;
	vm2 =	vgt.f32 v48, v37;
	vm4 =	vmand vm4, vm5;
	vm5 =	veq.f32 v49, v41  }
0x337: {  	v51 =	vld.idx.msk [tilespmem:v2+s23+$0x0], $0xffff;
	v34 =	vsel vm3, v36, v34;
	vm2 =	vmor vm2, vm4;
	vm4 =	vgt.f32 v49, v41  }
0x338: {  	vm5 =	vmand vm5, vm6;
	vm6 =	veq.f32 v31, v29;
	vm7 =	vlt.s32 v34, v30  }
0x339: {  	v47 =	vsel vm2, v48, v37;
	vm3 =	vmor vm4, vm5;
	v48 =	vsel vm2, v40, v38  }
0x33a: {  	vm6 =	vmand vm6, vm7;
	v49 =	vsel vm3, v49, v41;
	v50 =	vsel vm3, v50, v42  }
0x33b: {  	vm2 =	vgt.f32 v25, v45;
	vm3 =	veq.f32 v25, v45;
	vm4 =	vlt.s32 v27, v23  }
0x33c: {  	vm3 =	vmand vm3, vm4;
	vm4 =	veq.f32 v32, v46;
	vm5 =	vlt.s32 v51, v28  }
0x33d: {  	vm2 =	vmor vm2, vm3;
	vm3 =	vgt.f32 v32, v46;
	vm4 =	vmand vm4, vm5  }
0x33e: {  	v25 =	vsel vm2, v25, v45;
	v23 =	vsel vm2, v27, v23;
	vm5 =	vlt.s32 v26, v22  }
0x33f: {  	vm2 =	vmor vm3, vm4;
	vm3 =	vgt.f32 v24, v21;
	vm4 =	veq.f32 v24, v21  }
0x340: {  	v27 =	vsel vm2, v32, v46;
	vm4 =	vmand vm4, vm5;
	vm5 =	vgt.f32 v31, v29  }
0x341: {  	v28 =	vsel vm2, v51, v28;
	vm2 =	vmor vm3, vm4;
	vm3 =	vmor vm5, vm6  }
0x342: {  	vm4 =	veq.f32 v49, v47;
	vm5 =	vlt.s32 v50, v48;
	vm6 =	vlt.s32 v28, v23  }
0x343: {  	v21 =	vsel vm2, v24, v21;
	v22 =	vsel vm2, v26, v22;
	v24 =	vsel vm3, v31, v29  }
0x344: {  	vm2 =	vgt.f32 v49, v47;
	vm4 =	vmand vm4, vm5;
	vm5 =	veq.f32 v27, v25  }
0x345: {  	vm2 =	vmor vm2, vm4;
	vm4 =	vgt.f32 v27, v25;
	vm5 =	vmand vm5, vm6  }
0x346: {  	v26 =	vsel vm3, v34, v30;
	v29 =	vsel vm2, v49, v47;
	vm3 =	vmor vm4, vm5  }
0x347: {  	v30 =	vsel vm2, v50, v48;
	vm2 =	vgt.f32 v24, v21;
	vm4 =	vlt.s32 v26, v22  }
0x348: {  	v25 =	vsel vm3, v27, v25;
	v23 =	vsel vm3, v28, v23;
	vm3 =	veq.f32 v24, v21  }
0x349: {  	vm3 =	vmand vm3, vm4;
	vm4 =	veq.f32 v25, v29;
	vm5 =	vlt.s32 v23, v30  }
0x34a: {  	vm2 =	vmor vm2, vm3;
	vm3 =	vgt.f32 v25, v29;
	vm4 =	vmand vm4, vm5  }
0x34b: {  	s10 =	sor.u32 $0x20, s2;
	v21 =	vsel vm2, v24, v21;
	v22 =	vsel vm2, v26, v22;
	vm2 =	vmor vm3, vm4  }
0x34c: {  	v24 =	vsel vm2, v25, v29;
	v23 =	vsel vm2, v23, v30;
	v25 =	vor.u32 s10, v0  }
0x34d: {  	vm2 =	veq.f32 v24, v21;
	vm3 =	vlt.s32 v23, v22  }
0x34e: {  	vm4 =	vgt.f32 v24, v21;
	vm2 =	vmand vm2, vm3  }
0x34f: {  	vm2 =	vmor vm4, vm2  }
0x350: {  	v21 =	vsel vm2, v23, v22  }
0x351: {  	[tilespmem:v25+s24+$0x0] =	vst.idx.msk $0xffff, v21  }
0x352: {  	v21 =	vld @!p0 [tilespmem:s1+$0x700];
	_ =	sdelay $0x4  }
0x353: {  	v22 =	vshll.u32 @!p0 v21, $0x3  }
0x354: {  	v23 =	vlaneseq.u32 @!p0;
	v21 =	vand.u32 @!p0 $0x7, v21;
	v22 =	vand.u32 @!p0 $0xFFFFFFC0, v22  }
0x355: {  	v24 =	vshrl.u32 @!p0 v23, $0x3;
	v21 =	vor.u32 @!p0 v21, v22;
	v22 =	vand.u32 @!p0 $0x7, v23  }
0x356: {  	v24 =	vmul.u32 @!p0 $0x8, v24;
	v22 =	vperm.xlane @!p0 v21, v22;
	_ =	sdelay $0x1  }
0x357: {  	v22 =	vadd.s32 @!p0 v24, v22;
	_ =	sdelay $0x3  }
0x358: {  	s4 =	simm.s32 @!p0 $0x9400;
	s1 =	simm.s32 @!p0 $0x0  }
0x359: {  	v23 =	vor.u32 @!p0 $0x8, v23;
	[tilespmem:s4], [sflag:$0x3] =	stream.indirect_vreg.gather @!p0 [hbm4b:s0+s1], $0x80, v22, vm1, $0xb8;
	[tilespmem:$0x12600] =	vst v63  }
0x35a: {  	v21 =	vperm.xlane @!p0 v21, v23;
	s4 =	simm.s32 @!p0 $0x9C00  }
0x35b: {  	[tilespmem:s4], [sflag:$0x3] =	stream.indirect_vreg.gather @!p0 [hbm4b:s5+s1], $0x80, v22, vm1, $0xb8;
	[tilespmem:$0x12600] =	vst v63  }
0x35c: {  	v21 =	vadd.s32 @!p0 v24, v21;
	s4 =	simm.s32 @!p0 $0xA400  }
0x35d: {  	[tilespmem:s4], [sflag:$0x3] =	stream.indirect_vreg.gather @!p0 [hbm4b:s6+s1], $0x80, v22, vm1, $0xb8;
	[tilespmem:$0x12600] =	vst v63  }
0x35e: {  	s4 =	simm.s32 @!p0 $0xAC00  }
0x35f: {  	[tilespmem:s4], [sflag:$0x3] =	stream.indirect_vreg.gather @!p0 [hbm4b:s7+s1], $0x80, v22, vm1, $0xb8;
	[tilespmem:$0x12600] =	vst v63  }
0x360: {  	s4 =	simm.s32 @!p0 $0xB400  }
0x361: {  	[tilespmem:s4], [sflag:$0x3] =	stream.indirect_vreg.gather @!p0 [hbm4b:s0+s1], $0x80, v21, vm1, $0xb8;
	[tilespmem:$0x12600] =	vst v63  }
0x362: {  	s4 =	simm.s32 @!p0 $0xBC00  }
0x363: {  	[tilespmem:s4], [sflag:$0x3] =	stream.indirect_vreg.gather @!p0 [hbm4b:s5+s1], $0x80, v21, vm1, $0xb8;
	[tilespmem:$0x12600] =	vst v63  }
0x364: {  	s4 =	simm.s32 @!p0 $0xC400  }
0x365: {  	[tilespmem:s4], [sflag:$0x3] =	stream.indirect_vreg.gather @!p0 [hbm4b:s6+s1], $0x80, v21, vm1, $0xb8;
	[tilespmem:$0x12600] =	vst v63  }
0x366: {  	s4 =	simm.s32 @!p0 $0xCC00  }
0x367: {  	[tilespmem:s4], [sflag:$0x3] =	stream.indirect_vreg.gather @!p0 [hbm4b:s7+s1], $0x80, v21, vm1, $0xb8;
	[tilespmem:$0x12600] =	vst v63  }
0x368: {  	s1 =	simm.s32 $0x0;
	_ =	swait.ge [sflag:s28], $0x4000  }
0x369: {  	s11 =	sand.u32 $0x60, s1;
	s8 =	sand.u32 $0x1C00, s1;
	[sflag:s28] =	ssyncset.done $0x0  }
0x36a: {  	s4 =	sor.u32 s11, s8;
	[sflag:s28] =	ssyncadd.s32 $0xFFFFC000  }
0x36b: {  	v24 =	vld [tilespmem:s4+$0xD410]  }
0x36c: {  	v25 =	vld [tilespmem:s4+$0xD400]  }
0x36d: {  	v29 =	vld [tilespmem:s4+$0xD480]  }
0x36e: {  	v30 =	vld [tilespmem:s4+$0xD490]  }
0x36f: {  	v42 =	vld [tilespmem:s4+$0xD500]  }
0x370: {  	v44 =	vimm.s32 $0x0;
	v43 =	vld [tilespmem:s4+$0xD580]  }
0x371: {  	v35 =	vimm.s32 $0x0;
	v36 =	vimm.f32 $-Inf;
	v40 =	vimm.f32 $-Inf;
	v45 =	vld [tilespmem:s4+$0xD600]  }
0x372: {  	v41 =	vimm.s32 $0x0;
	v32 =	vimm.f32 $-Inf;
	v21 =	vlaneseq.u32;
	v26 =	vld [tilespmem:s4+$0xD510]  }
0x373: {  	v27 =	vimm.f32 $-Inf;
	v23 =	vimm.s32 $0x0;
	v22 =	vadd.s32 $0x10, v21;
	v28 =	vld [tilespmem:s4+$0xD590]  }
0x374: {  	s12 =	sand.u32 $0x3, s1;
	v31 =	vld [tilespmem:s4+$0xD610];
	vm2 =	vgt.f32 v25, v27;
	vm1 =	vgt.f32 v29, v27;
	vm4 =	vgt.f32 v42, v27  }
0x375: {  	s9 =	sor.u32 s1, s1;
	s8 =	sshll.u32 s12, $0x5;
	v33 =	vld [tilespmem:s4+$0xD690];
	v25 =	vsel vm2, v25, v27;
	v29 =	vsel vm1, v29, v27;
	v51 =	vsel vm1, v21, v23  }
0x376: {  	s14 =	sor.u32 $0x380, s9;
	s13 =	sadd.s32 $0x0, s8;
	v47 =	vld [tilespmem:s4+$0xD680];
	v38 =	vsel vm2, v21, v23;
	vm1 =	vgt.f32 v24, v25;
	vm2 =	vgt.f32 v30, v29  }
0x377: {  	s15 =	sor.u32 $0x300, s13;
	v46 =	vld [tilespmem:s14+$0xD400];
	s16 =	sadd.s32 $0x10, s13;
	vm3 =	vgt.f32 v43, v27;
	v39 =	vsel vm1, v24, v25;
	v37 =	vsel vm2, v30, v29  }
0x378: {  	s11 =	simm.s32 $0x20;
	v49 =	vld [tilespmem:s15+$0xD400];
	s29 =	sor.u32 $0x300, s16;
	v34 =	vsel vm2, v22, v51;
	vm2 =	vgt.f32 v45, v27;
	v30 =	vimm.f32 $-Inf  }
0x379: {  	s8 =	simm.s32 $0x100;
	s4 =	simm.s32 $0x0;
	s9 =	sor.u32 $0x380, s16;
	v48 =	vld [tilespmem:s29+$0xD400];
	v29 =	vimm.f32 $-Inf;
	v25 =	vimm.s32 $0x0;
	v24 =	vimm.s32 $0x0  }
.LBB2_15:
0x37a: {  	s10 =	sand.u32 $0x60, s11;
	s12 =	sand.u32 $0x1C00, s8;
	v27 =	vsel vm4, v42, v27;
	v40 =	vsel vm3, v43, v40;
	v36 =	vsel vm2, v45, v36;
	v42 =	vld [tilespmem:s9+$0xD400]  }
0x37b: {  	s9 =	sor.u32 s10, s12;
	vm5 =	vgt.f32 v26, v27;
	vm6 =	vgt.f32 v28, v40;
	vm7 =	vgt.f32 v31, v36  }
0x37c: {  	v50 =	vld [tilespmem:s9+$0xD410];
	v27 =	vsel vm5, v26, v27;
	v40 =	vsel vm6, v28, v40;
	v36 =	vsel vm7, v31, v36  }
0x37d: {  	vm8 =	vgt.f32 v47, v32;
	vm10 =	vgt.f32 v46, v29;
	v51 =	vld [tilespmem:s9+$0xD490];
	vm9 =	vgt.f32 v49, v30  }
0x37e: {  	v31 =	vsel vm8, v47, v32;
	v29 =	vsel vm10, v46, v29;
	v26 =	vld [tilespmem:s9+$0xD510];
	v30 =	vsel vm9, v49, v30  }
0x37f: {  	vm11 =	vgt.f32 v33, v31;
	v28 =	vld [tilespmem:s9+$0xD590];
	vm12 =	vgt.f32 v48, v30;
	vm13 =	vgt.f32 v42, v29  }
0x380: {  	v32 =	vsel vm11, v33, v31;
	v46 =	vld [tilespmem:s9+$0xD400];
	v30 =	vsel vm12, v48, v30;
	v29 =	vsel vm13, v42, v29  }
0x381: {  	v23 =	vsel vm8, v21, v23;
	v24 =	vsel vm10, v21, v24;
	v25 =	vsel vm9, v21, v25;
	v47 =	vld [tilespmem:s9+$0xD480]  }
0x382: {  	v23 =	vsel vm11, v22, v23;
	v25 =	vsel vm12, v22, v25;
	v24 =	vsel vm13, v22, v24;
	v31 =	vld [tilespmem:s9+$0xD610]  }
0x383: {  	v41 =	vsel vm3, v21, v41;
	v35 =	vsel vm2, v21, v35;
	v33 =	vsel vm4, v21, v44;
	v42 =	vld [tilespmem:s9+$0xD500]  }
0x384: {  	s1 =	sadd.s32 $0x1, s1;
	s4 =	sadd.s32 $0x2, s4;
	v41 =	vsel vm6, v22, v41;
	v35 =	vsel vm7, v22, v35;
	v44 =	vsel vm5, v22, v33;
	v43 =	vld [tilespmem:s9+$0xD580]  }
0x385: {  	v38 =	vsel vm1, v22, v38;
	s10 =	sand.u32 $0x3, s1;
	p1 =	slt.u32 s4, $0x3E;
	v21 =	vadd.s32 $0x20, v21;
	v45 =	vld [tilespmem:s9+$0xD600]  }
.Ltmp8:
0x386: {  	s12 =	sor.u32 s8, s11;
	s10 =	sshll.u32 s10, $0x5;
	v22 =	vadd.s32 $0x10, v21;
	vm1 =	vgt.f32 v46, v39;
	vm2 =	vgt.f32 v47, v37;
	v33 =	vld [tilespmem:s9+$0xD690];
	(pc) =	sbr.rel @p1 .LBB2_15-.Ltmp8, $4  }
0x387: {  	v39 =	vsel vm1, v46, v39;
	v37 =	vsel vm2, v47, v37;
	v34 =	vsel vm2, v21, v34;
	v47 =	vld [tilespmem:s9+$0xD680];
	s9 =	sadd.s32 s10, s8;
	s10 =	sor.u32 $0x380, s12  }
0x388: {  	v38 =	vsel vm1, v21, v38;
	vm1 =	vgt.f32 v50, v39;
	s12 =	sor.u32 $0x300, s9;
	v46 =	vld [tilespmem:s10+$0xD400];
	vm2 =	vgt.f32 v51, v37;
	s9 =	sadd.s32 $0x10, s9  }
0x389: {  	v39 =	vsel vm1, v50, v39;
	v49 =	vld [tilespmem:s12+$0xD400];
	v37 =	vsel vm2, v51, v37;
	v34 =	vsel vm2, v22, v34;
	s10 =	sor.u32 $0x300, s9  }
0x38a: {  	s11 =	sadd.s32 $0x20, s11;
	s8 =	sadd.s32 $0x100, s8;
	vm4 =	vgt.f32 v42, v27;
	vm3 =	vgt.f32 v43, v40;
	s9 =	sor.u32 $0x380, s9;
	vm2 =	vgt.f32 v45, v36;
	v48 =	vld [tilespmem:s10+$0xD400]  }
0x38b: {  	v50 =	vld [tilespmem:s9+$0xD400];
	[tilespmem:$0x11400] =	vst v39  }
0x38c: {  	v27 =	vsel vm4, v42, v27;
	[tilespmem:$0x11480] =	vst v37  }
0x38d: {  	v38 =	vsel vm1, v22, v38;
	v43 =	vsel vm3, v43, v40;
	[tilespmem:$0x11C80] =	vst v34;
	vm1 =	vgt.f32 v26, v27  }
0x38e: {  	[tilespmem:$0x11C00] =	vst v38;
	vm14 =	vgt.f32 v28, v43;
	v26 =	vsel vm1, v26, v27  }
0x38f: {  	v27 =	vsel vm4, v21, v44;
	v28 =	vsel vm14, v28, v43;
	[tilespmem:$0x11500] =	vst v26  }
0x390: {  	v27 =	vsel vm1, v22, v27;
	v26 =	vsel vm2, v45, v36;
	v45 =	vsel vm3, v21, v41;
	[tilespmem:$0x11580] =	vst v28  }
0x391: {  	vm3 =	vgt.f32 v47, v32;
	[tilespmem:$0x11D00] =	vst v27;
	vm1 =	vgt.f32 v31, v26;
	v27 =	vsel vm14, v22, v45  }
0x392: {  	v28 =	vsel vm3, v47, v32;
	v26 =	vsel vm1, v31, v26;
	v31 =	vsel vm2, v21, v35;
	[tilespmem:$0x11D80] =	vst v27  }
0x393: {  	vm2 =	vgt.f32 v49, v30;
	vm15 =	vgt.f32 v33, v28;
	v27 =	vsel vm1, v22, v31;
	[tilespmem:$0x11600] =	vst v26  }
0x394: {  	v23 =	vsel vm3, v21, v23;
	v26 =	vsel vm2, v49, v30;
	v28 =	vsel vm15, v33, v28;
	[tilespmem:$0x11E00] =	vst v27  }
0x395: {  	vm1 =	vgt.f32 v46, v29;
	v23 =	vsel vm15, v22, v23;
	vm3 =	vgt.f32 v48, v26;
	[tilespmem:$0x11680] =	vst v28  }
0x396: {  	v25 =	vsel vm2, v21, v25;
	v27 =	vsel vm1, v46, v29;
	[tilespmem:$0x11E80] =	vst v23;
	v26 =	vsel vm3, v48, v26  }
0x397: {  	s1 =	simm.s32 $0x0;
	vm2 =	vgt.f32 v50, v27;
	v23 =	vsel vm3, v22, v25;
	[tilespmem:$0x11700] =	vst v26  }
0x398: {  	s4 =	sand.u32 $0x60, s1;
	s8 =	sand.u32 $0x1C00, s1;
	v21 =	vsel vm1, v21, v24;
	v25 =	vsel vm2, v50, v27;
	[tilespmem:$0x11F00] =	vst v23  }
0x399: {  	s12 =	sadd.s32 $0xF400, s8;
	s1 =	sor.u32 $0x10, s4;
	v21 =	vsel vm2, v22, v21;
	[tilespmem:$0x11780] =	vst v25  }
0x39a: {  	s10 =	sor.u32 s1, s12;
	[tilespmem:$0x11F80] =	vst v21  }
0x39b: {  	s11 =	sadd.s32 $0xF480, s8;
	s9 =	sor.u32 s4, s12;
	v25 =	vld [tilespmem:s10+$0x0]  }
0x39c: {  	s13 =	sor.u32 s4, s11;
	v27 =	vld [tilespmem:s9+$0x0]  }
0x39d: {  	s14 =	sadd.s32 $0xF500, s8;
	s11 =	sor.u32 s1, s11;
	v29 =	vld [tilespmem:s13+$0x0]  }
0x39e: {  	s15 =	sadd.s32 $0xF580, s8;
	s16 =	sor.u32 s1, s14;
	v30 =	vld [tilespmem:s11+$0x0]  }
0x39f: {  	s29 =	sor.u32 s1, s15;
	s12 =	sadd.s32 $0xF600, s8;
	v24 =	vld [tilespmem:s16+$0x0]  }
0x3a0: {  	v37 =	vimm.f32 $-Inf;
	v26 =	vld [tilespmem:s29+$0x0];
	s13 =	sor.u32 s1, s12  }
0x3a1: {  	v34 =	vimm.f32 $-Inf;
	v42 =	vimm.s32 $0x0;
	v39 =	vimm.s32 $0x0;
	s10 =	sor.u32 s4, s14;
	v31 =	vld [tilespmem:s13+$0x0]  }
0x3a2: {  	v32 =	vimm.f32 $-Inf;
	v33 =	vimm.s32 $0x0;
	v28 =	vimm.f32 $-Inf;
	s9 =	sor.u32 s4, s15;
	v43 =	vld [tilespmem:s10+$0x0]  }
0x3a3: {  	v23 =	vimm.s32 $0x0;
	v21 =	vlaneseq.u32;
	s14 =	sor.u32 s4, s12;
	s15 =	sadd.s32 $0xF680, s8;
	v45 =	vld [tilespmem:s9+$0x0];
	vm2 =	vgt.f32 v27, v28  }
0x3a4: {  	v22 =	vadd.s32 $0x10, v21;
	v48 =	vld [tilespmem:s14+$0x0];
	s16 =	sor.u32 s1, s15;
	vm1 =	vgt.f32 v29, v28;
	v27 =	vsel vm2, v27, v28  }
0x3a5: {  	s10 =	sor.u32 s4, s15;
	s13 =	sadd.s32 $0xF700, s8;
	v35 =	vld [tilespmem:s16+$0x0];
	v29 =	vsel vm1, v29, v28;
	v47 =	vsel vm1, v21, v23;
	vm1 =	vgt.f32 v25, v27  }
0x3a6: {  	s12 =	sadd.s32 $0xF780, s8;
	v44 =	vld [tilespmem:s10+$0x0];
	s29 =	sor.u32 s4, s13;
	v40 =	vsel vm2, v21, v23;
	vm2 =	vgt.f32 v30, v29;
	v41 =	vsel vm1, v25, v27  }
0x3a7: {  	s11 =	simm.s32 $0x0;
	s4 =	sor.u32 s4, s12;
	v46 =	vld [tilespmem:s29+$0x0];
	v38 =	vsel vm2, v30, v29;
	v36 =	vsel vm2, v22, v47;
	v30 =	vimm.f32 $-Inf  }
0x3a8: {  	s8 =	simm.s32 $0x20;
	s13 =	sor.u32 s1, s13;
	v29 =	vimm.f32 $-Inf;
	v27 =	vimm.s32 $0x0;
	v25 =	vimm.s32 $0x0;
	v47 =	vld [tilespmem:s4+$0x0];
	s4 =	simm.s32 $0x100  }
.LBB2_17:
0x3a9: {  	s9 =	sand.u32 $0x60, s8;
	s10 =	sand.u32 $0x1C00, s4;
	vm2 =	vgt.f32 v43, v28;
	vm3 =	vgt.f32 v45, v37;
	vm4 =	vgt.f32 v48, v34;
	v49 =	vld [tilespmem:s13+$0x0];
	s12 =	sor.u32 s1, s12  }
0x3aa: {  	s13 =	sadd.s32 $0xF400, s10;
	s1 =	sor.u32 $0x10, s9;
	v28 =	vsel vm2, v43, v28;
	v37 =	vsel vm3, v45, v37;
	v34 =	vsel vm4, v48, v34;
	v43 =	vld [tilespmem:s12+$0x0]  }
0x3ab: {  	s12 =	sadd.s32 $0xF480, s10;
	s14 =	sor.u32 s1, s13;
	vm5 =	vgt.f32 v24, v28;
	vm6 =	vgt.f32 v26, v37;
	vm7 =	vgt.f32 v31, v34  }
0x3ac: {  	s15 =	sadd.s32 $0xF500, s10;
	v50 =	vld [tilespmem:s14+$0x0];
	s14 =	sor.u32 s1, s12;
	v28 =	vsel vm5, v24, v28;
	v37 =	vsel vm6, v26, v37;
	v34 =	vsel vm7, v31, v34  }
0x3ad: {  	s16 =	sadd.s32 $0xF580, s10;
	vm8 =	vgt.f32 v44, v32;
	vm9 =	vgt.f32 v46, v30;
	v51 =	vld [tilespmem:s14+$0x0];
	s14 =	sor.u32 s1, s15;
	vm10 =	vgt.f32 v47, v29  }
0x3ae: {  	v31 =	vsel vm8, v44, v32;
	v30 =	vsel vm9, v46, v30;
	v24 =	vld [tilespmem:s14+$0x0];
	s14 =	sor.u32 s1, s16;
	v29 =	vsel vm10, v47, v29  }
0x3af: {  	s13 =	sor.u32 s9, s13;
	vm11 =	vgt.f32 v35, v31;
	vm12 =	vgt.f32 v49, v30;
	v26 =	vld [tilespmem:s14+$0x0];
	vm13 =	vgt.f32 v43, v29  }
0x3b0: {  	s12 =	sor.u32 s9, s12;
	v32 =	vsel vm11, v35, v31;
	v30 =	vsel vm12, v49, v30;
	v44 =	vld [tilespmem:s13+$0x0];
	s13 =	sadd.s32 $0xF600, s10;
	v29 =	vsel vm13, v43, v29  }
0x3b1: {  	v23 =	vsel vm8, v21, v23;
	v27 =	vsel vm9, v21, v27;
	v25 =	vsel vm10, v21, v25;
	v46 =	vld [tilespmem:s12+$0x0];
	s12 =	sor.u32 s1, s13  }
0x3b2: {  	v23 =	vsel vm11, v22, v23;
	s14 =	sor.u32 s9, s15;
	v27 =	vsel vm12, v22, v27;
	v25 =	vsel vm13, v22, v25;
	v31 =	vld [tilespmem:s12+$0x0]  }
0x3b3: {  	s11 =	sadd.s32 $0x2, s11;
	v39 =	vsel vm3, v21, v39;
	v33 =	vsel vm4, v21, v33;
	v35 =	vsel vm2, v21, v42;
	s12 =	sor.u32 s9, s16;
	v43 =	vld [tilespmem:s14+$0x0]  }
0x3b4: {  	p1 =	slt.u32 s11, $0x3E;
	v39 =	vsel vm6, v22, v39;
	v33 =	vsel vm7, v22, v33;
	v42 =	vsel vm5, v22, v35;
	v45 =	vld [tilespmem:s12+$0x0];
	s12 =	sor.u32 s9, s13;
	s13 =	sadd.s32 $0xF680, s10  }
.Ltmp9:
0x3b5: {  	v40 =	vsel vm1, v22, v40;
	v21 =	vadd.s32 $0x20, v21;
	v48 =	vld [tilespmem:s12+$0x0];
	s12 =	sor.u32 s1, s13;
	(pc) =	sbr.rel @p1 .LBB2_17-.Ltmp9, $4  }
0x3b6: {  	v22 =	vadd.s32 $0x10, v21;
	s14 =	sadd.s32 $0xF700, s10;
	vm1 =	vgt.f32 v44, v41;
	s13 =	sor.u32 s9, s13;
	vm2 =	vgt.f32 v46, v38;
	v35 =	vld [tilespmem:s12+$0x0]  }
0x3b7: {  	v41 =	vsel vm1, v44, v41;
	s12 =	sadd.s32 $0xF780, s10;
	v38 =	vsel vm2, v46, v38;
	v36 =	vsel vm2, v21, v36;
	v44 =	vld [tilespmem:s13+$0x0];
	s13 =	sor.u32 s9, s14  }
0x3b8: {  	v40 =	vsel vm1, v21, v40;
	s9 =	sor.u32 s9, s12;
	vm1 =	vgt.f32 v50, v41;
	v46 =	vld [tilespmem:s13+$0x0];
	vm2 =	vgt.f32 v51, v38  }
0x3b9: {  	s4 =	sadd.s32 $0x100, s4;
	s8 =	sadd.s32 $0x20, s8;
	v41 =	vsel vm1, v50, v41;
	s13 =	sor.u32 s1, s14;
	v47 =	vld [tilespmem:s9+$0x0];
	v38 =	vsel vm2, v51, v38;
	v36 =	vsel vm2, v22, v36  }
0x3ba: {  	v49 =	vld [tilespmem:s13+$0x0];
	s1 =	sor.u32 s1, s12  }
0x3bb: {  	vm2 =	vgt.f32 v43, v28;
	v40 =	vsel vm1, v22, v40;
	v50 =	vld [tilespmem:s1+$0x0];
	[tilespmem:$0x11800] =	vst v41  }
0x3bc: {  	v28 =	vsel vm2, v43, v28;
	[tilespmem:$0x12000] =	vst v40  }
0x3bd: {  	vm1 =	vgt.f32 v45, v37;
	[tilespmem:$0x11880] =	vst v38;
	vm3 =	vgt.f32 v24, v28  }
0x3be: {  	v37 =	vsel vm1, v45, v37;
	v40 =	vsel vm2, v21, v42;
	[tilespmem:$0x12080] =	vst v36;
	v24 =	vsel vm3, v24, v28  }
0x3bf: {  	vm2 =	vgt.f32 v48, v34;
	vm4 =	vgt.f32 v26, v37;
	v28 =	vsel vm3, v22, v40;
	[tilespmem:$0x11900] =	vst v24  }
0x3c0: {  	v42 =	vsel vm1, v21, v39;
	v41 =	vsel vm2, v48, v34;
	v26 =	vsel vm4, v26, v37;
	[tilespmem:$0x12100] =	vst v28  }
0x3c1: {  	vm1 =	vgt.f32 v31, v41;
	vm3 =	vgt.f32 v44, v32;
	v43 =	vsel vm4, v22, v42;
	[tilespmem:$0x11980] =	vst v26  }
0x3c2: {  	v48 =	vsel vm2, v21, v33;
	v24 =	vsel vm1, v31, v41;
	v45 =	vsel vm3, v44, v32;
	[tilespmem:$0x12180] =	vst v43  }
0x3c3: {  	vm2 =	vgt.f32 v46, v30;
	v51 =	vsel vm1, v22, v48;
	vm15 =	vgt.f32 v35, v45;
	[tilespmem:$0x11A00] =	vst v24  }
0x3c4: {  	v32 =	vsel vm2, v46, v30;
	v23 =	vsel vm3, v21, v23;
	[tilespmem:$0x12200] =	vst v51;
	v26 =	vsel vm15, v35, v45  }
0x3c5: {  	vm1 =	vgt.f32 v47, v29;
	vm3 =	vgt.f32 v49, v32;
	v23 =	vsel vm15, v22, v23;
	[tilespmem:$0x11A80] =	vst v26  }
0x3c6: {  	v27 =	vsel vm2, v21, v27;
	v33 =	vsel vm1, v47, v29;
	v24 =	vsel vm3, v49, v32;
	[tilespmem:$0x12280] =	vst v23  }
0x3c7: {  	vm2 =	vgt.f32 v50, v33;
	v34 =	vsel vm3, v22, v27;
	[tilespmem:$0x11B00] =	vst v24  }
0x3c8: {  	v36 =	vsel vm1, v21, v25;
	v35 =	vsel vm2, v50, v33;
	[tilespmem:$0x12300] =	vst v34  }
0x3c9: {  	v21 =	vsel vm2, v22, v36;
	[tilespmem:$0x11B80] =	vst v35  }
0x3ca: {  	[tilespmem:$0x12380] =	vst v21  }
0x3cb: {  	v21 =	vld.idx.msk [tilespmem:v4+s22+$0x0], $0xffff  }
0x3cc: {  	v37 =	vld.idx.msk [tilespmem:v4+s23+$0x0], $0xffff  }
0x3cd: {  	v38 =	vld.idx.msk [tilespmem:v6+s22+$0x0], $0xffff  }
0x3ce: {  	v39 =	vld.idx.msk [tilespmem:v6+s23+$0x0], $0xffff  }
0x3cf: {  	v23 =	vld.idx.msk [tilespmem:v8+s22+$0x0], $0xffff  }
0x3d0: {  	v8 =	vld.idx.msk [tilespmem:v8+s23+$0x0], $0xffff  }
0x3d1: {  	v24 =	vld.idx.msk [tilespmem:v12+s22+$0x0], $0xffff  }
0x3d2: {  	v12 =	vld.idx.msk [tilespmem:v12+s23+$0x0], $0xffff  }
0x3d3: {  	v25 =	vld.idx.msk [tilespmem:v13+s22+$0x0], $0xffff  }
0x3d4: {  	v13 =	vld.idx.msk [tilespmem:v13+s23+$0x0], $0xffff  }
0x3d5: {  	v41 =	vld.idx.msk [tilespmem:v14+s23+$0x0], $0xffff  }
0x3d6: {  	v42 =	vld.idx.msk [tilespmem:v16+s22+$0x0], $0xffff  }
0x3d7: {  	v16 =	vld.idx.msk [tilespmem:v16+s23+$0x0], $0xffff  }
0x3d8: {  	v28 =	vld.idx.msk [tilespmem:v17+s22+$0x0], $0xffff  }
0x3d9: {  	v17 =	vld.idx.msk [tilespmem:v17+s23+$0x0], $0xffff  }
0x3da: {  	v44 =	vld.idx.msk [tilespmem:v18+s23+$0x0], $0xffff  }
0x3db: {  	v46 =	vld.idx.msk [tilespmem:v19+s23+$0x0], $0xffff  }
0x3dc: {  	v47 =	vld.idx.msk [tilespmem:v20+s22+$0x0], $0xffff  }
0x3dd: {  	v48 =	vld.idx.msk [tilespmem:v20+s23+$0x0], $0xffff  }
0x3de: {  	v49 =	vld.idx.msk [tilespmem:v15+s22+$0x0], $0xffff  }
0x3df: {  	v50 =	vld.idx.msk [tilespmem:v15+s23+$0x0], $0xffff;
	_ =	sdelay $0x1  }
0x3e0: {  	vm1 =	vgt.f32 v38, v21;
	vm2 =	veq.f32 v38, v21;
	vm3 =	vlt.s32 v39, v37  }
0x3e1: {  	v40 =	vld.idx.msk [tilespmem:v14+s22+$0x0], $0xffff;
	vm8 =	vlt.s32 v12, v8;
	vm9 =	vlt.s32 v41, v13;
	vm5 =	veq.f32 v28, v42  }
0x3e2: {  	vm6 =	vlt.s32 v17, v16;
	vm10 =	vgt.f32 v28, v42;
	vm11 =	vlt.s32 v46, v44  }
0x3e3: {  	v43 =	vld.idx.msk [tilespmem:v18+s22+$0x0], $0xffff;
	vm12 =	veq.f32 v49, v47;
	vm13 =	vlt.s32 v50, v48;
	vm2 =	vmand vm2, vm3  }
0x3e4: {  	v45 =	vld.idx.msk [tilespmem:v19+s22+$0x0], $0xffff;
	vm3 =	veq.f32 v24, v23;
	vm5 =	vmand vm5, vm6;
	vm1 =	vmor vm1, vm2  }
0x3e5: {  	v51 =	vld.idx.msk [tilespmem:v7+s22+$0x0], $0xffff;
	vm2 =	vgt.f32 v24, v23;
	vm3 =	vmand vm3, vm8;
	v21 =	vsel vm1, v38, v21  }
0x3e6: {  	v35 =	vld.idx.msk [tilespmem:v7+s23+$0x0], $0xffff;
	v4 =	vsel vm1, v39, v37;
	vm1 =	vmor vm2, vm3;
	vm3 =	veq.f32 v40, v25  }
0x3e7: {  	vm4 =	vmand vm12, vm13;
	vm2 =	vgt.f32 v40, v25;
	v37 =	vld.idx.msk [tilespmem:v5+s22+$0x0], $0xffff;
	vm3 =	vmand vm3, vm9  }
0x3e8: {  	v38 =	vld.idx.msk [tilespmem:v5+s23+$0x0], $0xffff;
	v36 =	vsel vm1, v24, v23;
	v8 =	vsel vm1, v12, v8;
	vm1 =	vmor vm2, vm3  }
0x3e9: {  	v39 =	vld.idx.msk [tilespmem:v3+s22+$0x0], $0xffff;
	vm2 =	vmor vm10, vm5;
	vm3 =	veq.f32 v45, v43;
	vm15 =	vlt.s32 v8, v4  }
0x3ea: {  	v3 =	vld.idx.msk [tilespmem:v3+s23+$0x0], $0xffff;
	v40 =	vsel vm1, v40, v25;
	v13 =	vsel vm1, v41, v13;
	v41 =	vsel vm2, v28, v42  }
0x3eb: {  	v42 =	vld.idx.msk [tilespmem:v2+s22+$0x0], $0xffff;
	vm1 =	vgt.f32 v45, v43;
	vm3 =	vmand vm3, vm11;
	v16 =	vsel vm2, v17, v16  }
0x3ec: {  	v2 =	vld.idx.msk [tilespmem:v2+s23+$0x0], $0xffff;
	vm1 =	vmor vm1, vm3;
	vm3 =	vgt.f32 v49, v47;
	vm9 =	veq.f32 v41, v40  }
0x3ed: {  	vm10 =	vlt.s32 v16, v13;
	vm11 =	vgt.f32 v41, v40;
	v43 =	vsel vm1, v45, v43  }
0x3ee: {  	vm2 =	vmor vm3, vm4;
	v18 =	vsel vm1, v46, v44;
	vm3 =	vlt.s32 v38, v35  }
0x3ef: {  	v44 =	vsel vm2, v49, v47;
	v15 =	vsel vm2, v50, v48;
	vm2 =	veq.f32 v37, v51  }
0x3f0: {  	vm1 =	vgt.f32 v37, v51;
	vm5 =	vmand vm9, vm10;
	vm2 =	vmand vm2, vm3  }
0x3f1: {  	vm3 =	veq.f32 v42, v39;
	vm14 =	vlt.s32 v2, v3;
	vm1 =	vmor vm1, vm2  }
0x3f2: {  	vm2 =	vgt.f32 v42, v39;
	vm3 =	vmand vm3, vm14;
	v45 =	vsel vm1, v37, v51  }
0x3f3: {  	v5 =	vsel vm1, v38, v35;
	vm1 =	vmor vm2, vm3;
	vm3 =	veq.f32 v36, v21  }
0x3f4: {  	vm12 =	vlt.s32 v15, v18;
	vm2 =	vgt.f32 v36, v21;
	vm3 =	vmand vm3, vm15  }
0x3f5: {  	v46 =	vsel vm1, v42, v39;
	v2 =	vsel vm1, v2, v3;
	vm1 =	vmor vm2, vm3  }
0x3f6: {  	vm2 =	vmor vm11, vm5;
	vm3 =	veq.f32 v44, v43;
	vm13 =	veq.f32 v46, v45  }
0x3f7: {  	vm14 =	vlt.s32 v2, v5;
	v3 =	vsel vm1, v36, v21;
	v4 =	vsel vm1, v8, v4  }
0x3f8: {  	v47 =	vsel vm2, v41, v40;
	vm1 =	vgt.f32 v44, v43;
	vm3 =	vmand vm3, vm12  }
0x3f9: {  	vm4 =	vmand vm13, vm14;
	vm1 =	vmor vm1, vm3;
	vm3 =	vgt.f32 v46, v45  }
0x3fa: {  	v8 =	vsel vm2, v16, v13;
	v48 =	vsel vm1, v44, v43;
	vm2 =	vmor vm3, vm4  }
0x3fb: {  	v49 =	vsel vm1, v15, v18;
	vm1 =	vgt.f32 v47, v3;
	vm3 =	vlt.s32 v8, v4  }
0x3fc: {  	v6 =	vsel vm2, v46, v45;
	v2 =	vsel vm2, v2, v5;
	vm2 =	veq.f32 v47, v3  }
0x3fd: {  	vm2 =	vmand vm2, vm3;
	vm3 =	veq.f32 v6, v48;
	vm15 =	vlt.s32 v2, v49  }
0x3fe: {  	vm1 =	vmor vm1, vm2;
	vm2 =	vgt.f32 v6, v48;
	vm3 =	vmand vm3, vm15  }
0x3ff: {  	s29 =	sor.u32 $0x30, s2;
	v3 =	vsel vm1, v47, v3;
	v4 =	vsel vm1, v8, v4;
	vm1 =	vmor vm2, vm3  }
0x400: {  	v51 =	vor.u32 s29, v0;
	v50 =	vsel vm1, v6, v48;
	v2 =	vsel vm1, v2, v49  }
.Ltmp10:
0x401: {  	vm1 =	veq.f32 v50, v3;
	vm2 =	vlt.s32 v2, v4;
	(pc) =	sbr.rel @p0 .LBB2_20-.Ltmp10, $4  }
0x402: {  	vm3 =	vgt.f32 v50, v3;
	vm1 =	vmand vm1, vm2  }
0x403: {  	vm1 =	vmor vm3, vm1  }
0x404: {  	v2 =	vsel vm1, v2, v4  }
0x405: {  	[tilespmem:v51+s24+$0x0] =	vst.idx.msk $0xffff, v2  }
0x406: {  	s1 =	sshrl.u32 s31, $0x2  }
0x407: {  	v2 =	vld [tilespmem:s1+$0x780];
	_ =	sdelay $0x4  }
0x408: {  	v3 =	vshll.u32 v2, $0x3  }
0x409: {  	v2 =	vand.u32 $0x7, v2;
	v3 =	vand.u32 $0xFFFFFFC0, v3  }
0x40a: {  	v2 =	vor.u32 v2, v3  }
0x40b: {  	v3 =	vperm.xlane v2, v9;
	_ =	sdelay $0x1  }
0x40c: {  	v3 =	vadd.s32 v10, v3;
	_ =	sdelay $0x3  }
0x40d: {  	s15 =	simm.s32 $0xD400  }
0x40e: {  	[tilespmem:s15], [sflag:$0x4] =	stream.indirect_vreg.gather [hbm4b:s0+s3], $0x80, v3, vm0, $0xb8;
	[tilespmem:$0x12600] =	vst v63  }
0x40f: {  	s16 =	simm.s32 $0xDC00;
	v2 =	vperm.xlane v2, v11  }
0x410: {  	[tilespmem:s16], [sflag:$0x4] =	stream.indirect_vreg.gather [hbm4b:s5+s3], $0x80, v3, vm0, $0xb8;
	[tilespmem:$0x12600] =	vst v63  }
0x411: {  	s29 =	simm.s32 $0xE400;
	v2 =	vadd.s32 v10, v2  }
0x412: {  	[tilespmem:s29], [sflag:$0x4] =	stream.indirect_vreg.gather [hbm4b:s6+s3], $0x80, v3, vm0, $0xb8;
	[tilespmem:$0x12600] =	vst v63  }
0x413: {  	s31 =	simm.s32 $0xEC00  }
0x414: {  	[tilespmem:s31], [sflag:$0x4] =	stream.indirect_vreg.gather [hbm4b:s7+s3], $0x80, v3, vm0, $0xb8;
	[tilespmem:$0x12600] =	vst v63  }
0x415: {  	_ = 	snop  }
0x416: {  	[tilespmem:s17], [sflag:$0x4] =	stream.indirect_vreg.gather [hbm4b:s0+s3], $0x80, v2, vm0, $0xb8;
	[tilespmem:$0x12600] =	vst v63  }
0x417: {  	_ = 	snop  }
0x418: {  	[tilespmem:s18], [sflag:$0x4] =	stream.indirect_vreg.gather [hbm4b:s5+s3], $0x80, v2, vm0, $0xb8;
	[tilespmem:$0x12600] =	vst v63  }
.Ltmp11:
0x419: {  	_ = 	snop;
	(pc) =	sbr.rel .LBB2_2-.Ltmp11, $4  }
0x41a: {  	_ = 	snop  }
0x41b: {  	[tilespmem:s19], [sflag:$0x4] =	stream.indirect_vreg.gather [hbm4b:s6+s3], $0x80, v2, vm0, $0xb8;
	[tilespmem:$0x12600] =	vst v63  }
0x41c: {  	s30 =	sadd.s32 $0x1, s30  }
0x41d: {  	[tilespmem:s20], [sflag:$0x4] =	stream.indirect_vreg.gather [hbm4b:s7+s3], $0x80, v2, vm0, $0xb8;
	[tilespmem:$0x12600] =	vst v63  }
.LBB2_21:
0x41e: {  	_ =	sfence.sel $0x180000  }
0x41f: {  	[bflag:$0x0] =	sbarrier.arrive $0xFFFF  }
0x420: {  	_ =	strace $0x90000047  }
0x421: {  	s0 =	stileid.u32;
	[bflag:$0x2] =	sbarrier.arrive $0xFFFF  }
0x422: {  	p0 =	sne.s32 s0, $0x0;
	s0 =	rddreg [dreg:$0x3]  }
0x423: {  	s0 =	sadd.s32 @!p0 $0x100000, s0  }
0x424: {  	[sflag:s0] =	ssyncadd.tile.s32 @!p0 $0x1;
	_ =	shalt  }
.Lfunc_end2:
_tile_overlayer_lowered:
.L_overlay_start_2:
0x425: {  	(tag) =	ssettag $0x2  }
0x426: {  	s0 =	rddreg [dreg:$0x0];
	s2 =	stileid.u32  }
0x427: {  	s1 =	rddreg [dreg:$0x1];
	p0 =	sne.s32 s2, $0x0  }
0x428: {  	s3 =	rddreg [dreg:$0x2];
	[bflag:$0x3] =	sbarrier.arrive $0xFFFF;
	s2 =	simm.s32 @!p0 $0x1C05  }
0x429: {  	[timem:s3], [sflag:s2] =	dma.local @!p0 [hbm:s0], s1  }
0x42a: {  	s0 =	simm.s32 @!p0 $0x5  }
0x42b: {  	_ =	swait.ge @!p0 [sflag:s0], s1  }
0x42c: {  	s1 =	ssub.s32 @!p0 $0x0, s1;
	[sflag:s0] =	ssyncset.done @!p0 $0x0  }
0x42d: {  	[sflag:s0] =	ssyncadd.s32 @!p0 s1  }
0x42e: {  	[bflag:$0x3] =	sbarrier.arrive $0xFFFF  }
0x42f: {  	_ =	shalt  }

</sc_bundles>
